<compile_context>
chip_gen: v7x
topology: tpu7x:2x2x1
jax: 0.10.2.dev20260603
libtpu: 0.0.44.dev20260713+nightly
codegen_flags: <defaults>
</compile_context>

<pallas_src>
import functools
import jax
import jax.numpy as jnp
from jax import lax
from jax.experimental import pallas as pl
from jax.experimental.pallas import tpu as pltpu
from jax.experimental.pallas import tpu_sc as plsc

D_MODEL = 64
SCALE = 8.0
BC = 4096
H = 123 * BC
NBLK = 245


def _tc_repack(table_t):

    def repack_kernel(a_ref, b_ref, out_ref):
        out_ref[:, 0:D_MODEL] = a_ref[...].T * SCALE
        out_ref[:, D_MODEL:128] = b_ref[...].T * SCALE

    return pl.pallas_call(
        repack_kernel,
        grid=(H // BC,),
        in_specs=[
            pl.BlockSpec((D_MODEL, BC), lambda b: (0, b)),
            pl.BlockSpec(
                (D_MODEL, BC),
                lambda b: (0, jnp.minimum(b + H // BC, NBLK - 1)),
            ),
        ],
        out_specs=pl.BlockSpec((BC, 128), lambda b: (b, 0)),
        out_shape=jax.ShapeDtypeStruct((H, 128), jnp.float32),
    )(table_t, table_t)


def _make_sc_gather(T_COLS, S):
    NC, NS = 2, 16
    NW = NC * NS
    SB = S // NW
    n_t = T_COLS
    GBUF = 4
    AHEAD = 2
    OBUF = 2

    mesh = plsc.VectorSubcoreMesh(core_axis_name="c", subcore_axis_name="s")

    @functools.partial(
        pl.kernel,
        mesh=mesh,
        out_type=jax.ShapeDtypeStruct((T_COLS, D_MODEL, S), jnp.float32),
        scratch_types=[
            pltpu.VMEM((GBUF, SB), jnp.int32),
            pltpu.VMEM((GBUF, SB), jnp.int32),
            pltpu.VMEM((GBUF, SB, 128), jnp.float32),
            pltpu.VMEM((OBUF, D_MODEL, SB), jnp.float32),
            pltpu.SemaphoreType.DMA((GBUF,)),
            pltpu.SemaphoreType.DMA((GBUF,)),
            pltpu.SemaphoreType.DMA((GBUF,)),
            pltpu.SemaphoreType.DMA((OBUF,)),
        ],
        compiler_params=pltpu.CompilerParams(
            use_tc_tiling_on_sc=True, needs_layout_passes=False
        ),
    )
    def gather_k(table_hbm, idx_hbm, off_hbm, out_hbm, isr, osr, gbuf, tbuf,
                 isem, fsem, gsem, osem):
        wid = lax.axis_index("s") * NC + lax.axis_index("c")
        s0 = wid * SB

        def idx_parts(t, sl):
            return (
                (idx_hbm.at[t * NW + wid], isr.at[sl], isem.at[sl]),
                (off_hbm.at[t * NW + wid], osr.at[sl], fsem.at[sl]),
            )

        def fire_idx(t, sl):
            for src, dst, sem in idx_parts(t, sl):
                pltpu.async_copy(src, dst, sem)

        def wait_idx(t, sl):
            for src, dst, sem in idx_parts(t, sl):
                pltpu.make_async_copy(src, dst, sem).wait()

        def gather_parts(t, gs):
            return table_hbm.at[isr.at[gs]], gbuf.at[gs], gsem.at[gs]

        def fire_gather(t, gs):
            src, dst, sem = gather_parts(t, gs)
            pltpu.async_copy(src, dst, sem)

        def wait_gather(t, gs):
            src, dst, sem = gather_parts(t, gs)
            pltpu.make_async_copy(src, dst, sem).wait()

        def out_parts(t, os):
            return tbuf.at[os], out_hbm.at[t, :, pl.ds(s0, SB)], osem.at[os]

        def fire_out(t, os):
            src, dst, sem = out_parts(t, os)
            pltpu.async_copy(src, dst, sem)

        def wait_out(t, os):
            src, dst, sem = out_parts(t, os)
            pltpu.make_async_copy(src, dst, sem).wait()

        zero = jnp.zeros((16,), jnp.int32)

        iota = jnp.arange(16, dtype=jnp.int32)
        rot = [(iota + d) & 15 for d in range(16)]

        def transpose_block(t, gs, os):
            src = gbuf.at[gs]
            dst = tbuf.at[os]

            @plsc.parallel_loop(0, SB, unroll=2)
            def _(i):
                base = i & ~15
                rowi = iota + base
                offv = osr[gs, pl.ds(base, 16)]
                rotd = ((iota + (i & 15)) & 15) + offv
                for j16 in range(D_MODEL // 16):
                    col = rotd + (j16 * 16)
                    v = plsc.load_gather(src, [rowi, col])
                    plsc.store_scatter(dst, [col - offv, rowi], v)

        def step(t, gs, os, do_gather, do_idx, do_wait_out):
            if do_gather:
                wait_idx(t + AHEAD, (gs + AHEAD) % GBUF)
                fire_gather(t + AHEAD, (gs + AHEAD) % GBUF)
            if do_idx:
                fire_idx(t + AHEAD + 1, (gs + AHEAD + 1) % GBUF)
            wait_gather(t, gs)
            if do_wait_out:
                wait_out(t - OBUF, os)
            transpose_block(t, gs, os)
            fire_out(t, os)

        for t in range(AHEAD + 1):
            fire_idx(t, t)
        for t in range(AHEAD):
            wait_idx(t, t)
            fire_gather(t, t)

        for t in range(GBUF):
            step(t, t, t % OBUF, do_gather=True, do_idx=True,
                 do_wait_out=t >= OBUF)

        def outer_body(outer, carry):
            t0 = outer * GBUF
            for k in range(GBUF):
                step(t0 + k, k, k % OBUF, do_gather=True, do_idx=True,
                     do_wait_out=True)
            return carry

        lax.fori_loop(1, n_t // GBUF - 1, outer_body, 0)

        for t in range(n_t - GBUF, n_t):
            step(t, t % GBUF, t % OBUF, do_gather=t + AHEAD < n_t,
                 do_idx=t + AHEAD + 1 < n_t, do_wait_out=True)

        for t in range(n_t - OBUF, n_t):
            wait_out(t, t % OBUF)

    return gather_k


def kernel(input_sequence, embedding_table):
    S, T_COLS = input_sequence.shape
    table_t = embedding_table.T
    idx_t = input_sequence.T.astype(jnp.int32)
    idx2 = idx_t.reshape(T_COLS * (S // 128), 128)
    in_lo = idx2 < H
    gidx2 = jnp.where(in_lo, idx2, idx2 - H)
    offs2 = jnp.where(in_lo, 0, D_MODEL).astype(jnp.int32)
    table_r = _tc_repack(table_t)
    out_t = _make_sc_gather(T_COLS, S)(table_r, gidx2, offs2)
    return jnp.transpose(out_t, (2, 0, 1))

# --- scband reference (transcript-rebuilt; emitter-appended) ---
"""Pipeline reference for scband-embedding-input-7851200217864 (READ-ONLY COPY).

The authoritative reference and input builder live on the scoring server;
editing this copy changes nothing except your own understanding.
"""

import jax, jax.numpy as jnp
import numpy as np
import math

D_MODEL = 64
VOCAB_SIZE = 1000000

def setup_inputs(seed: int = 0) -> dict:
    key = jax.random.key(seed)
    k1, k2 = jax.random.split(key)
    input_sequence = jax.random.randint(k1, (4096, 200), 0, VOCAB_SIZE, dtype=jnp.int64 if jax.config.jax_enable_x64 else jnp.int32)
    embedding_table = jax.random.normal(k2, (VOCAB_SIZE, D_MODEL), dtype=jnp.float32)
    return {"input_sequence": input_sequence, "embedding_table": embedding_table}

def reference(input_sequence, embedding_table):
    # nn.Embedding lookup followed by scale: emb(x) * sqrt(d_model)
    out = jnp.take(embedding_table, input_sequence, axis=0)
    return out * math.sqrt(D_MODEL)

if __name__ == "__main__":
    import jax
    _d = setup_inputs()
    print(jax.jit(kernel)(*tuple(_d.values())))

</pallas_src>

<mosaic_0001>
#map = affine_map<(d0, d1) -> (0, 0)>
#map1 = affine_map<(d0, d1) -> (0, 0, 0)>
module attributes {stable_mosaic.version = 14 : i64} {
  func.func @gather_k(%arg0: i32, %arg1: i32, %arg2: memref<503808x128xf32, #tpu.memory_space<hbm>>, %arg3: memref<6400x128xi32, #tpu.memory_space<hbm>>, %arg4: memref<6400x128xi32, #tpu.memory_space<hbm>>, %arg5: memref<200x64x4096xf32, #tpu.memory_space<hbm>>, %arg6: memref<4x128xi32, #tpu.memory_space<vmem>>, %arg7: memref<4x128xi32, #tpu.memory_space<vmem>>, %arg8: memref<4x128x128xf32, #tpu.memory_space<vmem>>, %arg9: memref<2x64x128xf32, #tpu.memory_space<vmem>>, %arg10: memref<4x!tpu.dma_semaphore, #tpu.memory_space<semaphore_mem>>, %arg11: memref<4x!tpu.dma_semaphore, #tpu.memory_space<semaphore_mem>>, %arg12: memref<4x!tpu.dma_semaphore, #tpu.memory_space<semaphore_mem>>, %arg13: memref<2x!tpu.dma_semaphore, #tpu.memory_space<semaphore_mem>>) attributes {dimension_semantics = [#tpu.dimension_semantics<core_parallel>, #tpu.dimension_semantics<subcore_parallel>], iteration_bounds = array<i64: 2, 16>, scalar_prefetch = 0 : i64, scratch_operands = 8 : i64, tpu.core_type = #tpu.core_type<sc_vector_subcore>, window_params = [{transform_indices = #map}, {transform_indices = #map}, {transform_indices = #map}, {transform_indices = #map1}]} {
    %mul3A = arith.constant 2 : i32
    %mul3A_0 = arith.muli %arg1, %mul3A : i32
    %add3A = arith.addi %mul3A_0, %arg0 : i32
    %mul3A_1 = arith.constant 128 : i32
    %mul3A_2 = arith.muli %add3A, %mul3A_1 : i32
    %broadcast_in_dim3A = arith.constant 0 : i32
    %broadcast_in_dim3A_3 = vector.broadcast %broadcast_in_dim3A : i32 to vector<16xi32>
    %iota3A = tpu.iota {dimensions = array<i32: 0>} : vector<16xi32>
    %add3A_4 = arith.constant 0 : i32
    %add3A_5 = vector.broadcast %add3A_4 : i32 to vector<16xi32>
    %add3A_6 = arith.addi %iota3A, %add3A_5 : vector<16xi32>
    %and3A = arith.constant 15 : i32
    %and3A_7 = vector.broadcast %and3A : i32 to vector<16xi32>
    %and3A_8 = arith.andi %add3A_6, %and3A_7 : vector<16xi32>
    %add3A_9 = arith.constant 1 : i32
    %add3A_10 = vector.broadcast %add3A_9 : i32 to vector<16xi32>
    %add3A_11 = arith.addi %iota3A, %add3A_10 : vector<16xi32>
    %and3A_12 = arith.constant 15 : i32
    %and3A_13 = vector.broadcast %and3A_12 : i32 to vector<16xi32>
    %and3A_14 = arith.andi %add3A_11, %and3A_13 : vector<16xi32>
    %add3A_15 = arith.constant 2 : i32
    %add3A_16 = vector.broadcast %add3A_15 : i32 to vector<16xi32>
    %add3A_17 = arith.addi %iota3A, %add3A_16 : vector<16xi32>
    %and3A_18 = arith.constant 15 : i32
    %and3A_19 = vector.broadcast %and3A_18 : i32 to vector<16xi32>
    %and3A_20 = arith.andi %add3A_17, %and3A_19 : vector<16xi32>
    %add3A_21 = arith.constant 3 : i32
    %add3A_22 = vector.broadcast %add3A_21 : i32 to vector<16xi32>
    %add3A_23 = arith.addi %iota3A, %add3A_22 : vector<16xi32>
    %and3A_24 = arith.constant 15 : i32
    %and3A_25 = vector.broadcast %and3A_24 : i32 to vector<16xi32>
    %and3A_26 = arith.andi %add3A_23, %and3A_25 : vector<16xi32>
    %add3A_27 = arith.constant 4 : i32
    %add3A_28 = vector.broadcast %add3A_27 : i32 to vector<16xi32>
    %add3A_29 = arith.addi %iota3A, %add3A_28 : vector<16xi32>
    %and3A_30 = arith.constant 15 : i32
    %and3A_31 = vector.broadcast %and3A_30 : i32 to vector<16xi32>
    %and3A_32 = arith.andi %add3A_29, %and3A_31 : vector<16xi32>
    %add3A_33 = arith.constant 5 : i32
    %add3A_34 = vector.broadcast %add3A_33 : i32 to vector<16xi32>
    %add3A_35 = arith.addi %iota3A, %add3A_34 : vector<16xi32>
    %and3A_36 = arith.constant 15 : i32
    %and3A_37 = vector.broadcast %and3A_36 : i32 to vector<16xi32>
    %and3A_38 = arith.andi %add3A_35, %and3A_37 : vector<16xi32>
    %add3A_39 = arith.constant 6 : i32
    %add3A_40 = vector.broadcast %add3A_39 : i32 to vector<16xi32>
    %add3A_41 = arith.addi %iota3A, %add3A_40 : vector<16xi32>
    %and3A_42 = arith.constant 15 : i32
    %and3A_43 = vector.broadcast %and3A_42 : i32 to vector<16xi32>
    %and3A_44 = arith.andi %add3A_41, %and3A_43 : vector<16xi32>
    %add3A_45 = arith.constant 7 : i32
    %add3A_46 = vector.broadcast %add3A_45 : i32 to vector<16xi32>
    %add3A_47 = arith.addi %iota3A, %add3A_46 : vector<16xi32>
    %and3A_48 = arith.constant 15 : i32
    %and3A_49 = vector.broadcast %and3A_48 : i32 to vector<16xi32>
    %and3A_50 = arith.andi %add3A_47, %and3A_49 : vector<16xi32>
    %add3A_51 = arith.constant 8 : i32
    %add3A_52 = vector.broadcast %add3A_51 : i32 to vector<16xi32>
    %add3A_53 = arith.addi %iota3A, %add3A_52 : vector<16xi32>
    %and3A_54 = arith.constant 15 : i32
    %and3A_55 = vector.broadcast %and3A_54 : i32 to vector<16xi32>
    %and3A_56 = arith.andi %add3A_53, %and3A_55 : vector<16xi32>
    %add3A_57 = arith.constant 9 : i32
    %add3A_58 = vector.broadcast %add3A_57 : i32 to vector<16xi32>
    %add3A_59 = arith.addi %iota3A, %add3A_58 : vector<16xi32>
    %and3A_60 = arith.constant 15 : i32
    %and3A_61 = vector.broadcast %and3A_60 : i32 to vector<16xi32>
    %and3A_62 = arith.andi %add3A_59, %and3A_61 : vector<16xi32>
    %add3A_63 = arith.constant 10 : i32
    %add3A_64 = vector.broadcast %add3A_63 : i32 to vector<16xi32>
    %add3A_65 = arith.addi %iota3A, %add3A_64 : vector<16xi32>
    %and3A_66 = arith.constant 15 : i32
    %and3A_67 = vector.broadcast %and3A_66 : i32 to vector<16xi32>
    %and3A_68 = arith.andi %add3A_65, %and3A_67 : vector<16xi32>
    %add3A_69 = arith.constant 11 : i32
    %add3A_70 = vector.broadcast %add3A_69 : i32 to vector<16xi32>
    %add3A_71 = arith.addi %iota3A, %add3A_70 : vector<16xi32>
    %and3A_72 = arith.constant 15 : i32
    %and3A_73 = vector.broadcast %and3A_72 : i32 to vector<16xi32>
    %and3A_74 = arith.andi %add3A_71, %and3A_73 : vector<16xi32>
    %add3A_75 = arith.constant 12 : i32
    %add3A_76 = vector.broadcast %add3A_75 : i32 to vector<16xi32>
    %add3A_77 = arith.addi %iota3A, %add3A_76 : vector<16xi32>
    %and3A_78 = arith.constant 15 : i32
    %and3A_79 = vector.broadcast %and3A_78 : i32 to vector<16xi32>
    %and3A_80 = arith.andi %add3A_77, %and3A_79 : vector<16xi32>
    %add3A_81 = arith.constant 13 : i32
    %add3A_82 = vector.broadcast %add3A_81 : i32 to vector<16xi32>
    %add3A_83 = arith.addi %iota3A, %add3A_82 : vector<16xi32>
    %and3A_84 = arith.constant 15 : i32
    %and3A_85 = vector.broadcast %and3A_84 : i32 to vector<16xi32>
    %and3A_86 = arith.andi %add3A_83, %and3A_85 : vector<16xi32>
    %add3A_87 = arith.constant 14 : i32
    %add3A_88 = vector.broadcast %add3A_87 : i32 to vector<16xi32>
    %add3A_89 = arith.addi %iota3A, %add3A_88 : vector<16xi32>
    %and3A_90 = arith.constant 15 : i32
    %and3A_91 = vector.broadcast %and3A_90 : i32 to vector<16xi32>
    %and3A_92 = arith.andi %add3A_89, %and3A_91 : vector<16xi32>
    %add3A_93 = arith.constant 15 : i32
    %add3A_94 = vector.broadcast %add3A_93 : i32 to vector<16xi32>
    %add3A_95 = arith.addi %iota3A, %add3A_94 : vector<16xi32>
    %and3A_96 = arith.constant 15 : i32
    %and3A_97 = vector.broadcast %and3A_96 : i32 to vector<16xi32>
    %and3A_98 = arith.andi %add3A_95, %and3A_97 : vector<16xi32>
    %add3A_99 = arith.constant 0 : i32
    %add3A_100 = arith.addi %add3A_99, %add3A : i32
    %add3A_101 = arith.constant 0 : i32
    %add3A_102 = arith.addi %add3A_101, %add3A : i32
    %dma_start3A = arith.constant 0 : i32
    %dma_start3A_103 = arith.constant 0 : i32
    %dma_start3A_104 = arith.constant 0 : i32
    %dma_start3A_105 = tpu.memref_slice %arg6[%dma_start3A, %dma_start3A_104] : memref<4x128xi32, #tpu.memory_space<vmem>> -> memref<1x128xi32, #tpu.memory_space<vmem>>
    %dma_start3A_106 = tpu.memref_squeeze %dma_start3A_105 : memref<1x128xi32, #tpu.memory_space<vmem>> -> memref<128xi32, #tpu.memory_space<vmem>>
    %dma_start3A_107 = arith.constant 0 : i32
    %dma_start3A_108 = tpu.memref_slice %arg3[%add3A_100, %dma_start3A_107] : memref<6400x128xi32, #tpu.memory_space<hbm>> -> memref<1x128xi32, #tpu.memory_space<hbm>>
    %dma_start3A_109 = tpu.memref_squeeze %dma_start3A_108 : memref<1x128xi32, #tpu.memory_space<hbm>> -> memref<128xi32, #tpu.memory_space<hbm>>
    %dma_start3A_110 = tpu.memref_slice %arg10[%dma_start3A_103] : memref<4x!tpu.dma_semaphore, #tpu.memory_space<semaphore_mem>> -> memref<1x!tpu.dma_semaphore, #tpu.memory_space<semaphore_mem>>
    %dma_start3A_111 = tpu.memref_squeeze %dma_start3A_110 : memref<1x!tpu.dma_semaphore, #tpu.memory_space<semaphore_mem>> -> memref<!tpu.dma_semaphore, #tpu.memory_space<semaphore_mem>>
    %dma_start3A_112 = arith.constant 0 : i32
    %dma_start3A_113 = tpu.memref_slice %arg6[%dma_start3A, %dma_start3A_112] : memref<4x128xi32, #tpu.memory_space<vmem>> -> memref<1x128xi32, #tpu.memory_space<vmem>>
    %dma_start3A_114 = tpu.memref_squeeze %dma_start3A_113 : memref<1x128xi32, #tpu.memory_space<vmem>> -> memref<128xi32, #tpu.memory_space<vmem>>
    %dma_start3A_115 = arith.constant 0 : i32
    %dma_start3A_116 = tpu.memref_slice %arg3[%add3A_100, %dma_start3A_115] : memref<6400x128xi32, #tpu.memory_space<hbm>> -> memref<1x128xi32, #tpu.memory_space<hbm>>
    %dma_start3A_117 = tpu.memref_squeeze %dma_start3A_116 : memref<1x128xi32, #tpu.memory_space<hbm>> -> memref<128xi32, #tpu.memory_space<hbm>>
    tpu.enqueue_dma source(%dma_start3A_117 : memref<128xi32, #tpu.memory_space<hbm>>) target(%dma_start3A_114 : memref<128xi32, #tpu.memory_space<vmem>>) target_semaphore(%dma_start3A_111 : memref<!tpu.dma_semaphore, #tpu.memory_space<semaphore_mem>>)
    %dma_start3A_118 = arith.constant 0 : i32
    %dma_start3A_119 = arith.constant 0 : i32
    %dma_start3A_120 = arith.constant 0 : i32
    %dma_start3A_121 = tpu.memref_slice %arg7[%dma_start3A_118, %dma_start3A_120] : memref<4x128xi32, #tpu.memory_space<vmem>> -> memref<1x128xi32, #tpu.memory_space<vmem>>
    %dma_start3A_122 = tpu.memref_squeeze %dma_start3A_121 : memref<1x128xi32, #tpu.memory_space<vmem>> -> memref<128xi32, #tpu.memory_space<vmem>>
    %dma_start3A_123 = arith.constant 0 : i32
    %dma_start3A_124 = tpu.memref_slice %arg4[%add3A_102, %dma_start3A_123] : memref<6400x128xi32, #tpu.memory_space<hbm>> -> memref<1x128xi32, #tpu.memory_space<hbm>>
    %dma_start3A_125 = tpu.memref_squeeze %dma_start3A_124 : memref<1x128xi32, #tpu.memory_space<hbm>> -> memref<128xi32, #tpu.memory_space<hbm>>
    %dma_start3A_126 = tpu.memref_slice %arg11[%dma_start3A_119] : memref<4x!tpu.dma_semaphore, #tpu.memory_space<semaphore_mem>> -> memref<1x!tpu.dma_semaphore, #tpu.memory_space<semaphore_mem>>
    %dma_start3A_127 = tpu.memref_squeeze %dma_start3A_126 : memref<1x!tpu.dma_semaphore, #tpu.memory_space<semaphore_mem>> -> memref<!tpu.dma_semaphore, #tpu.memory_space<semaphore_mem>>
    %dma_start3A_128 = arith.constant 0 : i32
    %dma_start3A_129 = tpu.memref_slice %arg7[%dma_start3A_118, %dma_start3A_128] : memref<4x128xi32, #tpu.memory_space<vmem>> -> memref<1x128xi32, #tpu.memory_space<vmem>>
    %dma_start3A_130 = tpu.memref_squeeze %dma_start3A_129 : memref<1x128xi32, #tpu.memory_space<vmem>> -> memref<128xi32, #tpu.memory_space<vmem>>
    %dma_start3A_131 = arith.constant 0 : i32
    %dma_start3A_132 = tpu.memref_slice %arg4[%add3A_102, %dma_start3A_131] : memref<6400x128xi32, #tpu.memory_space<hbm>> -> memref<1x128xi32, #tpu.memory_space<hbm>>
    %dma_start3A_133 = tpu.memref_squeeze %dma_start3A_132 : memref<1x128xi32, #tpu.memory_space<hbm>> -> memref<128xi32, #tpu.memory_space<hbm>>
    tpu.enqueue_dma source(%dma_start3A_133 : memref<128xi32, #tpu.memory_space<hbm>>) target(%dma_start3A_130 : memref<128xi32, #tpu.memory_space<vmem>>) target_semaphore(%dma_start3A_127 : memref<!tpu.dma_semaphore, #tpu.memory_space<semaphore_mem>>)
    %add3A_134 = arith.constant 32 : i32
    %add3A_135 = arith.addi %add3A_134, %add3A : i32
    %add3A_136 = arith.constant 32 : i32
    %add3A_137 = arith.addi %add3A_136, %add3A : i32
    %dma_start3A_138 = arith.constant 1 : i32
    %dma_start3A_139 = arith.constant 1 : i32
    %dma_start3A_140 = arith.constant 0 : i32
    %dma_start3A_141 = tpu.memref_slice %arg6[%dma_start3A_138, %dma_start3A_140] : memref<4x128xi32, #tpu.memory_space<vmem>> -> memref<1x128xi32, #tpu.memory_space<vmem>>
    %dma_start3A_142 = tpu.memref_squeeze %dma_start3A_141 : memref<1x128xi32, #tpu.memory_space<vmem>> -> memref<128xi32, #tpu.memory_space<vmem>>
    %dma_start3A_143 = arith.constant 0 : i32
    %dma_start3A_144 = tpu.memref_slice %arg3[%add3A_135, %dma_start3A_143] : memref<6400x128xi32, #tpu.memory_space<hbm>> -> memref<1x128xi32, #tpu.memory_space<hbm>>
    %dma_start3A_145 = tpu.memref_squeeze %dma_start3A_144 : memref<1x128xi32, #tpu.memory_space<hbm>> -> memref<128xi32, #tpu.memory_space<hbm>>
    %dma_start3A_146 = tpu.memref_slice %arg10[%dma_start3A_139] : memref<4x!tpu.dma_semaphore, #tpu.memory_space<semaphore_mem>> -> memref<1x!tpu.dma_semaphore, #tpu.memory_space<semaphore_mem>>
    %dma_start3A_147 = tpu.memref_squeeze %dma_start3A_146 : memref<1x!tpu.dma_semaphore, #tpu.memory_space<semaphore_mem>> -> memref<!tpu.dma_semaphore, #tpu.memory_space<semaphore_mem>>
    %dma_start3A_148 = arith.constant 0 : i32
    %dma_start3A_149 = tpu.memref_slice %arg6[%dma_start3A_138, %dma_start3A_148] : memref<4x128xi32, #tpu.memory_space<vmem>> -> memref<1x128xi32, #tpu.memory_space<vmem>>
    %dma_start3A_150 = tpu.memref_squeeze %dma_start3A_149 : memref<1x128xi32, #tpu.memory_space<vmem>> -> memref<128xi32, #tpu.memory_space<vmem>>
    %dma_start3A_151 = arith.constant 0 : i32
    %dma_start3A_152 = tpu.memref_slice %arg3[%add3A_135, %dma_start3A_151] : memref<6400x128xi32, #tpu.memory_space<hbm>> -> memref<1x128xi32, #tpu.memory_space<hbm>>
    %dma_start3A_153 = tpu.memref_squeeze %dma_start3A_152 : memref<1x128xi32, #tpu.memory_space<hbm>> -> memref<128xi32, #tpu.memory_space<hbm>>
    tpu.enqueue_dma source(%dma_start3A_153 : memref<128xi32, #tpu.memory_space<hbm>>) target(%dma_start3A_150 : memref<128xi32, #tpu.memory_space<vmem>>) target_semaphore(%dma_start3A_147 : memref<!tpu.dma_semaphore, #tpu.memory_space<semaphore_mem>>)
    %dma_start3A_154 = arith.constant 1 : i32
    %dma_start3A_155 = arith.constant 1 : i32
    %dma_start3A_156 = arith.constant 0 : i32
    %dma_start3A_157 = tpu.memref_slice %arg7[%dma_start3A_154, %dma_start3A_156] : memref<4x128xi32, #tpu.memory_space<vmem>> -> memref<1x128xi32, #tpu.memory_space<vmem>>
    %dma_start3A_158 = tpu.memref_squeeze %dma_start3A_157 : memref<1x128xi32, #tpu.memory_space<vmem>> -> memref<128xi32, #tpu.memory_space<vmem>>
    %dma_start3A_159 = arith.constant 0 : i32
    %dma_start3A_160 = tpu.memref_slice %arg4[%add3A_137, %dma_start3A_159] : memref<6400x128xi32, #tpu.memory_space<hbm>> -> memref<1x128xi32, #tpu.memory_space<hbm>>
    %dma_start3A_161 = tpu.memref_squeeze %dma_start3A_160 : memref<1x128xi32, #tpu.memory_space<hbm>> -> memref<128xi32, #tpu.memory_space<hbm>>
    %dma_start3A_162 = tpu.memref_slice %arg11[%dma_start3A_155] : memref<4x!tpu.dma_semaphore, #tpu.memory_space<semaphore_mem>> -> memref<1x!tpu.dma_semaphore, #tpu.memory_space<semaphore_mem>>
    %dma_start3A_163 = tpu.memref_squeeze %dma_start3A_162 : memref<1x!tpu.dma_semaphore, #tpu.memory_space<semaphore_mem>> -> memref<!tpu.dma_semaphore, #tpu.memory_space<semaphore_mem>>
    %dma_start3A_164 = arith.constant 0 : i32
    %dma_start3A_165 = tpu.memref_slice %arg7[%dma_start3A_154, %dma_start3A_164] : memref<4x128xi32, #tpu.memory_space<vmem>> -> memref<1x128xi32, #tpu.memory_space<vmem>>
    %dma_start3A_166 = tpu.memref_squeeze %dma_start3A_165 : memref<1x128xi32, #tpu.memory_space<vmem>> -> memref<128xi32, #tpu.memory_space<vmem>>
    %dma_start3A_167 = arith.constant 0 : i32
    %dma_start3A_168 = tpu.memref_slice %arg4[%add3A_137, %dma_start3A_167] : memref<6400x128xi32, #tpu.memory_space<hbm>> -> memref<1x128xi32, #tpu.memory_space<hbm>>
    %dma_start3A_169 = tpu.memref_squeeze %dma_start3A_168 : memref<1x128xi32, #tpu.memory_space<hbm>> -> memref<128xi32, #tpu.memory_space<hbm>>
    tpu.enqueue_dma source(%dma_start3A_169 : memref<128xi32, #tpu.memory_space<hbm>>) target(%dma_start3A_166 : memref<128xi32, #tpu.memory_space<vmem>>) target_semaphore(%dma_start3A_163 : memref<!tpu.dma_semaphore, #tpu.memory_space<semaphore_mem>>)
    %add3A_170 = arith.constant 64 : i32
    %add3A_171 = arith.addi %add3A_170, %add3A : i32
    %add3A_172 = arith.constant 64 : i32
    %add3A_173 = arith.addi %add3A_172, %add3A : i32
    %dma_start3A_174 = arith.constant 2 : i32
    %dma_start3A_175 = arith.constant 2 : i32
    %dma_start3A_176 = arith.constant 0 : i32
    %dma_start3A_177 = tpu.memref_slice %arg6[%dma_start3A_174, %dma_start3A_176] : memref<4x128xi32, #tpu.memory_space<vmem>> -> memref<1x128xi32, #tpu.memory_space<vmem>>
    %dma_start3A_178 = tpu.memref_squeeze %dma_start3A_177 : memref<1x128xi32, #tpu.memory_space<vmem>> -> memref<128xi32, #tpu.memory_space<vmem>>
    %dma_start3A_179 = arith.constant 0 : i32
    %dma_start3A_180 = tpu.memref_slice %arg3[%add3A_171, %dma_start3A_179] : memref<6400x128xi32, #tpu.memory_space<hbm>> -> memref<1x128xi32, #tpu.memory_space<hbm>>
    %dma_start3A_181 = tpu.memref_squeeze %dma_start3A_180 : memref<1x128xi32, #tpu.memory_space<hbm>> -> memref<128xi32, #tpu.memory_space<hbm>>
    %dma_start3A_182 = tpu.memref_slice %arg10[%dma_start3A_175] : memref<4x!tpu.dma_semaphore, #tpu.memory_space<semaphore_mem>> -> memref<1x!tpu.dma_semaphore, #tpu.memory_space<semaphore_mem>>
    %dma_start3A_183 = tpu.memref_squeeze %dma_start3A_182 : memref<1x!tpu.dma_semaphore, #tpu.memory_space<semaphore_mem>> -> memref<!tpu.dma_semaphore, #tpu.memory_space<semaphore_mem>>
    %dma_start3A_184 = arith.constant 0 : i32
    %dma_start3A_185 = tpu.memref_slice %arg6[%dma_start3A_174, %dma_start3A_184] : memref<4x128xi32, #tpu.memory_space<vmem>> -> memref<1x128xi32, #tpu.memory_space<vmem>>
    %dma_start3A_186 = tpu.memref_squeeze %dma_start3A_185 : memref<1x128xi32, #tpu.memory_space<vmem>> -> memref<128xi32, #tpu.memory_space<vmem>>
    %dma_start3A_187 = arith.constant 0 : i32
    %dma_start3A_188 = tpu.memref_slice %arg3[%add3A_171, %dma_start3A_187] : memref<6400x128xi32, #tpu.memory_space<hbm>> -> memref<1x128xi32, #tpu.memory_space<hbm>>
    %dma_start3A_189 = tpu.memref_squeeze %dma_start3A_188 : memref<1x128xi32, #tpu.memory_space<hbm>> -> memref<128xi32, #tpu.memory_space<hbm>>
    tpu.enqueue_dma source(%dma_start3A_189 : memref<128xi32, #tpu.memory_space<hbm>>) target(%dma_start3A_186 : memref<128xi32, #tpu.memory_space<vmem>>) target_semaphore(%dma_start3A_183 : memref<!tpu.dma_semaphore, #tpu.memory_space<semaphore_mem>>)
    %dma_start3A_190 = arith.constant 2 : i32
    %dma_start3A_191 = arith.constant 2 : i32
    %dma_start3A_192 = arith.constant 0 : i32
    %dma_start3A_193 = tpu.memref_slice %arg7[%dma_start3A_190, %dma_start3A_192] : memref<4x128xi32, #tpu.memory_space<vmem>> -> memref<1x128xi32, #tpu.memory_space<vmem>>
    %dma_start3A_194 = tpu.memref_squeeze %dma_start3A_193 : memref<1x128xi32, #tpu.memory_space<vmem>> -> memref<128xi32, #tpu.memory_space<vmem>>
    %dma_start3A_195 = arith.constant 0 : i32
    %dma_start3A_196 = tpu.memref_slice %arg4[%add3A_173, %dma_start3A_195] : memref<6400x128xi32, #tpu.memory_space<hbm>> -> memref<1x128xi32, #tpu.memory_space<hbm>>
    %dma_start3A_197 = tpu.memref_squeeze %dma_start3A_196 : memref<1x128xi32, #tpu.memory_space<hbm>> -> memref<128xi32, #tpu.memory_space<hbm>>
    %dma_start3A_198 = tpu.memref_slice %arg11[%dma_start3A_191] : memref<4x!tpu.dma_semaphore, #tpu.memory_space<semaphore_mem>> -> memref<1x!tpu.dma_semaphore, #tpu.memory_space<semaphore_mem>>
    %dma_start3A_199 = tpu.memref_squeeze %dma_start3A_198 : memref<1x!tpu.dma_semaphore, #tpu.memory_space<semaphore_mem>> -> memref<!tpu.dma_semaphore, #tpu.memory_space<semaphore_mem>>
    %dma_start3A_200 = arith.constant 0 : i32
    %dma_start3A_201 = tpu.memref_slice %arg7[%dma_start3A_190, %dma_start3A_200] : memref<4x128xi32, #tpu.memory_space<vmem>> -> memref<1x128xi32, #tpu.memory_space<vmem>>
    %dma_start3A_202 = tpu.memref_squeeze %dma_start3A_201 : memref<1x128xi32, #tpu.memory_space<vmem>> -> memref<128xi32, #tpu.memory_space<vmem>>
    %dma_start3A_203 = arith.constant 0 : i32
    %dma_start3A_204 = tpu.memref_slice %arg4[%add3A_173, %dma_start3A_203] : memref<6400x128xi32, #tpu.memory_space<hbm>> -> memref<1x128xi32, #tpu.memory_space<hbm>>
    %dma_start3A_205 = tpu.memref_squeeze %dma_start3A_204 : memref<1x128xi32, #tpu.memory_space<hbm>> -> memref<128xi32, #tpu.memory_space<hbm>>
    tpu.enqueue_dma source(%dma_start3A_205 : memref<128xi32, #tpu.memory_space<hbm>>) target(%dma_start3A_202 : memref<128xi32, #tpu.memory_space<vmem>>) target_semaphore(%dma_start3A_199 : memref<!tpu.dma_semaphore, #tpu.memory_space<semaphore_mem>>)
    %add3A_206 = arith.constant 0 : i32
    %add3A_207 = arith.addi %add3A_206, %add3A : i32
    %add3A_208 = arith.constant 0 : i32
    %add3A_209 = arith.addi %add3A_208, %add3A : i32
    %dma_wait3A = arith.constant 0 : i32
    %dma_wait3A_210 = arith.constant 0 : i32
    %dma_wait3A_211 = arith.constant 0 : i32
    %dma_wait3A_212 = tpu.memref_slice %arg6[%dma_wait3A, %dma_wait3A_211] : memref<4x128xi32, #tpu.memory_space<vmem>> -> memref<1x128xi32, #tpu.memory_space<vmem>>
    %dma_wait3A_213 = tpu.memref_squeeze %dma_wait3A_212 : memref<1x128xi32, #tpu.memory_space<vmem>> -> memref<128xi32, #tpu.memory_space<vmem>>
    %dma_wait3A_214 = arith.constant 0 : i32
    %dma_wait3A_215 = tpu.memref_slice %arg3[%add3A_207, %dma_wait3A_214] : memref<6400x128xi32, #tpu.memory_space<hbm>> -> memref<1x128xi32, #tpu.memory_space<hbm>>
    %dma_wait3A_216 = tpu.memref_squeeze %dma_wait3A_215 : memref<1x128xi32, #tpu.memory_space<hbm>> -> memref<128xi32, #tpu.memory_space<hbm>>
    %dma_wait3A_217 = tpu.memref_slice %arg10[%dma_wait3A_210] : memref<4x!tpu.dma_semaphore, #tpu.memory_space<semaphore_mem>> -> memref<1x!tpu.dma_semaphore, #tpu.memory_space<semaphore_mem>>
    %dma_wait3A_218 = tpu.memref_squeeze %dma_wait3A_217 : memref<1x!tpu.dma_semaphore, #tpu.memory_space<semaphore_mem>> -> memref<!tpu.dma_semaphore, #tpu.memory_space<semaphore_mem>>
    %dma_wait3A_219 = arith.constant 0 : i32
    %dma_wait3A_220 = tpu.memref_slice %arg6[%dma_wait3A, %dma_wait3A_219] : memref<4x128xi32, #tpu.memory_space<vmem>> -> memref<1x128xi32, #tpu.memory_space<vmem>>
    %dma_wait3A_221 = tpu.memref_squeeze %dma_wait3A_220 : memref<1x128xi32, #tpu.memory_space<vmem>> -> memref<128xi32, #tpu.memory_space<vmem>>
    %dma_wait3A_222 = arith.constant 0 : i32
    %dma_wait3A_223 = tpu.memref_slice %arg3[%add3A_207, %dma_wait3A_222] : memref<6400x128xi32, #tpu.memory_space<hbm>> -> memref<1x128xi32, #tpu.memory_space<hbm>>
    %dma_wait3A_224 = tpu.memref_squeeze %dma_wait3A_223 : memref<1x128xi32, #tpu.memory_space<hbm>> -> memref<128xi32, #tpu.memory_space<hbm>>
    tpu.wait_dma2 semaphore(%dma_wait3A_218 : memref<!tpu.dma_semaphore, #tpu.memory_space<semaphore_mem>>) src(%dma_wait3A_224 : memref<128xi32, #tpu.memory_space<hbm>>) dst(%dma_wait3A_221 : memref<128xi32, #tpu.memory_space<vmem>>)
    %dma_wait3A_225 = arith.constant 0 : i32
    %dma_wait3A_226 = arith.constant 0 : i32
    %dma_wait3A_227 = arith.constant 0 : i32
    %dma_wait3A_228 = tpu.memref_slice %arg7[%dma_wait3A_225, %dma_wait3A_227] : memref<4x128xi32, #tpu.memory_space<vmem>> -> memref<1x128xi32, #tpu.memory_space<vmem>>
    %dma_wait3A_229 = tpu.memref_squeeze %dma_wait3A_228 : memref<1x128xi32, #tpu.memory_space<vmem>> -> memref<128xi32, #tpu.memory_space<vmem>>
    %dma_wait3A_230 = arith.constant 0 : i32
    %dma_wait3A_231 = tpu.memref_slice %arg4[%add3A_209, %dma_wait3A_230] : memref<6400x128xi32, #tpu.memory_space<hbm>> -> memref<1x128xi32, #tpu.memory_space<hbm>>
    %dma_wait3A_232 = tpu.memref_squeeze %dma_wait3A_231 : memref<1x128xi32, #tpu.memory_space<hbm>> -> memref<128xi32, #tpu.memory_space<hbm>>
    %dma_wait3A_233 = tpu.memref_slice %arg11[%dma_wait3A_226] : memref<4x!tpu.dma_semaphore, #tpu.memory_space<semaphore_mem>> -> memref<1x!tpu.dma_semaphore, #tpu.memory_space<semaphore_mem>>
    %dma_wait3A_234 = tpu.memref_squeeze %dma_wait3A_233 : memref<1x!tpu.dma_semaphore, #tpu.memory_space<semaphore_mem>> -> memref<!tpu.dma_semaphore, #tpu.memory_space<semaphore_mem>>
    %dma_wait3A_235 = arith.constant 0 : i32
    %dma_wait3A_236 = tpu.memref_slice %arg7[%dma_wait3A_225, %dma_wait3A_235] : memref<4x128xi32, #tpu.memory_space<vmem>> -> memref<1x128xi32, #tpu.memory_space<vmem>>
    %dma_wait3A_237 = tpu.memref_squeeze %dma_wait3A_236 : memref<1x128xi32, #tpu.memory_space<vmem>> -> memref<128xi32, #tpu.memory_space<vmem>>
    %dma_wait3A_238 = arith.constant 0 : i32
    %dma_wait3A_239 = tpu.memref_slice %arg4[%add3A_209, %dma_wait3A_238] : memref<6400x128xi32, #tpu.memory_space<hbm>> -> memref<1x128xi32, #tpu.memory_space<hbm>>
    %dma_wait3A_240 = tpu.memref_squeeze %dma_wait3A_239 : memref<1x128xi32, #tpu.memory_space<hbm>> -> memref<128xi32, #tpu.memory_space<hbm>>
    tpu.wait_dma2 semaphore(%dma_wait3A_234 : memref<!tpu.dma_semaphore, #tpu.memory_space<semaphore_mem>>) src(%dma_wait3A_240 : memref<128xi32, #tpu.memory_space<hbm>>) dst(%dma_wait3A_237 : memref<128xi32, #tpu.memory_space<vmem>>)
    %dma_start3A_241 = arith.constant 0 : i32
    %dma_start3A_242 = arith.constant 0 : i32
    %dma_start3A_243 = arith.constant 0 : i32
    %dma_start3A_244 = arith.constant 0 : i32
    %dma_start3A_245 = arith.constant 0 : i32
    %dma_start3A_246 = tpu.memref_slice %arg8[%dma_start3A_242, %dma_start3A_244, %dma_start3A_245] : memref<4x128x128xf32, #tpu.memory_space<vmem>> -> memref<1x128x128xf32, #tpu.memory_space<vmem>>
    %dma_start3A_247 = tpu.memref_squeeze %dma_start3A_246 : memref<1x128x128xf32, #tpu.memory_space<vmem>> -> memref<128x128xf32, #tpu.memory_space<vmem>>
    %dma_start3A_248 = arith.constant 0 : i32
    %dma_start3A_249 = tpu.memref_slice %arg6[%dma_start3A_241, %dma_start3A_248] : memref<4x128xi32, #tpu.memory_space<vmem>> -> memref<1x128xi32, #tpu.memory_space<vmem>>
    %dma_start3A_250 = tpu.memref_squeeze %dma_start3A_249 : memref<1x128xi32, #tpu.memory_space<vmem>> -> memref<128xi32, #tpu.memory_space<vmem>>
    %dma_start3A_251 = arith.constant 0 : i32
    %dma_start3A_252 = arith.constant 0 : i32
    %dma_start3A_253 = tpu.memref_slice %arg2[%dma_start3A_251, %dma_start3A_252] : memref<503808x128xf32, #tpu.memory_space<hbm>> -> memref<503808x128xf32, #tpu.memory_space<hbm>>
    %dma_start3A_254 = tpu.memref_slice %arg12[%dma_start3A_243] : memref<4x!tpu.dma_semaphore, #tpu.memory_space<semaphore_mem>> -> memref<1x!tpu.dma_semaphore, #tpu.memory_space<semaphore_mem>>
    %dma_start3A_255 = tpu.memref_squeeze %dma_start3A_254 : memref<1x!tpu.dma_semaphore, #tpu.memory_space<semaphore_mem>> -> memref<!tpu.dma_semaphore, #tpu.memory_space<semaphore_mem>>
    tpu.enqueue_indirect_dma source(%dma_start3A_253 : memref<503808x128xf32, #tpu.memory_space<hbm>>) target(%dma_start3A_247 : memref<128x128xf32, #tpu.memory_space<vmem>>) offsets(%dma_start3A_250 : memref<128xi32, #tpu.memory_space<vmem>>) semaphore(%dma_start3A_255 : memref<!tpu.dma_semaphore, #tpu.memory_space<semaphore_mem>>)
    %add3A_256 = arith.constant 32 : i32
    %add3A_257 = arith.addi %add3A_256, %add3A : i32
    %add3A_258 = arith.constant 32 : i32
    %add3A_259 = arith.addi %add3A_258, %add3A : i32
    %dma_wait3A_260 = arith.constant 1 : i32
    %dma_wait3A_261 = arith.constant 1 : i32
    %dma_wait3A_262 = arith.constant 0 : i32
    %dma_wait3A_263 = tpu.memref_slice %arg6[%dma_wait3A_260, %dma_wait3A_262] : memref<4x128xi32, #tpu.memory_space<vmem>> -> memref<1x128xi32, #tpu.memory_space<vmem>>
    %dma_wait3A_264 = tpu.memref_squeeze %dma_wait3A_263 : memref<1x128xi32, #tpu.memory_space<vmem>> -> memref<128xi32, #tpu.memory_space<vmem>>
    %dma_wait3A_265 = arith.constant 0 : i32
    %dma_wait3A_266 = tpu.memref_slice %arg3[%add3A_257, %dma_wait3A_265] : memref<6400x128xi32, #tpu.memory_space<hbm>> -> memref<1x128xi32, #tpu.memory_space<hbm>>
    %dma_wait3A_267 = tpu.memref_squeeze %dma_wait3A_266 : memref<1x128xi32, #tpu.memory_space<hbm>> -> memref<128xi32, #tpu.memory_space<hbm>>
    %dma_wait3A_268 = tpu.memref_slice %arg10[%dma_wait3A_261] : memref<4x!tpu.dma_semaphore, #tpu.memory_space<semaphore_mem>> -> memref<1x!tpu.dma_semaphore, #tpu.memory_space<semaphore_mem>>
    %dma_wait3A_269 = tpu.memref_squeeze %dma_wait3A_268 : memref<1x!tpu.dma_semaphore, #tpu.memory_space<semaphore_mem>> -> memref<!tpu.dma_semaphore, #tpu.memory_space<semaphore_mem>>
    %dma_wait3A_270 = arith.constant 0 : i32
    %dma_wait3A_271 = tpu.memref_slice %arg6[%dma_wait3A_260, %dma_wait3A_270] : memref<4x128xi32, #tpu.memory_space<vmem>> -> memref<1x128xi32, #tpu.memory_space<vmem>>
    %dma_wait3A_272 = tpu.memref_squeeze %dma_wait3A_271 : memref<1x128xi32, #tpu.memory_space<vmem>> -> memref<128xi32, #tpu.memory_space<vmem>>
    %dma_wait3A_273 = arith.constant 0 : i32
    %dma_wait3A_274 = tpu.memref_slice %arg3[%add3A_257, %dma_wait3A_273] : memref<6400x128xi32, #tpu.memory_space<hbm>> -> memref<1x128xi32, #tpu.memory_space<hbm>>
    %dma_wait3A_275 = tpu.memref_squeeze %dma_wait3A_274 : memref<1x128xi32, #tpu.memory_space<hbm>> -> memref<128xi32, #tpu.memory_space<hbm>>
    tpu.wait_dma2 semaphore(%dma_wait3A_269 : memref<!tpu.dma_semaphore, #tpu.memory_space<semaphore_mem>>) src(%dma_wait3A_275 : memref<128xi32, #tpu.memory_space<hbm>>) dst(%dma_wait3A_272 : memref<128xi32, #tpu.memory_space<vmem>>)
    %dma_wait3A_276 = arith.constant 1 : i32
    %dma_wait3A_277 = arith.constant 1 : i32
    %dma_wait3A_278 = arith.constant 0 : i32
    %dma_wait3A_279 = tpu.memref_slice %arg7[%dma_wait3A_276, %dma_wait3A_278] : memref<4x128xi32, #tpu.memory_space<vmem>> -> memref<1x128xi32, #tpu.memory_space<vmem>>
    %dma_wait3A_280 = tpu.memref_squeeze %dma_wait3A_279 : memref<1x128xi32, #tpu.memory_space<vmem>> -> memref<128xi32, #tpu.memory_space<vmem>>
    %dma_wait3A_281 = arith.constant 0 : i32
    %dma_wait3A_282 = tpu.memref_slice %arg4[%add3A_259, %dma_wait3A_281] : memref<6400x128xi32, #tpu.memory_space<hbm>> -> memref<1x128xi32, #tpu.memory_space<hbm>>
    %dma_wait3A_283 = tpu.memref_squeeze %dma_wait3A_282 : memref<1x128xi32, #tpu.memory_space<hbm>> -> memref<128xi32, #tpu.memory_space<hbm>>
    %dma_wait3A_284 = tpu.memref_slice %arg11[%dma_wait3A_277] : memref<4x!tpu.dma_semaphore, #tpu.memory_space<semaphore_mem>> -> memref<1x!tpu.dma_semaphore, #tpu.memory_space<semaphore_mem>>
    %dma_wait3A_285 = tpu.memref_squeeze %dma_wait3A_284 : memref<1x!tpu.dma_semaphore, #tpu.memory_space<semaphore_mem>> -> memref<!tpu.dma_semaphore, #tpu.memory_space<semaphore_mem>>
    %dma_wait3A_286 = arith.constant 0 : i32
    %dma_wait3A_287 = tpu.memref_slice %arg7[%dma_wait3A_276, %dma_wait3A_286] : memref<4x128xi32, #tpu.memory_space<vmem>> -> memref<1x128xi32, #tpu.memory_space<vmem>>
    %dma_wait3A_288 = tpu.memref_squeeze %dma_wait3A_287 : memref<1x128xi32, #tpu.memory_space<vmem>> -> memref<128xi32, #tpu.memory_space<vmem>>
    %dma_wait3A_289 = arith.constant 0 : i32
    %dma_wait3A_290 = tpu.memref_slice %arg4[%add3A_259, %dma_wait3A_289] : memref<6400x128xi32, #tpu.memory_space<hbm>> -> memref<1x128xi32, #tpu.memory_space<hbm>>
    %dma_wait3A_291 = tpu.memref_squeeze %dma_wait3A_290 : memref<1x128xi32, #tpu.memory_space<hbm>> -> memref<128xi32, #tpu.memory_space<hbm>>
    tpu.wait_dma2 semaphore(%dma_wait3A_285 : memref<!tpu.dma_semaphore, #tpu.memory_space<semaphore_mem>>) src(%dma_wait3A_291 : memref<128xi32, #tpu.memory_space<hbm>>) dst(%dma_wait3A_288 : memref<128xi32, #tpu.memory_space<vmem>>)
    %dma_start3A_292 = arith.constant 1 : i32
    %dma_start3A_293 = arith.constant 1 : i32
    %dma_start3A_294 = arith.constant 1 : i32
    %dma_start3A_295 = arith.constant 0 : i32
    %dma_start3A_296 = arith.constant 0 : i32
    %dma_start3A_297 = tpu.memref_slice %arg8[%dma_start3A_293, %dma_start3A_295, %dma_start3A_296] : memref<4x128x128xf32, #tpu.memory_space<vmem>> -> memref<1x128x128xf32, #tpu.memory_space<vmem>>
    %dma_start3A_298 = tpu.memref_squeeze %dma_start3A_297 : memref<1x128x128xf32, #tpu.memory_space<vmem>> -> memref<128x128xf32, #tpu.memory_space<vmem>>
    %dma_start3A_299 = arith.constant 0 : i32
    %dma_start3A_300 = tpu.memref_slice %arg6[%dma_start3A_292, %dma_start3A_299] : memref<4x128xi32, #tpu.memory_space<vmem>> -> memref<1x128xi32, #tpu.memory_space<vmem>>
    %dma_start3A_301 = tpu.memref_squeeze %dma_start3A_300 : memref<1x128xi32, #tpu.memory_space<vmem>> -> memref<128xi32, #tpu.memory_space<vmem>>
    %dma_start3A_302 = arith.constant 0 : i32
    %dma_start3A_303 = arith.constant 0 : i32
    %dma_start3A_304 = tpu.memref_slice %arg2[%dma_start3A_302, %dma_start3A_303] : memref<503808x128xf32, #tpu.memory_space<hbm>> -> memref<503808x128xf32, #tpu.memory_space<hbm>>
    %dma_start3A_305 = tpu.memref_slice %arg12[%dma_start3A_294] : memref<4x!tpu.dma_semaphore, #tpu.memory_space<semaphore_mem>> -> memref<1x!tpu.dma_semaphore, #tpu.memory_space<semaphore_mem>>
    %dma_start3A_306 = tpu.memref_squeeze %dma_start3A_305 : memref<1x!tpu.dma_semaphore, #tpu.memory_space<semaphore_mem>> -> memref<!tpu.dma_semaphore, #tpu.memory_space<semaphore_mem>>
    tpu.enqueue_indirect_dma source(%dma_start3A_304 : memref<503808x128xf32, #tpu.memory_space<hbm>>) target(%dma_start3A_298 : memref<128x128xf32, #tpu.memory_space<vmem>>) offsets(%dma_start3A_301 : memref<128xi32, #tpu.memory_space<vmem>>) semaphore(%dma_start3A_306 : memref<!tpu.dma_semaphore, #tpu.memory_space<semaphore_mem>>)
    %add3A_307 = arith.constant 64 : i32
    %add3A_308 = arith.addi %add3A_307, %add3A : i32
    %add3A_309 = arith.constant 64 : i32
    %add3A_310 = arith.addi %add3A_309, %add3A : i32
    %dma_wait3A_311 = arith.constant 2 : i32
    %dma_wait3A_312 = arith.constant 2 : i32
    %dma_wait3A_313 = arith.constant 0 : i32
    %dma_wait3A_314 = tpu.memref_slice %arg6[%dma_wait3A_311, %dma_wait3A_313] : memref<4x128xi32, #tpu.memory_space<vmem>> -> memref<1x128xi32, #tpu.memory_space<vmem>>
    %dma_wait3A_315 = tpu.memref_squeeze %dma_wait3A_314 : memref<1x128xi32, #tpu.memory_space<vmem>> -> memref<128xi32, #tpu.memory_space<vmem>>
    %dma_wait3A_316 = arith.constant 0 : i32
    %dma_wait3A_317 = tpu.memref_slice %arg3[%add3A_308, %dma_wait3A_316] : memref<6400x128xi32, #tpu.memory_space<hbm>> -> memref<1x128xi32, #tpu.memory_space<hbm>>
    %dma_wait3A_318 = tpu.memref_squeeze %dma_wait3A_317 : memref<1x128xi32, #tpu.memory_space<hbm>> -> memref<128xi32, #tpu.memory_space<hbm>>
    %dma_wait3A_319 = tpu.memref_slice %arg10[%dma_wait3A_312] : memref<4x!tpu.dma_semaphore, #tpu.memory_space<semaphore_mem>> -> memref<1x!tpu.dma_semaphore, #tpu.memory_space<semaphore_mem>>
    %dma_wait3A_320 = tpu.memref_squeeze %dma_wait3A_319 : memref<1x!tpu.dma_semaphore, #tpu.memory_space<semaphore_mem>> -> memref<!tpu.dma_semaphore, #tpu.memory_space<semaphore_mem>>
    %dma_wait3A_321 = arith.constant 0 : i32
    %dma_wait3A_322 = tpu.memref_slice %arg6[%dma_wait3A_311, %dma_wait3A_321] : memref<4x128xi32, #tpu.memory_space<vmem>> -> memref<1x128xi32, #tpu.memory_space<vmem>>
    %dma_wait3A_323 = tpu.memref_squeeze %dma_wait3A_322 : memref<1x128xi32, #tpu.memory_space<vmem>> -> memref<128xi32, #tpu.memory_space<vmem>>
    %dma_wait3A_324 = arith.constant 0 : i32
    %dma_wait3A_325 = tpu.memref_slice %arg3[%add3A_308, %dma_wait3A_324] : memref<6400x128xi32, #tpu.memory_space<hbm>> -> memref<1x128xi32, #tpu.memory_space<hbm>>
    %dma_wait3A_326 = tpu.memref_squeeze %dma_wait3A_325 : memref<1x128xi32, #tpu.memory_space<hbm>> -> memref<128xi32, #tpu.memory_space<hbm>>
    tpu.wait_dma2 semaphore(%dma_wait3A_320 : memref<!tpu.dma_semaphore, #tpu.memory_space<semaphore_mem>>) src(%dma_wait3A_326 : memref<128xi32, #tpu.memory_space<hbm>>) dst(%dma_wait3A_323 : memref<128xi32, #tpu.memory_space<vmem>>)
    %dma_wait3A_327 = arith.constant 2 : i32
    %dma_wait3A_328 = arith.constant 2 : i32
    %dma_wait3A_329 = arith.constant 0 : i32
    %dma_wait3A_330 = tpu.memref_slice %arg7[%dma_wait3A_327, %dma_wait3A_329] : memref<4x128xi32, #tpu.memory_space<vmem>> -> memref<1x128xi32, #tpu.memory_space<vmem>>
    %dma_wait3A_331 = tpu.memref_squeeze %dma_wait3A_330 : memref<1x128xi32, #tpu.memory_space<vmem>> -> memref<128xi32, #tpu.memory_space<vmem>>
    %dma_wait3A_332 = arith.constant 0 : i32
    %dma_wait3A_333 = tpu.memref_slice %arg4[%add3A_310, %dma_wait3A_332] : memref<6400x128xi32, #tpu.memory_space<hbm>> -> memref<1x128xi32, #tpu.memory_space<hbm>>
    %dma_wait3A_334 = tpu.memref_squeeze %dma_wait3A_333 : memref<1x128xi32, #tpu.memory_space<hbm>> -> memref<128xi32, #tpu.memory_space<hbm>>
    %dma_wait3A_335 = tpu.memref_slice %arg11[%dma_wait3A_328] : memref<4x!tpu.dma_semaphore, #tpu.memory_space<semaphore_mem>> -> memref<1x!tpu.dma_semaphore, #tpu.memory_space<semaphore_mem>>
    %dma_wait3A_336 = tpu.memref_squeeze %dma_wait3A_335 : memref<1x!tpu.dma_semaphore, #tpu.memory_space<semaphore_mem>> -> memref<!tpu.dma_semaphore, #tpu.memory_space<semaphore_mem>>
    %dma_wait3A_337 = arith.constant 0 : i32
    %dma_wait3A_338 = tpu.memref_slice %arg7[%dma_wait3A_327, %dma_wait3A_337] : memref<4x128xi32, #tpu.memory_space<vmem>> -> memref<1x128xi32, #tpu.memory_space<vmem>>
    %dma_wait3A_339 = tpu.memref_squeeze %dma_wait3A_338 : memref<1x128xi32, #tpu.memory_space<vmem>> -> memref<128xi32, #tpu.memory_space<vmem>>
    %dma_wait3A_340 = arith.constant 0 : i32
    %dma_wait3A_341 = tpu.memref_slice %arg4[%add3A_310, %dma_wait3A_340] : memref<6400x128xi32, #tpu.memory_space<hbm>> -> memref<1x128xi32, #tpu.memory_space<hbm>>
    %dma_wait3A_342 = tpu.memref_squeeze %dma_wait3A_341 : memref<1x128xi32, #tpu.memory_space<hbm>> -> memref<128xi32, #tpu.memory_space<hbm>>
    tpu.wait_dma2 semaphore(%dma_wait3A_336 : memref<!tpu.dma_semaphore, #tpu.memory_space<semaphore_mem>>) src(%dma_wait3A_342 : memref<128xi32, #tpu.memory_space<hbm>>) dst(%dma_wait3A_339 : memref<128xi32, #tpu.memory_space<vmem>>)
    %dma_start3A_343 = arith.constant 2 : i32
    %dma_start3A_344 = arith.constant 2 : i32
    %dma_start3A_345 = arith.constant 2 : i32
    %dma_start3A_346 = arith.constant 0 : i32
    %dma_start3A_347 = arith.constant 0 : i32
    %dma_start3A_348 = tpu.memref_slice %arg8[%dma_start3A_344, %dma_start3A_346, %dma_start3A_347] : memref<4x128x128xf32, #tpu.memory_space<vmem>> -> memref<1x128x128xf32, #tpu.memory_space<vmem>>
    %dma_start3A_349 = tpu.memref_squeeze %dma_start3A_348 : memref<1x128x128xf32, #tpu.memory_space<vmem>> -> memref<128x128xf32, #tpu.memory_space<vmem>>
    %dma_start3A_350 = arith.constant 0 : i32
    %dma_start3A_351 = tpu.memref_slice %arg6[%dma_start3A_343, %dma_start3A_350] : memref<4x128xi32, #tpu.memory_space<vmem>> -> memref<1x128xi32, #tpu.memory_space<vmem>>
    %dma_start3A_352 = tpu.memref_squeeze %dma_start3A_351 : memref<1x128xi32, #tpu.memory_space<vmem>> -> memref<128xi32, #tpu.memory_space<vmem>>
    %dma_start3A_353 = arith.constant 0 : i32
    %dma_start3A_354 = arith.constant 0 : i32
    %dma_start3A_355 = tpu.memref_slice %arg2[%dma_start3A_353, %dma_start3A_354] : memref<503808x128xf32, #tpu.memory_space<hbm>> -> memref<503808x128xf32, #tpu.memory_space<hbm>>
    %dma_start3A_356 = tpu.memref_slice %arg12[%dma_start3A_345] : memref<4x!tpu.dma_semaphore, #tpu.memory_space<semaphore_mem>> -> memref<1x!tpu.dma_semaphore, #tpu.memory_space<semaphore_mem>>
    %dma_start3A_357 = tpu.memref_squeeze %dma_start3A_356 : memref<1x!tpu.dma_semaphore, #tpu.memory_space<semaphore_mem>> -> memref<!tpu.dma_semaphore, #tpu.memory_space<semaphore_mem>>
    tpu.enqueue_indirect_dma source(%dma_start3A_355 : memref<503808x128xf32, #tpu.memory_space<hbm>>) target(%dma_start3A_349 : memref<128x128xf32, #tpu.memory_space<vmem>>) offsets(%dma_start3A_352 : memref<128xi32, #tpu.memory_space<vmem>>) semaphore(%dma_start3A_357 : memref<!tpu.dma_semaphore, #tpu.memory_space<semaphore_mem>>)
    %add3A_358 = arith.constant 96 : i32
    %add3A_359 = arith.addi %add3A_358, %add3A : i32
    %add3A_360 = arith.constant 96 : i32
    %add3A_361 = arith.addi %add3A_360, %add3A : i32
    %dma_start3A_362 = arith.constant 3 : i32
    %dma_start3A_363 = arith.constant 3 : i32
    %dma_start3A_364 = arith.constant 0 : i32
    %dma_start3A_365 = tpu.memref_slice %arg6[%dma_start3A_362, %dma_start3A_364] : memref<4x128xi32, #tpu.memory_space<vmem>> -> memref<1x128xi32, #tpu.memory_space<vmem>>
    %dma_start3A_366 = tpu.memref_squeeze %dma_start3A_365 : memref<1x128xi32, #tpu.memory_space<vmem>> -> memref<128xi32, #tpu.memory_space<vmem>>
    %dma_start3A_367 = arith.constant 0 : i32
    %dma_start3A_368 = tpu.memref_slice %arg3[%add3A_359, %dma_start3A_367] : memref<6400x128xi32, #tpu.memory_space<hbm>> -> memref<1x128xi32, #tpu.memory_space<hbm>>
    %dma_start3A_369 = tpu.memref_squeeze %dma_start3A_368 : memref<1x128xi32, #tpu.memory_space<hbm>> -> memref<128xi32, #tpu.memory_space<hbm>>
    %dma_start3A_370 = tpu.memref_slice %arg10[%dma_start3A_363] : memref<4x!tpu.dma_semaphore, #tpu.memory_space<semaphore_mem>> -> memref<1x!tpu.dma_semaphore, #tpu.memory_space<semaphore_mem>>
    %dma_start3A_371 = tpu.memref_squeeze %dma_start3A_370 : memref<1x!tpu.dma_semaphore, #tpu.memory_space<semaphore_mem>> -> memref<!tpu.dma_semaphore, #tpu.memory_space<semaphore_mem>>
    %dma_start3A_372 = arith.constant 0 : i32
    %dma_start3A_373 = tpu.memref_slice %arg6[%dma_start3A_362, %dma_start3A_372] : memref<4x128xi32, #tpu.memory_space<vmem>> -> memref<1x128xi32, #tpu.memory_space<vmem>>
    %dma_start3A_374 = tpu.memref_squeeze %dma_start3A_373 : memref<1x128xi32, #tpu.memory_space<vmem>> -> memref<128xi32, #tpu.memory_space<vmem>>
    %dma_start3A_375 = arith.constant 0 : i32
    %dma_start3A_376 = tpu.memref_slice %arg3[%add3A_359, %dma_start3A_375] : memref<6400x128xi32, #tpu.memory_space<hbm>> -> memref<1x128xi32, #tpu.memory_space<hbm>>
    %dma_start3A_377 = tpu.memref_squeeze %dma_start3A_376 : memref<1x128xi32, #tpu.memory_space<hbm>> -> memref<128xi32, #tpu.memory_space<hbm>>
    tpu.enqueue_dma source(%dma_start3A_377 : memref<128xi32, #tpu.memory_space<hbm>>) target(%dma_start3A_374 : memref<128xi32, #tpu.memory_space<vmem>>) target_semaphore(%dma_start3A_371 : memref<!tpu.dma_semaphore, #tpu.memory_space<semaphore_mem>>)
    %dma_start3A_378 = arith.constant 3 : i32
    %dma_start3A_379 = arith.constant 3 : i32
    %dma_start3A_380 = arith.constant 0 : i32
    %dma_start3A_381 = tpu.memref_slice %arg7[%dma_start3A_378, %dma_start3A_380] : memref<4x128xi32, #tpu.memory_space<vmem>> -> memref<1x128xi32, #tpu.memory_space<vmem>>
    %dma_start3A_382 = tpu.memref_squeeze %dma_start3A_381 : memref<1x128xi32, #tpu.memory_space<vmem>> -> memref<128xi32, #tpu.memory_space<vmem>>
    %dma_start3A_383 = arith.constant 0 : i32
    %dma_start3A_384 = tpu.memref_slice %arg4[%add3A_361, %dma_start3A_383] : memref<6400x128xi32, #tpu.memory_space<hbm>> -> memref<1x128xi32, #tpu.memory_space<hbm>>
    %dma_start3A_385 = tpu.memref_squeeze %dma_start3A_384 : memref<1x128xi32, #tpu.memory_space<hbm>> -> memref<128xi32, #tpu.memory_space<hbm>>
    %dma_start3A_386 = tpu.memref_slice %arg11[%dma_start3A_379] : memref<4x!tpu.dma_semaphore, #tpu.memory_space<semaphore_mem>> -> memref<1x!tpu.dma_semaphore, #tpu.memory_space<semaphore_mem>>
    %dma_start3A_387 = tpu.memref_squeeze %dma_start3A_386 : memref<1x!tpu.dma_semaphore, #tpu.memory_space<semaphore_mem>> -> memref<!tpu.dma_semaphore, #tpu.memory_space<semaphore_mem>>
    %dma_start3A_388 = arith.constant 0 : i32
    %dma_start3A_389 = tpu.memref_slice %arg7[%dma_start3A_378, %dma_start3A_388] : memref<4x128xi32, #tpu.memory_space<vmem>> -> memref<1x128xi32, #tpu.memory_space<vmem>>
    %dma_start3A_390 = tpu.memref_squeeze %dma_start3A_389 : memref<1x128xi32, #tpu.memory_space<vmem>> -> memref<128xi32, #tpu.memory_space<vmem>>
    %dma_start3A_391 = arith.constant 0 : i32
    %dma_start3A_392 = tpu.memref_slice %arg4[%add3A_361, %dma_start3A_391] : memref<6400x128xi32, #tpu.memory_space<hbm>> -> memref<1x128xi32, #tpu.memory_space<hbm>>
    %dma_start3A_393 = tpu.memref_squeeze %dma_start3A_392 : memref<1x128xi32, #tpu.memory_space<hbm>> -> memref<128xi32, #tpu.memory_space<hbm>>
    tpu.enqueue_dma source(%dma_start3A_393 : memref<128xi32, #tpu.memory_space<hbm>>) target(%dma_start3A_390 : memref<128xi32, #tpu.memory_space<vmem>>) target_semaphore(%dma_start3A_387 : memref<!tpu.dma_semaphore, #tpu.memory_space<semaphore_mem>>)
    %dma_wait3A_394 = arith.constant 0 : i32
    %dma_wait3A_395 = arith.constant 0 : i32
    %dma_wait3A_396 = arith.constant 0 : i32
    %dma_wait3A_397 = arith.constant 0 : i32
    %dma_wait3A_398 = arith.constant 0 : i32
    %dma_wait3A_399 = tpu.memref_slice %arg8[%dma_wait3A_395, %dma_wait3A_397, %dma_wait3A_398] : memref<4x128x128xf32, #tpu.memory_space<vmem>> -> memref<1x128x128xf32, #tpu.memory_space<vmem>>
    %dma_wait3A_400 = tpu.memref_squeeze %dma_wait3A_399 : memref<1x128x128xf32, #tpu.memory_space<vmem>> -> memref<128x128xf32, #tpu.memory_space<vmem>>
    %dma_wait3A_401 = arith.constant 0 : i32
    %dma_wait3A_402 = tpu.memref_slice %arg6[%dma_wait3A_394, %dma_wait3A_401] : memref<4x128xi32, #tpu.memory_space<vmem>> -> memref<1x128xi32, #tpu.memory_space<vmem>>
    %dma_wait3A_403 = tpu.memref_squeeze %dma_wait3A_402 : memref<1x128xi32, #tpu.memory_space<vmem>> -> memref<128xi32, #tpu.memory_space<vmem>>
    %dma_wait3A_404 = arith.constant 0 : i32
    %dma_wait3A_405 = arith.constant 0 : i32
    %dma_wait3A_406 = tpu.memref_slice %arg2[%dma_wait3A_404, %dma_wait3A_405] : memref<503808x128xf32, #tpu.memory_space<hbm>> -> memref<503808x128xf32, #tpu.memory_space<hbm>>
    %dma_wait3A_407 = tpu.memref_slice %arg12[%dma_wait3A_396] : memref<4x!tpu.dma_semaphore, #tpu.memory_space<semaphore_mem>> -> memref<1x!tpu.dma_semaphore, #tpu.memory_space<semaphore_mem>>
    %dma_wait3A_408 = tpu.memref_squeeze %dma_wait3A_407 : memref<1x!tpu.dma_semaphore, #tpu.memory_space<semaphore_mem>> -> memref<!tpu.dma_semaphore, #tpu.memory_space<semaphore_mem>>
    tpu.wait_indirect_dma semaphore(%dma_wait3A_408 : memref<!tpu.dma_semaphore, #tpu.memory_space<semaphore_mem>>) src(%dma_wait3A_406 : memref<503808x128xf32, #tpu.memory_space<hbm>>) dst(%dma_wait3A_400 : memref<128x128xf32, #tpu.memory_space<vmem>>)
    %parallel_loop3A = arith.constant 0 : i32
    %parallel_loop3A_409 = arith.constant 128 : i32
    %parallel_loop3A_410 = arith.constant 1 : i32
    %parallel_loop3A_411 = arith.constant 0 : i32
    %parallel_loop3A_412 = arith.constant 0 : i32
    scf.for %parallel_loop3A_1261 = %parallel_loop3A to %parallel_loop3A_409 step %parallel_loop3A_410  : i32 {
      %parallel_loop3A_1262 = arith.constant -16 : i32
      %parallel_loop3A_1263 = arith.andi %parallel_loop3A_1261, %parallel_loop3A_1262 : i32
      %parallel_loop3A_1264 = vector.broadcast %parallel_loop3A_1263 : i32 to vector<16xi32>
      %parallel_loop3A_1265 = arith.addi %iota3A, %parallel_loop3A_1264 : vector<16xi32>
      %parallel_loop3A_1266 = arith.constant 0 : i32
      %parallel_loop3A_1267 = arith.index_cast %parallel_loop3A_1266 : i32 to index
      %parallel_loop3A_1268 = arith.index_cast %parallel_loop3A_1263 : i32 to index
      %parallel_loop3A_1269 = tpu.vector_load %arg7[%parallel_loop3A_1267, %parallel_loop3A_1268] {strides = array<i32>} : memref<4x128xi32, #tpu.memory_space<vmem>>, vector<16xi32>,
      %parallel_loop3A_1270 = arith.constant 15 : i32
      %parallel_loop3A_1271 = arith.andi %parallel_loop3A_1261, %parallel_loop3A_1270 : i32
      %parallel_loop3A_1272 = vector.broadcast %parallel_loop3A_1271 : i32 to vector<16xi32>
      %parallel_loop3A_1273 = arith.addi %iota3A, %parallel_loop3A_1272 : vector<16xi32>
      %parallel_loop3A_1274 = arith.constant 15 : i32
      %parallel_loop3A_1275 = vector.broadcast %parallel_loop3A_1274 : i32 to vector<16xi32>
      %parallel_loop3A_1276 = arith.andi %parallel_loop3A_1273, %parallel_loop3A_1275 : vector<16xi32>
      %parallel_loop3A_1277 = arith.addi %parallel_loop3A_1276, %parallel_loop3A_1269 : vector<16xi32>
      %parallel_loop3A_1278 = arith.constant 0 : i32
      %parallel_loop3A_1279 = vector.broadcast %parallel_loop3A_1278 : i32 to vector<16xi32>
      %parallel_loop3A_1280 = arith.addi %parallel_loop3A_1277, %parallel_loop3A_1279 : vector<16xi32>
      %parallel_loop3A_1281 = arith.constant 0 : i32
      %parallel_loop3A_1282 = arith.constant 0 : i32
      %parallel_loop3A_1283 = tpu.memref_slice %arg8[%parallel_loop3A_411, %parallel_loop3A_1281, %parallel_loop3A_1282] : memref<4x128x128xf32, #tpu.memory_space<vmem>> -> memref<1x128x128xf32, #tpu.memory_space<vmem>>
      %parallel_loop3A_1284 = tpu.memref_squeeze %parallel_loop3A_1283 : memref<1x128x128xf32, #tpu.memory_space<vmem>> -> memref<128x128xf32, #tpu.memory_space<vmem>>
      %parallel_loop3A_1285 = tpu.vector_load_idx %parallel_loop3A_1284[%parallel_loop3A_1265, %parallel_loop3A_1280] : memref<128x128xf32, #tpu.memory_space<vmem>>[vector<16xi32>, vector<16xi32>], vector<16xf32>,
      %parallel_loop3A_1286 = arith.subi %parallel_loop3A_1280, %parallel_loop3A_1269 : vector<16xi32>
      %parallel_loop3A_1287 = arith.constant 0 : i32
      %parallel_loop3A_1288 = arith.constant 0 : i32
      %parallel_loop3A_1289 = tpu.memref_slice %arg9[%parallel_loop3A_412, %parallel_loop3A_1287, %parallel_loop3A_1288] : memref<2x64x128xf32, #tpu.memory_space<vmem>> -> memref<1x64x128xf32, #tpu.memory_space<vmem>>
      %parallel_loop3A_1290 = tpu.memref_squeeze %parallel_loop3A_1289 : memref<1x64x128xf32, #tpu.memory_space<vmem>> -> memref<64x128xf32, #tpu.memory_space<vmem>>
      tpu.vector_store_idx %parallel_loop3A_1290[%parallel_loop3A_1286, %parallel_loop3A_1265], %parallel_loop3A_1285 : memref<64x128xf32, #tpu.memory_space<vmem>>[vector<16xi32>, vector<16xi32>], vector<16xf32>,
      %parallel_loop3A_1291 = arith.constant 16 : i32
      %parallel_loop3A_1292 = vector.broadcast %parallel_loop3A_1291 : i32 to vector<16xi32>
      %parallel_loop3A_1293 = arith.addi %parallel_loop3A_1277, %parallel_loop3A_1292 : vector<16xi32>
      %parallel_loop3A_1294 = arith.constant 0 : i32
      %parallel_loop3A_1295 = arith.constant 0 : i32
      %parallel_loop3A_1296 = tpu.memref_slice %arg8[%parallel_loop3A_411, %parallel_loop3A_1294, %parallel_loop3A_1295] : memref<4x128x128xf32, #tpu.memory_space<vmem>> -> memref<1x128x128xf32, #tpu.memory_space<vmem>>
      %parallel_loop3A_1297 = tpu.memref_squeeze %parallel_loop3A_1296 : memref<1x128x128xf32, #tpu.memory_space<vmem>> -> memref<128x128xf32, #tpu.memory_space<vmem>>
      %parallel_loop3A_1298 = tpu.vector_load_idx %parallel_loop3A_1297[%parallel_loop3A_1265, %parallel_loop3A_1293] : memref<128x128xf32, #tpu.memory_space<vmem>>[vector<16xi32>, vector<16xi32>], vector<16xf32>,
      %parallel_loop3A_1299 = arith.subi %parallel_loop3A_1293, %parallel_loop3A_1269 : vector<16xi32>
      %parallel_loop3A_1300 = arith.constant 0 : i32
      %parallel_loop3A_1301 = arith.constant 0 : i32
      %parallel_loop3A_1302 = tpu.memref_slice %arg9[%parallel_loop3A_412, %parallel_loop3A_1300, %parallel_loop3A_1301] : memref<2x64x128xf32, #tpu.memory_space<vmem>> -> memref<1x64x128xf32, #tpu.memory_space<vmem>>
      %parallel_loop3A_1303 = tpu.memref_squeeze %parallel_loop3A_1302 : memref<1x64x128xf32, #tpu.memory_space<vmem>> -> memref<64x128xf32, #tpu.memory_space<vmem>>
      tpu.vector_store_idx %parallel_loop3A_1303[%parallel_loop3A_1299, %parallel_loop3A_1265], %parallel_loop3A_1298 : memref<64x128xf32, #tpu.memory_space<vmem>>[vector<16xi32>, vector<16xi32>], vector<16xf32>,
      %parallel_loop3A_1304 = arith.constant 32 : i32
      %parallel_loop3A_1305 = vector.broadcast %parallel_loop3A_1304 : i32 to vector<16xi32>
      %parallel_loop3A_1306 = arith.addi %parallel_loop3A_1277, %parallel_loop3A_1305 : vector<16xi32>
      %parallel_loop3A_1307 = arith.constant 0 : i32
      %parallel_loop3A_1308 = arith.constant 0 : i32
      %parallel_loop3A_1309 = tpu.memref_slice %arg8[%parallel_loop3A_411, %parallel_loop3A_1307, %parallel_loop3A_1308] : memref<4x128x128xf32, #tpu.memory_space<vmem>> -> memref<1x128x128xf32, #tpu.memory_space<vmem>>
      %parallel_loop3A_1310 = tpu.memref_squeeze %parallel_loop3A_1309 : memref<1x128x128xf32, #tpu.memory_space<vmem>> -> memref<128x128xf32, #tpu.memory_space<vmem>>
      %parallel_loop3A_1311 = tpu.vector_load_idx %parallel_loop3A_1310[%parallel_loop3A_1265, %parallel_loop3A_1306] : memref<128x128xf32, #tpu.memory_space<vmem>>[vector<16xi32>, vector<16xi32>], vector<16xf32>,
      %parallel_loop3A_1312 = arith.subi %parallel_loop3A_1306, %parallel_loop3A_1269 : vector<16xi32>
      %parallel_loop3A_1313 = arith.constant 0 : i32
      %parallel_loop3A_1314 = arith.constant 0 : i32
      %parallel_loop3A_1315 = tpu.memref_slice %arg9[%parallel_loop3A_412, %parallel_loop3A_1313, %parallel_loop3A_1314] : memref<2x64x128xf32, #tpu.memory_space<vmem>> -> memref<1x64x128xf32, #tpu.memory_space<vmem>>
      %parallel_loop3A_1316 = tpu.memref_squeeze %parallel_loop3A_1315 : memref<1x64x128xf32, #tpu.memory_space<vmem>> -> memref<64x128xf32, #tpu.memory_space<vmem>>
      tpu.vector_store_idx %parallel_loop3A_1316[%parallel_loop3A_1312, %parallel_loop3A_1265], %parallel_loop3A_1311 : memref<64x128xf32, #tpu.memory_space<vmem>>[vector<16xi32>, vector<16xi32>], vector<16xf32>,
      %parallel_loop3A_1317 = arith.constant 48 : i32
      %parallel_loop3A_1318 = vector.broadcast %parallel_loop3A_1317 : i32 to vector<16xi32>
      %parallel_loop3A_1319 = arith.addi %parallel_loop3A_1277, %parallel_loop3A_1318 : vector<16xi32>
      %parallel_loop3A_1320 = arith.constant 0 : i32
      %parallel_loop3A_1321 = arith.constant 0 : i32
      %parallel_loop3A_1322 = tpu.memref_slice %arg8[%parallel_loop3A_411, %parallel_loop3A_1320, %parallel_loop3A_1321] : memref<4x128x128xf32, #tpu.memory_space<vmem>> -> memref<1x128x128xf32, #tpu.memory_space<vmem>>
      %parallel_loop3A_1323 = tpu.memref_squeeze %parallel_loop3A_1322 : memref<1x128x128xf32, #tpu.memory_space<vmem>> -> memref<128x128xf32, #tpu.memory_space<vmem>>
      %parallel_loop3A_1324 = tpu.vector_load_idx %parallel_loop3A_1323[%parallel_loop3A_1265, %parallel_loop3A_1319] : memref<128x128xf32, #tpu.memory_space<vmem>>[vector<16xi32>, vector<16xi32>], vector<16xf32>,
      %parallel_loop3A_1325 = arith.subi %parallel_loop3A_1319, %parallel_loop3A_1269 : vector<16xi32>
      %parallel_loop3A_1326 = arith.constant 0 : i32
      %parallel_loop3A_1327 = arith.constant 0 : i32
      %parallel_loop3A_1328 = tpu.memref_slice %arg9[%parallel_loop3A_412, %parallel_loop3A_1326, %parallel_loop3A_1327] : memref<2x64x128xf32, #tpu.memory_space<vmem>> -> memref<1x64x128xf32, #tpu.memory_space<vmem>>
      %parallel_loop3A_1329 = tpu.memref_squeeze %parallel_loop3A_1328 : memref<1x64x128xf32, #tpu.memory_space<vmem>> -> memref<64x128xf32, #tpu.memory_space<vmem>>
      tpu.vector_store_idx %parallel_loop3A_1329[%parallel_loop3A_1325, %parallel_loop3A_1265], %parallel_loop3A_1324 : memref<64x128xf32, #tpu.memory_space<vmem>>[vector<16xi32>, vector<16xi32>], vector<16xf32>,
    } {sc.loop_unroll_factor = 2 : i64, sc.parallel_access}
    %dma_start3A_413 = arith.constant 0 : i32
    %dma_start3A_414 = arith.constant 0 : i32
    %dma_start3A_415 = arith.constant 0 : i32
    %dma_start3A_416 = arith.constant 0 : i32
    %dma_start3A_417 = arith.constant 0 : i32
    %dma_start3A_418 = tpu.memref_slice %arg9[%dma_start3A_413, %dma_start3A_416, %dma_start3A_417] : memref<2x64x128xf32, #tpu.memory_space<vmem>> -> memref<1x64x128xf32, #tpu.memory_space<vmem>>
    %dma_start3A_419 = tpu.memref_squeeze %dma_start3A_418 : memref<1x64x128xf32, #tpu.memory_space<vmem>> -> memref<64x128xf32, #tpu.memory_space<vmem>>
    %dma_start3A_420 = arith.constant 0 : i32
    %dma_start3A_421 = tpu.memref_slice %arg5[%dma_start3A_414, %dma_start3A_420, %mul3A_2] : memref<200x64x4096xf32, #tpu.memory_space<hbm>> -> memref<1x64x128xf32, #tpu.memory_space<hbm>>
    %dma_start3A_422 = tpu.memref_squeeze %dma_start3A_421 : memref<1x64x128xf32, #tpu.memory_space<hbm>> -> memref<64x128xf32, #tpu.memory_space<hbm>>
    %dma_start3A_423 = tpu.memref_slice %arg13[%dma_start3A_415] : memref<2x!tpu.dma_semaphore, #tpu.memory_space<semaphore_mem>> -> memref<1x!tpu.dma_semaphore, #tpu.memory_space<semaphore_mem>>
    %dma_start3A_424 = tpu.memref_squeeze %dma_start3A_423 : memref<1x!tpu.dma_semaphore, #tpu.memory_space<semaphore_mem>> -> memref<!tpu.dma_semaphore, #tpu.memory_space<semaphore_mem>>
    %dma_start3A_425 = arith.constant 0 : i32
    %dma_start3A_426 = tpu.memref_slice %arg5[%dma_start3A_414, %dma_start3A_425, %mul3A_2] : memref<200x64x4096xf32, #tpu.memory_space<hbm>> -> memref<1x64x128xf32, #tpu.memory_space<hbm>>
    %dma_start3A_427 = tpu.memref_squeeze %dma_start3A_426 : memref<1x64x128xf32, #tpu.memory_space<hbm>> -> memref<64x128xf32, #tpu.memory_space<hbm>>
    %dma_start3A_428 = arith.constant 0 : i32
    %dma_start3A_429 = arith.constant 0 : i32
    %dma_start3A_430 = tpu.memref_slice %arg9[%dma_start3A_413, %dma_start3A_428, %dma_start3A_429] : memref<2x64x128xf32, #tpu.memory_space<vmem>> -> memref<1x64x128xf32, #tpu.memory_space<vmem>>
    %dma_start3A_431 = tpu.memref_squeeze %dma_start3A_430 : memref<1x64x128xf32, #tpu.memory_space<vmem>> -> memref<64x128xf32, #tpu.memory_space<vmem>>
    tpu.enqueue_dma source(%dma_start3A_431 : memref<64x128xf32, #tpu.memory_space<vmem>>) target(%dma_start3A_427 : memref<64x128xf32, #tpu.memory_space<hbm>>) target_semaphore(%dma_start3A_424 : memref<!tpu.dma_semaphore, #tpu.memory_space<semaphore_mem>>)
    %add3A_432 = arith.constant 96 : i32
    %add3A_433 = arith.addi %add3A_432, %add3A : i32
    %add3A_434 = arith.constant 96 : i32
    %add3A_435 = arith.addi %add3A_434, %add3A : i32
    %dma_wait3A_436 = arith.constant 3 : i32
    %dma_wait3A_437 = arith.constant 3 : i32
    %dma_wait3A_438 = arith.constant 0 : i32
    %dma_wait3A_439 = tpu.memref_slice %arg6[%dma_wait3A_436, %dma_wait3A_438] : memref<4x128xi32, #tpu.memory_space<vmem>> -> memref<1x128xi32, #tpu.memory_space<vmem>>
    %dma_wait3A_440 = tpu.memref_squeeze %dma_wait3A_439 : memref<1x128xi32, #tpu.memory_space<vmem>> -> memref<128xi32, #tpu.memory_space<vmem>>
    %dma_wait3A_441 = arith.constant 0 : i32
    %dma_wait3A_442 = tpu.memref_slice %arg3[%add3A_433, %dma_wait3A_441] : memref<6400x128xi32, #tpu.memory_space<hbm>> -> memref<1x128xi32, #tpu.memory_space<hbm>>
    %dma_wait3A_443 = tpu.memref_squeeze %dma_wait3A_442 : memref<1x128xi32, #tpu.memory_space<hbm>> -> memref<128xi32, #tpu.memory_space<hbm>>
    %dma_wait3A_444 = tpu.memref_slice %arg10[%dma_wait3A_437] : memref<4x!tpu.dma_semaphore, #tpu.memory_space<semaphore_mem>> -> memref<1x!tpu.dma_semaphore, #tpu.memory_space<semaphore_mem>>
    %dma_wait3A_445 = tpu.memref_squeeze %dma_wait3A_444 : memref<1x!tpu.dma_semaphore, #tpu.memory_space<semaphore_mem>> -> memref<!tpu.dma_semaphore, #tpu.memory_space<semaphore_mem>>
    %dma_wait3A_446 = arith.constant 0 : i32
    %dma_wait3A_447 = tpu.memref_slice %arg6[%dma_wait3A_436, %dma_wait3A_446] : memref<4x128xi32, #tpu.memory_space<vmem>> -> memref<1x128xi32, #tpu.memory_space<vmem>>
    %dma_wait3A_448 = tpu.memref_squeeze %dma_wait3A_447 : memref<1x128xi32, #tpu.memory_space<vmem>> -> memref<128xi32, #tpu.memory_space<vmem>>
    %dma_wait3A_449 = arith.constant 0 : i32
    %dma_wait3A_450 = tpu.memref_slice %arg3[%add3A_433, %dma_wait3A_449] : memref<6400x128xi32, #tpu.memory_space<hbm>> -> memref<1x128xi32, #tpu.memory_space<hbm>>
    %dma_wait3A_451 = tpu.memref_squeeze %dma_wait3A_450 : memref<1x128xi32, #tpu.memory_space<hbm>> -> memref<128xi32, #tpu.memory_space<hbm>>
    tpu.wait_dma2 semaphore(%dma_wait3A_445 : memref<!tpu.dma_semaphore, #tpu.memory_space<semaphore_mem>>) src(%dma_wait3A_451 : memref<128xi32, #tpu.memory_space<hbm>>) dst(%dma_wait3A_448 : memref<128xi32, #tpu.memory_space<vmem>>)
    %dma_wait3A_452 = arith.constant 3 : i32
    %dma_wait3A_453 = arith.constant 3 : i32
    %dma_wait3A_454 = arith.constant 0 : i32
    %dma_wait3A_455 = tpu.memref_slice %arg7[%dma_wait3A_452, %dma_wait3A_454] : memref<4x128xi32, #tpu.memory_space<vmem>> -> memref<1x128xi32, #tpu.memory_space<vmem>>
    %dma_wait3A_456 = tpu.memref_squeeze %dma_wait3A_455 : memref<1x128xi32, #tpu.memory_space<vmem>> -> memref<128xi32, #tpu.memory_space<vmem>>
    %dma_wait3A_457 = arith.constant 0 : i32
    %dma_wait3A_458 = tpu.memref_slice %arg4[%add3A_435, %dma_wait3A_457] : memref<6400x128xi32, #tpu.memory_space<hbm>> -> memref<1x128xi32, #tpu.memory_space<hbm>>
    %dma_wait3A_459 = tpu.memref_squeeze %dma_wait3A_458 : memref<1x128xi32, #tpu.memory_space<hbm>> -> memref<128xi32, #tpu.memory_space<hbm>>
    %dma_wait3A_460 = tpu.memref_slice %arg11[%dma_wait3A_453] : memref<4x!tpu.dma_semaphore, #tpu.memory_space<semaphore_mem>> -> memref<1x!tpu.dma_semaphore, #tpu.memory_space<semaphore_mem>>
    %dma_wait3A_461 = tpu.memref_squeeze %dma_wait3A_460 : memref<1x!tpu.dma_semaphore, #tpu.memory_space<semaphore_mem>> -> memref<!tpu.dma_semaphore, #tpu.memory_space<semaphore_mem>>
    %dma_wait3A_462 = arith.constant 0 : i32
    %dma_wait3A_463 = tpu.memref_slice %arg7[%dma_wait3A_452, %dma_wait3A_462] : memref<4x128xi32, #tpu.memory_space<vmem>> -> memref<1x128xi32, #tpu.memory_space<vmem>>
    %dma_wait3A_464 = tpu.memref_squeeze %dma_wait3A_463 : memref<1x128xi32, #tpu.memory_space<vmem>> -> memref<128xi32, #tpu.memory_space<vmem>>
    %dma_wait3A_465 = arith.constant 0 : i32
    %dma_wait3A_466 = tpu.memref_slice %arg4[%add3A_435, %dma_wait3A_465] : memref<6400x128xi32, #tpu.memory_space<hbm>> -> memref<1x128xi32, #tpu.memory_space<hbm>>
    %dma_wait3A_467 = tpu.memref_squeeze %dma_wait3A_466 : memref<1x128xi32, #tpu.memory_space<hbm>> -> memref<128xi32, #tpu.memory_space<hbm>>
    tpu.wait_dma2 semaphore(%dma_wait3A_461 : memref<!tpu.dma_semaphore, #tpu.memory_space<semaphore_mem>>) src(%dma_wait3A_467 : memref<128xi32, #tpu.memory_space<hbm>>) dst(%dma_wait3A_464 : memref<128xi32, #tpu.memory_space<vmem>>)
    %dma_start3A_468 = arith.constant 3 : i32
    %dma_start3A_469 = arith.constant 3 : i32
    %dma_start3A_470 = arith.constant 3 : i32
    %dma_start3A_471 = arith.constant 0 : i32
    %dma_start3A_472 = arith.constant 0 : i32
    %dma_start3A_473 = tpu.memref_slice %arg8[%dma_start3A_469, %dma_start3A_471, %dma_start3A_472] : memref<4x128x128xf32, #tpu.memory_space<vmem>> -> memref<1x128x128xf32, #tpu.memory_space<vmem>>
    %dma_start3A_474 = tpu.memref_squeeze %dma_start3A_473 : memref<1x128x128xf32, #tpu.memory_space<vmem>> -> memref<128x128xf32, #tpu.memory_space<vmem>>
    %dma_start3A_475 = arith.constant 0 : i32
    %dma_start3A_476 = tpu.memref_slice %arg6[%dma_start3A_468, %dma_start3A_475] : memref<4x128xi32, #tpu.memory_space<vmem>> -> memref<1x128xi32, #tpu.memory_space<vmem>>
    %dma_start3A_477 = tpu.memref_squeeze %dma_start3A_476 : memref<1x128xi32, #tpu.memory_space<vmem>> -> memref<128xi32, #tpu.memory_space<vmem>>
    %dma_start3A_478 = arith.constant 0 : i32
    %dma_start3A_479 = arith.constant 0 : i32
    %dma_start3A_480 = tpu.memref_slice %arg2[%dma_start3A_478, %dma_start3A_479] : memref<503808x128xf32, #tpu.memory_space<hbm>> -> memref<503808x128xf32, #tpu.memory_space<hbm>>
    %dma_start3A_481 = tpu.memref_slice %arg12[%dma_start3A_470] : memref<4x!tpu.dma_semaphore, #tpu.memory_space<semaphore_mem>> -> memref<1x!tpu.dma_semaphore, #tpu.memory_space<semaphore_mem>>
    %dma_start3A_482 = tpu.memref_squeeze %dma_start3A_481 : memref<1x!tpu.dma_semaphore, #tpu.memory_space<semaphore_mem>> -> memref<!tpu.dma_semaphore, #tpu.memory_space<semaphore_mem>>
    tpu.enqueue_indirect_dma source(%dma_start3A_480 : memref<503808x128xf32, #tpu.memory_space<hbm>>) target(%dma_start3A_474 : memref<128x128xf32, #tpu.memory_space<vmem>>) offsets(%dma_start3A_477 : memref<128xi32, #tpu.memory_space<vmem>>) semaphore(%dma_start3A_482 : memref<!tpu.dma_semaphore, #tpu.memory_space<semaphore_mem>>)
    %add3A_483 = arith.constant 128 : i32
    %add3A_484 = arith.addi %add3A_483, %add3A : i32
    %add3A_485 = arith.constant 128 : i32
    %add3A_486 = arith.addi %add3A_485, %add3A : i32
    %dma_start3A_487 = arith.constant 0 : i32
    %dma_start3A_488 = arith.constant 0 : i32
    %dma_start3A_489 = arith.constant 0 : i32
    %dma_start3A_490 = tpu.memref_slice %arg6[%dma_start3A_487, %dma_start3A_489] : memref<4x128xi32, #tpu.memory_space<vmem>> -> memref<1x128xi32, #tpu.memory_space<vmem>>
    %dma_start3A_491 = tpu.memref_squeeze %dma_start3A_490 : memref<1x128xi32, #tpu.memory_space<vmem>> -> memref<128xi32, #tpu.memory_space<vmem>>
    %dma_start3A_492 = arith.constant 0 : i32
    %dma_start3A_493 = tpu.memref_slice %arg3[%add3A_484, %dma_start3A_492] : memref<6400x128xi32, #tpu.memory_space<hbm>> -> memref<1x128xi32, #tpu.memory_space<hbm>>
    %dma_start3A_494 = tpu.memref_squeeze %dma_start3A_493 : memref<1x128xi32, #tpu.memory_space<hbm>> -> memref<128xi32, #tpu.memory_space<hbm>>
    %dma_start3A_495 = tpu.memref_slice %arg10[%dma_start3A_488] : memref<4x!tpu.dma_semaphore, #tpu.memory_space<semaphore_mem>> -> memref<1x!tpu.dma_semaphore, #tpu.memory_space<semaphore_mem>>
    %dma_start3A_496 = tpu.memref_squeeze %dma_start3A_495 : memref<1x!tpu.dma_semaphore, #tpu.memory_space<semaphore_mem>> -> memref<!tpu.dma_semaphore, #tpu.memory_space<semaphore_mem>>
    %dma_start3A_497 = arith.constant 0 : i32
    %dma_start3A_498 = tpu.memref_slice %arg6[%dma_start3A_487, %dma_start3A_497] : memref<4x128xi32, #tpu.memory_space<vmem>> -> memref<1x128xi32, #tpu.memory_space<vmem>>
    %dma_start3A_499 = tpu.memref_squeeze %dma_start3A_498 : memref<1x128xi32, #tpu.memory_space<vmem>> -> memref<128xi32, #tpu.memory_space<vmem>>
    %dma_start3A_500 = arith.constant 0 : i32
    %dma_start3A_501 = tpu.memref_slice %arg3[%add3A_484, %dma_start3A_500] : memref<6400x128xi32, #tpu.memory_space<hbm>> -> memref<1x128xi32, #tpu.memory_space<hbm>>
    %dma_start3A_502 = tpu.memref_squeeze %dma_start3A_501 : memref<1x128xi32, #tpu.memory_space<hbm>> -> memref<128xi32, #tpu.memory_space<hbm>>
    tpu.enqueue_dma source(%dma_start3A_502 : memref<128xi32, #tpu.memory_space<hbm>>) target(%dma_start3A_499 : memref<128xi32, #tpu.memory_space<vmem>>) target_semaphore(%dma_start3A_496 : memref<!tpu.dma_semaphore, #tpu.memory_space<semaphore_mem>>)
    %dma_start3A_503 = arith.constant 0 : i32
    %dma_start3A_504 = arith.constant 0 : i32
    %dma_start3A_505 = arith.constant 0 : i32
    %dma_start3A_506 = tpu.memref_slice %arg7[%dma_start3A_503, %dma_start3A_505] : memref<4x128xi32, #tpu.memory_space<vmem>> -> memref<1x128xi32, #tpu.memory_space<vmem>>
    %dma_start3A_507 = tpu.memref_squeeze %dma_start3A_506 : memref<1x128xi32, #tpu.memory_space<vmem>> -> memref<128xi32, #tpu.memory_space<vmem>>
    %dma_start3A_508 = arith.constant 0 : i32
    %dma_start3A_509 = tpu.memref_slice %arg4[%add3A_486, %dma_start3A_508] : memref<6400x128xi32, #tpu.memory_space<hbm>> -> memref<1x128xi32, #tpu.memory_space<hbm>>
    %dma_start3A_510 = tpu.memref_squeeze %dma_start3A_509 : memref<1x128xi32, #tpu.memory_space<hbm>> -> memref<128xi32, #tpu.memory_space<hbm>>
    %dma_start3A_511 = tpu.memref_slice %arg11[%dma_start3A_504] : memref<4x!tpu.dma_semaphore, #tpu.memory_space<semaphore_mem>> -> memref<1x!tpu.dma_semaphore, #tpu.memory_space<semaphore_mem>>
    %dma_start3A_512 = tpu.memref_squeeze %dma_start3A_511 : memref<1x!tpu.dma_semaphore, #tpu.memory_space<semaphore_mem>> -> memref<!tpu.dma_semaphore, #tpu.memory_space<semaphore_mem>>
    %dma_start3A_513 = arith.constant 0 : i32
    %dma_start3A_514 = tpu.memref_slice %arg7[%dma_start3A_503, %dma_start3A_513] : memref<4x128xi32, #tpu.memory_space<vmem>> -> memref<1x128xi32, #tpu.memory_space<vmem>>
    %dma_start3A_515 = tpu.memref_squeeze %dma_start3A_514 : memref<1x128xi32, #tpu.memory_space<vmem>> -> memref<128xi32, #tpu.memory_space<vmem>>
    %dma_start3A_516 = arith.constant 0 : i32
    %dma_start3A_517 = tpu.memref_slice %arg4[%add3A_486, %dma_start3A_516] : memref<6400x128xi32, #tpu.memory_space<hbm>> -> memref<1x128xi32, #tpu.memory_space<hbm>>
    %dma_start3A_518 = tpu.memref_squeeze %dma_start3A_517 : memref<1x128xi32, #tpu.memory_space<hbm>> -> memref<128xi32, #tpu.memory_space<hbm>>
    tpu.enqueue_dma source(%dma_start3A_518 : memref<128xi32, #tpu.memory_space<hbm>>) target(%dma_start3A_515 : memref<128xi32, #tpu.memory_space<vmem>>) target_semaphore(%dma_start3A_512 : memref<!tpu.dma_semaphore, #tpu.memory_space<semaphore_mem>>)
    %dma_wait3A_519 = arith.constant 1 : i32
    %dma_wait3A_520 = arith.constant 1 : i32
    %dma_wait3A_521 = arith.constant 1 : i32
    %dma_wait3A_522 = arith.constant 0 : i32
    %dma_wait3A_523 = arith.constant 0 : i32
    %dma_wait3A_524 = tpu.memref_slice %arg8[%dma_wait3A_520, %dma_wait3A_522, %dma_wait3A_523] : memref<4x128x128xf32, #tpu.memory_space<vmem>> -> memref<1x128x128xf32, #tpu.memory_space<vmem>>
    %dma_wait3A_525 = tpu.memref_squeeze %dma_wait3A_524 : memref<1x128x128xf32, #tpu.memory_space<vmem>> -> memref<128x128xf32, #tpu.memory_space<vmem>>
    %dma_wait3A_526 = arith.constant 0 : i32
    %dma_wait3A_527 = tpu.memref_slice %arg6[%dma_wait3A_519, %dma_wait3A_526] : memref<4x128xi32, #tpu.memory_space<vmem>> -> memref<1x128xi32, #tpu.memory_space<vmem>>
    %dma_wait3A_528 = tpu.memref_squeeze %dma_wait3A_527 : memref<1x128xi32, #tpu.memory_space<vmem>> -> memref<128xi32, #tpu.memory_space<vmem>>
    %dma_wait3A_529 = arith.constant 0 : i32
    %dma_wait3A_530 = arith.constant 0 : i32
    %dma_wait3A_531 = tpu.memref_slice %arg2[%dma_wait3A_529, %dma_wait3A_530] : memref<503808x128xf32, #tpu.memory_space<hbm>> -> memref<503808x128xf32, #tpu.memory_space<hbm>>
    %dma_wait3A_532 = tpu.memref_slice %arg12[%dma_wait3A_521] : memref<4x!tpu.dma_semaphore, #tpu.memory_space<semaphore_mem>> -> memref<1x!tpu.dma_semaphore, #tpu.memory_space<semaphore_mem>>
    %dma_wait3A_533 = tpu.memref_squeeze %dma_wait3A_532 : memref<1x!tpu.dma_semaphore, #tpu.memory_space<semaphore_mem>> -> memref<!tpu.dma_semaphore, #tpu.memory_space<semaphore_mem>>
    tpu.wait_indirect_dma semaphore(%dma_wait3A_533 : memref<!tpu.dma_semaphore, #tpu.memory_space<semaphore_mem>>) src(%dma_wait3A_531 : memref<503808x128xf32, #tpu.memory_space<hbm>>) dst(%dma_wait3A_525 : memref<128x128xf32, #tpu.memory_space<vmem>>)
    %parallel_loop3A_534 = arith.constant 0 : i32
    %parallel_loop3A_535 = arith.constant 128 : i32
    %parallel_loop3A_536 = arith.constant 1 : i32
    %parallel_loop3A_537 = arith.constant 1 : i32
    %parallel_loop3A_538 = arith.constant 1 : i32
    scf.for %parallel_loop3A_1261 = %parallel_loop3A_534 to %parallel_loop3A_535 step %parallel_loop3A_536  : i32 {
      %parallel_loop3A_1262 = arith.constant -16 : i32
      %parallel_loop3A_1263 = arith.andi %parallel_loop3A_1261, %parallel_loop3A_1262 : i32
      %parallel_loop3A_1264 = vector.broadcast %parallel_loop3A_1263 : i32 to vector<16xi32>
      %parallel_loop3A_1265 = arith.addi %iota3A, %parallel_loop3A_1264 : vector<16xi32>
      %parallel_loop3A_1266 = arith.constant 1 : i32
      %parallel_loop3A_1267 = arith.index_cast %parallel_loop3A_1266 : i32 to index
      %parallel_loop3A_1268 = arith.index_cast %parallel_loop3A_1263 : i32 to index
      %parallel_loop3A_1269 = tpu.vector_load %arg7[%parallel_loop3A_1267, %parallel_loop3A_1268] {strides = array<i32>} : memref<4x128xi32, #tpu.memory_space<vmem>>, vector<16xi32>,
      %parallel_loop3A_1270 = arith.constant 15 : i32
      %parallel_loop3A_1271 = arith.andi %parallel_loop3A_1261, %parallel_loop3A_1270 : i32
      %parallel_loop3A_1272 = vector.broadcast %parallel_loop3A_1271 : i32 to vector<16xi32>
      %parallel_loop3A_1273 = arith.addi %iota3A, %parallel_loop3A_1272 : vector<16xi32>
      %parallel_loop3A_1274 = arith.constant 15 : i32
      %parallel_loop3A_1275 = vector.broadcast %parallel_loop3A_1274 : i32 to vector<16xi32>
      %parallel_loop3A_1276 = arith.andi %parallel_loop3A_1273, %parallel_loop3A_1275 : vector<16xi32>
      %parallel_loop3A_1277 = arith.addi %parallel_loop3A_1276, %parallel_loop3A_1269 : vector<16xi32>
      %parallel_loop3A_1278 = arith.constant 0 : i32
      %parallel_loop3A_1279 = vector.broadcast %parallel_loop3A_1278 : i32 to vector<16xi32>
      %parallel_loop3A_1280 = arith.addi %parallel_loop3A_1277, %parallel_loop3A_1279 : vector<16xi32>
      %parallel_loop3A_1281 = arith.constant 0 : i32
      %parallel_loop3A_1282 = arith.constant 0 : i32
      %parallel_loop3A_1283 = tpu.memref_slice %arg8[%parallel_loop3A_537, %parallel_loop3A_1281, %parallel_loop3A_1282] : memref<4x128x128xf32, #tpu.memory_space<vmem>> -> memref<1x128x128xf32, #tpu.memory_space<vmem>>
      %parallel_loop3A_1284 = tpu.memref_squeeze %parallel_loop3A_1283 : memref<1x128x128xf32, #tpu.memory_space<vmem>> -> memref<128x128xf32, #tpu.memory_space<vmem>>
      %parallel_loop3A_1285 = tpu.vector_load_idx %parallel_loop3A_1284[%parallel_loop3A_1265, %parallel_loop3A_1280] : memref<128x128xf32, #tpu.memory_space<vmem>>[vector<16xi32>, vector<16xi32>], vector<16xf32>,
      %parallel_loop3A_1286 = arith.subi %parallel_loop3A_1280, %parallel_loop3A_1269 : vector<16xi32>
      %parallel_loop3A_1287 = arith.constant 0 : i32
      %parallel_loop3A_1288 = arith.constant 0 : i32
      %parallel_loop3A_1289 = tpu.memref_slice %arg9[%parallel_loop3A_538, %parallel_loop3A_1287, %parallel_loop3A_1288] : memref<2x64x128xf32, #tpu.memory_space<vmem>> -> memref<1x64x128xf32, #tpu.memory_space<vmem>>
      %parallel_loop3A_1290 = tpu.memref_squeeze %parallel_loop3A_1289 : memref<1x64x128xf32, #tpu.memory_space<vmem>> -> memref<64x128xf32, #tpu.memory_space<vmem>>
      tpu.vector_store_idx %parallel_loop3A_1290[%parallel_loop3A_1286, %parallel_loop3A_1265], %parallel_loop3A_1285 : memref<64x128xf32, #tpu.memory_space<vmem>>[vector<16xi32>, vector<16xi32>], vector<16xf32>,
      %parallel_loop3A_1291 = arith.constant 16 : i32
      %parallel_loop3A_1292 = vector.broadcast %parallel_loop3A_1291 : i32 to vector<16xi32>
      %parallel_loop3A_1293 = arith.addi %parallel_loop3A_1277, %parallel_loop3A_1292 : vector<16xi32>
      %parallel_loop3A_1294 = arith.constant 0 : i32
      %parallel_loop3A_1295 = arith.constant 0 : i32
      %parallel_loop3A_1296 = tpu.memref_slice %arg8[%parallel_loop3A_537, %parallel_loop3A_1294, %parallel_loop3A_1295] : memref<4x128x128xf32, #tpu.memory_space<vmem>> -> memref<1x128x128xf32, #tpu.memory_space<vmem>>
      %parallel_loop3A_1297 = tpu.memref_squeeze %parallel_loop3A_1296 : memref<1x128x128xf32, #tpu.memory_space<vmem>> -> memref<128x128xf32, #tpu.memory_space<vmem>>
      %parallel_loop3A_1298 = tpu.vector_load_idx %parallel_loop3A_1297[%parallel_loop3A_1265, %parallel_loop3A_1293] : memref<128x128xf32, #tpu.memory_space<vmem>>[vector<16xi32>, vector<16xi32>], vector<16xf32>,
      %parallel_loop3A_1299 = arith.subi %parallel_loop3A_1293, %parallel_loop3A_1269 : vector<16xi32>
      %parallel_loop3A_1300 = arith.constant 0 : i32
      %parallel_loop3A_1301 = arith.constant 0 : i32
      %parallel_loop3A_1302 = tpu.memref_slice %arg9[%parallel_loop3A_538, %parallel_loop3A_1300, %parallel_loop3A_1301] : memref<2x64x128xf32, #tpu.memory_space<vmem>> -> memref<1x64x128xf32, #tpu.memory_space<vmem>>
      %parallel_loop3A_1303 = tpu.memref_squeeze %parallel_loop3A_1302 : memref<1x64x128xf32, #tpu.memory_space<vmem>> -> memref<64x128xf32, #tpu.memory_space<vmem>>
      tpu.vector_store_idx %parallel_loop3A_1303[%parallel_loop3A_1299, %parallel_loop3A_1265], %parallel_loop3A_1298 : memref<64x128xf32, #tpu.memory_space<vmem>>[vector<16xi32>, vector<16xi32>], vector<16xf32>,
      %parallel_loop3A_1304 = arith.constant 32 : i32
      %parallel_loop3A_1305 = vector.broadcast %parallel_loop3A_1304 : i32 to vector<16xi32>
      %parallel_loop3A_1306 = arith.addi %parallel_loop3A_1277, %parallel_loop3A_1305 : vector<16xi32>
      %parallel_loop3A_1307 = arith.constant 0 : i32
      %parallel_loop3A_1308 = arith.constant 0 : i32
      %parallel_loop3A_1309 = tpu.memref_slice %arg8[%parallel_loop3A_537, %parallel_loop3A_1307, %parallel_loop3A_1308] : memref<4x128x128xf32, #tpu.memory_space<vmem>> -> memref<1x128x128xf32, #tpu.memory_space<vmem>>
      %parallel_loop3A_1310 = tpu.memref_squeeze %parallel_loop3A_1309 : memref<1x128x128xf32, #tpu.memory_space<vmem>> -> memref<128x128xf32, #tpu.memory_space<vmem>>
      %parallel_loop3A_1311 = tpu.vector_load_idx %parallel_loop3A_1310[%parallel_loop3A_1265, %parallel_loop3A_1306] : memref<128x128xf32, #tpu.memory_space<vmem>>[vector<16xi32>, vector<16xi32>], vector<16xf32>,
      %parallel_loop3A_1312 = arith.subi %parallel_loop3A_1306, %parallel_loop3A_1269 : vector<16xi32>
      %parallel_loop3A_1313 = arith.constant 0 : i32
      %parallel_loop3A_1314 = arith.constant 0 : i32
      %parallel_loop3A_1315 = tpu.memref_slice %arg9[%parallel_loop3A_538, %parallel_loop3A_1313, %parallel_loop3A_1314] : memref<2x64x128xf32, #tpu.memory_space<vmem>> -> memref<1x64x128xf32, #tpu.memory_space<vmem>>
      %parallel_loop3A_1316 = tpu.memref_squeeze %parallel_loop3A_1315 : memref<1x64x128xf32, #tpu.memory_space<vmem>> -> memref<64x128xf32, #tpu.memory_space<vmem>>
      tpu.vector_store_idx %parallel_loop3A_1316[%parallel_loop3A_1312, %parallel_loop3A_1265], %parallel_loop3A_1311 : memref<64x128xf32, #tpu.memory_space<vmem>>[vector<16xi32>, vector<16xi32>], vector<16xf32>,
      %parallel_loop3A_1317 = arith.constant 48 : i32
      %parallel_loop3A_1318 = vector.broadcast %parallel_loop3A_1317 : i32 to vector<16xi32>
      %parallel_loop3A_1319 = arith.addi %parallel_loop3A_1277, %parallel_loop3A_1318 : vector<16xi32>
      %parallel_loop3A_1320 = arith.constant 0 : i32
      %parallel_loop3A_1321 = arith.constant 0 : i32
      %parallel_loop3A_1322 = tpu.memref_slice %arg8[%parallel_loop3A_537, %parallel_loop3A_1320, %parallel_loop3A_1321] : memref<4x128x128xf32, #tpu.memory_space<vmem>> -> memref<1x128x128xf32, #tpu.memory_space<vmem>>
      %parallel_loop3A_1323 = tpu.memref_squeeze %parallel_loop3A_1322 : memref<1x128x128xf32, #tpu.memory_space<vmem>> -> memref<128x128xf32, #tpu.memory_space<vmem>>
      %parallel_loop3A_1324 = tpu.vector_load_idx %parallel_loop3A_1323[%parallel_loop3A_1265, %parallel_loop3A_1319] : memref<128x128xf32, #tpu.memory_space<vmem>>[vector<16xi32>, vector<16xi32>], vector<16xf32>,
      %parallel_loop3A_1325 = arith.subi %parallel_loop3A_1319, %parallel_loop3A_1269 : vector<16xi32>
      %parallel_loop3A_1326 = arith.constant 0 : i32
      %parallel_loop3A_1327 = arith.constant 0 : i32
      %parallel_loop3A_1328 = tpu.memref_slice %arg9[%parallel_loop3A_538, %parallel_loop3A_1326, %parallel_loop3A_1327] : memref<2x64x128xf32, #tpu.memory_space<vmem>> -> memref<1x64x128xf32, #tpu.memory_space<vmem>>
      %parallel_loop3A_1329 = tpu.memref_squeeze %parallel_loop3A_1328 : memref<1x64x128xf32, #tpu.memory_space<vmem>> -> memref<64x128xf32, #tpu.memory_space<vmem>>
      tpu.vector_store_idx %parallel_loop3A_1329[%parallel_loop3A_1325, %parallel_loop3A_1265], %parallel_loop3A_1324 : memref<64x128xf32, #tpu.memory_space<vmem>>[vector<16xi32>, vector<16xi32>], vector<16xf32>,
    } {sc.loop_unroll_factor = 2 : i64, sc.parallel_access}
    %dma_start3A_539 = arith.constant 1 : i32
    %dma_start3A_540 = arith.constant 1 : i32
    %dma_start3A_541 = arith.constant 1 : i32
    %dma_start3A_542 = arith.constant 0 : i32
    %dma_start3A_543 = arith.constant 0 : i32
    %dma_start3A_544 = tpu.memref_slice %arg9[%dma_start3A_539, %dma_start3A_542, %dma_start3A_543] : memref<2x64x128xf32, #tpu.memory_space<vmem>> -> memref<1x64x128xf32, #tpu.memory_space<vmem>>
    %dma_start3A_545 = tpu.memref_squeeze %dma_start3A_544 : memref<1x64x128xf32, #tpu.memory_space<vmem>> -> memref<64x128xf32, #tpu.memory_space<vmem>>
    %dma_start3A_546 = arith.constant 0 : i32
    %dma_start3A_547 = tpu.memref_slice %arg5[%dma_start3A_540, %dma_start3A_546, %mul3A_2] : memref<200x64x4096xf32, #tpu.memory_space<hbm>> -> memref<1x64x128xf32, #tpu.memory_space<hbm>>
    %dma_start3A_548 = tpu.memref_squeeze %dma_start3A_547 : memref<1x64x128xf32, #tpu.memory_space<hbm>> -> memref<64x128xf32, #tpu.memory_space<hbm>>
    %dma_start3A_549 = tpu.memref_slice %arg13[%dma_start3A_541] : memref<2x!tpu.dma_semaphore, #tpu.memory_space<semaphore_mem>> -> memref<1x!tpu.dma_semaphore, #tpu.memory_space<semaphore_mem>>
    %dma_start3A_550 = tpu.memref_squeeze %dma_start3A_549 : memref<1x!tpu.dma_semaphore, #tpu.memory_space<semaphore_mem>> -> memref<!tpu.dma_semaphore, #tpu.memory_space<semaphore_mem>>
    %dma_start3A_551 = arith.constant 0 : i32
    %dma_start3A_552 = tpu.memref_slice %arg5[%dma_start3A_540, %dma_start3A_551, %mul3A_2] : memref<200x64x4096xf32, #tpu.memory_space<hbm>> -> memref<1x64x128xf32, #tpu.memory_space<hbm>>
    %dma_start3A_553 = tpu.memref_squeeze %dma_start3A_552 : memref<1x64x128xf32, #tpu.memory_space<hbm>> -> memref<64x128xf32, #tpu.memory_space<hbm>>
    %dma_start3A_554 = arith.constant 0 : i32
    %dma_start3A_555 = arith.constant 0 : i32
    %dma_start3A_556 = tpu.memref_slice %arg9[%dma_start3A_539, %dma_start3A_554, %dma_start3A_555] : memref<2x64x128xf32, #tpu.memory_space<vmem>> -> memref<1x64x128xf32, #tpu.memory_space<vmem>>
    %dma_start3A_557 = tpu.memref_squeeze %dma_start3A_556 : memref<1x64x128xf32, #tpu.memory_space<vmem>> -> memref<64x128xf32, #tpu.memory_space<vmem>>
    tpu.enqueue_dma source(%dma_start3A_557 : memref<64x128xf32, #tpu.memory_space<vmem>>) target(%dma_start3A_553 : memref<64x128xf32, #tpu.memory_space<hbm>>) target_semaphore(%dma_start3A_550 : memref<!tpu.dma_semaphore, #tpu.memory_space<semaphore_mem>>)
    %add3A_558 = arith.constant 128 : i32
    %add3A_559 = arith.addi %add3A_558, %add3A : i32
    %add3A_560 = arith.constant 128 : i32
    %add3A_561 = arith.addi %add3A_560, %add3A : i32
    %dma_wait3A_562 = arith.constant 0 : i32
    %dma_wait3A_563 = arith.constant 0 : i32
    %dma_wait3A_564 = arith.constant 0 : i32
    %dma_wait3A_565 = tpu.memref_slice %arg6[%dma_wait3A_562, %dma_wait3A_564] : memref<4x128xi32, #tpu.memory_space<vmem>> -> memref<1x128xi32, #tpu.memory_space<vmem>>
    %dma_wait3A_566 = tpu.memref_squeeze %dma_wait3A_565 : memref<1x128xi32, #tpu.memory_space<vmem>> -> memref<128xi32, #tpu.memory_space<vmem>>
    %dma_wait3A_567 = arith.constant 0 : i32
    %dma_wait3A_568 = tpu.memref_slice %arg3[%add3A_559, %dma_wait3A_567] : memref<6400x128xi32, #tpu.memory_space<hbm>> -> memref<1x128xi32, #tpu.memory_space<hbm>>
    %dma_wait3A_569 = tpu.memref_squeeze %dma_wait3A_568 : memref<1x128xi32, #tpu.memory_space<hbm>> -> memref<128xi32, #tpu.memory_space<hbm>>
    %dma_wait3A_570 = tpu.memref_slice %arg10[%dma_wait3A_563] : memref<4x!tpu.dma_semaphore, #tpu.memory_space<semaphore_mem>> -> memref<1x!tpu.dma_semaphore, #tpu.memory_space<semaphore_mem>>
    %dma_wait3A_571 = tpu.memref_squeeze %dma_wait3A_570 : memref<1x!tpu.dma_semaphore, #tpu.memory_space<semaphore_mem>> -> memref<!tpu.dma_semaphore, #tpu.memory_space<semaphore_mem>>
    %dma_wait3A_572 = arith.constant 0 : i32
    %dma_wait3A_573 = tpu.memref_slice %arg6[%dma_wait3A_562, %dma_wait3A_572] : memref<4x128xi32, #tpu.memory_space<vmem>> -> memref<1x128xi32, #tpu.memory_space<vmem>>
    %dma_wait3A_574 = tpu.memref_squeeze %dma_wait3A_573 : memref<1x128xi32, #tpu.memory_space<vmem>> -> memref<128xi32, #tpu.memory_space<vmem>>
    %dma_wait3A_575 = arith.constant 0 : i32
    %dma_wait3A_576 = tpu.memref_slice %arg3[%add3A_559, %dma_wait3A_575] : memref<6400x128xi32, #tpu.memory_space<hbm>> -> memref<1x128xi32, #tpu.memory_space<hbm>>
    %dma_wait3A_577 = tpu.memref_squeeze %dma_wait3A_576 : memref<1x128xi32, #tpu.memory_space<hbm>> -> memref<128xi32, #tpu.memory_space<hbm>>
    tpu.wait_dma2 semaphore(%dma_wait3A_571 : memref<!tpu.dma_semaphore, #tpu.memory_space<semaphore_mem>>) src(%dma_wait3A_577 : memref<128xi32, #tpu.memory_space<hbm>>) dst(%dma_wait3A_574 : memref<128xi32, #tpu.memory_space<vmem>>)
    %dma_wait3A_578 = arith.constant 0 : i32
    %dma_wait3A_579 = arith.constant 0 : i32
    %dma_wait3A_580 = arith.constant 0 : i32
    %dma_wait3A_581 = tpu.memref_slice %arg7[%dma_wait3A_578, %dma_wait3A_580] : memref<4x128xi32, #tpu.memory_space<vmem>> -> memref<1x128xi32, #tpu.memory_space<vmem>>
    %dma_wait3A_582 = tpu.memref_squeeze %dma_wait3A_581 : memref<1x128xi32, #tpu.memory_space<vmem>> -> memref<128xi32, #tpu.memory_space<vmem>>
    %dma_wait3A_583 = arith.constant 0 : i32
    %dma_wait3A_584 = tpu.memref_slice %arg4[%add3A_561, %dma_wait3A_583] : memref<6400x128xi32, #tpu.memory_space<hbm>> -> memref<1x128xi32, #tpu.memory_space<hbm>>
    %dma_wait3A_585 = tpu.memref_squeeze %dma_wait3A_584 : memref<1x128xi32, #tpu.memory_space<hbm>> -> memref<128xi32, #tpu.memory_space<hbm>>
    %dma_wait3A_586 = tpu.memref_slice %arg11[%dma_wait3A_579] : memref<4x!tpu.dma_semaphore, #tpu.memory_space<semaphore_mem>> -> memref<1x!tpu.dma_semaphore, #tpu.memory_space<semaphore_mem>>
    %dma_wait3A_587 = tpu.memref_squeeze %dma_wait3A_586 : memref<1x!tpu.dma_semaphore, #tpu.memory_space<semaphore_mem>> -> memref<!tpu.dma_semaphore, #tpu.memory_space<semaphore_mem>>
    %dma_wait3A_588 = arith.constant 0 : i32
    %dma_wait3A_589 = tpu.memref_slice %arg7[%dma_wait3A_578, %dma_wait3A_588] : memref<4x128xi32, #tpu.memory_space<vmem>> -> memref<1x128xi32, #tpu.memory_space<vmem>>
    %dma_wait3A_590 = tpu.memref_squeeze %dma_wait3A_589 : memref<1x128xi32, #tpu.memory_space<vmem>> -> memref<128xi32, #tpu.memory_space<vmem>>
    %dma_wait3A_591 = arith.constant 0 : i32
    %dma_wait3A_592 = tpu.memref_slice %arg4[%add3A_561, %dma_wait3A_591] : memref<6400x128xi32, #tpu.memory_space<hbm>> -> memref<1x128xi32, #tpu.memory_space<hbm>>
    %dma_wait3A_593 = tpu.memref_squeeze %dma_wait3A_592 : memref<1x128xi32, #tpu.memory_space<hbm>> -> memref<128xi32, #tpu.memory_space<hbm>>
    tpu.wait_dma2 semaphore(%dma_wait3A_587 : memref<!tpu.dma_semaphore, #tpu.memory_space<semaphore_mem>>) src(%dma_wait3A_593 : memref<128xi32, #tpu.memory_space<hbm>>) dst(%dma_wait3A_590 : memref<128xi32, #tpu.memory_space<vmem>>)
    %dma_start3A_594 = arith.constant 0 : i32
    %dma_start3A_595 = arith.constant 0 : i32
    %dma_start3A_596 = arith.constant 0 : i32
    %dma_start3A_597 = arith.constant 0 : i32
    %dma_start3A_598 = arith.constant 0 : i32
    %dma_start3A_599 = tpu.memref_slice %arg8[%dma_start3A_595, %dma_start3A_597, %dma_start3A_598] : memref<4x128x128xf32, #tpu.memory_space<vmem>> -> memref<1x128x128xf32, #tpu.memory_space<vmem>>
    %dma_start3A_600 = tpu.memref_squeeze %dma_start3A_599 : memref<1x128x128xf32, #tpu.memory_space<vmem>> -> memref<128x128xf32, #tpu.memory_space<vmem>>
    %dma_start3A_601 = arith.constant 0 : i32
    %dma_start3A_602 = tpu.memref_slice %arg6[%dma_start3A_594, %dma_start3A_601] : memref<4x128xi32, #tpu.memory_space<vmem>> -> memref<1x128xi32, #tpu.memory_space<vmem>>
    %dma_start3A_603 = tpu.memref_squeeze %dma_start3A_602 : memref<1x128xi32, #tpu.memory_space<vmem>> -> memref<128xi32, #tpu.memory_space<vmem>>
    %dma_start3A_604 = arith.constant 0 : i32
    %dma_start3A_605 = arith.constant 0 : i32
    %dma_start3A_606 = tpu.memref_slice %arg2[%dma_start3A_604, %dma_start3A_605] : memref<503808x128xf32, #tpu.memory_space<hbm>> -> memref<503808x128xf32, #tpu.memory_space<hbm>>
    %dma_start3A_607 = tpu.memref_slice %arg12[%dma_start3A_596] : memref<4x!tpu.dma_semaphore, #tpu.memory_space<semaphore_mem>> -> memref<1x!tpu.dma_semaphore, #tpu.memory_space<semaphore_mem>>
    %dma_start3A_608 = tpu.memref_squeeze %dma_start3A_607 : memref<1x!tpu.dma_semaphore, #tpu.memory_space<semaphore_mem>> -> memref<!tpu.dma_semaphore, #tpu.memory_space<semaphore_mem>>
    tpu.enqueue_indirect_dma source(%dma_start3A_606 : memref<503808x128xf32, #tpu.memory_space<hbm>>) target(%dma_start3A_600 : memref<128x128xf32, #tpu.memory_space<vmem>>) offsets(%dma_start3A_603 : memref<128xi32, #tpu.memory_space<vmem>>) semaphore(%dma_start3A_608 : memref<!tpu.dma_semaphore, #tpu.memory_space<semaphore_mem>>)
    %add3A_609 = arith.constant 160 : i32
    %add3A_610 = arith.addi %add3A_609, %add3A : i32
    %add3A_611 = arith.constant 160 : i32
    %add3A_612 = arith.addi %add3A_611, %add3A : i32
    %dma_start3A_613 = arith.constant 1 : i32
    %dma_start3A_614 = arith.constant 1 : i32
    %dma_start3A_615 = arith.constant 0 : i32
    %dma_start3A_616 = tpu.memref_slice %arg6[%dma_start3A_613, %dma_start3A_615] : memref<4x128xi32, #tpu.memory_space<vmem>> -> memref<1x128xi32, #tpu.memory_space<vmem>>
    %dma_start3A_617 = tpu.memref_squeeze %dma_start3A_616 : memref<1x128xi32, #tpu.memory_space<vmem>> -> memref<128xi32, #tpu.memory_space<vmem>>
    %dma_start3A_618 = arith.constant 0 : i32
    %dma_start3A_619 = tpu.memref_slice %arg3[%add3A_610, %dma_start3A_618] : memref<6400x128xi32, #tpu.memory_space<hbm>> -> memref<1x128xi32, #tpu.memory_space<hbm>>
    %dma_start3A_620 = tpu.memref_squeeze %dma_start3A_619 : memref<1x128xi32, #tpu.memory_space<hbm>> -> memref<128xi32, #tpu.memory_space<hbm>>
    %dma_start3A_621 = tpu.memref_slice %arg10[%dma_start3A_614] : memref<4x!tpu.dma_semaphore, #tpu.memory_space<semaphore_mem>> -> memref<1x!tpu.dma_semaphore, #tpu.memory_space<semaphore_mem>>
    %dma_start3A_622 = tpu.memref_squeeze %dma_start3A_621 : memref<1x!tpu.dma_semaphore, #tpu.memory_space<semaphore_mem>> -> memref<!tpu.dma_semaphore, #tpu.memory_space<semaphore_mem>>
    %dma_start3A_623 = arith.constant 0 : i32
    %dma_start3A_624 = tpu.memref_slice %arg6[%dma_start3A_613, %dma_start3A_623] : memref<4x128xi32, #tpu.memory_space<vmem>> -> memref<1x128xi32, #tpu.memory_space<vmem>>
    %dma_start3A_625 = tpu.memref_squeeze %dma_start3A_624 : memref<1x128xi32, #tpu.memory_space<vmem>> -> memref<128xi32, #tpu.memory_space<vmem>>
    %dma_start3A_626 = arith.constant 0 : i32
    %dma_start3A_627 = tpu.memref_slice %arg3[%add3A_610, %dma_start3A_626] : memref<6400x128xi32, #tpu.memory_space<hbm>> -> memref<1x128xi32, #tpu.memory_space<hbm>>
    %dma_start3A_628 = tpu.memref_squeeze %dma_start3A_627 : memref<1x128xi32, #tpu.memory_space<hbm>> -> memref<128xi32, #tpu.memory_space<hbm>>
    tpu.enqueue_dma source(%dma_start3A_628 : memref<128xi32, #tpu.memory_space<hbm>>) target(%dma_start3A_625 : memref<128xi32, #tpu.memory_space<vmem>>) target_semaphore(%dma_start3A_622 : memref<!tpu.dma_semaphore, #tpu.memory_space<semaphore_mem>>)
    %dma_start3A_629 = arith.constant 1 : i32
    %dma_start3A_630 = arith.constant 1 : i32
    %dma_start3A_631 = arith.constant 0 : i32
    %dma_start3A_632 = tpu.memref_slice %arg7[%dma_start3A_629, %dma_start3A_631] : memref<4x128xi32, #tpu.memory_space<vmem>> -> memref<1x128xi32, #tpu.memory_space<vmem>>
    %dma_start3A_633 = tpu.memref_squeeze %dma_start3A_632 : memref<1x128xi32, #tpu.memory_space<vmem>> -> memref<128xi32, #tpu.memory_space<vmem>>
    %dma_start3A_634 = arith.constant 0 : i32
    %dma_start3A_635 = tpu.memref_slice %arg4[%add3A_612, %dma_start3A_634] : memref<6400x128xi32, #tpu.memory_space<hbm>> -> memref<1x128xi32, #tpu.memory_space<hbm>>
    %dma_start3A_636 = tpu.memref_squeeze %dma_start3A_635 : memref<1x128xi32, #tpu.memory_space<hbm>> -> memref<128xi32, #tpu.memory_space<hbm>>
    %dma_start3A_637 = tpu.memref_slice %arg11[%dma_start3A_630] : memref<4x!tpu.dma_semaphore, #tpu.memory_space<semaphore_mem>> -> memref<1x!tpu.dma_semaphore, #tpu.memory_space<semaphore_mem>>
    %dma_start3A_638 = tpu.memref_squeeze %dma_start3A_637 : memref<1x!tpu.dma_semaphore, #tpu.memory_space<semaphore_mem>> -> memref<!tpu.dma_semaphore, #tpu.memory_space<semaphore_mem>>
    %dma_start3A_639 = arith.constant 0 : i32
    %dma_start3A_640 = tpu.memref_slice %arg7[%dma_start3A_629, %dma_start3A_639] : memref<4x128xi32, #tpu.memory_space<vmem>> -> memref<1x128xi32, #tpu.memory_space<vmem>>
    %dma_start3A_641 = tpu.memref_squeeze %dma_start3A_640 : memref<1x128xi32, #tpu.memory_space<vmem>> -> memref<128xi32, #tpu.memory_space<vmem>>
    %dma_start3A_642 = arith.constant 0 : i32
    %dma_start3A_643 = tpu.memref_slice %arg4[%add3A_612, %dma_start3A_642] : memref<6400x128xi32, #tpu.memory_space<hbm>> -> memref<1x128xi32, #tpu.memory_space<hbm>>
    %dma_start3A_644 = tpu.memref_squeeze %dma_start3A_643 : memref<1x128xi32, #tpu.memory_space<hbm>> -> memref<128xi32, #tpu.memory_space<hbm>>
    tpu.enqueue_dma source(%dma_start3A_644 : memref<128xi32, #tpu.memory_space<hbm>>) target(%dma_start3A_641 : memref<128xi32, #tpu.memory_space<vmem>>) target_semaphore(%dma_start3A_638 : memref<!tpu.dma_semaphore, #tpu.memory_space<semaphore_mem>>)
    %dma_wait3A_645 = arith.constant 2 : i32
    %dma_wait3A_646 = arith.constant 2 : i32
    %dma_wait3A_647 = arith.constant 2 : i32
    %dma_wait3A_648 = arith.constant 0 : i32
    %dma_wait3A_649 = arith.constant 0 : i32
    %dma_wait3A_650 = tpu.memref_slice %arg8[%dma_wait3A_646, %dma_wait3A_648, %dma_wait3A_649] : memref<4x128x128xf32, #tpu.memory_space<vmem>> -> memref<1x128x128xf32, #tpu.memory_space<vmem>>
    %dma_wait3A_651 = tpu.memref_squeeze %dma_wait3A_650 : memref<1x128x128xf32, #tpu.memory_space<vmem>> -> memref<128x128xf32, #tpu.memory_space<vmem>>
    %dma_wait3A_652 = arith.constant 0 : i32
    %dma_wait3A_653 = tpu.memref_slice %arg6[%dma_wait3A_645, %dma_wait3A_652] : memref<4x128xi32, #tpu.memory_space<vmem>> -> memref<1x128xi32, #tpu.memory_space<vmem>>
    %dma_wait3A_654 = tpu.memref_squeeze %dma_wait3A_653 : memref<1x128xi32, #tpu.memory_space<vmem>> -> memref<128xi32, #tpu.memory_space<vmem>>
    %dma_wait3A_655 = arith.constant 0 : i32
    %dma_wait3A_656 = arith.constant 0 : i32
    %dma_wait3A_657 = tpu.memref_slice %arg2[%dma_wait3A_655, %dma_wait3A_656] : memref<503808x128xf32, #tpu.memory_space<hbm>> -> memref<503808x128xf32, #tpu.memory_space<hbm>>
    %dma_wait3A_658 = tpu.memref_slice %arg12[%dma_wait3A_647] : memref<4x!tpu.dma_semaphore, #tpu.memory_space<semaphore_mem>> -> memref<1x!tpu.dma_semaphore, #tpu.memory_space<semaphore_mem>>
    %dma_wait3A_659 = tpu.memref_squeeze %dma_wait3A_658 : memref<1x!tpu.dma_semaphore, #tpu.memory_space<semaphore_mem>> -> memref<!tpu.dma_semaphore, #tpu.memory_space<semaphore_mem>>
    tpu.wait_indirect_dma semaphore(%dma_wait3A_659 : memref<!tpu.dma_semaphore, #tpu.memory_space<semaphore_mem>>) src(%dma_wait3A_657 : memref<503808x128xf32, #tpu.memory_space<hbm>>) dst(%dma_wait3A_651 : memref<128x128xf32, #tpu.memory_space<vmem>>)
    %dma_wait3A_660 = arith.constant 0 : i32
    %dma_wait3A_661 = arith.constant 0 : i32
    %dma_wait3A_662 = arith.constant 0 : i32
    %dma_wait3A_663 = arith.constant 0 : i32
    %dma_wait3A_664 = arith.constant 0 : i32
    %dma_wait3A_665 = tpu.memref_slice %arg9[%dma_wait3A_660, %dma_wait3A_663, %dma_wait3A_664] : memref<2x64x128xf32, #tpu.memory_space<vmem>> -> memref<1x64x128xf32, #tpu.memory_space<vmem>>
    %dma_wait3A_666 = tpu.memref_squeeze %dma_wait3A_665 : memref<1x64x128xf32, #tpu.memory_space<vmem>> -> memref<64x128xf32, #tpu.memory_space<vmem>>
    %dma_wait3A_667 = arith.constant 0 : i32
    %dma_wait3A_668 = tpu.memref_slice %arg5[%dma_wait3A_661, %dma_wait3A_667, %mul3A_2] : memref<200x64x4096xf32, #tpu.memory_space<hbm>> -> memref<1x64x128xf32, #tpu.memory_space<hbm>>
    %dma_wait3A_669 = tpu.memref_squeeze %dma_wait3A_668 : memref<1x64x128xf32, #tpu.memory_space<hbm>> -> memref<64x128xf32, #tpu.memory_space<hbm>>
    %dma_wait3A_670 = tpu.memref_slice %arg13[%dma_wait3A_662] : memref<2x!tpu.dma_semaphore, #tpu.memory_space<semaphore_mem>> -> memref<1x!tpu.dma_semaphore, #tpu.memory_space<semaphore_mem>>
    %dma_wait3A_671 = tpu.memref_squeeze %dma_wait3A_670 : memref<1x!tpu.dma_semaphore, #tpu.memory_space<semaphore_mem>> -> memref<!tpu.dma_semaphore, #tpu.memory_space<semaphore_mem>>
    %dma_wait3A_672 = arith.constant 0 : i32
    %dma_wait3A_673 = tpu.memref_slice %arg5[%dma_wait3A_661, %dma_wait3A_672, %mul3A_2] : memref<200x64x4096xf32, #tpu.memory_space<hbm>> -> memref<1x64x128xf32, #tpu.memory_space<hbm>>
    %dma_wait3A_674 = tpu.memref_squeeze %dma_wait3A_673 : memref<1x64x128xf32, #tpu.memory_space<hbm>> -> memref<64x128xf32, #tpu.memory_space<hbm>>
    %dma_wait3A_675 = arith.constant 0 : i32
    %dma_wait3A_676 = arith.constant 0 : i32
    %dma_wait3A_677 = tpu.memref_slice %arg9[%dma_wait3A_660, %dma_wait3A_675, %dma_wait3A_676] : memref<2x64x128xf32, #tpu.memory_space<vmem>> -> memref<1x64x128xf32, #tpu.memory_space<vmem>>
    %dma_wait3A_678 = tpu.memref_squeeze %dma_wait3A_677 : memref<1x64x128xf32, #tpu.memory_space<vmem>> -> memref<64x128xf32, #tpu.memory_space<vmem>>
    tpu.wait_dma2 semaphore(%dma_wait3A_671 : memref<!tpu.dma_semaphore, #tpu.memory_space<semaphore_mem>>) src(%dma_wait3A_678 : memref<64x128xf32, #tpu.memory_space<vmem>>) dst(%dma_wait3A_674 : memref<64x128xf32, #tpu.memory_space<hbm>>)
    %parallel_loop3A_679 = arith.constant 0 : i32
    %parallel_loop3A_680 = arith.constant 128 : i32
    %parallel_loop3A_681 = arith.constant 1 : i32
    %parallel_loop3A_682 = arith.constant 2 : i32
    %parallel_loop3A_683 = arith.constant 0 : i32
    scf.for %parallel_loop3A_1261 = %parallel_loop3A_679 to %parallel_loop3A_680 step %parallel_loop3A_681  : i32 {
      %parallel_loop3A_1262 = arith.constant -16 : i32
      %parallel_loop3A_1263 = arith.andi %parallel_loop3A_1261, %parallel_loop3A_1262 : i32
      %parallel_loop3A_1264 = vector.broadcast %parallel_loop3A_1263 : i32 to vector<16xi32>
      %parallel_loop3A_1265 = arith.addi %iota3A, %parallel_loop3A_1264 : vector<16xi32>
      %parallel_loop3A_1266 = arith.constant 2 : i32
      %parallel_loop3A_1267 = arith.index_cast %parallel_loop3A_1266 : i32 to index
      %parallel_loop3A_1268 = arith.index_cast %parallel_loop3A_1263 : i32 to index
      %parallel_loop3A_1269 = tpu.vector_load %arg7[%parallel_loop3A_1267, %parallel_loop3A_1268] {strides = array<i32>} : memref<4x128xi32, #tpu.memory_space<vmem>>, vector<16xi32>,
      %parallel_loop3A_1270 = arith.constant 15 : i32
      %parallel_loop3A_1271 = arith.andi %parallel_loop3A_1261, %parallel_loop3A_1270 : i32
      %parallel_loop3A_1272 = vector.broadcast %parallel_loop3A_1271 : i32 to vector<16xi32>
      %parallel_loop3A_1273 = arith.addi %iota3A, %parallel_loop3A_1272 : vector<16xi32>
      %parallel_loop3A_1274 = arith.constant 15 : i32
      %parallel_loop3A_1275 = vector.broadcast %parallel_loop3A_1274 : i32 to vector<16xi32>
      %parallel_loop3A_1276 = arith.andi %parallel_loop3A_1273, %parallel_loop3A_1275 : vector<16xi32>
      %parallel_loop3A_1277 = arith.addi %parallel_loop3A_1276, %parallel_loop3A_1269 : vector<16xi32>
      %parallel_loop3A_1278 = arith.constant 0 : i32
      %parallel_loop3A_1279 = vector.broadcast %parallel_loop3A_1278 : i32 to vector<16xi32>
      %parallel_loop3A_1280 = arith.addi %parallel_loop3A_1277, %parallel_loop3A_1279 : vector<16xi32>
      %parallel_loop3A_1281 = arith.constant 0 : i32
      %parallel_loop3A_1282 = arith.constant 0 : i32
      %parallel_loop3A_1283 = tpu.memref_slice %arg8[%parallel_loop3A_682, %parallel_loop3A_1281, %parallel_loop3A_1282] : memref<4x128x128xf32, #tpu.memory_space<vmem>> -> memref<1x128x128xf32, #tpu.memory_space<vmem>>
      %parallel_loop3A_1284 = tpu.memref_squeeze %parallel_loop3A_1283 : memref<1x128x128xf32, #tpu.memory_space<vmem>> -> memref<128x128xf32, #tpu.memory_space<vmem>>
      %parallel_loop3A_1285 = tpu.vector_load_idx %parallel_loop3A_1284[%parallel_loop3A_1265, %parallel_loop3A_1280] : memref<128x128xf32, #tpu.memory_space<vmem>>[vector<16xi32>, vector<16xi32>], vector<16xf32>,
      %parallel_loop3A_1286 = arith.subi %parallel_loop3A_1280, %parallel_loop3A_1269 : vector<16xi32>
      %parallel_loop3A_1287 = arith.constant 0 : i32
      %parallel_loop3A_1288 = arith.constant 0 : i32
      %parallel_loop3A_1289 = tpu.memref_slice %arg9[%parallel_loop3A_683, %parallel_loop3A_1287, %parallel_loop3A_1288] : memref<2x64x128xf32, #tpu.memory_space<vmem>> -> memref<1x64x128xf32, #tpu.memory_space<vmem>>
      %parallel_loop3A_1290 = tpu.memref_squeeze %parallel_loop3A_1289 : memref<1x64x128xf32, #tpu.memory_space<vmem>> -> memref<64x128xf32, #tpu.memory_space<vmem>>
      tpu.vector_store_idx %parallel_loop3A_1290[%parallel_loop3A_1286, %parallel_loop3A_1265], %parallel_loop3A_1285 : memref<64x128xf32, #tpu.memory_space<vmem>>[vector<16xi32>, vector<16xi32>], vector<16xf32>,
      %parallel_loop3A_1291 = arith.constant 16 : i32
      %parallel_loop3A_1292 = vector.broadcast %parallel_loop3A_1291 : i32 to vector<16xi32>
      %parallel_loop3A_1293 = arith.addi %parallel_loop3A_1277, %parallel_loop3A_1292 : vector<16xi32>
      %parallel_loop3A_1294 = arith.constant 0 : i32
      %parallel_loop3A_1295 = arith.constant 0 : i32
      %parallel_loop3A_1296 = tpu.memref_slice %arg8[%parallel_loop3A_682, %parallel_loop3A_1294, %parallel_loop3A_1295] : memref<4x128x128xf32, #tpu.memory_space<vmem>> -> memref<1x128x128xf32, #tpu.memory_space<vmem>>
      %parallel_loop3A_1297 = tpu.memref_squeeze %parallel_loop3A_1296 : memref<1x128x128xf32, #tpu.memory_space<vmem>> -> memref<128x128xf32, #tpu.memory_space<vmem>>
      %parallel_loop3A_1298 = tpu.vector_load_idx %parallel_loop3A_1297[%parallel_loop3A_1265, %parallel_loop3A_1293] : memref<128x128xf32, #tpu.memory_space<vmem>>[vector<16xi32>, vector<16xi32>], vector<16xf32>,
      %parallel_loop3A_1299 = arith.subi %parallel_loop3A_1293, %parallel_loop3A_1269 : vector<16xi32>
      %parallel_loop3A_1300 = arith.constant 0 : i32
      %parallel_loop3A_1301 = arith.constant 0 : i32
      %parallel_loop3A_1302 = tpu.memref_slice %arg9[%parallel_loop3A_683, %parallel_loop3A_1300, %parallel_loop3A_1301] : memref<2x64x128xf32, #tpu.memory_space<vmem>> -> memref<1x64x128xf32, #tpu.memory_space<vmem>>
      %parallel_loop3A_1303 = tpu.memref_squeeze %parallel_loop3A_1302 : memref<1x64x128xf32, #tpu.memory_space<vmem>> -> memref<64x128xf32, #tpu.memory_space<vmem>>
      tpu.vector_store_idx %parallel_loop3A_1303[%parallel_loop3A_1299, %parallel_loop3A_1265], %parallel_loop3A_1298 : memref<64x128xf32, #tpu.memory_space<vmem>>[vector<16xi32>, vector<16xi32>], vector<16xf32>,
      %parallel_loop3A_1304 = arith.constant 32 : i32
      %parallel_loop3A_1305 = vector.broadcast %parallel_loop3A_1304 : i32 to vector<16xi32>
      %parallel_loop3A_1306 = arith.addi %parallel_loop3A_1277, %parallel_loop3A_1305 : vector<16xi32>
      %parallel_loop3A_1307 = arith.constant 0 : i32
      %parallel_loop3A_1308 = arith.constant 0 : i32
      %parallel_loop3A_1309 = tpu.memref_slice %arg8[%parallel_loop3A_682, %parallel_loop3A_1307, %parallel_loop3A_1308] : memref<4x128x128xf32, #tpu.memory_space<vmem>> -> memref<1x128x128xf32, #tpu.memory_space<vmem>>
      %parallel_loop3A_1310 = tpu.memref_squeeze %parallel_loop3A_1309 : memref<1x128x128xf32, #tpu.memory_space<vmem>> -> memref<128x128xf32, #tpu.memory_space<vmem>>
      %parallel_loop3A_1311 = tpu.vector_load_idx %parallel_loop3A_1310[%parallel_loop3A_1265, %parallel_loop3A_1306] : memref<128x128xf32, #tpu.memory_space<vmem>>[vector<16xi32>, vector<16xi32>], vector<16xf32>,
      %parallel_loop3A_1312 = arith.subi %parallel_loop3A_1306, %parallel_loop3A_1269 : vector<16xi32>
      %parallel_loop3A_1313 = arith.constant 0 : i32
      %parallel_loop3A_1314 = arith.constant 0 : i32
      %parallel_loop3A_1315 = tpu.memref_slice %arg9[%parallel_loop3A_683, %parallel_loop3A_1313, %parallel_loop3A_1314] : memref<2x64x128xf32, #tpu.memory_space<vmem>> -> memref<1x64x128xf32, #tpu.memory_space<vmem>>
      %parallel_loop3A_1316 = tpu.memref_squeeze %parallel_loop3A_1315 : memref<1x64x128xf32, #tpu.memory_space<vmem>> -> memref<64x128xf32, #tpu.memory_space<vmem>>
      tpu.vector_store_idx %parallel_loop3A_1316[%parallel_loop3A_1312, %parallel_loop3A_1265], %parallel_loop3A_1311 : memref<64x128xf32, #tpu.memory_space<vmem>>[vector<16xi32>, vector<16xi32>], vector<16xf32>,
      %parallel_loop3A_1317 = arith.constant 48 : i32
      %parallel_loop3A_1318 = vector.broadcast %parallel_loop3A_1317 : i32 to vector<16xi32>
      %parallel_loop3A_1319 = arith.addi %parallel_loop3A_1277, %parallel_loop3A_1318 : vector<16xi32>
      %parallel_loop3A_1320 = arith.constant 0 : i32
      %parallel_loop3A_1321 = arith.constant 0 : i32
      %parallel_loop3A_1322 = tpu.memref_slice %arg8[%parallel_loop3A_682, %parallel_loop3A_1320, %parallel_loop3A_1321] : memref<4x128x128xf32, #tpu.memory_space<vmem>> -> memref<1x128x128xf32, #tpu.memory_space<vmem>>
      %parallel_loop3A_1323 = tpu.memref_squeeze %parallel_loop3A_1322 : memref<1x128x128xf32, #tpu.memory_space<vmem>> -> memref<128x128xf32, #tpu.memory_space<vmem>>
      %parallel_loop3A_1324 = tpu.vector_load_idx %parallel_loop3A_1323[%parallel_loop3A_1265, %parallel_loop3A_1319] : memref<128x128xf32, #tpu.memory_space<vmem>>[vector<16xi32>, vector<16xi32>], vector<16xf32>,
      %parallel_loop3A_1325 = arith.subi %parallel_loop3A_1319, %parallel_loop3A_1269 : vector<16xi32>
      %parallel_loop3A_1326 = arith.constant 0 : i32
      %parallel_loop3A_1327 = arith.constant 0 : i32
      %parallel_loop3A_1328 = tpu.memref_slice %arg9[%parallel_loop3A_683, %parallel_loop3A_1326, %parallel_loop3A_1327] : memref<2x64x128xf32, #tpu.memory_space<vmem>> -> memref<1x64x128xf32, #tpu.memory_space<vmem>>
      %parallel_loop3A_1329 = tpu.memref_squeeze %parallel_loop3A_1328 : memref<1x64x128xf32, #tpu.memory_space<vmem>> -> memref<64x128xf32, #tpu.memory_space<vmem>>
      tpu.vector_store_idx %parallel_loop3A_1329[%parallel_loop3A_1325, %parallel_loop3A_1265], %parallel_loop3A_1324 : memref<64x128xf32, #tpu.memory_space<vmem>>[vector<16xi32>, vector<16xi32>], vector<16xf32>,
    } {sc.loop_unroll_factor = 2 : i64, sc.parallel_access}
    %dma_start3A_684 = arith.constant 0 : i32
    %dma_start3A_685 = arith.constant 2 : i32
    %dma_start3A_686 = arith.constant 0 : i32
    %dma_start3A_687 = arith.constant 0 : i32
    %dma_start3A_688 = arith.constant 0 : i32
    %dma_start3A_689 = tpu.memref_slice %arg9[%dma_start3A_684, %dma_start3A_687, %dma_start3A_688] : memref<2x64x128xf32, #tpu.memory_space<vmem>> -> memref<1x64x128xf32, #tpu.memory_space<vmem>>
    %dma_start3A_690 = tpu.memref_squeeze %dma_start3A_689 : memref<1x64x128xf32, #tpu.memory_space<vmem>> -> memref<64x128xf32, #tpu.memory_space<vmem>>
    %dma_start3A_691 = arith.constant 0 : i32
    %dma_start3A_692 = tpu.memref_slice %arg5[%dma_start3A_685, %dma_start3A_691, %mul3A_2] : memref<200x64x4096xf32, #tpu.memory_space<hbm>> -> memref<1x64x128xf32, #tpu.memory_space<hbm>>
    %dma_start3A_693 = tpu.memref_squeeze %dma_start3A_692 : memref<1x64x128xf32, #tpu.memory_space<hbm>> -> memref<64x128xf32, #tpu.memory_space<hbm>>
    %dma_start3A_694 = tpu.memref_slice %arg13[%dma_start3A_686] : memref<2x!tpu.dma_semaphore, #tpu.memory_space<semaphore_mem>> -> memref<1x!tpu.dma_semaphore, #tpu.memory_space<semaphore_mem>>
    %dma_start3A_695 = tpu.memref_squeeze %dma_start3A_694 : memref<1x!tpu.dma_semaphore, #tpu.memory_space<semaphore_mem>> -> memref<!tpu.dma_semaphore, #tpu.memory_space<semaphore_mem>>
    %dma_start3A_696 = arith.constant 0 : i32
    %dma_start3A_697 = tpu.memref_slice %arg5[%dma_start3A_685, %dma_start3A_696, %mul3A_2] : memref<200x64x4096xf32, #tpu.memory_space<hbm>> -> memref<1x64x128xf32, #tpu.memory_space<hbm>>
    %dma_start3A_698 = tpu.memref_squeeze %dma_start3A_697 : memref<1x64x128xf32, #tpu.memory_space<hbm>> -> memref<64x128xf32, #tpu.memory_space<hbm>>
    %dma_start3A_699 = arith.constant 0 : i32
    %dma_start3A_700 = arith.constant 0 : i32
    %dma_start3A_701 = tpu.memref_slice %arg9[%dma_start3A_684, %dma_start3A_699, %dma_start3A_700] : memref<2x64x128xf32, #tpu.memory_space<vmem>> -> memref<1x64x128xf32, #tpu.memory_space<vmem>>
    %dma_start3A_702 = tpu.memref_squeeze %dma_start3A_701 : memref<1x64x128xf32, #tpu.memory_space<vmem>> -> memref<64x128xf32, #tpu.memory_space<vmem>>
    tpu.enqueue_dma source(%dma_start3A_702 : memref<64x128xf32, #tpu.memory_space<vmem>>) target(%dma_start3A_698 : memref<64x128xf32, #tpu.memory_space<hbm>>) target_semaphore(%dma_start3A_695 : memref<!tpu.dma_semaphore, #tpu.memory_space<semaphore_mem>>)
    %add3A_703 = arith.constant 160 : i32
    %add3A_704 = arith.addi %add3A_703, %add3A : i32
    %add3A_705 = arith.constant 160 : i32
    %add3A_706 = arith.addi %add3A_705, %add3A : i32
    %dma_wait3A_707 = arith.constant 1 : i32
    %dma_wait3A_708 = arith.constant 1 : i32
    %dma_wait3A_709 = arith.constant 0 : i32
    %dma_wait3A_710 = tpu.memref_slice %arg6[%dma_wait3A_707, %dma_wait3A_709] : memref<4x128xi32, #tpu.memory_space<vmem>> -> memref<1x128xi32, #tpu.memory_space<vmem>>
    %dma_wait3A_711 = tpu.memref_squeeze %dma_wait3A_710 : memref<1x128xi32, #tpu.memory_space<vmem>> -> memref<128xi32, #tpu.memory_space<vmem>>
    %dma_wait3A_712 = arith.constant 0 : i32
    %dma_wait3A_713 = tpu.memref_slice %arg3[%add3A_704, %dma_wait3A_712] : memref<6400x128xi32, #tpu.memory_space<hbm>> -> memref<1x128xi32, #tpu.memory_space<hbm>>
    %dma_wait3A_714 = tpu.memref_squeeze %dma_wait3A_713 : memref<1x128xi32, #tpu.memory_space<hbm>> -> memref<128xi32, #tpu.memory_space<hbm>>
    %dma_wait3A_715 = tpu.memref_slice %arg10[%dma_wait3A_708] : memref<4x!tpu.dma_semaphore, #tpu.memory_space<semaphore_mem>> -> memref<1x!tpu.dma_semaphore, #tpu.memory_space<semaphore_mem>>
    %dma_wait3A_716 = tpu.memref_squeeze %dma_wait3A_715 : memref<1x!tpu.dma_semaphore, #tpu.memory_space<semaphore_mem>> -> memref<!tpu.dma_semaphore, #tpu.memory_space<semaphore_mem>>
    %dma_wait3A_717 = arith.constant 0 : i32
    %dma_wait3A_718 = tpu.memref_slice %arg6[%dma_wait3A_707, %dma_wait3A_717] : memref<4x128xi32, #tpu.memory_space<vmem>> -> memref<1x128xi32, #tpu.memory_space<vmem>>
    %dma_wait3A_719 = tpu.memref_squeeze %dma_wait3A_718 : memref<1x128xi32, #tpu.memory_space<vmem>> -> memref<128xi32, #tpu.memory_space<vmem>>
    %dma_wait3A_720 = arith.constant 0 : i32
    %dma_wait3A_721 = tpu.memref_slice %arg3[%add3A_704, %dma_wait3A_720] : memref<6400x128xi32, #tpu.memory_space<hbm>> -> memref<1x128xi32, #tpu.memory_space<hbm>>
    %dma_wait3A_722 = tpu.memref_squeeze %dma_wait3A_721 : memref<1x128xi32, #tpu.memory_space<hbm>> -> memref<128xi32, #tpu.memory_space<hbm>>
    tpu.wait_dma2 semaphore(%dma_wait3A_716 : memref<!tpu.dma_semaphore, #tpu.memory_space<semaphore_mem>>) src(%dma_wait3A_722 : memref<128xi32, #tpu.memory_space<hbm>>) dst(%dma_wait3A_719 : memref<128xi32, #tpu.memory_space<vmem>>)
    %dma_wait3A_723 = arith.constant 1 : i32
    %dma_wait3A_724 = arith.constant 1 : i32
    %dma_wait3A_725 = arith.constant 0 : i32
    %dma_wait3A_726 = tpu.memref_slice %arg7[%dma_wait3A_723, %dma_wait3A_725] : memref<4x128xi32, #tpu.memory_space<vmem>> -> memref<1x128xi32, #tpu.memory_space<vmem>>
    %dma_wait3A_727 = tpu.memref_squeeze %dma_wait3A_726 : memref<1x128xi32, #tpu.memory_space<vmem>> -> memref<128xi32, #tpu.memory_space<vmem>>
    %dma_wait3A_728 = arith.constant 0 : i32
    %dma_wait3A_729 = tpu.memref_slice %arg4[%add3A_706, %dma_wait3A_728] : memref<6400x128xi32, #tpu.memory_space<hbm>> -> memref<1x128xi32, #tpu.memory_space<hbm>>
    %dma_wait3A_730 = tpu.memref_squeeze %dma_wait3A_729 : memref<1x128xi32, #tpu.memory_space<hbm>> -> memref<128xi32, #tpu.memory_space<hbm>>
    %dma_wait3A_731 = tpu.memref_slice %arg11[%dma_wait3A_724] : memref<4x!tpu.dma_semaphore, #tpu.memory_space<semaphore_mem>> -> memref<1x!tpu.dma_semaphore, #tpu.memory_space<semaphore_mem>>
    %dma_wait3A_732 = tpu.memref_squeeze %dma_wait3A_731 : memref<1x!tpu.dma_semaphore, #tpu.memory_space<semaphore_mem>> -> memref<!tpu.dma_semaphore, #tpu.memory_space<semaphore_mem>>
    %dma_wait3A_733 = arith.constant 0 : i32
    %dma_wait3A_734 = tpu.memref_slice %arg7[%dma_wait3A_723, %dma_wait3A_733] : memref<4x128xi32, #tpu.memory_space<vmem>> -> memref<1x128xi32, #tpu.memory_space<vmem>>
    %dma_wait3A_735 = tpu.memref_squeeze %dma_wait3A_734 : memref<1x128xi32, #tpu.memory_space<vmem>> -> memref<128xi32, #tpu.memory_space<vmem>>
    %dma_wait3A_736 = arith.constant 0 : i32
    %dma_wait3A_737 = tpu.memref_slice %arg4[%add3A_706, %dma_wait3A_736] : memref<6400x128xi32, #tpu.memory_space<hbm>> -> memref<1x128xi32, #tpu.memory_space<hbm>>
    %dma_wait3A_738 = tpu.memref_squeeze %dma_wait3A_737 : memref<1x128xi32, #tpu.memory_space<hbm>> -> memref<128xi32, #tpu.memory_space<hbm>>
    tpu.wait_dma2 semaphore(%dma_wait3A_732 : memref<!tpu.dma_semaphore, #tpu.memory_space<semaphore_mem>>) src(%dma_wait3A_738 : memref<128xi32, #tpu.memory_space<hbm>>) dst(%dma_wait3A_735 : memref<128xi32, #tpu.memory_space<vmem>>)
    %dma_start3A_739 = arith.constant 1 : i32
    %dma_start3A_740 = arith.constant 1 : i32
    %dma_start3A_741 = arith.constant 1 : i32
    %dma_start3A_742 = arith.constant 0 : i32
    %dma_start3A_743 = arith.constant 0 : i32
    %dma_start3A_744 = tpu.memref_slice %arg8[%dma_start3A_740, %dma_start3A_742, %dma_start3A_743] : memref<4x128x128xf32, #tpu.memory_space<vmem>> -> memref<1x128x128xf32, #tpu.memory_space<vmem>>
    %dma_start3A_745 = tpu.memref_squeeze %dma_start3A_744 : memref<1x128x128xf32, #tpu.memory_space<vmem>> -> memref<128x128xf32, #tpu.memory_space<vmem>>
    %dma_start3A_746 = arith.constant 0 : i32
    %dma_start3A_747 = tpu.memref_slice %arg6[%dma_start3A_739, %dma_start3A_746] : memref<4x128xi32, #tpu.memory_space<vmem>> -> memref<1x128xi32, #tpu.memory_space<vmem>>
    %dma_start3A_748 = tpu.memref_squeeze %dma_start3A_747 : memref<1x128xi32, #tpu.memory_space<vmem>> -> memref<128xi32, #tpu.memory_space<vmem>>
    %dma_start3A_749 = arith.constant 0 : i32
    %dma_start3A_750 = arith.constant 0 : i32
    %dma_start3A_751 = tpu.memref_slice %arg2[%dma_start3A_749, %dma_start3A_750] : memref<503808x128xf32, #tpu.memory_space<hbm>> -> memref<503808x128xf32, #tpu.memory_space<hbm>>
    %dma_start3A_752 = tpu.memref_slice %arg12[%dma_start3A_741] : memref<4x!tpu.dma_semaphore, #tpu.memory_space<semaphore_mem>> -> memref<1x!tpu.dma_semaphore, #tpu.memory_space<semaphore_mem>>
    %dma_start3A_753 = tpu.memref_squeeze %dma_start3A_752 : memref<1x!tpu.dma_semaphore, #tpu.memory_space<semaphore_mem>> -> memref<!tpu.dma_semaphore, #tpu.memory_space<semaphore_mem>>
    tpu.enqueue_indirect_dma source(%dma_start3A_751 : memref<503808x128xf32, #tpu.memory_space<hbm>>) target(%dma_start3A_745 : memref<128x128xf32, #tpu.memory_space<vmem>>) offsets(%dma_start3A_748 : memref<128xi32, #tpu.memory_space<vmem>>) semaphore(%dma_start3A_753 : memref<!tpu.dma_semaphore, #tpu.memory_space<semaphore_mem>>)
    %add3A_754 = arith.constant 192 : i32
    %add3A_755 = arith.addi %add3A_754, %add3A : i32
    %add3A_756 = arith.constant 192 : i32
    %add3A_757 = arith.addi %add3A_756, %add3A : i32
    %dma_start3A_758 = arith.constant 2 : i32
    %dma_start3A_759 = arith.constant 2 : i32
    %dma_start3A_760 = arith.constant 0 : i32
    %dma_start3A_761 = tpu.memref_slice %arg6[%dma_start3A_758, %dma_start3A_760] : memref<4x128xi32, #tpu.memory_space<vmem>> -> memref<1x128xi32, #tpu.memory_space<vmem>>
    %dma_start3A_762 = tpu.memref_squeeze %dma_start3A_761 : memref<1x128xi32, #tpu.memory_space<vmem>> -> memref<128xi32, #tpu.memory_space<vmem>>
    %dma_start3A_763 = arith.constant 0 : i32
    %dma_start3A_764 = tpu.memref_slice %arg3[%add3A_755, %dma_start3A_763] : memref<6400x128xi32, #tpu.memory_space<hbm>> -> memref<1x128xi32, #tpu.memory_space<hbm>>
    %dma_start3A_765 = tpu.memref_squeeze %dma_start3A_764 : memref<1x128xi32, #tpu.memory_space<hbm>> -> memref<128xi32, #tpu.memory_space<hbm>>
    %dma_start3A_766 = tpu.memref_slice %arg10[%dma_start3A_759] : memref<4x!tpu.dma_semaphore, #tpu.memory_space<semaphore_mem>> -> memref<1x!tpu.dma_semaphore, #tpu.memory_space<semaphore_mem>>
    %dma_start3A_767 = tpu.memref_squeeze %dma_start3A_766 : memref<1x!tpu.dma_semaphore, #tpu.memory_space<semaphore_mem>> -> memref<!tpu.dma_semaphore, #tpu.memory_space<semaphore_mem>>
    %dma_start3A_768 = arith.constant 0 : i32
    %dma_start3A_769 = tpu.memref_slice %arg6[%dma_start3A_758, %dma_start3A_768] : memref<4x128xi32, #tpu.memory_space<vmem>> -> memref<1x128xi32, #tpu.memory_space<vmem>>
    %dma_start3A_770 = tpu.memref_squeeze %dma_start3A_769 : memref<1x128xi32, #tpu.memory_space<vmem>> -> memref<128xi32, #tpu.memory_space<vmem>>
    %dma_start3A_771 = arith.constant 0 : i32
    %dma_start3A_772 = tpu.memref_slice %arg3[%add3A_755, %dma_start3A_771] : memref<6400x128xi32, #tpu.memory_space<hbm>> -> memref<1x128xi32, #tpu.memory_space<hbm>>
    %dma_start3A_773 = tpu.memref_squeeze %dma_start3A_772 : memref<1x128xi32, #tpu.memory_space<hbm>> -> memref<128xi32, #tpu.memory_space<hbm>>
    tpu.enqueue_dma source(%dma_start3A_773 : memref<128xi32, #tpu.memory_space<hbm>>) target(%dma_start3A_770 : memref<128xi32, #tpu.memory_space<vmem>>) target_semaphore(%dma_start3A_767 : memref<!tpu.dma_semaphore, #tpu.memory_space<semaphore_mem>>)
    %dma_start3A_774 = arith.constant 2 : i32
    %dma_start3A_775 = arith.constant 2 : i32
    %dma_start3A_776 = arith.constant 0 : i32
    %dma_start3A_777 = tpu.memref_slice %arg7[%dma_start3A_774, %dma_start3A_776] : memref<4x128xi32, #tpu.memory_space<vmem>> -> memref<1x128xi32, #tpu.memory_space<vmem>>
    %dma_start3A_778 = tpu.memref_squeeze %dma_start3A_777 : memref<1x128xi32, #tpu.memory_space<vmem>> -> memref<128xi32, #tpu.memory_space<vmem>>
    %dma_start3A_779 = arith.constant 0 : i32
    %dma_start3A_780 = tpu.memref_slice %arg4[%add3A_757, %dma_start3A_779] : memref<6400x128xi32, #tpu.memory_space<hbm>> -> memref<1x128xi32, #tpu.memory_space<hbm>>
    %dma_start3A_781 = tpu.memref_squeeze %dma_start3A_780 : memref<1x128xi32, #tpu.memory_space<hbm>> -> memref<128xi32, #tpu.memory_space<hbm>>
    %dma_start3A_782 = tpu.memref_slice %arg11[%dma_start3A_775] : memref<4x!tpu.dma_semaphore, #tpu.memory_space<semaphore_mem>> -> memref<1x!tpu.dma_semaphore, #tpu.memory_space<semaphore_mem>>
    %dma_start3A_783 = tpu.memref_squeeze %dma_start3A_782 : memref<1x!tpu.dma_semaphore, #tpu.memory_space<semaphore_mem>> -> memref<!tpu.dma_semaphore, #tpu.memory_space<semaphore_mem>>
    %dma_start3A_784 = arith.constant 0 : i32
    %dma_start3A_785 = tpu.memref_slice %arg7[%dma_start3A_774, %dma_start3A_784] : memref<4x128xi32, #tpu.memory_space<vmem>> -> memref<1x128xi32, #tpu.memory_space<vmem>>
    %dma_start3A_786 = tpu.memref_squeeze %dma_start3A_785 : memref<1x128xi32, #tpu.memory_space<vmem>> -> memref<128xi32, #tpu.memory_space<vmem>>
    %dma_start3A_787 = arith.constant 0 : i32
    %dma_start3A_788 = tpu.memref_slice %arg4[%add3A_757, %dma_start3A_787] : memref<6400x128xi32, #tpu.memory_space<hbm>> -> memref<1x128xi32, #tpu.memory_space<hbm>>
    %dma_start3A_789 = tpu.memref_squeeze %dma_start3A_788 : memref<1x128xi32, #tpu.memory_space<hbm>> -> memref<128xi32, #tpu.memory_space<hbm>>
    tpu.enqueue_dma source(%dma_start3A_789 : memref<128xi32, #tpu.memory_space<hbm>>) target(%dma_start3A_786 : memref<128xi32, #tpu.memory_space<vmem>>) target_semaphore(%dma_start3A_783 : memref<!tpu.dma_semaphore, #tpu.memory_space<semaphore_mem>>)
    %dma_wait3A_790 = arith.constant 3 : i32
    %dma_wait3A_791 = arith.constant 3 : i32
    %dma_wait3A_792 = arith.constant 3 : i32
    %dma_wait3A_793 = arith.constant 0 : i32
    %dma_wait3A_794 = arith.constant 0 : i32
    %dma_wait3A_795 = tpu.memref_slice %arg8[%dma_wait3A_791, %dma_wait3A_793, %dma_wait3A_794] : memref<4x128x128xf32, #tpu.memory_space<vmem>> -> memref<1x128x128xf32, #tpu.memory_space<vmem>>
    %dma_wait3A_796 = tpu.memref_squeeze %dma_wait3A_795 : memref<1x128x128xf32, #tpu.memory_space<vmem>> -> memref<128x128xf32, #tpu.memory_space<vmem>>
    %dma_wait3A_797 = arith.constant 0 : i32
    %dma_wait3A_798 = tpu.memref_slice %arg6[%dma_wait3A_790, %dma_wait3A_797] : memref<4x128xi32, #tpu.memory_space<vmem>> -> memref<1x128xi32, #tpu.memory_space<vmem>>
    %dma_wait3A_799 = tpu.memref_squeeze %dma_wait3A_798 : memref<1x128xi32, #tpu.memory_space<vmem>> -> memref<128xi32, #tpu.memory_space<vmem>>
    %dma_wait3A_800 = arith.constant 0 : i32
    %dma_wait3A_801 = arith.constant 0 : i32
    %dma_wait3A_802 = tpu.memref_slice %arg2[%dma_wait3A_800, %dma_wait3A_801] : memref<503808x128xf32, #tpu.memory_space<hbm>> -> memref<503808x128xf32, #tpu.memory_space<hbm>>
    %dma_wait3A_803 = tpu.memref_slice %arg12[%dma_wait3A_792] : memref<4x!tpu.dma_semaphore, #tpu.memory_space<semaphore_mem>> -> memref<1x!tpu.dma_semaphore, #tpu.memory_space<semaphore_mem>>
    %dma_wait3A_804 = tpu.memref_squeeze %dma_wait3A_803 : memref<1x!tpu.dma_semaphore, #tpu.memory_space<semaphore_mem>> -> memref<!tpu.dma_semaphore, #tpu.memory_space<semaphore_mem>>
    tpu.wait_indirect_dma semaphore(%dma_wait3A_804 : memref<!tpu.dma_semaphore, #tpu.memory_space<semaphore_mem>>) src(%dma_wait3A_802 : memref<503808x128xf32, #tpu.memory_space<hbm>>) dst(%dma_wait3A_796 : memref<128x128xf32, #tpu.memory_space<vmem>>)
    %dma_wait3A_805 = arith.constant 1 : i32
    %dma_wait3A_806 = arith.constant 1 : i32
    %dma_wait3A_807 = arith.constant 1 : i32
    %dma_wait3A_808 = arith.constant 0 : i32
    %dma_wait3A_809 = arith.constant 0 : i32
    %dma_wait3A_810 = tpu.memref_slice %arg9[%dma_wait3A_805, %dma_wait3A_808, %dma_wait3A_809] : memref<2x64x128xf32, #tpu.memory_space<vmem>> -> memref<1x64x128xf32, #tpu.memory_space<vmem>>
    %dma_wait3A_811 = tpu.memref_squeeze %dma_wait3A_810 : memref<1x64x128xf32, #tpu.memory_space<vmem>> -> memref<64x128xf32, #tpu.memory_space<vmem>>
    %dma_wait3A_812 = arith.constant 0 : i32
    %dma_wait3A_813 = tpu.memref_slice %arg5[%dma_wait3A_806, %dma_wait3A_812, %mul3A_2] : memref<200x64x4096xf32, #tpu.memory_space<hbm>> -> memref<1x64x128xf32, #tpu.memory_space<hbm>>
    %dma_wait3A_814 = tpu.memref_squeeze %dma_wait3A_813 : memref<1x64x128xf32, #tpu.memory_space<hbm>> -> memref<64x128xf32, #tpu.memory_space<hbm>>
    %dma_wait3A_815 = tpu.memref_slice %arg13[%dma_wait3A_807] : memref<2x!tpu.dma_semaphore, #tpu.memory_space<semaphore_mem>> -> memref<1x!tpu.dma_semaphore, #tpu.memory_space<semaphore_mem>>
    %dma_wait3A_816 = tpu.memref_squeeze %dma_wait3A_815 : memref<1x!tpu.dma_semaphore, #tpu.memory_space<semaphore_mem>> -> memref<!tpu.dma_semaphore, #tpu.memory_space<semaphore_mem>>
    %dma_wait3A_817 = arith.constant 0 : i32
    %dma_wait3A_818 = tpu.memref_slice %arg5[%dma_wait3A_806, %dma_wait3A_817, %mul3A_2] : memref<200x64x4096xf32, #tpu.memory_space<hbm>> -> memref<1x64x128xf32, #tpu.memory_space<hbm>>
    %dma_wait3A_819 = tpu.memref_squeeze %dma_wait3A_818 : memref<1x64x128xf32, #tpu.memory_space<hbm>> -> memref<64x128xf32, #tpu.memory_space<hbm>>
    %dma_wait3A_820 = arith.constant 0 : i32
    %dma_wait3A_821 = arith.constant 0 : i32
    %dma_wait3A_822 = tpu.memref_slice %arg9[%dma_wait3A_805, %dma_wait3A_820, %dma_wait3A_821] : memref<2x64x128xf32, #tpu.memory_space<vmem>> -> memref<1x64x128xf32, #tpu.memory_space<vmem>>
    %dma_wait3A_823 = tpu.memref_squeeze %dma_wait3A_822 : memref<1x64x128xf32, #tpu.memory_space<vmem>> -> memref<64x128xf32, #tpu.memory_space<vmem>>
    tpu.wait_dma2 semaphore(%dma_wait3A_816 : memref<!tpu.dma_semaphore, #tpu.memory_space<semaphore_mem>>) src(%dma_wait3A_823 : memref<64x128xf32, #tpu.memory_space<vmem>>) dst(%dma_wait3A_819 : memref<64x128xf32, #tpu.memory_space<hbm>>)
    %parallel_loop3A_824 = arith.constant 0 : i32
    %parallel_loop3A_825 = arith.constant 128 : i32
    %parallel_loop3A_826 = arith.constant 1 : i32
    %parallel_loop3A_827 = arith.constant 3 : i32
    %parallel_loop3A_828 = arith.constant 1 : i32
    scf.for %parallel_loop3A_1261 = %parallel_loop3A_824 to %parallel_loop3A_825 step %parallel_loop3A_826  : i32 {
      %parallel_loop3A_1262 = arith.constant -16 : i32
      %parallel_loop3A_1263 = arith.andi %parallel_loop3A_1261, %parallel_loop3A_1262 : i32
      %parallel_loop3A_1264 = vector.broadcast %parallel_loop3A_1263 : i32 to vector<16xi32>
      %parallel_loop3A_1265 = arith.addi %iota3A, %parallel_loop3A_1264 : vector<16xi32>
      %parallel_loop3A_1266 = arith.constant 3 : i32
      %parallel_loop3A_1267 = arith.index_cast %parallel_loop3A_1266 : i32 to index
      %parallel_loop3A_1268 = arith.index_cast %parallel_loop3A_1263 : i32 to index
      %parallel_loop3A_1269 = tpu.vector_load %arg7[%parallel_loop3A_1267, %parallel_loop3A_1268] {strides = array<i32>} : memref<4x128xi32, #tpu.memory_space<vmem>>, vector<16xi32>,
      %parallel_loop3A_1270 = arith.constant 15 : i32
      %parallel_loop3A_1271 = arith.andi %parallel_loop3A_1261, %parallel_loop3A_1270 : i32
      %parallel_loop3A_1272 = vector.broadcast %parallel_loop3A_1271 : i32 to vector<16xi32>
      %parallel_loop3A_1273 = arith.addi %iota3A, %parallel_loop3A_1272 : vector<16xi32>
      %parallel_loop3A_1274 = arith.constant 15 : i32
      %parallel_loop3A_1275 = vector.broadcast %parallel_loop3A_1274 : i32 to vector<16xi32>
      %parallel_loop3A_1276 = arith.andi %parallel_loop3A_1273, %parallel_loop3A_1275 : vector<16xi32>
      %parallel_loop3A_1277 = arith.addi %parallel_loop3A_1276, %parallel_loop3A_1269 : vector<16xi32>
      %parallel_loop3A_1278 = arith.constant 0 : i32
      %parallel_loop3A_1279 = vector.broadcast %parallel_loop3A_1278 : i32 to vector<16xi32>
      %parallel_loop3A_1280 = arith.addi %parallel_loop3A_1277, %parallel_loop3A_1279 : vector<16xi32>
      %parallel_loop3A_1281 = arith.constant 0 : i32
      %parallel_loop3A_1282 = arith.constant 0 : i32
      %parallel_loop3A_1283 = tpu.memref_slice %arg8[%parallel_loop3A_827, %parallel_loop3A_1281, %parallel_loop3A_1282] : memref<4x128x128xf32, #tpu.memory_space<vmem>> -> memref<1x128x128xf32, #tpu.memory_space<vmem>>
      %parallel_loop3A_1284 = tpu.memref_squeeze %parallel_loop3A_1283 : memref<1x128x128xf32, #tpu.memory_space<vmem>> -> memref<128x128xf32, #tpu.memory_space<vmem>>
      %parallel_loop3A_1285 = tpu.vector_load_idx %parallel_loop3A_1284[%parallel_loop3A_1265, %parallel_loop3A_1280] : memref<128x128xf32, #tpu.memory_space<vmem>>[vector<16xi32>, vector<16xi32>], vector<16xf32>,
      %parallel_loop3A_1286 = arith.subi %parallel_loop3A_1280, %parallel_loop3A_1269 : vector<16xi32>
      %parallel_loop3A_1287 = arith.constant 0 : i32
      %parallel_loop3A_1288 = arith.constant 0 : i32
      %parallel_loop3A_1289 = tpu.memref_slice %arg9[%parallel_loop3A_828, %parallel_loop3A_1287, %parallel_loop3A_1288] : memref<2x64x128xf32, #tpu.memory_space<vmem>> -> memref<1x64x128xf32, #tpu.memory_space<vmem>>
      %parallel_loop3A_1290 = tpu.memref_squeeze %parallel_loop3A_1289 : memref<1x64x128xf32, #tpu.memory_space<vmem>> -> memref<64x128xf32, #tpu.memory_space<vmem>>
      tpu.vector_store_idx %parallel_loop3A_1290[%parallel_loop3A_1286, %parallel_loop3A_1265], %parallel_loop3A_1285 : memref<64x128xf32, #tpu.memory_space<vmem>>[vector<16xi32>, vector<16xi32>], vector<16xf32>,
      %parallel_loop3A_1291 = arith.constant 16 : i32
      %parallel_loop3A_1292 = vector.broadcast %parallel_loop3A_1291 : i32 to vector<16xi32>
      %parallel_loop3A_1293 = arith.addi %parallel_loop3A_1277, %parallel_loop3A_1292 : vector<16xi32>
      %parallel_loop3A_1294 = arith.constant 0 : i32
      %parallel_loop3A_1295 = arith.constant 0 : i32
      %parallel_loop3A_1296 = tpu.memref_slice %arg8[%parallel_loop3A_827, %parallel_loop3A_1294, %parallel_loop3A_1295] : memref<4x128x128xf32, #tpu.memory_space<vmem>> -> memref<1x128x128xf32, #tpu.memory_space<vmem>>
      %parallel_loop3A_1297 = tpu.memref_squeeze %parallel_loop3A_1296 : memref<1x128x128xf32, #tpu.memory_space<vmem>> -> memref<128x128xf32, #tpu.memory_space<vmem>>
      %parallel_loop3A_1298 = tpu.vector_load_idx %parallel_loop3A_1297[%parallel_loop3A_1265, %parallel_loop3A_1293] : memref<128x128xf32, #tpu.memory_space<vmem>>[vector<16xi32>, vector<16xi32>], vector<16xf32>,
      %parallel_loop3A_1299 = arith.subi %parallel_loop3A_1293, %parallel_loop3A_1269 : vector<16xi32>
      %parallel_loop3A_1300 = arith.constant 0 : i32
      %parallel_loop3A_1301 = arith.constant 0 : i32
      %parallel_loop3A_1302 = tpu.memref_slice %arg9[%parallel_loop3A_828, %parallel_loop3A_1300, %parallel_loop3A_1301] : memref<2x64x128xf32, #tpu.memory_space<vmem>> -> memref<1x64x128xf32, #tpu.memory_space<vmem>>
      %parallel_loop3A_1303 = tpu.memref_squeeze %parallel_loop3A_1302 : memref<1x64x128xf32, #tpu.memory_space<vmem>> -> memref<64x128xf32, #tpu.memory_space<vmem>>
      tpu.vector_store_idx %parallel_loop3A_1303[%parallel_loop3A_1299, %parallel_loop3A_1265], %parallel_loop3A_1298 : memref<64x128xf32, #tpu.memory_space<vmem>>[vector<16xi32>, vector<16xi32>], vector<16xf32>,
      %parallel_loop3A_1304 = arith.constant 32 : i32
      %parallel_loop3A_1305 = vector.broadcast %parallel_loop3A_1304 : i32 to vector<16xi32>
      %parallel_loop3A_1306 = arith.addi %parallel_loop3A_1277, %parallel_loop3A_1305 : vector<16xi32>
      %parallel_loop3A_1307 = arith.constant 0 : i32
      %parallel_loop3A_1308 = arith.constant 0 : i32
      %parallel_loop3A_1309 = tpu.memref_slice %arg8[%parallel_loop3A_827, %parallel_loop3A_1307, %parallel_loop3A_1308] : memref<4x128x128xf32, #tpu.memory_space<vmem>> -> memref<1x128x128xf32, #tpu.memory_space<vmem>>
      %parallel_loop3A_1310 = tpu.memref_squeeze %parallel_loop3A_1309 : memref<1x128x128xf32, #tpu.memory_space<vmem>> -> memref<128x128xf32, #tpu.memory_space<vmem>>
      %parallel_loop3A_1311 = tpu.vector_load_idx %parallel_loop3A_1310[%parallel_loop3A_1265, %parallel_loop3A_1306] : memref<128x128xf32, #tpu.memory_space<vmem>>[vector<16xi32>, vector<16xi32>], vector<16xf32>,
      %parallel_loop3A_1312 = arith.subi %parallel_loop3A_1306, %parallel_loop3A_1269 : vector<16xi32>
      %parallel_loop3A_1313 = arith.constant 0 : i32
      %parallel_loop3A_1314 = arith.constant 0 : i32
      %parallel_loop3A_1315 = tpu.memref_slice %arg9[%parallel_loop3A_828, %parallel_loop3A_1313, %parallel_loop3A_1314] : memref<2x64x128xf32, #tpu.memory_space<vmem>> -> memref<1x64x128xf32, #tpu.memory_space<vmem>>
      %parallel_loop3A_1316 = tpu.memref_squeeze %parallel_loop3A_1315 : memref<1x64x128xf32, #tpu.memory_space<vmem>> -> memref<64x128xf32, #tpu.memory_space<vmem>>
      tpu.vector_store_idx %parallel_loop3A_1316[%parallel_loop3A_1312, %parallel_loop3A_1265], %parallel_loop3A_1311 : memref<64x128xf32, #tpu.memory_space<vmem>>[vector<16xi32>, vector<16xi32>], vector<16xf32>,
      %parallel_loop3A_1317 = arith.constant 48 : i32
      %parallel_loop3A_1318 = vector.broadcast %parallel_loop3A_1317 : i32 to vector<16xi32>
      %parallel_loop3A_1319 = arith.addi %parallel_loop3A_1277, %parallel_loop3A_1318 : vector<16xi32>
      %parallel_loop3A_1320 = arith.constant 0 : i32
      %parallel_loop3A_1321 = arith.constant 0 : i32
      %parallel_loop3A_1322 = tpu.memref_slice %arg8[%parallel_loop3A_827, %parallel_loop3A_1320, %parallel_loop3A_1321] : memref<4x128x128xf32, #tpu.memory_space<vmem>> -> memref<1x128x128xf32, #tpu.memory_space<vmem>>
      %parallel_loop3A_1323 = tpu.memref_squeeze %parallel_loop3A_1322 : memref<1x128x128xf32, #tpu.memory_space<vmem>> -> memref<128x128xf32, #tpu.memory_space<vmem>>
      %parallel_loop3A_1324 = tpu.vector_load_idx %parallel_loop3A_1323[%parallel_loop3A_1265, %parallel_loop3A_1319] : memref<128x128xf32, #tpu.memory_space<vmem>>[vector<16xi32>, vector<16xi32>], vector<16xf32>,
      %parallel_loop3A_1325 = arith.subi %parallel_loop3A_1319, %parallel_loop3A_1269 : vector<16xi32>
      %parallel_loop3A_1326 = arith.constant 0 : i32
      %parallel_loop3A_1327 = arith.constant 0 : i32
      %parallel_loop3A_1328 = tpu.memref_slice %arg9[%parallel_loop3A_828, %parallel_loop3A_1326, %parallel_loop3A_1327] : memref<2x64x128xf32, #tpu.memory_space<vmem>> -> memref<1x64x128xf32, #tpu.memory_space<vmem>>
      %parallel_loop3A_1329 = tpu.memref_squeeze %parallel_loop3A_1328 : memref<1x64x128xf32, #tpu.memory_space<vmem>> -> memref<64x128xf32, #tpu.memory_space<vmem>>
      tpu.vector_store_idx %parallel_loop3A_1329[%parallel_loop3A_1325, %parallel_loop3A_1265], %parallel_loop3A_1324 : memref<64x128xf32, #tpu.memory_space<vmem>>[vector<16xi32>, vector<16xi32>], vector<16xf32>,
    } {sc.loop_unroll_factor = 2 : i64, sc.parallel_access}
    %dma_start3A_829 = arith.constant 1 : i32
    %dma_start3A_830 = arith.constant 3 : i32
    %dma_start3A_831 = arith.constant 1 : i32
    %dma_start3A_832 = arith.constant 0 : i32
    %dma_start3A_833 = arith.constant 0 : i32
    %dma_start3A_834 = tpu.memref_slice %arg9[%dma_start3A_829, %dma_start3A_832, %dma_start3A_833] : memref<2x64x128xf32, #tpu.memory_space<vmem>> -> memref<1x64x128xf32, #tpu.memory_space<vmem>>
    %dma_start3A_835 = tpu.memref_squeeze %dma_start3A_834 : memref<1x64x128xf32, #tpu.memory_space<vmem>> -> memref<64x128xf32, #tpu.memory_space<vmem>>
    %dma_start3A_836 = arith.constant 0 : i32
    %dma_start3A_837 = tpu.memref_slice %arg5[%dma_start3A_830, %dma_start3A_836, %mul3A_2] : memref<200x64x4096xf32, #tpu.memory_space<hbm>> -> memref<1x64x128xf32, #tpu.memory_space<hbm>>
    %dma_start3A_838 = tpu.memref_squeeze %dma_start3A_837 : memref<1x64x128xf32, #tpu.memory_space<hbm>> -> memref<64x128xf32, #tpu.memory_space<hbm>>
    %dma_start3A_839 = tpu.memref_slice %arg13[%dma_start3A_831] : memref<2x!tpu.dma_semaphore, #tpu.memory_space<semaphore_mem>> -> memref<1x!tpu.dma_semaphore, #tpu.memory_space<semaphore_mem>>
    %dma_start3A_840 = tpu.memref_squeeze %dma_start3A_839 : memref<1x!tpu.dma_semaphore, #tpu.memory_space<semaphore_mem>> -> memref<!tpu.dma_semaphore, #tpu.memory_space<semaphore_mem>>
    %dma_start3A_841 = arith.constant 0 : i32
    %dma_start3A_842 = tpu.memref_slice %arg5[%dma_start3A_830, %dma_start3A_841, %mul3A_2] : memref<200x64x4096xf32, #tpu.memory_space<hbm>> -> memref<1x64x128xf32, #tpu.memory_space<hbm>>
    %dma_start3A_843 = tpu.memref_squeeze %dma_start3A_842 : memref<1x64x128xf32, #tpu.memory_space<hbm>> -> memref<64x128xf32, #tpu.memory_space<hbm>>
    %dma_start3A_844 = arith.constant 0 : i32
    %dma_start3A_845 = arith.constant 0 : i32
    %dma_start3A_846 = tpu.memref_slice %arg9[%dma_start3A_829, %dma_start3A_844, %dma_start3A_845] : memref<2x64x128xf32, #tpu.memory_space<vmem>> -> memref<1x64x128xf32, #tpu.memory_space<vmem>>
    %dma_start3A_847 = tpu.memref_squeeze %dma_start3A_846 : memref<1x64x128xf32, #tpu.memory_space<vmem>> -> memref<64x128xf32, #tpu.memory_space<vmem>>
    tpu.enqueue_dma source(%dma_start3A_847 : memref<64x128xf32, #tpu.memory_space<vmem>>) target(%dma_start3A_843 : memref<64x128xf32, #tpu.memory_space<hbm>>) target_semaphore(%dma_start3A_840 : memref<!tpu.dma_semaphore, #tpu.memory_space<semaphore_mem>>)
    %scan3A = arith.constant 0 : i32
    %scan3A_848 = arith.constant 1 : i32
    %scan3A_849 = arith.constant 48 : i32
    %scan3A_850 = arith.addi %scan3A_848, %scan3A_849 : i32
    %scan3A_851 = arith.constant 1 : i32
    scf.for %scan3A_1261 = %scan3A_848 to %scan3A_850 step %scan3A_851  : i32 {
      %mul3A_1262 = arith.constant 4 : i32
      %mul3A_1263 = arith.muli %scan3A_1261, %mul3A_1262 : i32
      %add3A_1264 = arith.constant 0 : i32
      %add3A_1265 = arith.addi %mul3A_1263, %add3A_1264 : i32
      %add3A_1266 = arith.constant 2 : i32
      %add3A_1267 = arith.addi %add3A_1265, %add3A_1266 : i32
      %mul3A_1268 = arith.constant 32 : i32
      %mul3A_1269 = arith.muli %add3A_1267, %mul3A_1268 : i32
      %add3A_1270 = arith.addi %mul3A_1269, %add3A : i32
      %mul3A_1271 = arith.constant 32 : i32
      %mul3A_1272 = arith.muli %add3A_1267, %mul3A_1271 : i32
      %add3A_1273 = arith.addi %mul3A_1272, %add3A : i32
      %dma_wait3A_1274 = arith.constant 2 : i32
      %dma_wait3A_1275 = arith.constant 2 : i32
      %dma_wait3A_1276 = arith.constant 0 : i32
      %dma_wait3A_1277 = tpu.memref_slice %arg6[%dma_wait3A_1274, %dma_wait3A_1276] : memref<4x128xi32, #tpu.memory_space<vmem>> -> memref<1x128xi32, #tpu.memory_space<vmem>>
      %dma_wait3A_1278 = tpu.memref_squeeze %dma_wait3A_1277 : memref<1x128xi32, #tpu.memory_space<vmem>> -> memref<128xi32, #tpu.memory_space<vmem>>
      %dma_wait3A_1279 = arith.constant 0 : i32
      %dma_wait3A_1280 = tpu.memref_slice %arg3[%add3A_1270, %dma_wait3A_1279] : memref<6400x128xi32, #tpu.memory_space<hbm>> -> memref<1x128xi32, #tpu.memory_space<hbm>>
      %dma_wait3A_1281 = tpu.memref_squeeze %dma_wait3A_1280 : memref<1x128xi32, #tpu.memory_space<hbm>> -> memref<128xi32, #tpu.memory_space<hbm>>
      %dma_wait3A_1282 = tpu.memref_slice %arg10[%dma_wait3A_1275] : memref<4x!tpu.dma_semaphore, #tpu.memory_space<semaphore_mem>> -> memref<1x!tpu.dma_semaphore, #tpu.memory_space<semaphore_mem>>
      %dma_wait3A_1283 = tpu.memref_squeeze %dma_wait3A_1282 : memref<1x!tpu.dma_semaphore, #tpu.memory_space<semaphore_mem>> -> memref<!tpu.dma_semaphore, #tpu.memory_space<semaphore_mem>>
      %dma_wait3A_1284 = arith.constant 0 : i32
      %dma_wait3A_1285 = tpu.memref_slice %arg6[%dma_wait3A_1274, %dma_wait3A_1284] : memref<4x128xi32, #tpu.memory_space<vmem>> -> memref<1x128xi32, #tpu.memory_space<vmem>>
      %dma_wait3A_1286 = tpu.memref_squeeze %dma_wait3A_1285 : memref<1x128xi32, #tpu.memory_space<vmem>> -> memref<128xi32, #tpu.memory_space<vmem>>
      %dma_wait3A_1287 = arith.constant 0 : i32
      %dma_wait3A_1288 = tpu.memref_slice %arg3[%add3A_1270, %dma_wait3A_1287] : memref<6400x128xi32, #tpu.memory_space<hbm>> -> memref<1x128xi32, #tpu.memory_space<hbm>>
      %dma_wait3A_1289 = tpu.memref_squeeze %dma_wait3A_1288 : memref<1x128xi32, #tpu.memory_space<hbm>> -> memref<128xi32, #tpu.memory_space<hbm>>
      tpu.wait_dma2 semaphore(%dma_wait3A_1283 : memref<!tpu.dma_semaphore, #tpu.memory_space<semaphore_mem>>) src(%dma_wait3A_1289 : memref<128xi32, #tpu.memory_space<hbm>>) dst(%dma_wait3A_1286 : memref<128xi32, #tpu.memory_space<vmem>>)
      %dma_wait3A_1290 = arith.constant 2 : i32
      %dma_wait3A_1291 = arith.constant 2 : i32
      %dma_wait3A_1292 = arith.constant 0 : i32
      %dma_wait3A_1293 = tpu.memref_slice %arg7[%dma_wait3A_1290, %dma_wait3A_1292] : memref<4x128xi32, #tpu.memory_space<vmem>> -> memref<1x128xi32, #tpu.memory_space<vmem>>
      %dma_wait3A_1294 = tpu.memref_squeeze %dma_wait3A_1293 : memref<1x128xi32, #tpu.memory_space<vmem>> -> memref<128xi32, #tpu.memory_space<vmem>>
      %dma_wait3A_1295 = arith.constant 0 : i32
      %dma_wait3A_1296 = tpu.memref_slice %arg4[%add3A_1273, %dma_wait3A_1295] : memref<6400x128xi32, #tpu.memory_space<hbm>> -> memref<1x128xi32, #tpu.memory_space<hbm>>
      %dma_wait3A_1297 = tpu.memref_squeeze %dma_wait3A_1296 : memref<1x128xi32, #tpu.memory_space<hbm>> -> memref<128xi32, #tpu.memory_space<hbm>>
      %dma_wait3A_1298 = tpu.memref_slice %arg11[%dma_wait3A_1291] : memref<4x!tpu.dma_semaphore, #tpu.memory_space<semaphore_mem>> -> memref<1x!tpu.dma_semaphore, #tpu.memory_space<semaphore_mem>>
      %dma_wait3A_1299 = tpu.memref_squeeze %dma_wait3A_1298 : memref<1x!tpu.dma_semaphore, #tpu.memory_space<semaphore_mem>> -> memref<!tpu.dma_semaphore, #tpu.memory_space<semaphore_mem>>
      %dma_wait3A_1300 = arith.constant 0 : i32
      %dma_wait3A_1301 = tpu.memref_slice %arg7[%dma_wait3A_1290, %dma_wait3A_1300] : memref<4x128xi32, #tpu.memory_space<vmem>> -> memref<1x128xi32, #tpu.memory_space<vmem>>
      %dma_wait3A_1302 = tpu.memref_squeeze %dma_wait3A_1301 : memref<1x128xi32, #tpu.memory_space<vmem>> -> memref<128xi32, #tpu.memory_space<vmem>>
      %dma_wait3A_1303 = arith.constant 0 : i32
      %dma_wait3A_1304 = tpu.memref_slice %arg4[%add3A_1273, %dma_wait3A_1303] : memref<6400x128xi32, #tpu.memory_space<hbm>> -> memref<1x128xi32, #tpu.memory_space<hbm>>
      %dma_wait3A_1305 = tpu.memref_squeeze %dma_wait3A_1304 : memref<1x128xi32, #tpu.memory_space<hbm>> -> memref<128xi32, #tpu.memory_space<hbm>>
      tpu.wait_dma2 semaphore(%dma_wait3A_1299 : memref<!tpu.dma_semaphore, #tpu.memory_space<semaphore_mem>>) src(%dma_wait3A_1305 : memref<128xi32, #tpu.memory_space<hbm>>) dst(%dma_wait3A_1302 : memref<128xi32, #tpu.memory_space<vmem>>)
      %add3A_1306 = arith.constant 2 : i32
      %add3A_1307 = arith.addi %add3A_1265, %add3A_1306 : i32
      %dma_start3A_1308 = arith.constant 2 : i32
      %dma_start3A_1309 = arith.constant 2 : i32
      %dma_start3A_1310 = arith.constant 2 : i32
      %dma_start3A_1311 = arith.constant 0 : i32
      %dma_start3A_1312 = arith.constant 0 : i32
      %dma_start3A_1313 = tpu.memref_slice %arg8[%dma_start3A_1309, %dma_start3A_1311, %dma_start3A_1312] : memref<4x128x128xf32, #tpu.memory_space<vmem>> -> memref<1x128x128xf32, #tpu.memory_space<vmem>>
      %dma_start3A_1314 = tpu.memref_squeeze %dma_start3A_1313 : memref<1x128x128xf32, #tpu.memory_space<vmem>> -> memref<128x128xf32, #tpu.memory_space<vmem>>
      %dma_start3A_1315 = arith.constant 0 : i32
      %dma_start3A_1316 = tpu.memref_slice %arg6[%dma_start3A_1308, %dma_start3A_1315] : memref<4x128xi32, #tpu.memory_space<vmem>> -> memref<1x128xi32, #tpu.memory_space<vmem>>
      %dma_start3A_1317 = tpu.memref_squeeze %dma_start3A_1316 : memref<1x128xi32, #tpu.memory_space<vmem>> -> memref<128xi32, #tpu.memory_space<vmem>>
      %dma_start3A_1318 = arith.constant 0 : i32
      %dma_start3A_1319 = arith.constant 0 : i32
      %dma_start3A_1320 = tpu.memref_slice %arg2[%dma_start3A_1318, %dma_start3A_1319] : memref<503808x128xf32, #tpu.memory_space<hbm>> -> memref<503808x128xf32, #tpu.memory_space<hbm>>
      %dma_start3A_1321 = tpu.memref_slice %arg12[%dma_start3A_1310] : memref<4x!tpu.dma_semaphore, #tpu.memory_space<semaphore_mem>> -> memref<1x!tpu.dma_semaphore, #tpu.memory_space<semaphore_mem>>
      %dma_start3A_1322 = tpu.memref_squeeze %dma_start3A_1321 : memref<1x!tpu.dma_semaphore, #tpu.memory_space<semaphore_mem>> -> memref<!tpu.dma_semaphore, #tpu.memory_space<semaphore_mem>>
      tpu.enqueue_indirect_dma source(%dma_start3A_1320 : memref<503808x128xf32, #tpu.memory_space<hbm>>) target(%dma_start3A_1314 : memref<128x128xf32, #tpu.memory_space<vmem>>) offsets(%dma_start3A_1317 : memref<128xi32, #tpu.memory_space<vmem>>) semaphore(%dma_start3A_1322 : memref<!tpu.dma_semaphore, #tpu.memory_space<semaphore_mem>>)
      %add3A_1323 = arith.constant 2 : i32
      %add3A_1324 = arith.addi %add3A_1265, %add3A_1323 : i32
      %add3A_1325 = arith.constant 1 : i32
      %add3A_1326 = arith.addi %add3A_1324, %add3A_1325 : i32
      %mul3A_1327 = arith.constant 32 : i32
      %mul3A_1328 = arith.muli %add3A_1326, %mul3A_1327 : i32
      %add3A_1329 = arith.addi %mul3A_1328, %add3A : i32
      %mul3A_1330 = arith.constant 32 : i32
      %mul3A_1331 = arith.muli %add3A_1326, %mul3A_1330 : i32
      %add3A_1332 = arith.addi %mul3A_1331, %add3A : i32
      %dma_start3A_1333 = arith.constant 3 : i32
      %dma_start3A_1334 = arith.constant 3 : i32
      %dma_start3A_1335 = arith.constant 0 : i32
      %dma_start3A_1336 = tpu.memref_slice %arg6[%dma_start3A_1333, %dma_start3A_1335] : memref<4x128xi32, #tpu.memory_space<vmem>> -> memref<1x128xi32, #tpu.memory_space<vmem>>
      %dma_start3A_1337 = tpu.memref_squeeze %dma_start3A_1336 : memref<1x128xi32, #tpu.memory_space<vmem>> -> memref<128xi32, #tpu.memory_space<vmem>>
      %dma_start3A_1338 = arith.constant 0 : i32
      %dma_start3A_1339 = tpu.memref_slice %arg3[%add3A_1329, %dma_start3A_1338] : memref<6400x128xi32, #tpu.memory_space<hbm>> -> memref<1x128xi32, #tpu.memory_space<hbm>>
      %dma_start3A_1340 = tpu.memref_squeeze %dma_start3A_1339 : memref<1x128xi32, #tpu.memory_space<hbm>> -> memref<128xi32, #tpu.memory_space<hbm>>
      %dma_start3A_1341 = tpu.memref_slice %arg10[%dma_start3A_1334] : memref<4x!tpu.dma_semaphore, #tpu.memory_space<semaphore_mem>> -> memref<1x!tpu.dma_semaphore, #tpu.memory_space<semaphore_mem>>
      %dma_start3A_1342 = tpu.memref_squeeze %dma_start3A_1341 : memref<1x!tpu.dma_semaphore, #tpu.memory_space<semaphore_mem>> -> memref<!tpu.dma_semaphore, #tpu.memory_space<semaphore_mem>>
      %dma_start3A_1343 = arith.constant 0 : i32
      %dma_start3A_1344 = tpu.memref_slice %arg6[%dma_start3A_1333, %dma_start3A_1343] : memref<4x128xi32, #tpu.memory_space<vmem>> -> memref<1x128xi32, #tpu.memory_space<vmem>>
      %dma_start3A_1345 = tpu.memref_squeeze %dma_start3A_1344 : memref<1x128xi32, #tpu.memory_space<vmem>> -> memref<128xi32, #tpu.memory_space<vmem>>
      %dma_start3A_1346 = arith.constant 0 : i32
      %dma_start3A_1347 = tpu.memref_slice %arg3[%add3A_1329, %dma_start3A_1346] : memref<6400x128xi32, #tpu.memory_space<hbm>> -> memref<1x128xi32, #tpu.memory_space<hbm>>
      %dma_start3A_1348 = tpu.memref_squeeze %dma_start3A_1347 : memref<1x128xi32, #tpu.memory_space<hbm>> -> memref<128xi32, #tpu.memory_space<hbm>>
      tpu.enqueue_dma source(%dma_start3A_1348 : memref<128xi32, #tpu.memory_space<hbm>>) target(%dma_start3A_1345 : memref<128xi32, #tpu.memory_space<vmem>>) target_semaphore(%dma_start3A_1342 : memref<!tpu.dma_semaphore, #tpu.memory_space<semaphore_mem>>)
      %dma_start3A_1349 = arith.constant 3 : i32
      %dma_start3A_1350 = arith.constant 3 : i32
      %dma_start3A_1351 = arith.constant 0 : i32
      %dma_start3A_1352 = tpu.memref_slice %arg7[%dma_start3A_1349, %dma_start3A_1351] : memref<4x128xi32, #tpu.memory_space<vmem>> -> memref<1x128xi32, #tpu.memory_space<vmem>>
      %dma_start3A_1353 = tpu.memref_squeeze %dma_start3A_1352 : memref<1x128xi32, #tpu.memory_space<vmem>> -> memref<128xi32, #tpu.memory_space<vmem>>
      %dma_start3A_1354 = arith.constant 0 : i32
      %dma_start3A_1355 = tpu.memref_slice %arg4[%add3A_1332, %dma_start3A_1354] : memref<6400x128xi32, #tpu.memory_space<hbm>> -> memref<1x128xi32, #tpu.memory_space<hbm>>
      %dma_start3A_1356 = tpu.memref_squeeze %dma_start3A_1355 : memref<1x128xi32, #tpu.memory_space<hbm>> -> memref<128xi32, #tpu.memory_space<hbm>>
      %dma_start3A_1357 = tpu.memref_slice %arg11[%dma_start3A_1350] : memref<4x!tpu.dma_semaphore, #tpu.memory_space<semaphore_mem>> -> memref<1x!tpu.dma_semaphore, #tpu.memory_space<semaphore_mem>>
      %dma_start3A_1358 = tpu.memref_squeeze %dma_start3A_1357 : memref<1x!tpu.dma_semaphore, #tpu.memory_space<semaphore_mem>> -> memref<!tpu.dma_semaphore, #tpu.memory_space<semaphore_mem>>
      %dma_start3A_1359 = arith.constant 0 : i32
      %dma_start3A_1360 = tpu.memref_slice %arg7[%dma_start3A_1349, %dma_start3A_1359] : memref<4x128xi32, #tpu.memory_space<vmem>> -> memref<1x128xi32, #tpu.memory_space<vmem>>
      %dma_start3A_1361 = tpu.memref_squeeze %dma_start3A_1360 : memref<1x128xi32, #tpu.memory_space<vmem>> -> memref<128xi32, #tpu.memory_space<vmem>>
      %dma_start3A_1362 = arith.constant 0 : i32
      %dma_start3A_1363 = tpu.memref_slice %arg4[%add3A_1332, %dma_start3A_1362] : memref<6400x128xi32, #tpu.memory_space<hbm>> -> memref<1x128xi32, #tpu.memory_space<hbm>>
      %dma_start3A_1364 = tpu.memref_squeeze %dma_start3A_1363 : memref<1x128xi32, #tpu.memory_space<hbm>> -> memref<128xi32, #tpu.memory_space<hbm>>
      tpu.enqueue_dma source(%dma_start3A_1364 : memref<128xi32, #tpu.memory_space<hbm>>) target(%dma_start3A_1361 : memref<128xi32, #tpu.memory_space<vmem>>) target_semaphore(%dma_start3A_1358 : memref<!tpu.dma_semaphore, #tpu.memory_space<semaphore_mem>>)
      %dma_wait3A_1365 = arith.constant 0 : i32
      %dma_wait3A_1366 = arith.constant 0 : i32
      %dma_wait3A_1367 = arith.constant 0 : i32
      %dma_wait3A_1368 = arith.constant 0 : i32
      %dma_wait3A_1369 = arith.constant 0 : i32
      %dma_wait3A_1370 = tpu.memref_slice %arg8[%dma_wait3A_1366, %dma_wait3A_1368, %dma_wait3A_1369] : memref<4x128x128xf32, #tpu.memory_space<vmem>> -> memref<1x128x128xf32, #tpu.memory_space<vmem>>
      %dma_wait3A_1371 = tpu.memref_squeeze %dma_wait3A_1370 : memref<1x128x128xf32, #tpu.memory_space<vmem>> -> memref<128x128xf32, #tpu.memory_space<vmem>>
      %dma_wait3A_1372 = arith.constant 0 : i32
      %dma_wait3A_1373 = tpu.memref_slice %arg6[%dma_wait3A_1365, %dma_wait3A_1372] : memref<4x128xi32, #tpu.memory_space<vmem>> -> memref<1x128xi32, #tpu.memory_space<vmem>>
      %dma_wait3A_1374 = tpu.memref_squeeze %dma_wait3A_1373 : memref<1x128xi32, #tpu.memory_space<vmem>> -> memref<128xi32, #tpu.memory_space<vmem>>
      %dma_wait3A_1375 = arith.constant 0 : i32
      %dma_wait3A_1376 = arith.constant 0 : i32
      %dma_wait3A_1377 = tpu.memref_slice %arg2[%dma_wait3A_1375, %dma_wait3A_1376] : memref<503808x128xf32, #tpu.memory_space<hbm>> -> memref<503808x128xf32, #tpu.memory_space<hbm>>
      %dma_wait3A_1378 = tpu.memref_slice %arg12[%dma_wait3A_1367] : memref<4x!tpu.dma_semaphore, #tpu.memory_space<semaphore_mem>> -> memref<1x!tpu.dma_semaphore, #tpu.memory_space<semaphore_mem>>
      %dma_wait3A_1379 = tpu.memref_squeeze %dma_wait3A_1378 : memref<1x!tpu.dma_semaphore, #tpu.memory_space<semaphore_mem>> -> memref<!tpu.dma_semaphore, #tpu.memory_space<semaphore_mem>>
      tpu.wait_indirect_dma semaphore(%dma_wait3A_1379 : memref<!tpu.dma_semaphore, #tpu.memory_space<semaphore_mem>>) src(%dma_wait3A_1377 : memref<503808x128xf32, #tpu.memory_space<hbm>>) dst(%dma_wait3A_1371 : memref<128x128xf32, #tpu.memory_space<vmem>>)
      %sub3A = arith.constant 2 : i32
      %sub3A_1380 = arith.subi %add3A_1265, %sub3A : i32
      %dma_wait3A_1381 = arith.constant 0 : i32
      %dma_wait3A_1382 = arith.constant 0 : i32
      %dma_wait3A_1383 = arith.constant 0 : i32
      %dma_wait3A_1384 = arith.constant 0 : i32
      %dma_wait3A_1385 = tpu.memref_slice %arg9[%dma_wait3A_1381, %dma_wait3A_1383, %dma_wait3A_1384] : memref<2x64x128xf32, #tpu.memory_space<vmem>> -> memref<1x64x128xf32, #tpu.memory_space<vmem>>
      %dma_wait3A_1386 = tpu.memref_squeeze %dma_wait3A_1385 : memref<1x64x128xf32, #tpu.memory_space<vmem>> -> memref<64x128xf32, #tpu.memory_space<vmem>>
      %dma_wait3A_1387 = arith.constant 0 : i32
      %dma_wait3A_1388 = tpu.memref_slice %arg5[%sub3A_1380, %dma_wait3A_1387, %mul3A_2] : memref<200x64x4096xf32, #tpu.memory_space<hbm>> -> memref<1x64x128xf32, #tpu.memory_space<hbm>>
      %dma_wait3A_1389 = tpu.memref_squeeze %dma_wait3A_1388 : memref<1x64x128xf32, #tpu.memory_space<hbm>> -> memref<64x128xf32, #tpu.memory_space<hbm>>
      %dma_wait3A_1390 = tpu.memref_slice %arg13[%dma_wait3A_1382] : memref<2x!tpu.dma_semaphore, #tpu.memory_space<semaphore_mem>> -> memref<1x!tpu.dma_semaphore, #tpu.memory_space<semaphore_mem>>
      %dma_wait3A_1391 = tpu.memref_squeeze %dma_wait3A_1390 : memref<1x!tpu.dma_semaphore, #tpu.memory_space<semaphore_mem>> -> memref<!tpu.dma_semaphore, #tpu.memory_space<semaphore_mem>>
      %dma_wait3A_1392 = arith.constant 0 : i32
      %dma_wait3A_1393 = tpu.memref_slice %arg5[%sub3A_1380, %dma_wait3A_1392, %mul3A_2] : memref<200x64x4096xf32, #tpu.memory_space<hbm>> -> memref<1x64x128xf32, #tpu.memory_space<hbm>>
      %dma_wait3A_1394 = tpu.memref_squeeze %dma_wait3A_1393 : memref<1x64x128xf32, #tpu.memory_space<hbm>> -> memref<64x128xf32, #tpu.memory_space<hbm>>
      %dma_wait3A_1395 = arith.constant 0 : i32
      %dma_wait3A_1396 = arith.constant 0 : i32
      %dma_wait3A_1397 = tpu.memref_slice %arg9[%dma_wait3A_1381, %dma_wait3A_1395, %dma_wait3A_1396] : memref<2x64x128xf32, #tpu.memory_space<vmem>> -> memref<1x64x128xf32, #tpu.memory_space<vmem>>
      %dma_wait3A_1398 = tpu.memref_squeeze %dma_wait3A_1397 : memref<1x64x128xf32, #tpu.memory_space<vmem>> -> memref<64x128xf32, #tpu.memory_space<vmem>>
      tpu.wait_dma2 semaphore(%dma_wait3A_1391 : memref<!tpu.dma_semaphore, #tpu.memory_space<semaphore_mem>>) src(%dma_wait3A_1398 : memref<64x128xf32, #tpu.memory_space<vmem>>) dst(%dma_wait3A_1394 : memref<64x128xf32, #tpu.memory_space<hbm>>)
      %parallel_loop3A_1399 = arith.constant 0 : i32
      %parallel_loop3A_1400 = arith.constant 128 : i32
      %parallel_loop3A_1401 = arith.constant 1 : i32
      %parallel_loop3A_1402 = arith.constant 0 : i32
      %parallel_loop3A_1403 = arith.constant 0 : i32
      scf.for %parallel_loop3A_1899 = %parallel_loop3A_1399 to %parallel_loop3A_1400 step %parallel_loop3A_1401  : i32 {
        %parallel_loop3A_1900 = arith.constant -16 : i32
        %parallel_loop3A_1901 = arith.andi %parallel_loop3A_1899, %parallel_loop3A_1900 : i32
        %parallel_loop3A_1902 = vector.broadcast %parallel_loop3A_1901 : i32 to vector<16xi32>
        %parallel_loop3A_1903 = arith.addi %iota3A, %parallel_loop3A_1902 : vector<16xi32>
        %parallel_loop3A_1904 = arith.constant 0 : i32
        %parallel_loop3A_1905 = arith.index_cast %parallel_loop3A_1904 : i32 to index
        %parallel_loop3A_1906 = arith.index_cast %parallel_loop3A_1901 : i32 to index
        %parallel_loop3A_1907 = tpu.vector_load %arg7[%parallel_loop3A_1905, %parallel_loop3A_1906] {strides = array<i32>} : memref<4x128xi32, #tpu.memory_space<vmem>>, vector<16xi32>,
        %parallel_loop3A_1908 = arith.constant 15 : i32
        %parallel_loop3A_1909 = arith.andi %parallel_loop3A_1899, %parallel_loop3A_1908 : i32
        %parallel_loop3A_1910 = vector.broadcast %parallel_loop3A_1909 : i32 to vector<16xi32>
        %parallel_loop3A_1911 = arith.addi %iota3A, %parallel_loop3A_1910 : vector<16xi32>
        %parallel_loop3A_1912 = arith.constant 15 : i32
        %parallel_loop3A_1913 = vector.broadcast %parallel_loop3A_1912 : i32 to vector<16xi32>
        %parallel_loop3A_1914 = arith.andi %parallel_loop3A_1911, %parallel_loop3A_1913 : vector<16xi32>
        %parallel_loop3A_1915 = arith.addi %parallel_loop3A_1914, %parallel_loop3A_1907 : vector<16xi32>
        %parallel_loop3A_1916 = arith.constant 0 : i32
        %parallel_loop3A_1917 = vector.broadcast %parallel_loop3A_1916 : i32 to vector<16xi32>
        %parallel_loop3A_1918 = arith.addi %parallel_loop3A_1915, %parallel_loop3A_1917 : vector<16xi32>
        %parallel_loop3A_1919 = arith.constant 0 : i32
        %parallel_loop3A_1920 = arith.constant 0 : i32
        %parallel_loop3A_1921 = tpu.memref_slice %arg8[%parallel_loop3A_1402, %parallel_loop3A_1919, %parallel_loop3A_1920] : memref<4x128x128xf32, #tpu.memory_space<vmem>> -> memref<1x128x128xf32, #tpu.memory_space<vmem>>
        %parallel_loop3A_1922 = tpu.memref_squeeze %parallel_loop3A_1921 : memref<1x128x128xf32, #tpu.memory_space<vmem>> -> memref<128x128xf32, #tpu.memory_space<vmem>>
        %parallel_loop3A_1923 = tpu.vector_load_idx %parallel_loop3A_1922[%parallel_loop3A_1903, %parallel_loop3A_1918] : memref<128x128xf32, #tpu.memory_space<vmem>>[vector<16xi32>, vector<16xi32>], vector<16xf32>,
        %parallel_loop3A_1924 = arith.subi %parallel_loop3A_1918, %parallel_loop3A_1907 : vector<16xi32>
        %parallel_loop3A_1925 = arith.constant 0 : i32
        %parallel_loop3A_1926 = arith.constant 0 : i32
        %parallel_loop3A_1927 = tpu.memref_slice %arg9[%parallel_loop3A_1403, %parallel_loop3A_1925, %parallel_loop3A_1926] : memref<2x64x128xf32, #tpu.memory_space<vmem>> -> memref<1x64x128xf32, #tpu.memory_space<vmem>>
        %parallel_loop3A_1928 = tpu.memref_squeeze %parallel_loop3A_1927 : memref<1x64x128xf32, #tpu.memory_space<vmem>> -> memref<64x128xf32, #tpu.memory_space<vmem>>
        tpu.vector_store_idx %parallel_loop3A_1928[%parallel_loop3A_1924, %parallel_loop3A_1903], %parallel_loop3A_1923 : memref<64x128xf32, #tpu.memory_space<vmem>>[vector<16xi32>, vector<16xi32>], vector<16xf32>,
        %parallel_loop3A_1929 = arith.constant 16 : i32
        %parallel_loop3A_1930 = vector.broadcast %parallel_loop3A_1929 : i32 to vector<16xi32>
        %parallel_loop3A_1931 = arith.addi %parallel_loop3A_1915, %parallel_loop3A_1930 : vector<16xi32>
        %parallel_loop3A_1932 = arith.constant 0 : i32
        %parallel_loop3A_1933 = arith.constant 0 : i32
        %parallel_loop3A_1934 = tpu.memref_slice %arg8[%parallel_loop3A_1402, %parallel_loop3A_1932, %parallel_loop3A_1933] : memref<4x128x128xf32, #tpu.memory_space<vmem>> -> memref<1x128x128xf32, #tpu.memory_space<vmem>>
        %parallel_loop3A_1935 = tpu.memref_squeeze %parallel_loop3A_1934 : memref<1x128x128xf32, #tpu.memory_space<vmem>> -> memref<128x128xf32, #tpu.memory_space<vmem>>
        %parallel_loop3A_1936 = tpu.vector_load_idx %parallel_loop3A_1935[%parallel_loop3A_1903, %parallel_loop3A_1931] : memref<128x128xf32, #tpu.memory_space<vmem>>[vector<16xi32>, vector<16xi32>], vector<16xf32>,
        %parallel_loop3A_1937 = arith.subi %parallel_loop3A_1931, %parallel_loop3A_1907 : vector<16xi32>
        %parallel_loop3A_1938 = arith.constant 0 : i32
        %parallel_loop3A_1939 = arith.constant 0 : i32
        %parallel_loop3A_1940 = tpu.memref_slice %arg9[%parallel_loop3A_1403, %parallel_loop3A_1938, %parallel_loop3A_1939] : memref<2x64x128xf32, #tpu.memory_space<vmem>> -> memref<1x64x128xf32, #tpu.memory_space<vmem>>
        %parallel_loop3A_1941 = tpu.memref_squeeze %parallel_loop3A_1940 : memref<1x64x128xf32, #tpu.memory_space<vmem>> -> memref<64x128xf32, #tpu.memory_space<vmem>>
        tpu.vector_store_idx %parallel_loop3A_1941[%parallel_loop3A_1937, %parallel_loop3A_1903], %parallel_loop3A_1936 : memref<64x128xf32, #tpu.memory_space<vmem>>[vector<16xi32>, vector<16xi32>], vector<16xf32>,
        %parallel_loop3A_1942 = arith.constant 32 : i32
        %parallel_loop3A_1943 = vector.broadcast %parallel_loop3A_1942 : i32 to vector<16xi32>
        %parallel_loop3A_1944 = arith.addi %parallel_loop3A_1915, %parallel_loop3A_1943 : vector<16xi32>
        %parallel_loop3A_1945 = arith.constant 0 : i32
        %parallel_loop3A_1946 = arith.constant 0 : i32
        %parallel_loop3A_1947 = tpu.memref_slice %arg8[%parallel_loop3A_1402, %parallel_loop3A_1945, %parallel_loop3A_1946] : memref<4x128x128xf32, #tpu.memory_space<vmem>> -> memref<1x128x128xf32, #tpu.memory_space<vmem>>
        %parallel_loop3A_1948 = tpu.memref_squeeze %parallel_loop3A_1947 : memref<1x128x128xf32, #tpu.memory_space<vmem>> -> memref<128x128xf32, #tpu.memory_space<vmem>>
        %parallel_loop3A_1949 = tpu.vector_load_idx %parallel_loop3A_1948[%parallel_loop3A_1903, %parallel_loop3A_1944] : memref<128x128xf32, #tpu.memory_space<vmem>>[vector<16xi32>, vector<16xi32>], vector<16xf32>,
        %parallel_loop3A_1950 = arith.subi %parallel_loop3A_1944, %parallel_loop3A_1907 : vector<16xi32>
        %parallel_loop3A_1951 = arith.constant 0 : i32
        %parallel_loop3A_1952 = arith.constant 0 : i32
        %parallel_loop3A_1953 = tpu.memref_slice %arg9[%parallel_loop3A_1403, %parallel_loop3A_1951, %parallel_loop3A_1952] : memref<2x64x128xf32, #tpu.memory_space<vmem>> -> memref<1x64x128xf32, #tpu.memory_space<vmem>>
        %parallel_loop3A_1954 = tpu.memref_squeeze %parallel_loop3A_1953 : memref<1x64x128xf32, #tpu.memory_space<vmem>> -> memref<64x128xf32, #tpu.memory_space<vmem>>
        tpu.vector_store_idx %parallel_loop3A_1954[%parallel_loop3A_1950, %parallel_loop3A_1903], %parallel_loop3A_1949 : memref<64x128xf32, #tpu.memory_space<vmem>>[vector<16xi32>, vector<16xi32>], vector<16xf32>,
        %parallel_loop3A_1955 = arith.constant 48 : i32
        %parallel_loop3A_1956 = vector.broadcast %parallel_loop3A_1955 : i32 to vector<16xi32>
        %parallel_loop3A_1957 = arith.addi %parallel_loop3A_1915, %parallel_loop3A_1956 : vector<16xi32>
        %parallel_loop3A_1958 = arith.constant 0 : i32
        %parallel_loop3A_1959 = arith.constant 0 : i32
        %parallel_loop3A_1960 = tpu.memref_slice %arg8[%parallel_loop3A_1402, %parallel_loop3A_1958, %parallel_loop3A_1959] : memref<4x128x128xf32, #tpu.memory_space<vmem>> -> memref<1x128x128xf32, #tpu.memory_space<vmem>>
        %parallel_loop3A_1961 = tpu.memref_squeeze %parallel_loop3A_1960 : memref<1x128x128xf32, #tpu.memory_space<vmem>> -> memref<128x128xf32, #tpu.memory_space<vmem>>
        %parallel_loop3A_1962 = tpu.vector_load_idx %parallel_loop3A_1961[%parallel_loop3A_1903, %parallel_loop3A_1957] : memref<128x128xf32, #tpu.memory_space<vmem>>[vector<16xi32>, vector<16xi32>], vector<16xf32>,
        %parallel_loop3A_1963 = arith.subi %parallel_loop3A_1957, %parallel_loop3A_1907 : vector<16xi32>
        %parallel_loop3A_1964 = arith.constant 0 : i32
        %parallel_loop3A_1965 = arith.constant 0 : i32
        %parallel_loop3A_1966 = tpu.memref_slice %arg9[%parallel_loop3A_1403, %parallel_loop3A_1964, %parallel_loop3A_1965] : memref<2x64x128xf32, #tpu.memory_space<vmem>> -> memref<1x64x128xf32, #tpu.memory_space<vmem>>
        %parallel_loop3A_1967 = tpu.memref_squeeze %parallel_loop3A_1966 : memref<1x64x128xf32, #tpu.memory_space<vmem>> -> memref<64x128xf32, #tpu.memory_space<vmem>>
        tpu.vector_store_idx %parallel_loop3A_1967[%parallel_loop3A_1963, %parallel_loop3A_1903], %parallel_loop3A_1962 : memref<64x128xf32, #tpu.memory_space<vmem>>[vector<16xi32>, vector<16xi32>], vector<16xf32>,
      } {sc.loop_unroll_factor = 2 : i64, sc.parallel_access}
      %dma_start3A_1404 = arith.constant 0 : i32
      %dma_start3A_1405 = arith.constant 0 : i32
      %dma_start3A_1406 = arith.constant 0 : i32
      %dma_start3A_1407 = arith.constant 0 : i32
      %dma_start3A_1408 = tpu.memref_slice %arg9[%dma_start3A_1404, %dma_start3A_1406, %dma_start3A_1407] : memref<2x64x128xf32, #tpu.memory_space<vmem>> -> memref<1x64x128xf32, #tpu.memory_space<vmem>>
      %dma_start3A_1409 = tpu.memref_squeeze %dma_start3A_1408 : memref<1x64x128xf32, #tpu.memory_space<vmem>> -> memref<64x128xf32, #tpu.memory_space<vmem>>
      %dma_start3A_1410 = arith.constant 0 : i32
      %dma_start3A_1411 = tpu.memref_slice %arg5[%add3A_1265, %dma_start3A_1410, %mul3A_2] : memref<200x64x4096xf32, #tpu.memory_space<hbm>> -> memref<1x64x128xf32, #tpu.memory_space<hbm>>
      %dma_start3A_1412 = tpu.memref_squeeze %dma_start3A_1411 : memref<1x64x128xf32, #tpu.memory_space<hbm>> -> memref<64x128xf32, #tpu.memory_space<hbm>>
      %dma_start3A_1413 = tpu.memref_slice %arg13[%dma_start3A_1405] : memref<2x!tpu.dma_semaphore, #tpu.memory_space<semaphore_mem>> -> memref<1x!tpu.dma_semaphore, #tpu.memory_space<semaphore_mem>>
      %dma_start3A_1414 = tpu.memref_squeeze %dma_start3A_1413 : memref<1x!tpu.dma_semaphore, #tpu.memory_space<semaphore_mem>> -> memref<!tpu.dma_semaphore, #tpu.memory_space<semaphore_mem>>
      %dma_start3A_1415 = arith.constant 0 : i32
      %dma_start3A_1416 = tpu.memref_slice %arg5[%add3A_1265, %dma_start3A_1415, %mul3A_2] : memref<200x64x4096xf32, #tpu.memory_space<hbm>> -> memref<1x64x128xf32, #tpu.memory_space<hbm>>
      %dma_start3A_1417 = tpu.memref_squeeze %dma_start3A_1416 : memref<1x64x128xf32, #tpu.memory_space<hbm>> -> memref<64x128xf32, #tpu.memory_space<hbm>>
      %dma_start3A_1418 = arith.constant 0 : i32
      %dma_start3A_1419 = arith.constant 0 : i32
      %dma_start3A_1420 = tpu.memref_slice %arg9[%dma_start3A_1404, %dma_start3A_1418, %dma_start3A_1419] : memref<2x64x128xf32, #tpu.memory_space<vmem>> -> memref<1x64x128xf32, #tpu.memory_space<vmem>>
      %dma_start3A_1421 = tpu.memref_squeeze %dma_start3A_1420 : memref<1x64x128xf32, #tpu.memory_space<vmem>> -> memref<64x128xf32, #tpu.memory_space<vmem>>
      tpu.enqueue_dma source(%dma_start3A_1421 : memref<64x128xf32, #tpu.memory_space<vmem>>) target(%dma_start3A_1417 : memref<64x128xf32, #tpu.memory_space<hbm>>) target_semaphore(%dma_start3A_1414 : memref<!tpu.dma_semaphore, #tpu.memory_space<semaphore_mem>>)
      %add3A_1422 = arith.constant 1 : i32
      %add3A_1423 = arith.addi %mul3A_1263, %add3A_1422 : i32
      %add3A_1424 = arith.constant 2 : i32
      %add3A_1425 = arith.addi %add3A_1423, %add3A_1424 : i32
      %mul3A_1426 = arith.constant 32 : i32
      %mul3A_1427 = arith.muli %add3A_1425, %mul3A_1426 : i32
      %add3A_1428 = arith.addi %mul3A_1427, %add3A : i32
      %mul3A_1429 = arith.constant 32 : i32
      %mul3A_1430 = arith.muli %add3A_1425, %mul3A_1429 : i32
      %add3A_1431 = arith.addi %mul3A_1430, %add3A : i32
      %dma_wait3A_1432 = arith.constant 3 : i32
      %dma_wait3A_1433 = arith.constant 3 : i32
      %dma_wait3A_1434 = arith.constant 0 : i32
      %dma_wait3A_1435 = tpu.memref_slice %arg6[%dma_wait3A_1432, %dma_wait3A_1434] : memref<4x128xi32, #tpu.memory_space<vmem>> -> memref<1x128xi32, #tpu.memory_space<vmem>>
      %dma_wait3A_1436 = tpu.memref_squeeze %dma_wait3A_1435 : memref<1x128xi32, #tpu.memory_space<vmem>> -> memref<128xi32, #tpu.memory_space<vmem>>
      %dma_wait3A_1437 = arith.constant 0 : i32
      %dma_wait3A_1438 = tpu.memref_slice %arg3[%add3A_1428, %dma_wait3A_1437] : memref<6400x128xi32, #tpu.memory_space<hbm>> -> memref<1x128xi32, #tpu.memory_space<hbm>>
      %dma_wait3A_1439 = tpu.memref_squeeze %dma_wait3A_1438 : memref<1x128xi32, #tpu.memory_space<hbm>> -> memref<128xi32, #tpu.memory_space<hbm>>
      %dma_wait3A_1440 = tpu.memref_slice %arg10[%dma_wait3A_1433] : memref<4x!tpu.dma_semaphore, #tpu.memory_space<semaphore_mem>> -> memref<1x!tpu.dma_semaphore, #tpu.memory_space<semaphore_mem>>
      %dma_wait3A_1441 = tpu.memref_squeeze %dma_wait3A_1440 : memref<1x!tpu.dma_semaphore, #tpu.memory_space<semaphore_mem>> -> memref<!tpu.dma_semaphore, #tpu.memory_space<semaphore_mem>>
      %dma_wait3A_1442 = arith.constant 0 : i32
      %dma_wait3A_1443 = tpu.memref_slice %arg6[%dma_wait3A_1432, %dma_wait3A_1442] : memref<4x128xi32, #tpu.memory_space<vmem>> -> memref<1x128xi32, #tpu.memory_space<vmem>>
      %dma_wait3A_1444 = tpu.memref_squeeze %dma_wait3A_1443 : memref<1x128xi32, #tpu.memory_space<vmem>> -> memref<128xi32, #tpu.memory_space<vmem>>
      %dma_wait3A_1445 = arith.constant 0 : i32
      %dma_wait3A_1446 = tpu.memref_slice %arg3[%add3A_1428, %dma_wait3A_1445] : memref<6400x128xi32, #tpu.memory_space<hbm>> -> memref<1x128xi32, #tpu.memory_space<hbm>>
      %dma_wait3A_1447 = tpu.memref_squeeze %dma_wait3A_1446 : memref<1x128xi32, #tpu.memory_space<hbm>> -> memref<128xi32, #tpu.memory_space<hbm>>
      tpu.wait_dma2 semaphore(%dma_wait3A_1441 : memref<!tpu.dma_semaphore, #tpu.memory_space<semaphore_mem>>) src(%dma_wait3A_1447 : memref<128xi32, #tpu.memory_space<hbm>>) dst(%dma_wait3A_1444 : memref<128xi32, #tpu.memory_space<vmem>>)
      %dma_wait3A_1448 = arith.constant 3 : i32
      %dma_wait3A_1449 = arith.constant 3 : i32
      %dma_wait3A_1450 = arith.constant 0 : i32
      %dma_wait3A_1451 = tpu.memref_slice %arg7[%dma_wait3A_1448, %dma_wait3A_1450] : memref<4x128xi32, #tpu.memory_space<vmem>> -> memref<1x128xi32, #tpu.memory_space<vmem>>
      %dma_wait3A_1452 = tpu.memref_squeeze %dma_wait3A_1451 : memref<1x128xi32, #tpu.memory_space<vmem>> -> memref<128xi32, #tpu.memory_space<vmem>>
      %dma_wait3A_1453 = arith.constant 0 : i32
      %dma_wait3A_1454 = tpu.memref_slice %arg4[%add3A_1431, %dma_wait3A_1453] : memref<6400x128xi32, #tpu.memory_space<hbm>> -> memref<1x128xi32, #tpu.memory_space<hbm>>
      %dma_wait3A_1455 = tpu.memref_squeeze %dma_wait3A_1454 : memref<1x128xi32, #tpu.memory_space<hbm>> -> memref<128xi32, #tpu.memory_space<hbm>>
      %dma_wait3A_1456 = tpu.memref_slice %arg11[%dma_wait3A_1449] : memref<4x!tpu.dma_semaphore, #tpu.memory_space<semaphore_mem>> -> memref<1x!tpu.dma_semaphore, #tpu.memory_space<semaphore_mem>>
      %dma_wait3A_1457 = tpu.memref_squeeze %dma_wait3A_1456 : memref<1x!tpu.dma_semaphore, #tpu.memory_space<semaphore_mem>> -> memref<!tpu.dma_semaphore, #tpu.memory_space<semaphore_mem>>
      %dma_wait3A_1458 = arith.constant 0 : i32
      %dma_wait3A_1459 = tpu.memref_slice %arg7[%dma_wait3A_1448, %dma_wait3A_1458] : memref<4x128xi32, #tpu.memory_space<vmem>> -> memref<1x128xi32, #tpu.memory_space<vmem>>
      %dma_wait3A_1460 = tpu.memref_squeeze %dma_wait3A_1459 : memref<1x128xi32, #tpu.memory_space<vmem>> -> memref<128xi32, #tpu.memory_space<vmem>>
      %dma_wait3A_1461 = arith.constant 0 : i32
      %dma_wait3A_1462 = tpu.memref_slice %arg4[%add3A_1431, %dma_wait3A_1461] : memref<6400x128xi32, #tpu.memory_space<hbm>> -> memref<1x128xi32, #tpu.memory_space<hbm>>
      %dma_wait3A_1463 = tpu.memref_squeeze %dma_wait3A_1462 : memref<1x128xi32, #tpu.memory_space<hbm>> -> memref<128xi32, #tpu.memory_space<hbm>>
      tpu.wait_dma2 semaphore(%dma_wait3A_1457 : memref<!tpu.dma_semaphore, #tpu.memory_space<semaphore_mem>>) src(%dma_wait3A_1463 : memref<128xi32, #tpu.memory_space<hbm>>) dst(%dma_wait3A_1460 : memref<128xi32, #tpu.memory_space<vmem>>)
      %add3A_1464 = arith.constant 2 : i32
      %add3A_1465 = arith.addi %add3A_1423, %add3A_1464 : i32
      %dma_start3A_1466 = arith.constant 3 : i32
      %dma_start3A_1467 = arith.constant 3 : i32
      %dma_start3A_1468 = arith.constant 3 : i32
      %dma_start3A_1469 = arith.constant 0 : i32
      %dma_start3A_1470 = arith.constant 0 : i32
      %dma_start3A_1471 = tpu.memref_slice %arg8[%dma_start3A_1467, %dma_start3A_1469, %dma_start3A_1470] : memref<4x128x128xf32, #tpu.memory_space<vmem>> -> memref<1x128x128xf32, #tpu.memory_space<vmem>>
      %dma_start3A_1472 = tpu.memref_squeeze %dma_start3A_1471 : memref<1x128x128xf32, #tpu.memory_space<vmem>> -> memref<128x128xf32, #tpu.memory_space<vmem>>
      %dma_start3A_1473 = arith.constant 0 : i32
      %dma_start3A_1474 = tpu.memref_slice %arg6[%dma_start3A_1466, %dma_start3A_1473] : memref<4x128xi32, #tpu.memory_space<vmem>> -> memref<1x128xi32, #tpu.memory_space<vmem>>
      %dma_start3A_1475 = tpu.memref_squeeze %dma_start3A_1474 : memref<1x128xi32, #tpu.memory_space<vmem>> -> memref<128xi32, #tpu.memory_space<vmem>>
      %dma_start3A_1476 = arith.constant 0 : i32
      %dma_start3A_1477 = arith.constant 0 : i32
      %dma_start3A_1478 = tpu.memref_slice %arg2[%dma_start3A_1476, %dma_start3A_1477] : memref<503808x128xf32, #tpu.memory_space<hbm>> -> memref<503808x128xf32, #tpu.memory_space<hbm>>
      %dma_start3A_1479 = tpu.memref_slice %arg12[%dma_start3A_1468] : memref<4x!tpu.dma_semaphore, #tpu.memory_space<semaphore_mem>> -> memref<1x!tpu.dma_semaphore, #tpu.memory_space<semaphore_mem>>
      %dma_start3A_1480 = tpu.memref_squeeze %dma_start3A_1479 : memref<1x!tpu.dma_semaphore, #tpu.memory_space<semaphore_mem>> -> memref<!tpu.dma_semaphore, #tpu.memory_space<semaphore_mem>>
      tpu.enqueue_indirect_dma source(%dma_start3A_1478 : memref<503808x128xf32, #tpu.memory_space<hbm>>) target(%dma_start3A_1472 : memref<128x128xf32, #tpu.memory_space<vmem>>) offsets(%dma_start3A_1475 : memref<128xi32, #tpu.memory_space<vmem>>) semaphore(%dma_start3A_1480 : memref<!tpu.dma_semaphore, #tpu.memory_space<semaphore_mem>>)
      %add3A_1481 = arith.constant 2 : i32
      %add3A_1482 = arith.addi %add3A_1423, %add3A_1481 : i32
      %add3A_1483 = arith.constant 1 : i32
      %add3A_1484 = arith.addi %add3A_1482, %add3A_1483 : i32
      %mul3A_1485 = arith.constant 32 : i32
      %mul3A_1486 = arith.muli %add3A_1484, %mul3A_1485 : i32
      %add3A_1487 = arith.addi %mul3A_1486, %add3A : i32
      %mul3A_1488 = arith.constant 32 : i32
      %mul3A_1489 = arith.muli %add3A_1484, %mul3A_1488 : i32
      %add3A_1490 = arith.addi %mul3A_1489, %add3A : i32
      %dma_start3A_1491 = arith.constant 0 : i32
      %dma_start3A_1492 = arith.constant 0 : i32
      %dma_start3A_1493 = arith.constant 0 : i32
      %dma_start3A_1494 = tpu.memref_slice %arg6[%dma_start3A_1491, %dma_start3A_1493] : memref<4x128xi32, #tpu.memory_space<vmem>> -> memref<1x128xi32, #tpu.memory_space<vmem>>
      %dma_start3A_1495 = tpu.memref_squeeze %dma_start3A_1494 : memref<1x128xi32, #tpu.memory_space<vmem>> -> memref<128xi32, #tpu.memory_space<vmem>>
      %dma_start3A_1496 = arith.constant 0 : i32
      %dma_start3A_1497 = tpu.memref_slice %arg3[%add3A_1487, %dma_start3A_1496] : memref<6400x128xi32, #tpu.memory_space<hbm>> -> memref<1x128xi32, #tpu.memory_space<hbm>>
      %dma_start3A_1498 = tpu.memref_squeeze %dma_start3A_1497 : memref<1x128xi32, #tpu.memory_space<hbm>> -> memref<128xi32, #tpu.memory_space<hbm>>
      %dma_start3A_1499 = tpu.memref_slice %arg10[%dma_start3A_1492] : memref<4x!tpu.dma_semaphore, #tpu.memory_space<semaphore_mem>> -> memref<1x!tpu.dma_semaphore, #tpu.memory_space<semaphore_mem>>
      %dma_start3A_1500 = tpu.memref_squeeze %dma_start3A_1499 : memref<1x!tpu.dma_semaphore, #tpu.memory_space<semaphore_mem>> -> memref<!tpu.dma_semaphore, #tpu.memory_space<semaphore_mem>>
      %dma_start3A_1501 = arith.constant 0 : i32
      %dma_start3A_1502 = tpu.memref_slice %arg6[%dma_start3A_1491, %dma_start3A_1501] : memref<4x128xi32, #tpu.memory_space<vmem>> -> memref<1x128xi32, #tpu.memory_space<vmem>>
      %dma_start3A_1503 = tpu.memref_squeeze %dma_start3A_1502 : memref<1x128xi32, #tpu.memory_space<vmem>> -> memref<128xi32, #tpu.memory_space<vmem>>
      %dma_start3A_1504 = arith.constant 0 : i32
      %dma_start3A_1505 = tpu.memref_slice %arg3[%add3A_1487, %dma_start3A_1504] : memref<6400x128xi32, #tpu.memory_space<hbm>> -> memref<1x128xi32, #tpu.memory_space<hbm>>
      %dma_start3A_1506 = tpu.memref_squeeze %dma_start3A_1505 : memref<1x128xi32, #tpu.memory_space<hbm>> -> memref<128xi32, #tpu.memory_space<hbm>>
      tpu.enqueue_dma source(%dma_start3A_1506 : memref<128xi32, #tpu.memory_space<hbm>>) target(%dma_start3A_1503 : memref<128xi32, #tpu.memory_space<vmem>>) target_semaphore(%dma_start3A_1500 : memref<!tpu.dma_semaphore, #tpu.memory_space<semaphore_mem>>)
      %dma_start3A_1507 = arith.constant 0 : i32
      %dma_start3A_1508 = arith.constant 0 : i32
      %dma_start3A_1509 = arith.constant 0 : i32
      %dma_start3A_1510 = tpu.memref_slice %arg7[%dma_start3A_1507, %dma_start3A_1509] : memref<4x128xi32, #tpu.memory_space<vmem>> -> memref<1x128xi32, #tpu.memory_space<vmem>>
      %dma_start3A_1511 = tpu.memref_squeeze %dma_start3A_1510 : memref<1x128xi32, #tpu.memory_space<vmem>> -> memref<128xi32, #tpu.memory_space<vmem>>
      %dma_start3A_1512 = arith.constant 0 : i32
      %dma_start3A_1513 = tpu.memref_slice %arg4[%add3A_1490, %dma_start3A_1512] : memref<6400x128xi32, #tpu.memory_space<hbm>> -> memref<1x128xi32, #tpu.memory_space<hbm>>
      %dma_start3A_1514 = tpu.memref_squeeze %dma_start3A_1513 : memref<1x128xi32, #tpu.memory_space<hbm>> -> memref<128xi32, #tpu.memory_space<hbm>>
      %dma_start3A_1515 = tpu.memref_slice %arg11[%dma_start3A_1508] : memref<4x!tpu.dma_semaphore, #tpu.memory_space<semaphore_mem>> -> memref<1x!tpu.dma_semaphore, #tpu.memory_space<semaphore_mem>>
      %dma_start3A_1516 = tpu.memref_squeeze %dma_start3A_1515 : memref<1x!tpu.dma_semaphore, #tpu.memory_space<semaphore_mem>> -> memref<!tpu.dma_semaphore, #tpu.memory_space<semaphore_mem>>
      %dma_start3A_1517 = arith.constant 0 : i32
      %dma_start3A_1518 = tpu.memref_slice %arg7[%dma_start3A_1507, %dma_start3A_1517] : memref<4x128xi32, #tpu.memory_space<vmem>> -> memref<1x128xi32, #tpu.memory_space<vmem>>
      %dma_start3A_1519 = tpu.memref_squeeze %dma_start3A_1518 : memref<1x128xi32, #tpu.memory_space<vmem>> -> memref<128xi32, #tpu.memory_space<vmem>>
      %dma_start3A_1520 = arith.constant 0 : i32
      %dma_start3A_1521 = tpu.memref_slice %arg4[%add3A_1490, %dma_start3A_1520] : memref<6400x128xi32, #tpu.memory_space<hbm>> -> memref<1x128xi32, #tpu.memory_space<hbm>>
      %dma_start3A_1522 = tpu.memref_squeeze %dma_start3A_1521 : memref<1x128xi32, #tpu.memory_space<hbm>> -> memref<128xi32, #tpu.memory_space<hbm>>
      tpu.enqueue_dma source(%dma_start3A_1522 : memref<128xi32, #tpu.memory_space<hbm>>) target(%dma_start3A_1519 : memref<128xi32, #tpu.memory_space<vmem>>) target_semaphore(%dma_start3A_1516 : memref<!tpu.dma_semaphore, #tpu.memory_space<semaphore_mem>>)
      %dma_wait3A_1523 = arith.constant 1 : i32
      %dma_wait3A_1524 = arith.constant 1 : i32
      %dma_wait3A_1525 = arith.constant 1 : i32
      %dma_wait3A_1526 = arith.constant 0 : i32
      %dma_wait3A_1527 = arith.constant 0 : i32
      %dma_wait3A_1528 = tpu.memref_slice %arg8[%dma_wait3A_1524, %dma_wait3A_1526, %dma_wait3A_1527] : memref<4x128x128xf32, #tpu.memory_space<vmem>> -> memref<1x128x128xf32, #tpu.memory_space<vmem>>
      %dma_wait3A_1529 = tpu.memref_squeeze %dma_wait3A_1528 : memref<1x128x128xf32, #tpu.memory_space<vmem>> -> memref<128x128xf32, #tpu.memory_space<vmem>>
      %dma_wait3A_1530 = arith.constant 0 : i32
      %dma_wait3A_1531 = tpu.memref_slice %arg6[%dma_wait3A_1523, %dma_wait3A_1530] : memref<4x128xi32, #tpu.memory_space<vmem>> -> memref<1x128xi32, #tpu.memory_space<vmem>>
      %dma_wait3A_1532 = tpu.memref_squeeze %dma_wait3A_1531 : memref<1x128xi32, #tpu.memory_space<vmem>> -> memref<128xi32, #tpu.memory_space<vmem>>
      %dma_wait3A_1533 = arith.constant 0 : i32
      %dma_wait3A_1534 = arith.constant 0 : i32
      %dma_wait3A_1535 = tpu.memref_slice %arg2[%dma_wait3A_1533, %dma_wait3A_1534] : memref<503808x128xf32, #tpu.memory_space<hbm>> -> memref<503808x128xf32, #tpu.memory_space<hbm>>
      %dma_wait3A_1536 = tpu.memref_slice %arg12[%dma_wait3A_1525] : memref<4x!tpu.dma_semaphore, #tpu.memory_space<semaphore_mem>> -> memref<1x!tpu.dma_semaphore, #tpu.memory_space<semaphore_mem>>
      %dma_wait3A_1537 = tpu.memref_squeeze %dma_wait3A_1536 : memref<1x!tpu.dma_semaphore, #tpu.memory_space<semaphore_mem>> -> memref<!tpu.dma_semaphore, #tpu.memory_space<semaphore_mem>>
      tpu.wait_indirect_dma semaphore(%dma_wait3A_1537 : memref<!tpu.dma_semaphore, #tpu.memory_space<semaphore_mem>>) src(%dma_wait3A_1535 : memref<503808x128xf32, #tpu.memory_space<hbm>>) dst(%dma_wait3A_1529 : memref<128x128xf32, #tpu.memory_space<vmem>>)
      %sub3A_1538 = arith.constant 2 : i32
      %sub3A_1539 = arith.subi %add3A_1423, %sub3A_1538 : i32
      %dma_wait3A_1540 = arith.constant 1 : i32
      %dma_wait3A_1541 = arith.constant 1 : i32
      %dma_wait3A_1542 = arith.constant 0 : i32
      %dma_wait3A_1543 = arith.constant 0 : i32
      %dma_wait3A_1544 = tpu.memref_slice %arg9[%dma_wait3A_1540, %dma_wait3A_1542, %dma_wait3A_1543] : memref<2x64x128xf32, #tpu.memory_space<vmem>> -> memref<1x64x128xf32, #tpu.memory_space<vmem>>
      %dma_wait3A_1545 = tpu.memref_squeeze %dma_wait3A_1544 : memref<1x64x128xf32, #tpu.memory_space<vmem>> -> memref<64x128xf32, #tpu.memory_space<vmem>>
      %dma_wait3A_1546 = arith.constant 0 : i32
      %dma_wait3A_1547 = tpu.memref_slice %arg5[%sub3A_1539, %dma_wait3A_1546, %mul3A_2] : memref<200x64x4096xf32, #tpu.memory_space<hbm>> -> memref<1x64x128xf32, #tpu.memory_space<hbm>>
      %dma_wait3A_1548 = tpu.memref_squeeze %dma_wait3A_1547 : memref<1x64x128xf32, #tpu.memory_space<hbm>> -> memref<64x128xf32, #tpu.memory_space<hbm>>
      %dma_wait3A_1549 = tpu.memref_slice %arg13[%dma_wait3A_1541] : memref<2x!tpu.dma_semaphore, #tpu.memory_space<semaphore_mem>> -> memref<1x!tpu.dma_semaphore, #tpu.memory_space<semaphore_mem>>
      %dma_wait3A_1550 = tpu.memref_squeeze %dma_wait3A_1549 : memref<1x!tpu.dma_semaphore, #tpu.memory_space<semaphore_mem>> -> memref<!tpu.dma_semaphore, #tpu.memory_space<semaphore_mem>>
      %dma_wait3A_1551 = arith.constant 0 : i32
      %dma_wait3A_1552 = tpu.memref_slice %arg5[%sub3A_1539, %dma_wait3A_1551, %mul3A_2] : memref<200x64x4096xf32, #tpu.memory_space<hbm>> -> memref<1x64x128xf32, #tpu.memory_space<hbm>>
      %dma_wait3A_1553 = tpu.memref_squeeze %dma_wait3A_1552 : memref<1x64x128xf32, #tpu.memory_space<hbm>> -> memref<64x128xf32, #tpu.memory_space<hbm>>
      %dma_wait3A_1554 = arith.constant 0 : i32
      %dma_wait3A_1555 = arith.constant 0 : i32
      %dma_wait3A_1556 = tpu.memref_slice %arg9[%dma_wait3A_1540, %dma_wait3A_1554, %dma_wait3A_1555] : memref<2x64x128xf32, #tpu.memory_space<vmem>> -> memref<1x64x128xf32, #tpu.memory_space<vmem>>
      %dma_wait3A_1557 = tpu.memref_squeeze %dma_wait3A_1556 : memref<1x64x128xf32, #tpu.memory_space<vmem>> -> memref<64x128xf32, #tpu.memory_space<vmem>>
      tpu.wait_dma2 semaphore(%dma_wait3A_1550 : memref<!tpu.dma_semaphore, #tpu.memory_space<semaphore_mem>>) src(%dma_wait3A_1557 : memref<64x128xf32, #tpu.memory_space<vmem>>) dst(%dma_wait3A_1553 : memref<64x128xf32, #tpu.memory_space<hbm>>)
      %parallel_loop3A_1558 = arith.constant 0 : i32
      %parallel_loop3A_1559 = arith.constant 128 : i32
      %parallel_loop3A_1560 = arith.constant 1 : i32
      %parallel_loop3A_1561 = arith.constant 1 : i32
      %parallel_loop3A_1562 = arith.constant 1 : i32
      scf.for %parallel_loop3A_1899 = %parallel_loop3A_1558 to %parallel_loop3A_1559 step %parallel_loop3A_1560  : i32 {
        %parallel_loop3A_1900 = arith.constant -16 : i32
        %parallel_loop3A_1901 = arith.andi %parallel_loop3A_1899, %parallel_loop3A_1900 : i32
        %parallel_loop3A_1902 = vector.broadcast %parallel_loop3A_1901 : i32 to vector<16xi32>
        %parallel_loop3A_1903 = arith.addi %iota3A, %parallel_loop3A_1902 : vector<16xi32>
        %parallel_loop3A_1904 = arith.constant 1 : i32
        %parallel_loop3A_1905 = arith.index_cast %parallel_loop3A_1904 : i32 to index
        %parallel_loop3A_1906 = arith.index_cast %parallel_loop3A_1901 : i32 to index
        %parallel_loop3A_1907 = tpu.vector_load %arg7[%parallel_loop3A_1905, %parallel_loop3A_1906] {strides = array<i32>} : memref<4x128xi32, #tpu.memory_space<vmem>>, vector<16xi32>,
        %parallel_loop3A_1908 = arith.constant 15 : i32
        %parallel_loop3A_1909 = arith.andi %parallel_loop3A_1899, %parallel_loop3A_1908 : i32
        %parallel_loop3A_1910 = vector.broadcast %parallel_loop3A_1909 : i32 to vector<16xi32>
        %parallel_loop3A_1911 = arith.addi %iota3A, %parallel_loop3A_1910 : vector<16xi32>
        %parallel_loop3A_1912 = arith.constant 15 : i32
        %parallel_loop3A_1913 = vector.broadcast %parallel_loop3A_1912 : i32 to vector<16xi32>
        %parallel_loop3A_1914 = arith.andi %parallel_loop3A_1911, %parallel_loop3A_1913 : vector<16xi32>
        %parallel_loop3A_1915 = arith.addi %parallel_loop3A_1914, %parallel_loop3A_1907 : vector<16xi32>
        %parallel_loop3A_1916 = arith.constant 0 : i32
        %parallel_loop3A_1917 = vector.broadcast %parallel_loop3A_1916 : i32 to vector<16xi32>
        %parallel_loop3A_1918 = arith.addi %parallel_loop3A_1915, %parallel_loop3A_1917 : vector<16xi32>
        %parallel_loop3A_1919 = arith.constant 0 : i32
        %parallel_loop3A_1920 = arith.constant 0 : i32
        %parallel_loop3A_1921 = tpu.memref_slice %arg8[%parallel_loop3A_1561, %parallel_loop3A_1919, %parallel_loop3A_1920] : memref<4x128x128xf32, #tpu.memory_space<vmem>> -> memref<1x128x128xf32, #tpu.memory_space<vmem>>
        %parallel_loop3A_1922 = tpu.memref_squeeze %parallel_loop3A_1921 : memref<1x128x128xf32, #tpu.memory_space<vmem>> -> memref<128x128xf32, #tpu.memory_space<vmem>>
        %parallel_loop3A_1923 = tpu.vector_load_idx %parallel_loop3A_1922[%parallel_loop3A_1903, %parallel_loop3A_1918] : memref<128x128xf32, #tpu.memory_space<vmem>>[vector<16xi32>, vector<16xi32>], vector<16xf32>,
        %parallel_loop3A_1924 = arith.subi %parallel_loop3A_1918, %parallel_loop3A_1907 : vector<16xi32>
        %parallel_loop3A_1925 = arith.constant 0 : i32
        %parallel_loop3A_1926 = arith.constant 0 : i32
        %parallel_loop3A_1927 = tpu.memref_slice %arg9[%parallel_loop3A_1562, %parallel_loop3A_1925, %parallel_loop3A_1926] : memref<2x64x128xf32, #tpu.memory_space<vmem>> -> memref<1x64x128xf32, #tpu.memory_space<vmem>>
        %parallel_loop3A_1928 = tpu.memref_squeeze %parallel_loop3A_1927 : memref<1x64x128xf32, #tpu.memory_space<vmem>> -> memref<64x128xf32, #tpu.memory_space<vmem>>
        tpu.vector_store_idx %parallel_loop3A_1928[%parallel_loop3A_1924, %parallel_loop3A_1903], %parallel_loop3A_1923 : memref<64x128xf32, #tpu.memory_space<vmem>>[vector<16xi32>, vector<16xi32>], vector<16xf32>,
        %parallel_loop3A_1929 = arith.constant 16 : i32
        %parallel_loop3A_1930 = vector.broadcast %parallel_loop3A_1929 : i32 to vector<16xi32>
        %parallel_loop3A_1931 = arith.addi %parallel_loop3A_1915, %parallel_loop3A_1930 : vector<16xi32>
        %parallel_loop3A_1932 = arith.constant 0 : i32
        %parallel_loop3A_1933 = arith.constant 0 : i32
        %parallel_loop3A_1934 = tpu.memref_slice %arg8[%parallel_loop3A_1561, %parallel_loop3A_1932, %parallel_loop3A_1933] : memref<4x128x128xf32, #tpu.memory_space<vmem>> -> memref<1x128x128xf32, #tpu.memory_space<vmem>>
        %parallel_loop3A_1935 = tpu.memref_squeeze %parallel_loop3A_1934 : memref<1x128x128xf32, #tpu.memory_space<vmem>> -> memref<128x128xf32, #tpu.memory_space<vmem>>
        %parallel_loop3A_1936 = tpu.vector_load_idx %parallel_loop3A_1935[%parallel_loop3A_1903, %parallel_loop3A_1931] : memref<128x128xf32, #tpu.memory_space<vmem>>[vector<16xi32>, vector<16xi32>], vector<16xf32>,
        %parallel_loop3A_1937 = arith.subi %parallel_loop3A_1931, %parallel_loop3A_1907 : vector<16xi32>
        %parallel_loop3A_1938 = arith.constant 0 : i32
        %parallel_loop3A_1939 = arith.constant 0 : i32
        %parallel_loop3A_1940 = tpu.memref_slice %arg9[%parallel_loop3A_1562, %parallel_loop3A_1938, %parallel_loop3A_1939] : memref<2x64x128xf32, #tpu.memory_space<vmem>> -> memref<1x64x128xf32, #tpu.memory_space<vmem>>
        %parallel_loop3A_1941 = tpu.memref_squeeze %parallel_loop3A_1940 : memref<1x64x128xf32, #tpu.memory_space<vmem>> -> memref<64x128xf32, #tpu.memory_space<vmem>>
        tpu.vector_store_idx %parallel_loop3A_1941[%parallel_loop3A_1937, %parallel_loop3A_1903], %parallel_loop3A_1936 : memref<64x128xf32, #tpu.memory_space<vmem>>[vector<16xi32>, vector<16xi32>], vector<16xf32>,
        %parallel_loop3A_1942 = arith.constant 32 : i32
        %parallel_loop3A_1943 = vector.broadcast %parallel_loop3A_1942 : i32 to vector<16xi32>
        %parallel_loop3A_1944 = arith.addi %parallel_loop3A_1915, %parallel_loop3A_1943 : vector<16xi32>
        %parallel_loop3A_1945 = arith.constant 0 : i32
        %parallel_loop3A_1946 = arith.constant 0 : i32
        %parallel_loop3A_1947 = tpu.memref_slice %arg8[%parallel_loop3A_1561, %parallel_loop3A_1945, %parallel_loop3A_1946] : memref<4x128x128xf32, #tpu.memory_space<vmem>> -> memref<1x128x128xf32, #tpu.memory_space<vmem>>
        %parallel_loop3A_1948 = tpu.memref_squeeze %parallel_loop3A_1947 : memref<1x128x128xf32, #tpu.memory_space<vmem>> -> memref<128x128xf32, #tpu.memory_space<vmem>>
        %parallel_loop3A_1949 = tpu.vector_load_idx %parallel_loop3A_1948[%parallel_loop3A_1903, %parallel_loop3A_1944] : memref<128x128xf32, #tpu.memory_space<vmem>>[vector<16xi32>, vector<16xi32>], vector<16xf32>,
        %parallel_loop3A_1950 = arith.subi %parallel_loop3A_1944, %parallel_loop3A_1907 : vector<16xi32>
        %parallel_loop3A_1951 = arith.constant 0 : i32
        %parallel_loop3A_1952 = arith.constant 0 : i32
        %parallel_loop3A_1953 = tpu.memref_slice %arg9[%parallel_loop3A_1562, %parallel_loop3A_1951, %parallel_loop3A_1952] : memref<2x64x128xf32, #tpu.memory_space<vmem>> -> memref<1x64x128xf32, #tpu.memory_space<vmem>>
        %parallel_loop3A_1954 = tpu.memref_squeeze %parallel_loop3A_1953 : memref<1x64x128xf32, #tpu.memory_space<vmem>> -> memref<64x128xf32, #tpu.memory_space<vmem>>
        tpu.vector_store_idx %parallel_loop3A_1954[%parallel_loop3A_1950, %parallel_loop3A_1903], %parallel_loop3A_1949 : memref<64x128xf32, #tpu.memory_space<vmem>>[vector<16xi32>, vector<16xi32>], vector<16xf32>,
        %parallel_loop3A_1955 = arith.constant 48 : i32
        %parallel_loop3A_1956 = vector.broadcast %parallel_loop3A_1955 : i32 to vector<16xi32>
        %parallel_loop3A_1957 = arith.addi %parallel_loop3A_1915, %parallel_loop3A_1956 : vector<16xi32>
        %parallel_loop3A_1958 = arith.constant 0 : i32
        %parallel_loop3A_1959 = arith.constant 0 : i32
        %parallel_loop3A_1960 = tpu.memref_slice %arg8[%parallel_loop3A_1561, %parallel_loop3A_1958, %parallel_loop3A_1959] : memref<4x128x128xf32, #tpu.memory_space<vmem>> -> memref<1x128x128xf32, #tpu.memory_space<vmem>>
        %parallel_loop3A_1961 = tpu.memref_squeeze %parallel_loop3A_1960 : memref<1x128x128xf32, #tpu.memory_space<vmem>> -> memref<128x128xf32, #tpu.memory_space<vmem>>
        %parallel_loop3A_1962 = tpu.vector_load_idx %parallel_loop3A_1961[%parallel_loop3A_1903, %parallel_loop3A_1957] : memref<128x128xf32, #tpu.memory_space<vmem>>[vector<16xi32>, vector<16xi32>], vector<16xf32>,
        %parallel_loop3A_1963 = arith.subi %parallel_loop3A_1957, %parallel_loop3A_1907 : vector<16xi32>
        %parallel_loop3A_1964 = arith.constant 0 : i32
        %parallel_loop3A_1965 = arith.constant 0 : i32
        %parallel_loop3A_1966 = tpu.memref_slice %arg9[%parallel_loop3A_1562, %parallel_loop3A_1964, %parallel_loop3A_1965] : memref<2x64x128xf32, #tpu.memory_space<vmem>> -> memref<1x64x128xf32, #tpu.memory_space<vmem>>
        %parallel_loop3A_1967 = tpu.memref_squeeze %parallel_loop3A_1966 : memref<1x64x128xf32, #tpu.memory_space<vmem>> -> memref<64x128xf32, #tpu.memory_space<vmem>>
        tpu.vector_store_idx %parallel_loop3A_1967[%parallel_loop3A_1963, %parallel_loop3A_1903], %parallel_loop3A_1962 : memref<64x128xf32, #tpu.memory_space<vmem>>[vector<16xi32>, vector<16xi32>], vector<16xf32>,
      } {sc.loop_unroll_factor = 2 : i64, sc.parallel_access}
      %dma_start3A_1563 = arith.constant 1 : i32
      %dma_start3A_1564 = arith.constant 1 : i32
      %dma_start3A_1565 = arith.constant 0 : i32
      %dma_start3A_1566 = arith.constant 0 : i32
      %dma_start3A_1567 = tpu.memref_slice %arg9[%dma_start3A_1563, %dma_start3A_1565, %dma_start3A_1566] : memref<2x64x128xf32, #tpu.memory_space<vmem>> -> memref<1x64x128xf32, #tpu.memory_space<vmem>>
      %dma_start3A_1568 = tpu.memref_squeeze %dma_start3A_1567 : memref<1x64x128xf32, #tpu.memory_space<vmem>> -> memref<64x128xf32, #tpu.memory_space<vmem>>
      %dma_start3A_1569 = arith.constant 0 : i32
      %dma_start3A_1570 = tpu.memref_slice %arg5[%add3A_1423, %dma_start3A_1569, %mul3A_2] : memref<200x64x4096xf32, #tpu.memory_space<hbm>> -> memref<1x64x128xf32, #tpu.memory_space<hbm>>
      %dma_start3A_1571 = tpu.memref_squeeze %dma_start3A_1570 : memref<1x64x128xf32, #tpu.memory_space<hbm>> -> memref<64x128xf32, #tpu.memory_space<hbm>>
      %dma_start3A_1572 = tpu.memref_slice %arg13[%dma_start3A_1564] : memref<2x!tpu.dma_semaphore, #tpu.memory_space<semaphore_mem>> -> memref<1x!tpu.dma_semaphore, #tpu.memory_space<semaphore_mem>>
      %dma_start3A_1573 = tpu.memref_squeeze %dma_start3A_1572 : memref<1x!tpu.dma_semaphore, #tpu.memory_space<semaphore_mem>> -> memref<!tpu.dma_semaphore, #tpu.memory_space<semaphore_mem>>
      %dma_start3A_1574 = arith.constant 0 : i32
      %dma_start3A_1575 = tpu.memref_slice %arg5[%add3A_1423, %dma_start3A_1574, %mul3A_2] : memref<200x64x4096xf32, #tpu.memory_space<hbm>> -> memref<1x64x128xf32, #tpu.memory_space<hbm>>
      %dma_start3A_1576 = tpu.memref_squeeze %dma_start3A_1575 : memref<1x64x128xf32, #tpu.memory_space<hbm>> -> memref<64x128xf32, #tpu.memory_space<hbm>>
      %dma_start3A_1577 = arith.constant 0 : i32
      %dma_start3A_1578 = arith.constant 0 : i32
      %dma_start3A_1579 = tpu.memref_slice %arg9[%dma_start3A_1563, %dma_start3A_1577, %dma_start3A_1578] : memref<2x64x128xf32, #tpu.memory_space<vmem>> -> memref<1x64x128xf32, #tpu.memory_space<vmem>>
      %dma_start3A_1580 = tpu.memref_squeeze %dma_start3A_1579 : memref<1x64x128xf32, #tpu.memory_space<vmem>> -> memref<64x128xf32, #tpu.memory_space<vmem>>
      tpu.enqueue_dma source(%dma_start3A_1580 : memref<64x128xf32, #tpu.memory_space<vmem>>) target(%dma_start3A_1576 : memref<64x128xf32, #tpu.memory_space<hbm>>) target_semaphore(%dma_start3A_1573 : memref<!tpu.dma_semaphore, #tpu.memory_space<semaphore_mem>>)
      %add3A_1581 = arith.constant 2 : i32
      %add3A_1582 = arith.addi %mul3A_1263, %add3A_1581 : i32
      %add3A_1583 = arith.constant 2 : i32
      %add3A_1584 = arith.addi %add3A_1582, %add3A_1583 : i32
      %mul3A_1585 = arith.constant 32 : i32
      %mul3A_1586 = arith.muli %add3A_1584, %mul3A_1585 : i32
      %add3A_1587 = arith.addi %mul3A_1586, %add3A : i32
      %mul3A_1588 = arith.constant 32 : i32
      %mul3A_1589 = arith.muli %add3A_1584, %mul3A_1588 : i32
      %add3A_1590 = arith.addi %mul3A_1589, %add3A : i32
      %dma_wait3A_1591 = arith.constant 0 : i32
      %dma_wait3A_1592 = arith.constant 0 : i32
      %dma_wait3A_1593 = arith.constant 0 : i32
      %dma_wait3A_1594 = tpu.memref_slice %arg6[%dma_wait3A_1591, %dma_wait3A_1593] : memref<4x128xi32, #tpu.memory_space<vmem>> -> memref<1x128xi32, #tpu.memory_space<vmem>>
      %dma_wait3A_1595 = tpu.memref_squeeze %dma_wait3A_1594 : memref<1x128xi32, #tpu.memory_space<vmem>> -> memref<128xi32, #tpu.memory_space<vmem>>
      %dma_wait3A_1596 = arith.constant 0 : i32
      %dma_wait3A_1597 = tpu.memref_slice %arg3[%add3A_1587, %dma_wait3A_1596] : memref<6400x128xi32, #tpu.memory_space<hbm>> -> memref<1x128xi32, #tpu.memory_space<hbm>>
      %dma_wait3A_1598 = tpu.memref_squeeze %dma_wait3A_1597 : memref<1x128xi32, #tpu.memory_space<hbm>> -> memref<128xi32, #tpu.memory_space<hbm>>
      %dma_wait3A_1599 = tpu.memref_slice %arg10[%dma_wait3A_1592] : memref<4x!tpu.dma_semaphore, #tpu.memory_space<semaphore_mem>> -> memref<1x!tpu.dma_semaphore, #tpu.memory_space<semaphore_mem>>
      %dma_wait3A_1600 = tpu.memref_squeeze %dma_wait3A_1599 : memref<1x!tpu.dma_semaphore, #tpu.memory_space<semaphore_mem>> -> memref<!tpu.dma_semaphore, #tpu.memory_space<semaphore_mem>>
      %dma_wait3A_1601 = arith.constant 0 : i32
      %dma_wait3A_1602 = tpu.memref_slice %arg6[%dma_wait3A_1591, %dma_wait3A_1601] : memref<4x128xi32, #tpu.memory_space<vmem>> -> memref<1x128xi32, #tpu.memory_space<vmem>>
      %dma_wait3A_1603 = tpu.memref_squeeze %dma_wait3A_1602 : memref<1x128xi32, #tpu.memory_space<vmem>> -> memref<128xi32, #tpu.memory_space<vmem>>
      %dma_wait3A_1604 = arith.constant 0 : i32
      %dma_wait3A_1605 = tpu.memref_slice %arg3[%add3A_1587, %dma_wait3A_1604] : memref<6400x128xi32, #tpu.memory_space<hbm>> -> memref<1x128xi32, #tpu.memory_space<hbm>>
      %dma_wait3A_1606 = tpu.memref_squeeze %dma_wait3A_1605 : memref<1x128xi32, #tpu.memory_space<hbm>> -> memref<128xi32, #tpu.memory_space<hbm>>
      tpu.wait_dma2 semaphore(%dma_wait3A_1600 : memref<!tpu.dma_semaphore, #tpu.memory_space<semaphore_mem>>) src(%dma_wait3A_1606 : memref<128xi32, #tpu.memory_space<hbm>>) dst(%dma_wait3A_1603 : memref<128xi32, #tpu.memory_space<vmem>>)
      %dma_wait3A_1607 = arith.constant 0 : i32
      %dma_wait3A_1608 = arith.constant 0 : i32
      %dma_wait3A_1609 = arith.constant 0 : i32
      %dma_wait3A_1610 = tpu.memref_slice %arg7[%dma_wait3A_1607, %dma_wait3A_1609] : memref<4x128xi32, #tpu.memory_space<vmem>> -> memref<1x128xi32, #tpu.memory_space<vmem>>
      %dma_wait3A_1611 = tpu.memref_squeeze %dma_wait3A_1610 : memref<1x128xi32, #tpu.memory_space<vmem>> -> memref<128xi32, #tpu.memory_space<vmem>>
      %dma_wait3A_1612 = arith.constant 0 : i32
      %dma_wait3A_1613 = tpu.memref_slice %arg4[%add3A_1590, %dma_wait3A_1612] : memref<6400x128xi32, #tpu.memory_space<hbm>> -> memref<1x128xi32, #tpu.memory_space<hbm>>
      %dma_wait3A_1614 = tpu.memref_squeeze %dma_wait3A_1613 : memref<1x128xi32, #tpu.memory_space<hbm>> -> memref<128xi32, #tpu.memory_space<hbm>>
      %dma_wait3A_1615 = tpu.memref_slice %arg11[%dma_wait3A_1608] : memref<4x!tpu.dma_semaphore, #tpu.memory_space<semaphore_mem>> -> memref<1x!tpu.dma_semaphore, #tpu.memory_space<semaphore_mem>>
      %dma_wait3A_1616 = tpu.memref_squeeze %dma_wait3A_1615 : memref<1x!tpu.dma_semaphore, #tpu.memory_space<semaphore_mem>> -> memref<!tpu.dma_semaphore, #tpu.memory_space<semaphore_mem>>
      %dma_wait3A_1617 = arith.constant 0 : i32
      %dma_wait3A_1618 = tpu.memref_slice %arg7[%dma_wait3A_1607, %dma_wait3A_1617] : memref<4x128xi32, #tpu.memory_space<vmem>> -> memref<1x128xi32, #tpu.memory_space<vmem>>
      %dma_wait3A_1619 = tpu.memref_squeeze %dma_wait3A_1618 : memref<1x128xi32, #tpu.memory_space<vmem>> -> memref<128xi32, #tpu.memory_space<vmem>>
      %dma_wait3A_1620 = arith.constant 0 : i32
      %dma_wait3A_1621 = tpu.memref_slice %arg4[%add3A_1590, %dma_wait3A_1620] : memref<6400x128xi32, #tpu.memory_space<hbm>> -> memref<1x128xi32, #tpu.memory_space<hbm>>
      %dma_wait3A_1622 = tpu.memref_squeeze %dma_wait3A_1621 : memref<1x128xi32, #tpu.memory_space<hbm>> -> memref<128xi32, #tpu.memory_space<hbm>>
      tpu.wait_dma2 semaphore(%dma_wait3A_1616 : memref<!tpu.dma_semaphore, #tpu.memory_space<semaphore_mem>>) src(%dma_wait3A_1622 : memref<128xi32, #tpu.memory_space<hbm>>) dst(%dma_wait3A_1619 : memref<128xi32, #tpu.memory_space<vmem>>)
      %add3A_1623 = arith.constant 2 : i32
      %add3A_1624 = arith.addi %add3A_1582, %add3A_1623 : i32
      %dma_start3A_1625 = arith.constant 0 : i32
      %dma_start3A_1626 = arith.constant 0 : i32
      %dma_start3A_1627 = arith.constant 0 : i32
      %dma_start3A_1628 = arith.constant 0 : i32
      %dma_start3A_1629 = arith.constant 0 : i32
      %dma_start3A_1630 = tpu.memref_slice %arg8[%dma_start3A_1626, %dma_start3A_1628, %dma_start3A_1629] : memref<4x128x128xf32, #tpu.memory_space<vmem>> -> memref<1x128x128xf32, #tpu.memory_space<vmem>>
      %dma_start3A_1631 = tpu.memref_squeeze %dma_start3A_1630 : memref<1x128x128xf32, #tpu.memory_space<vmem>> -> memref<128x128xf32, #tpu.memory_space<vmem>>
      %dma_start3A_1632 = arith.constant 0 : i32
      %dma_start3A_1633 = tpu.memref_slice %arg6[%dma_start3A_1625, %dma_start3A_1632] : memref<4x128xi32, #tpu.memory_space<vmem>> -> memref<1x128xi32, #tpu.memory_space<vmem>>
      %dma_start3A_1634 = tpu.memref_squeeze %dma_start3A_1633 : memref<1x128xi32, #tpu.memory_space<vmem>> -> memref<128xi32, #tpu.memory_space<vmem>>
      %dma_start3A_1635 = arith.constant 0 : i32
      %dma_start3A_1636 = arith.constant 0 : i32
      %dma_start3A_1637 = tpu.memref_slice %arg2[%dma_start3A_1635, %dma_start3A_1636] : memref<503808x128xf32, #tpu.memory_space<hbm>> -> memref<503808x128xf32, #tpu.memory_space<hbm>>
      %dma_start3A_1638 = tpu.memref_slice %arg12[%dma_start3A_1627] : memref<4x!tpu.dma_semaphore, #tpu.memory_space<semaphore_mem>> -> memref<1x!tpu.dma_semaphore, #tpu.memory_space<semaphore_mem>>
      %dma_start3A_1639 = tpu.memref_squeeze %dma_start3A_1638 : memref<1x!tpu.dma_semaphore, #tpu.memory_space<semaphore_mem>> -> memref<!tpu.dma_semaphore, #tpu.memory_space<semaphore_mem>>
      tpu.enqueue_indirect_dma source(%dma_start3A_1637 : memref<503808x128xf32, #tpu.memory_space<hbm>>) target(%dma_start3A_1631 : memref<128x128xf32, #tpu.memory_space<vmem>>) offsets(%dma_start3A_1634 : memref<128xi32, #tpu.memory_space<vmem>>) semaphore(%dma_start3A_1639 : memref<!tpu.dma_semaphore, #tpu.memory_space<semaphore_mem>>)
      %add3A_1640 = arith.constant 2 : i32
      %add3A_1641 = arith.addi %add3A_1582, %add3A_1640 : i32
      %add3A_1642 = arith.constant 1 : i32
      %add3A_1643 = arith.addi %add3A_1641, %add3A_1642 : i32
      %mul3A_1644 = arith.constant 32 : i32
      %mul3A_1645 = arith.muli %add3A_1643, %mul3A_1644 : i32
      %add3A_1646 = arith.addi %mul3A_1645, %add3A : i32
      %mul3A_1647 = arith.constant 32 : i32
      %mul3A_1648 = arith.muli %add3A_1643, %mul3A_1647 : i32
      %add3A_1649 = arith.addi %mul3A_1648, %add3A : i32
      %dma_start3A_1650 = arith.constant 1 : i32
      %dma_start3A_1651 = arith.constant 1 : i32
      %dma_start3A_1652 = arith.constant 0 : i32
      %dma_start3A_1653 = tpu.memref_slice %arg6[%dma_start3A_1650, %dma_start3A_1652] : memref<4x128xi32, #tpu.memory_space<vmem>> -> memref<1x128xi32, #tpu.memory_space<vmem>>
      %dma_start3A_1654 = tpu.memref_squeeze %dma_start3A_1653 : memref<1x128xi32, #tpu.memory_space<vmem>> -> memref<128xi32, #tpu.memory_space<vmem>>
      %dma_start3A_1655 = arith.constant 0 : i32
      %dma_start3A_1656 = tpu.memref_slice %arg3[%add3A_1646, %dma_start3A_1655] : memref<6400x128xi32, #tpu.memory_space<hbm>> -> memref<1x128xi32, #tpu.memory_space<hbm>>
      %dma_start3A_1657 = tpu.memref_squeeze %dma_start3A_1656 : memref<1x128xi32, #tpu.memory_space<hbm>> -> memref<128xi32, #tpu.memory_space<hbm>>
      %dma_start3A_1658 = tpu.memref_slice %arg10[%dma_start3A_1651] : memref<4x!tpu.dma_semaphore, #tpu.memory_space<semaphore_mem>> -> memref<1x!tpu.dma_semaphore, #tpu.memory_space<semaphore_mem>>
      %dma_start3A_1659 = tpu.memref_squeeze %dma_start3A_1658 : memref<1x!tpu.dma_semaphore, #tpu.memory_space<semaphore_mem>> -> memref<!tpu.dma_semaphore, #tpu.memory_space<semaphore_mem>>
      %dma_start3A_1660 = arith.constant 0 : i32
      %dma_start3A_1661 = tpu.memref_slice %arg6[%dma_start3A_1650, %dma_start3A_1660] : memref<4x128xi32, #tpu.memory_space<vmem>> -> memref<1x128xi32, #tpu.memory_space<vmem>>
      %dma_start3A_1662 = tpu.memref_squeeze %dma_start3A_1661 : memref<1x128xi32, #tpu.memory_space<vmem>> -> memref<128xi32, #tpu.memory_space<vmem>>
      %dma_start3A_1663 = arith.constant 0 : i32
      %dma_start3A_1664 = tpu.memref_slice %arg3[%add3A_1646, %dma_start3A_1663] : memref<6400x128xi32, #tpu.memory_space<hbm>> -> memref<1x128xi32, #tpu.memory_space<hbm>>
      %dma_start3A_1665 = tpu.memref_squeeze %dma_start3A_1664 : memref<1x128xi32, #tpu.memory_space<hbm>> -> memref<128xi32, #tpu.memory_space<hbm>>
      tpu.enqueue_dma source(%dma_start3A_1665 : memref<128xi32, #tpu.memory_space<hbm>>) target(%dma_start3A_1662 : memref<128xi32, #tpu.memory_space<vmem>>) target_semaphore(%dma_start3A_1659 : memref<!tpu.dma_semaphore, #tpu.memory_space<semaphore_mem>>)
      %dma_start3A_1666 = arith.constant 1 : i32
      %dma_start3A_1667 = arith.constant 1 : i32
      %dma_start3A_1668 = arith.constant 0 : i32
      %dma_start3A_1669 = tpu.memref_slice %arg7[%dma_start3A_1666, %dma_start3A_1668] : memref<4x128xi32, #tpu.memory_space<vmem>> -> memref<1x128xi32, #tpu.memory_space<vmem>>
      %dma_start3A_1670 = tpu.memref_squeeze %dma_start3A_1669 : memref<1x128xi32, #tpu.memory_space<vmem>> -> memref<128xi32, #tpu.memory_space<vmem>>
      %dma_start3A_1671 = arith.constant 0 : i32
      %dma_start3A_1672 = tpu.memref_slice %arg4[%add3A_1649, %dma_start3A_1671] : memref<6400x128xi32, #tpu.memory_space<hbm>> -> memref<1x128xi32, #tpu.memory_space<hbm>>
      %dma_start3A_1673 = tpu.memref_squeeze %dma_start3A_1672 : memref<1x128xi32, #tpu.memory_space<hbm>> -> memref<128xi32, #tpu.memory_space<hbm>>
      %dma_start3A_1674 = tpu.memref_slice %arg11[%dma_start3A_1667] : memref<4x!tpu.dma_semaphore, #tpu.memory_space<semaphore_mem>> -> memref<1x!tpu.dma_semaphore, #tpu.memory_space<semaphore_mem>>
      %dma_start3A_1675 = tpu.memref_squeeze %dma_start3A_1674 : memref<1x!tpu.dma_semaphore, #tpu.memory_space<semaphore_mem>> -> memref<!tpu.dma_semaphore, #tpu.memory_space<semaphore_mem>>
      %dma_start3A_1676 = arith.constant 0 : i32
      %dma_start3A_1677 = tpu.memref_slice %arg7[%dma_start3A_1666, %dma_start3A_1676] : memref<4x128xi32, #tpu.memory_space<vmem>> -> memref<1x128xi32, #tpu.memory_space<vmem>>
      %dma_start3A_1678 = tpu.memref_squeeze %dma_start3A_1677 : memref<1x128xi32, #tpu.memory_space<vmem>> -> memref<128xi32, #tpu.memory_space<vmem>>
      %dma_start3A_1679 = arith.constant 0 : i32
      %dma_start3A_1680 = tpu.memref_slice %arg4[%add3A_1649, %dma_start3A_1679] : memref<6400x128xi32, #tpu.memory_space<hbm>> -> memref<1x128xi32, #tpu.memory_space<hbm>>
      %dma_start3A_1681 = tpu.memref_squeeze %dma_start3A_1680 : memref<1x128xi32, #tpu.memory_space<hbm>> -> memref<128xi32, #tpu.memory_space<hbm>>
      tpu.enqueue_dma source(%dma_start3A_1681 : memref<128xi32, #tpu.memory_space<hbm>>) target(%dma_start3A_1678 : memref<128xi32, #tpu.memory_space<vmem>>) target_semaphore(%dma_start3A_1675 : memref<!tpu.dma_semaphore, #tpu.memory_space<semaphore_mem>>)
      %dma_wait3A_1682 = arith.constant 2 : i32
      %dma_wait3A_1683 = arith.constant 2 : i32
      %dma_wait3A_1684 = arith.constant 2 : i32
      %dma_wait3A_1685 = arith.constant 0 : i32
      %dma_wait3A_1686 = arith.constant 0 : i32
      %dma_wait3A_1687 = tpu.memref_slice %arg8[%dma_wait3A_1683, %dma_wait3A_1685, %dma_wait3A_1686] : memref<4x128x128xf32, #tpu.memory_space<vmem>> -> memref<1x128x128xf32, #tpu.memory_space<vmem>>
      %dma_wait3A_1688 = tpu.memref_squeeze %dma_wait3A_1687 : memref<1x128x128xf32, #tpu.memory_space<vmem>> -> memref<128x128xf32, #tpu.memory_space<vmem>>
      %dma_wait3A_1689 = arith.constant 0 : i32
      %dma_wait3A_1690 = tpu.memref_slice %arg6[%dma_wait3A_1682, %dma_wait3A_1689] : memref<4x128xi32, #tpu.memory_space<vmem>> -> memref<1x128xi32, #tpu.memory_space<vmem>>
      %dma_wait3A_1691 = tpu.memref_squeeze %dma_wait3A_1690 : memref<1x128xi32, #tpu.memory_space<vmem>> -> memref<128xi32, #tpu.memory_space<vmem>>
      %dma_wait3A_1692 = arith.constant 0 : i32
      %dma_wait3A_1693 = arith.constant 0 : i32
      %dma_wait3A_1694 = tpu.memref_slice %arg2[%dma_wait3A_1692, %dma_wait3A_1693] : memref<503808x128xf32, #tpu.memory_space<hbm>> -> memref<503808x128xf32, #tpu.memory_space<hbm>>
      %dma_wait3A_1695 = tpu.memref_slice %arg12[%dma_wait3A_1684] : memref<4x!tpu.dma_semaphore, #tpu.memory_space<semaphore_mem>> -> memref<1x!tpu.dma_semaphore, #tpu.memory_space<semaphore_mem>>
      %dma_wait3A_1696 = tpu.memref_squeeze %dma_wait3A_1695 : memref<1x!tpu.dma_semaphore, #tpu.memory_space<semaphore_mem>> -> memref<!tpu.dma_semaphore, #tpu.memory_space<semaphore_mem>>
      tpu.wait_indirect_dma semaphore(%dma_wait3A_1696 : memref<!tpu.dma_semaphore, #tpu.memory_space<semaphore_mem>>) src(%dma_wait3A_1694 : memref<503808x128xf32, #tpu.memory_space<hbm>>) dst(%dma_wait3A_1688 : memref<128x128xf32, #tpu.memory_space<vmem>>)
      %sub3A_1697 = arith.constant 2 : i32
      %sub3A_1698 = arith.subi %add3A_1582, %sub3A_1697 : i32
      %dma_wait3A_1699 = arith.constant 0 : i32
      %dma_wait3A_1700 = arith.constant 0 : i32
      %dma_wait3A_1701 = arith.constant 0 : i32
      %dma_wait3A_1702 = arith.constant 0 : i32
      %dma_wait3A_1703 = tpu.memref_slice %arg9[%dma_wait3A_1699, %dma_wait3A_1701, %dma_wait3A_1702] : memref<2x64x128xf32, #tpu.memory_space<vmem>> -> memref<1x64x128xf32, #tpu.memory_space<vmem>>
      %dma_wait3A_1704 = tpu.memref_squeeze %dma_wait3A_1703 : memref<1x64x128xf32, #tpu.memory_space<vmem>> -> memref<64x128xf32, #tpu.memory_space<vmem>>
      %dma_wait3A_1705 = arith.constant 0 : i32
      %dma_wait3A_1706 = tpu.memref_slice %arg5[%sub3A_1698, %dma_wait3A_1705, %mul3A_2] : memref<200x64x4096xf32, #tpu.memory_space<hbm>> -> memref<1x64x128xf32, #tpu.memory_space<hbm>>
      %dma_wait3A_1707 = tpu.memref_squeeze %dma_wait3A_1706 : memref<1x64x128xf32, #tpu.memory_space<hbm>> -> memref<64x128xf32, #tpu.memory_space<hbm>>
      %dma_wait3A_1708 = tpu.memref_slice %arg13[%dma_wait3A_1700] : memref<2x!tpu.dma_semaphore, #tpu.memory_space<semaphore_mem>> -> memref<1x!tpu.dma_semaphore, #tpu.memory_space<semaphore_mem>>
      %dma_wait3A_1709 = tpu.memref_squeeze %dma_wait3A_1708 : memref<1x!tpu.dma_semaphore, #tpu.memory_space<semaphore_mem>> -> memref<!tpu.dma_semaphore, #tpu.memory_space<semaphore_mem>>
      %dma_wait3A_1710 = arith.constant 0 : i32
      %dma_wait3A_1711 = tpu.memref_slice %arg5[%sub3A_1698, %dma_wait3A_1710, %mul3A_2] : memref<200x64x4096xf32, #tpu.memory_space<hbm>> -> memref<1x64x128xf32, #tpu.memory_space<hbm>>
      %dma_wait3A_1712 = tpu.memref_squeeze %dma_wait3A_1711 : memref<1x64x128xf32, #tpu.memory_space<hbm>> -> memref<64x128xf32, #tpu.memory_space<hbm>>
      %dma_wait3A_1713 = arith.constant 0 : i32
      %dma_wait3A_1714 = arith.constant 0 : i32
      %dma_wait3A_1715 = tpu.memref_slice %arg9[%dma_wait3A_1699, %dma_wait3A_1713, %dma_wait3A_1714] : memref<2x64x128xf32, #tpu.memory_space<vmem>> -> memref<1x64x128xf32, #tpu.memory_space<vmem>>
      %dma_wait3A_1716 = tpu.memref_squeeze %dma_wait3A_1715 : memref<1x64x128xf32, #tpu.memory_space<vmem>> -> memref<64x128xf32, #tpu.memory_space<vmem>>
      tpu.wait_dma2 semaphore(%dma_wait3A_1709 : memref<!tpu.dma_semaphore, #tpu.memory_space<semaphore_mem>>) src(%dma_wait3A_1716 : memref<64x128xf32, #tpu.memory_space<vmem>>) dst(%dma_wait3A_1712 : memref<64x128xf32, #tpu.memory_space<hbm>>)
      %parallel_loop3A_1717 = arith.constant 0 : i32
      %parallel_loop3A_1718 = arith.constant 128 : i32
      %parallel_loop3A_1719 = arith.constant 1 : i32
      %parallel_loop3A_1720 = arith.constant 2 : i32
      %parallel_loop3A_1721 = arith.constant 0 : i32
      scf.for %parallel_loop3A_1899 = %parallel_loop3A_1717 to %parallel_loop3A_1718 step %parallel_loop3A_1719  : i32 {
        %parallel_loop3A_1900 = arith.constant -16 : i32
        %parallel_loop3A_1901 = arith.andi %parallel_loop3A_1899, %parallel_loop3A_1900 : i32
        %parallel_loop3A_1902 = vector.broadcast %parallel_loop3A_1901 : i32 to vector<16xi32>
        %parallel_loop3A_1903 = arith.addi %iota3A, %parallel_loop3A_1902 : vector<16xi32>
        %parallel_loop3A_1904 = arith.constant 2 : i32
        %parallel_loop3A_1905 = arith.index_cast %parallel_loop3A_1904 : i32 to index
        %parallel_loop3A_1906 = arith.index_cast %parallel_loop3A_1901 : i32 to index
        %parallel_loop3A_1907 = tpu.vector_load %arg7[%parallel_loop3A_1905, %parallel_loop3A_1906] {strides = array<i32>} : memref<4x128xi32, #tpu.memory_space<vmem>>, vector<16xi32>,
        %parallel_loop3A_1908 = arith.constant 15 : i32
        %parallel_loop3A_1909 = arith.andi %parallel_loop3A_1899, %parallel_loop3A_1908 : i32
        %parallel_loop3A_1910 = vector.broadcast %parallel_loop3A_1909 : i32 to vector<16xi32>
        %parallel_loop3A_1911 = arith.addi %iota3A, %parallel_loop3A_1910 : vector<16xi32>
        %parallel_loop3A_1912 = arith.constant 15 : i32
        %parallel_loop3A_1913 = vector.broadcast %parallel_loop3A_1912 : i32 to vector<16xi32>
        %parallel_loop3A_1914 = arith.andi %parallel_loop3A_1911, %parallel_loop3A_1913 : vector<16xi32>
        %parallel_loop3A_1915 = arith.addi %parallel_loop3A_1914, %parallel_loop3A_1907 : vector<16xi32>
        %parallel_loop3A_1916 = arith.constant 0 : i32
        %parallel_loop3A_1917 = vector.broadcast %parallel_loop3A_1916 : i32 to vector<16xi32>
        %parallel_loop3A_1918 = arith.addi %parallel_loop3A_1915, %parallel_loop3A_1917 : vector<16xi32>
        %parallel_loop3A_1919 = arith.constant 0 : i32
        %parallel_loop3A_1920 = arith.constant 0 : i32
        %parallel_loop3A_1921 = tpu.memref_slice %arg8[%parallel_loop3A_1720, %parallel_loop3A_1919, %parallel_loop3A_1920] : memref<4x128x128xf32, #tpu.memory_space<vmem>> -> memref<1x128x128xf32, #tpu.memory_space<vmem>>
        %parallel_loop3A_1922 = tpu.memref_squeeze %parallel_loop3A_1921 : memref<1x128x128xf32, #tpu.memory_space<vmem>> -> memref<128x128xf32, #tpu.memory_space<vmem>>
        %parallel_loop3A_1923 = tpu.vector_load_idx %parallel_loop3A_1922[%parallel_loop3A_1903, %parallel_loop3A_1918] : memref<128x128xf32, #tpu.memory_space<vmem>>[vector<16xi32>, vector<16xi32>], vector<16xf32>,
        %parallel_loop3A_1924 = arith.subi %parallel_loop3A_1918, %parallel_loop3A_1907 : vector<16xi32>
        %parallel_loop3A_1925 = arith.constant 0 : i32
        %parallel_loop3A_1926 = arith.constant 0 : i32
        %parallel_loop3A_1927 = tpu.memref_slice %arg9[%parallel_loop3A_1721, %parallel_loop3A_1925, %parallel_loop3A_1926] : memref<2x64x128xf32, #tpu.memory_space<vmem>> -> memref<1x64x128xf32, #tpu.memory_space<vmem>>
        %parallel_loop3A_1928 = tpu.memref_squeeze %parallel_loop3A_1927 : memref<1x64x128xf32, #tpu.memory_space<vmem>> -> memref<64x128xf32, #tpu.memory_space<vmem>>
        tpu.vector_store_idx %parallel_loop3A_1928[%parallel_loop3A_1924, %parallel_loop3A_1903], %parallel_loop3A_1923 : memref<64x128xf32, #tpu.memory_space<vmem>>[vector<16xi32>, vector<16xi32>], vector<16xf32>,
        %parallel_loop3A_1929 = arith.constant 16 : i32
        %parallel_loop3A_1930 = vector.broadcast %parallel_loop3A_1929 : i32 to vector<16xi32>
        %parallel_loop3A_1931 = arith.addi %parallel_loop3A_1915, %parallel_loop3A_1930 : vector<16xi32>
        %parallel_loop3A_1932 = arith.constant 0 : i32
        %parallel_loop3A_1933 = arith.constant 0 : i32
        %parallel_loop3A_1934 = tpu.memref_slice %arg8[%parallel_loop3A_1720, %parallel_loop3A_1932, %parallel_loop3A_1933] : memref<4x128x128xf32, #tpu.memory_space<vmem>> -> memref<1x128x128xf32, #tpu.memory_space<vmem>>
        %parallel_loop3A_1935 = tpu.memref_squeeze %parallel_loop3A_1934 : memref<1x128x128xf32, #tpu.memory_space<vmem>> -> memref<128x128xf32, #tpu.memory_space<vmem>>
        %parallel_loop3A_1936 = tpu.vector_load_idx %parallel_loop3A_1935[%parallel_loop3A_1903, %parallel_loop3A_1931] : memref<128x128xf32, #tpu.memory_space<vmem>>[vector<16xi32>, vector<16xi32>], vector<16xf32>,
        %parallel_loop3A_1937 = arith.subi %parallel_loop3A_1931, %parallel_loop3A_1907 : vector<16xi32>
        %parallel_loop3A_1938 = arith.constant 0 : i32
        %parallel_loop3A_1939 = arith.constant 0 : i32
        %parallel_loop3A_1940 = tpu.memref_slice %arg9[%parallel_loop3A_1721, %parallel_loop3A_1938, %parallel_loop3A_1939] : memref<2x64x128xf32, #tpu.memory_space<vmem>> -> memref<1x64x128xf32, #tpu.memory_space<vmem>>
        %parallel_loop3A_1941 = tpu.memref_squeeze %parallel_loop3A_1940 : memref<1x64x128xf32, #tpu.memory_space<vmem>> -> memref<64x128xf32, #tpu.memory_space<vmem>>
        tpu.vector_store_idx %parallel_loop3A_1941[%parallel_loop3A_1937, %parallel_loop3A_1903], %parallel_loop3A_1936 : memref<64x128xf32, #tpu.memory_space<vmem>>[vector<16xi32>, vector<16xi32>], vector<16xf32>,
        %parallel_loop3A_1942 = arith.constant 32 : i32
        %parallel_loop3A_1943 = vector.broadcast %parallel_loop3A_1942 : i32 to vector<16xi32>
        %parallel_loop3A_1944 = arith.addi %parallel_loop3A_1915, %parallel_loop3A_1943 : vector<16xi32>
        %parallel_loop3A_1945 = arith.constant 0 : i32
        %parallel_loop3A_1946 = arith.constant 0 : i32
        %parallel_loop3A_1947 = tpu.memref_slice %arg8[%parallel_loop3A_1720, %parallel_loop3A_1945, %parallel_loop3A_1946] : memref<4x128x128xf32, #tpu.memory_space<vmem>> -> memref<1x128x128xf32, #tpu.memory_space<vmem>>
        %parallel_loop3A_1948 = tpu.memref_squeeze %parallel_loop3A_1947 : memref<1x128x128xf32, #tpu.memory_space<vmem>> -> memref<128x128xf32, #tpu.memory_space<vmem>>
        %parallel_loop3A_1949 = tpu.vector_load_idx %parallel_loop3A_1948[%parallel_loop3A_1903, %parallel_loop3A_1944] : memref<128x128xf32, #tpu.memory_space<vmem>>[vector<16xi32>, vector<16xi32>], vector<16xf32>,
        %parallel_loop3A_1950 = arith.subi %parallel_loop3A_1944, %parallel_loop3A_1907 : vector<16xi32>
        %parallel_loop3A_1951 = arith.constant 0 : i32
        %parallel_loop3A_1952 = arith.constant 0 : i32
        %parallel_loop3A_1953 = tpu.memref_slice %arg9[%parallel_loop3A_1721, %parallel_loop3A_1951, %parallel_loop3A_1952] : memref<2x64x128xf32, #tpu.memory_space<vmem>> -> memref<1x64x128xf32, #tpu.memory_space<vmem>>
        %parallel_loop3A_1954 = tpu.memref_squeeze %parallel_loop3A_1953 : memref<1x64x128xf32, #tpu.memory_space<vmem>> -> memref<64x128xf32, #tpu.memory_space<vmem>>
        tpu.vector_store_idx %parallel_loop3A_1954[%parallel_loop3A_1950, %parallel_loop3A_1903], %parallel_loop3A_1949 : memref<64x128xf32, #tpu.memory_space<vmem>>[vector<16xi32>, vector<16xi32>], vector<16xf32>,
        %parallel_loop3A_1955 = arith.constant 48 : i32
        %parallel_loop3A_1956 = vector.broadcast %parallel_loop3A_1955 : i32 to vector<16xi32>
        %parallel_loop3A_1957 = arith.addi %parallel_loop3A_1915, %parallel_loop3A_1956 : vector<16xi32>
        %parallel_loop3A_1958 = arith.constant 0 : i32
        %parallel_loop3A_1959 = arith.constant 0 : i32
        %parallel_loop3A_1960 = tpu.memref_slice %arg8[%parallel_loop3A_1720, %parallel_loop3A_1958, %parallel_loop3A_1959] : memref<4x128x128xf32, #tpu.memory_space<vmem>> -> memref<1x128x128xf32, #tpu.memory_space<vmem>>
        %parallel_loop3A_1961 = tpu.memref_squeeze %parallel_loop3A_1960 : memref<1x128x128xf32, #tpu.memory_space<vmem>> -> memref<128x128xf32, #tpu.memory_space<vmem>>
        %parallel_loop3A_1962 = tpu.vector_load_idx %parallel_loop3A_1961[%parallel_loop3A_1903, %parallel_loop3A_1957] : memref<128x128xf32, #tpu.memory_space<vmem>>[vector<16xi32>, vector<16xi32>], vector<16xf32>,
        %parallel_loop3A_1963 = arith.subi %parallel_loop3A_1957, %parallel_loop3A_1907 : vector<16xi32>
        %parallel_loop3A_1964 = arith.constant 0 : i32
        %parallel_loop3A_1965 = arith.constant 0 : i32
        %parallel_loop3A_1966 = tpu.memref_slice %arg9[%parallel_loop3A_1721, %parallel_loop3A_1964, %parallel_loop3A_1965] : memref<2x64x128xf32, #tpu.memory_space<vmem>> -> memref<1x64x128xf32, #tpu.memory_space<vmem>>
        %parallel_loop3A_1967 = tpu.memref_squeeze %parallel_loop3A_1966 : memref<1x64x128xf32, #tpu.memory_space<vmem>> -> memref<64x128xf32, #tpu.memory_space<vmem>>
        tpu.vector_store_idx %parallel_loop3A_1967[%parallel_loop3A_1963, %parallel_loop3A_1903], %parallel_loop3A_1962 : memref<64x128xf32, #tpu.memory_space<vmem>>[vector<16xi32>, vector<16xi32>], vector<16xf32>,
      } {sc.loop_unroll_factor = 2 : i64, sc.parallel_access}
      %dma_start3A_1722 = arith.constant 0 : i32
      %dma_start3A_1723 = arith.constant 0 : i32
      %dma_start3A_1724 = arith.constant 0 : i32
      %dma_start3A_1725 = arith.constant 0 : i32
      %dma_start3A_1726 = tpu.memref_slice %arg9[%dma_start3A_1722, %dma_start3A_1724, %dma_start3A_1725] : memref<2x64x128xf32, #tpu.memory_space<vmem>> -> memref<1x64x128xf32, #tpu.memory_space<vmem>>
      %dma_start3A_1727 = tpu.memref_squeeze %dma_start3A_1726 : memref<1x64x128xf32, #tpu.memory_space<vmem>> -> memref<64x128xf32, #tpu.memory_space<vmem>>
      %dma_start3A_1728 = arith.constant 0 : i32
      %dma_start3A_1729 = tpu.memref_slice %arg5[%add3A_1582, %dma_start3A_1728, %mul3A_2] : memref<200x64x4096xf32, #tpu.memory_space<hbm>> -> memref<1x64x128xf32, #tpu.memory_space<hbm>>
      %dma_start3A_1730 = tpu.memref_squeeze %dma_start3A_1729 : memref<1x64x128xf32, #tpu.memory_space<hbm>> -> memref<64x128xf32, #tpu.memory_space<hbm>>
      %dma_start3A_1731 = tpu.memref_slice %arg13[%dma_start3A_1723] : memref<2x!tpu.dma_semaphore, #tpu.memory_space<semaphore_mem>> -> memref<1x!tpu.dma_semaphore, #tpu.memory_space<semaphore_mem>>
      %dma_start3A_1732 = tpu.memref_squeeze %dma_start3A_1731 : memref<1x!tpu.dma_semaphore, #tpu.memory_space<semaphore_mem>> -> memref<!tpu.dma_semaphore, #tpu.memory_space<semaphore_mem>>
      %dma_start3A_1733 = arith.constant 0 : i32
      %dma_start3A_1734 = tpu.memref_slice %arg5[%add3A_1582, %dma_start3A_1733, %mul3A_2] : memref<200x64x4096xf32, #tpu.memory_space<hbm>> -> memref<1x64x128xf32, #tpu.memory_space<hbm>>
      %dma_start3A_1735 = tpu.memref_squeeze %dma_start3A_1734 : memref<1x64x128xf32, #tpu.memory_space<hbm>> -> memref<64x128xf32, #tpu.memory_space<hbm>>
      %dma_start3A_1736 = arith.constant 0 : i32
      %dma_start3A_1737 = arith.constant 0 : i32
      %dma_start3A_1738 = tpu.memref_slice %arg9[%dma_start3A_1722, %dma_start3A_1736, %dma_start3A_1737] : memref<2x64x128xf32, #tpu.memory_space<vmem>> -> memref<1x64x128xf32, #tpu.memory_space<vmem>>
      %dma_start3A_1739 = tpu.memref_squeeze %dma_start3A_1738 : memref<1x64x128xf32, #tpu.memory_space<vmem>> -> memref<64x128xf32, #tpu.memory_space<vmem>>
      tpu.enqueue_dma source(%dma_start3A_1739 : memref<64x128xf32, #tpu.memory_space<vmem>>) target(%dma_start3A_1735 : memref<64x128xf32, #tpu.memory_space<hbm>>) target_semaphore(%dma_start3A_1732 : memref<!tpu.dma_semaphore, #tpu.memory_space<semaphore_mem>>)
      %add3A_1740 = arith.constant 3 : i32
      %add3A_1741 = arith.addi %mul3A_1263, %add3A_1740 : i32
      %add3A_1742 = arith.constant 2 : i32
      %add3A_1743 = arith.addi %add3A_1741, %add3A_1742 : i32
      %mul3A_1744 = arith.constant 32 : i32
      %mul3A_1745 = arith.muli %add3A_1743, %mul3A_1744 : i32
      %add3A_1746 = arith.addi %mul3A_1745, %add3A : i32
      %mul3A_1747 = arith.constant 32 : i32
      %mul3A_1748 = arith.muli %add3A_1743, %mul3A_1747 : i32
      %add3A_1749 = arith.addi %mul3A_1748, %add3A : i32
      %dma_wait3A_1750 = arith.constant 1 : i32
      %dma_wait3A_1751 = arith.constant 1 : i32
      %dma_wait3A_1752 = arith.constant 0 : i32
      %dma_wait3A_1753 = tpu.memref_slice %arg6[%dma_wait3A_1750, %dma_wait3A_1752] : memref<4x128xi32, #tpu.memory_space<vmem>> -> memref<1x128xi32, #tpu.memory_space<vmem>>
      %dma_wait3A_1754 = tpu.memref_squeeze %dma_wait3A_1753 : memref<1x128xi32, #tpu.memory_space<vmem>> -> memref<128xi32, #tpu.memory_space<vmem>>
      %dma_wait3A_1755 = arith.constant 0 : i32
      %dma_wait3A_1756 = tpu.memref_slice %arg3[%add3A_1746, %dma_wait3A_1755] : memref<6400x128xi32, #tpu.memory_space<hbm>> -> memref<1x128xi32, #tpu.memory_space<hbm>>
      %dma_wait3A_1757 = tpu.memref_squeeze %dma_wait3A_1756 : memref<1x128xi32, #tpu.memory_space<hbm>> -> memref<128xi32, #tpu.memory_space<hbm>>
      %dma_wait3A_1758 = tpu.memref_slice %arg10[%dma_wait3A_1751] : memref<4x!tpu.dma_semaphore, #tpu.memory_space<semaphore_mem>> -> memref<1x!tpu.dma_semaphore, #tpu.memory_space<semaphore_mem>>
      %dma_wait3A_1759 = tpu.memref_squeeze %dma_wait3A_1758 : memref<1x!tpu.dma_semaphore, #tpu.memory_space<semaphore_mem>> -> memref<!tpu.dma_semaphore, #tpu.memory_space<semaphore_mem>>
      %dma_wait3A_1760 = arith.constant 0 : i32
      %dma_wait3A_1761 = tpu.memref_slice %arg6[%dma_wait3A_1750, %dma_wait3A_1760] : memref<4x128xi32, #tpu.memory_space<vmem>> -> memref<1x128xi32, #tpu.memory_space<vmem>>
      %dma_wait3A_1762 = tpu.memref_squeeze %dma_wait3A_1761 : memref<1x128xi32, #tpu.memory_space<vmem>> -> memref<128xi32, #tpu.memory_space<vmem>>
      %dma_wait3A_1763 = arith.constant 0 : i32
      %dma_wait3A_1764 = tpu.memref_slice %arg3[%add3A_1746, %dma_wait3A_1763] : memref<6400x128xi32, #tpu.memory_space<hbm>> -> memref<1x128xi32, #tpu.memory_space<hbm>>
      %dma_wait3A_1765 = tpu.memref_squeeze %dma_wait3A_1764 : memref<1x128xi32, #tpu.memory_space<hbm>> -> memref<128xi32, #tpu.memory_space<hbm>>
      tpu.wait_dma2 semaphore(%dma_wait3A_1759 : memref<!tpu.dma_semaphore, #tpu.memory_space<semaphore_mem>>) src(%dma_wait3A_1765 : memref<128xi32, #tpu.memory_space<hbm>>) dst(%dma_wait3A_1762 : memref<128xi32, #tpu.memory_space<vmem>>)
      %dma_wait3A_1766 = arith.constant 1 : i32
      %dma_wait3A_1767 = arith.constant 1 : i32
      %dma_wait3A_1768 = arith.constant 0 : i32
      %dma_wait3A_1769 = tpu.memref_slice %arg7[%dma_wait3A_1766, %dma_wait3A_1768] : memref<4x128xi32, #tpu.memory_space<vmem>> -> memref<1x128xi32, #tpu.memory_space<vmem>>
      %dma_wait3A_1770 = tpu.memref_squeeze %dma_wait3A_1769 : memref<1x128xi32, #tpu.memory_space<vmem>> -> memref<128xi32, #tpu.memory_space<vmem>>
      %dma_wait3A_1771 = arith.constant 0 : i32
      %dma_wait3A_1772 = tpu.memref_slice %arg4[%add3A_1749, %dma_wait3A_1771] : memref<6400x128xi32, #tpu.memory_space<hbm>> -> memref<1x128xi32, #tpu.memory_space<hbm>>
      %dma_wait3A_1773 = tpu.memref_squeeze %dma_wait3A_1772 : memref<1x128xi32, #tpu.memory_space<hbm>> -> memref<128xi32, #tpu.memory_space<hbm>>
      %dma_wait3A_1774 = tpu.memref_slice %arg11[%dma_wait3A_1767] : memref<4x!tpu.dma_semaphore, #tpu.memory_space<semaphore_mem>> -> memref<1x!tpu.dma_semaphore, #tpu.memory_space<semaphore_mem>>
      %dma_wait3A_1775 = tpu.memref_squeeze %dma_wait3A_1774 : memref<1x!tpu.dma_semaphore, #tpu.memory_space<semaphore_mem>> -> memref<!tpu.dma_semaphore, #tpu.memory_space<semaphore_mem>>
      %dma_wait3A_1776 = arith.constant 0 : i32
      %dma_wait3A_1777 = tpu.memref_slice %arg7[%dma_wait3A_1766, %dma_wait3A_1776] : memref<4x128xi32, #tpu.memory_space<vmem>> -> memref<1x128xi32, #tpu.memory_space<vmem>>
      %dma_wait3A_1778 = tpu.memref_squeeze %dma_wait3A_1777 : memref<1x128xi32, #tpu.memory_space<vmem>> -> memref<128xi32, #tpu.memory_space<vmem>>
      %dma_wait3A_1779 = arith.constant 0 : i32
      %dma_wait3A_1780 = tpu.memref_slice %arg4[%add3A_1749, %dma_wait3A_1779] : memref<6400x128xi32, #tpu.memory_space<hbm>> -> memref<1x128xi32, #tpu.memory_space<hbm>>
      %dma_wait3A_1781 = tpu.memref_squeeze %dma_wait3A_1780 : memref<1x128xi32, #tpu.memory_space<hbm>> -> memref<128xi32, #tpu.memory_space<hbm>>
      tpu.wait_dma2 semaphore(%dma_wait3A_1775 : memref<!tpu.dma_semaphore, #tpu.memory_space<semaphore_mem>>) src(%dma_wait3A_1781 : memref<128xi32, #tpu.memory_space<hbm>>) dst(%dma_wait3A_1778 : memref<128xi32, #tpu.memory_space<vmem>>)
      %add3A_1782 = arith.constant 2 : i32
      %add3A_1783 = arith.addi %add3A_1741, %add3A_1782 : i32
      %dma_start3A_1784 = arith.constant 1 : i32
      %dma_start3A_1785 = arith.constant 1 : i32
      %dma_start3A_1786 = arith.constant 1 : i32
      %dma_start3A_1787 = arith.constant 0 : i32
      %dma_start3A_1788 = arith.constant 0 : i32
      %dma_start3A_1789 = tpu.memref_slice %arg8[%dma_start3A_1785, %dma_start3A_1787, %dma_start3A_1788] : memref<4x128x128xf32, #tpu.memory_space<vmem>> -> memref<1x128x128xf32, #tpu.memory_space<vmem>>
      %dma_start3A_1790 = tpu.memref_squeeze %dma_start3A_1789 : memref<1x128x128xf32, #tpu.memory_space<vmem>> -> memref<128x128xf32, #tpu.memory_space<vmem>>
      %dma_start3A_1791 = arith.constant 0 : i32
      %dma_start3A_1792 = tpu.memref_slice %arg6[%dma_start3A_1784, %dma_start3A_1791] : memref<4x128xi32, #tpu.memory_space<vmem>> -> memref<1x128xi32, #tpu.memory_space<vmem>>
      %dma_start3A_1793 = tpu.memref_squeeze %dma_start3A_1792 : memref<1x128xi32, #tpu.memory_space<vmem>> -> memref<128xi32, #tpu.memory_space<vmem>>
      %dma_start3A_1794 = arith.constant 0 : i32
      %dma_start3A_1795 = arith.constant 0 : i32
      %dma_start3A_1796 = tpu.memref_slice %arg2[%dma_start3A_1794, %dma_start3A_1795] : memref<503808x128xf32, #tpu.memory_space<hbm>> -> memref<503808x128xf32, #tpu.memory_space<hbm>>
      %dma_start3A_1797 = tpu.memref_slice %arg12[%dma_start3A_1786] : memref<4x!tpu.dma_semaphore, #tpu.memory_space<semaphore_mem>> -> memref<1x!tpu.dma_semaphore, #tpu.memory_space<semaphore_mem>>
      %dma_start3A_1798 = tpu.memref_squeeze %dma_start3A_1797 : memref<1x!tpu.dma_semaphore, #tpu.memory_space<semaphore_mem>> -> memref<!tpu.dma_semaphore, #tpu.memory_space<semaphore_mem>>
      tpu.enqueue_indirect_dma source(%dma_start3A_1796 : memref<503808x128xf32, #tpu.memory_space<hbm>>) target(%dma_start3A_1790 : memref<128x128xf32, #tpu.memory_space<vmem>>) offsets(%dma_start3A_1793 : memref<128xi32, #tpu.memory_space<vmem>>) semaphore(%dma_start3A_1798 : memref<!tpu.dma_semaphore, #tpu.memory_space<semaphore_mem>>)
      %add3A_1799 = arith.constant 2 : i32
      %add3A_1800 = arith.addi %add3A_1741, %add3A_1799 : i32
      %add3A_1801 = arith.constant 1 : i32
      %add3A_1802 = arith.addi %add3A_1800, %add3A_1801 : i32
      %mul3A_1803 = arith.constant 32 : i32
      %mul3A_1804 = arith.muli %add3A_1802, %mul3A_1803 : i32
      %add3A_1805 = arith.addi %mul3A_1804, %add3A : i32
      %mul3A_1806 = arith.constant 32 : i32
      %mul3A_1807 = arith.muli %add3A_1802, %mul3A_1806 : i32
      %add3A_1808 = arith.addi %mul3A_1807, %add3A : i32
      %dma_start3A_1809 = arith.constant 2 : i32
      %dma_start3A_1810 = arith.constant 2 : i32
      %dma_start3A_1811 = arith.constant 0 : i32
      %dma_start3A_1812 = tpu.memref_slice %arg6[%dma_start3A_1809, %dma_start3A_1811] : memref<4x128xi32, #tpu.memory_space<vmem>> -> memref<1x128xi32, #tpu.memory_space<vmem>>
      %dma_start3A_1813 = tpu.memref_squeeze %dma_start3A_1812 : memref<1x128xi32, #tpu.memory_space<vmem>> -> memref<128xi32, #tpu.memory_space<vmem>>
      %dma_start3A_1814 = arith.constant 0 : i32
      %dma_start3A_1815 = tpu.memref_slice %arg3[%add3A_1805, %dma_start3A_1814] : memref<6400x128xi32, #tpu.memory_space<hbm>> -> memref<1x128xi32, #tpu.memory_space<hbm>>
      %dma_start3A_1816 = tpu.memref_squeeze %dma_start3A_1815 : memref<1x128xi32, #tpu.memory_space<hbm>> -> memref<128xi32, #tpu.memory_space<hbm>>
      %dma_start3A_1817 = tpu.memref_slice %arg10[%dma_start3A_1810] : memref<4x!tpu.dma_semaphore, #tpu.memory_space<semaphore_mem>> -> memref<1x!tpu.dma_semaphore, #tpu.memory_space<semaphore_mem>>
      %dma_start3A_1818 = tpu.memref_squeeze %dma_start3A_1817 : memref<1x!tpu.dma_semaphore, #tpu.memory_space<semaphore_mem>> -> memref<!tpu.dma_semaphore, #tpu.memory_space<semaphore_mem>>
      %dma_start3A_1819 = arith.constant 0 : i32
      %dma_start3A_1820 = tpu.memref_slice %arg6[%dma_start3A_1809, %dma_start3A_1819] : memref<4x128xi32, #tpu.memory_space<vmem>> -> memref<1x128xi32, #tpu.memory_space<vmem>>
      %dma_start3A_1821 = tpu.memref_squeeze %dma_start3A_1820 : memref<1x128xi32, #tpu.memory_space<vmem>> -> memref<128xi32, #tpu.memory_space<vmem>>
      %dma_start3A_1822 = arith.constant 0 : i32
      %dma_start3A_1823 = tpu.memref_slice %arg3[%add3A_1805, %dma_start3A_1822] : memref<6400x128xi32, #tpu.memory_space<hbm>> -> memref<1x128xi32, #tpu.memory_space<hbm>>
      %dma_start3A_1824 = tpu.memref_squeeze %dma_start3A_1823 : memref<1x128xi32, #tpu.memory_space<hbm>> -> memref<128xi32, #tpu.memory_space<hbm>>
      tpu.enqueue_dma source(%dma_start3A_1824 : memref<128xi32, #tpu.memory_space<hbm>>) target(%dma_start3A_1821 : memref<128xi32, #tpu.memory_space<vmem>>) target_semaphore(%dma_start3A_1818 : memref<!tpu.dma_semaphore, #tpu.memory_space<semaphore_mem>>)
      %dma_start3A_1825 = arith.constant 2 : i32
      %dma_start3A_1826 = arith.constant 2 : i32
      %dma_start3A_1827 = arith.constant 0 : i32
      %dma_start3A_1828 = tpu.memref_slice %arg7[%dma_start3A_1825, %dma_start3A_1827] : memref<4x128xi32, #tpu.memory_space<vmem>> -> memref<1x128xi32, #tpu.memory_space<vmem>>
      %dma_start3A_1829 = tpu.memref_squeeze %dma_start3A_1828 : memref<1x128xi32, #tpu.memory_space<vmem>> -> memref<128xi32, #tpu.memory_space<vmem>>
      %dma_start3A_1830 = arith.constant 0 : i32
      %dma_start3A_1831 = tpu.memref_slice %arg4[%add3A_1808, %dma_start3A_1830] : memref<6400x128xi32, #tpu.memory_space<hbm>> -> memref<1x128xi32, #tpu.memory_space<hbm>>
      %dma_start3A_1832 = tpu.memref_squeeze %dma_start3A_1831 : memref<1x128xi32, #tpu.memory_space<hbm>> -> memref<128xi32, #tpu.memory_space<hbm>>
      %dma_start3A_1833 = tpu.memref_slice %arg11[%dma_start3A_1826] : memref<4x!tpu.dma_semaphore, #tpu.memory_space<semaphore_mem>> -> memref<1x!tpu.dma_semaphore, #tpu.memory_space<semaphore_mem>>
      %dma_start3A_1834 = tpu.memref_squeeze %dma_start3A_1833 : memref<1x!tpu.dma_semaphore, #tpu.memory_space<semaphore_mem>> -> memref<!tpu.dma_semaphore, #tpu.memory_space<semaphore_mem>>
      %dma_start3A_1835 = arith.constant 0 : i32
      %dma_start3A_1836 = tpu.memref_slice %arg7[%dma_start3A_1825, %dma_start3A_1835] : memref<4x128xi32, #tpu.memory_space<vmem>> -> memref<1x128xi32, #tpu.memory_space<vmem>>
      %dma_start3A_1837 = tpu.memref_squeeze %dma_start3A_1836 : memref<1x128xi32, #tpu.memory_space<vmem>> -> memref<128xi32, #tpu.memory_space<vmem>>
      %dma_start3A_1838 = arith.constant 0 : i32
      %dma_start3A_1839 = tpu.memref_slice %arg4[%add3A_1808, %dma_start3A_1838] : memref<6400x128xi32, #tpu.memory_space<hbm>> -> memref<1x128xi32, #tpu.memory_space<hbm>>
      %dma_start3A_1840 = tpu.memref_squeeze %dma_start3A_1839 : memref<1x128xi32, #tpu.memory_space<hbm>> -> memref<128xi32, #tpu.memory_space<hbm>>
      tpu.enqueue_dma source(%dma_start3A_1840 : memref<128xi32, #tpu.memory_space<hbm>>) target(%dma_start3A_1837 : memref<128xi32, #tpu.memory_space<vmem>>) target_semaphore(%dma_start3A_1834 : memref<!tpu.dma_semaphore, #tpu.memory_space<semaphore_mem>>)
      %dma_wait3A_1841 = arith.constant 3 : i32
      %dma_wait3A_1842 = arith.constant 3 : i32
      %dma_wait3A_1843 = arith.constant 3 : i32
      %dma_wait3A_1844 = arith.constant 0 : i32
      %dma_wait3A_1845 = arith.constant 0 : i32
      %dma_wait3A_1846 = tpu.memref_slice %arg8[%dma_wait3A_1842, %dma_wait3A_1844, %dma_wait3A_1845] : memref<4x128x128xf32, #tpu.memory_space<vmem>> -> memref<1x128x128xf32, #tpu.memory_space<vmem>>
      %dma_wait3A_1847 = tpu.memref_squeeze %dma_wait3A_1846 : memref<1x128x128xf32, #tpu.memory_space<vmem>> -> memref<128x128xf32, #tpu.memory_space<vmem>>
      %dma_wait3A_1848 = arith.constant 0 : i32
      %dma_wait3A_1849 = tpu.memref_slice %arg6[%dma_wait3A_1841, %dma_wait3A_1848] : memref<4x128xi32, #tpu.memory_space<vmem>> -> memref<1x128xi32, #tpu.memory_space<vmem>>
      %dma_wait3A_1850 = tpu.memref_squeeze %dma_wait3A_1849 : memref<1x128xi32, #tpu.memory_space<vmem>> -> memref<128xi32, #tpu.memory_space<vmem>>
      %dma_wait3A_1851 = arith.constant 0 : i32
      %dma_wait3A_1852 = arith.constant 0 : i32
      %dma_wait3A_1853 = tpu.memref_slice %arg2[%dma_wait3A_1851, %dma_wait3A_1852] : memref<503808x128xf32, #tpu.memory_space<hbm>> -> memref<503808x128xf32, #tpu.memory_space<hbm>>
      %dma_wait3A_1854 = tpu.memref_slice %arg12[%dma_wait3A_1843] : memref<4x!tpu.dma_semaphore, #tpu.memory_space<semaphore_mem>> -> memref<1x!tpu.dma_semaphore, #tpu.memory_space<semaphore_mem>>
      %dma_wait3A_1855 = tpu.memref_squeeze %dma_wait3A_1854 : memref<1x!tpu.dma_semaphore, #tpu.memory_space<semaphore_mem>> -> memref<!tpu.dma_semaphore, #tpu.memory_space<semaphore_mem>>
      tpu.wait_indirect_dma semaphore(%dma_wait3A_1855 : memref<!tpu.dma_semaphore, #tpu.memory_space<semaphore_mem>>) src(%dma_wait3A_1853 : memref<503808x128xf32, #tpu.memory_space<hbm>>) dst(%dma_wait3A_1847 : memref<128x128xf32, #tpu.memory_space<vmem>>)
      %sub3A_1856 = arith.constant 2 : i32
      %sub3A_1857 = arith.subi %add3A_1741, %sub3A_1856 : i32
      %dma_wait3A_1858 = arith.constant 1 : i32
      %dma_wait3A_1859 = arith.constant 1 : i32
      %dma_wait3A_1860 = arith.constant 0 : i32
      %dma_wait3A_1861 = arith.constant 0 : i32
      %dma_wait3A_1862 = tpu.memref_slice %arg9[%dma_wait3A_1858, %dma_wait3A_1860, %dma_wait3A_1861] : memref<2x64x128xf32, #tpu.memory_space<vmem>> -> memref<1x64x128xf32, #tpu.memory_space<vmem>>
      %dma_wait3A_1863 = tpu.memref_squeeze %dma_wait3A_1862 : memref<1x64x128xf32, #tpu.memory_space<vmem>> -> memref<64x128xf32, #tpu.memory_space<vmem>>
      %dma_wait3A_1864 = arith.constant 0 : i32
      %dma_wait3A_1865 = tpu.memref_slice %arg5[%sub3A_1857, %dma_wait3A_1864, %mul3A_2] : memref<200x64x4096xf32, #tpu.memory_space<hbm>> -> memref<1x64x128xf32, #tpu.memory_space<hbm>>
      %dma_wait3A_1866 = tpu.memref_squeeze %dma_wait3A_1865 : memref<1x64x128xf32, #tpu.memory_space<hbm>> -> memref<64x128xf32, #tpu.memory_space<hbm>>
      %dma_wait3A_1867 = tpu.memref_slice %arg13[%dma_wait3A_1859] : memref<2x!tpu.dma_semaphore, #tpu.memory_space<semaphore_mem>> -> memref<1x!tpu.dma_semaphore, #tpu.memory_space<semaphore_mem>>
      %dma_wait3A_1868 = tpu.memref_squeeze %dma_wait3A_1867 : memref<1x!tpu.dma_semaphore, #tpu.memory_space<semaphore_mem>> -> memref<!tpu.dma_semaphore, #tpu.memory_space<semaphore_mem>>
      %dma_wait3A_1869 = arith.constant 0 : i32
      %dma_wait3A_1870 = tpu.memref_slice %arg5[%sub3A_1857, %dma_wait3A_1869, %mul3A_2] : memref<200x64x4096xf32, #tpu.memory_space<hbm>> -> memref<1x64x128xf32, #tpu.memory_space<hbm>>
      %dma_wait3A_1871 = tpu.memref_squeeze %dma_wait3A_1870 : memref<1x64x128xf32, #tpu.memory_space<hbm>> -> memref<64x128xf32, #tpu.memory_space<hbm>>
      %dma_wait3A_1872 = arith.constant 0 : i32
      %dma_wait3A_1873 = arith.constant 0 : i32
      %dma_wait3A_1874 = tpu.memref_slice %arg9[%dma_wait3A_1858, %dma_wait3A_1872, %dma_wait3A_1873] : memref<2x64x128xf32, #tpu.memory_space<vmem>> -> memref<1x64x128xf32, #tpu.memory_space<vmem>>
      %dma_wait3A_1875 = tpu.memref_squeeze %dma_wait3A_1874 : memref<1x64x128xf32, #tpu.memory_space<vmem>> -> memref<64x128xf32, #tpu.memory_space<vmem>>
      tpu.wait_dma2 semaphore(%dma_wait3A_1868 : memref<!tpu.dma_semaphore, #tpu.memory_space<semaphore_mem>>) src(%dma_wait3A_1875 : memref<64x128xf32, #tpu.memory_space<vmem>>) dst(%dma_wait3A_1871 : memref<64x128xf32, #tpu.memory_space<hbm>>)
      %parallel_loop3A_1876 = arith.constant 0 : i32
      %parallel_loop3A_1877 = arith.constant 128 : i32
      %parallel_loop3A_1878 = arith.constant 1 : i32
      %parallel_loop3A_1879 = arith.constant 3 : i32
      %parallel_loop3A_1880 = arith.constant 1 : i32
      scf.for %parallel_loop3A_1899 = %parallel_loop3A_1876 to %parallel_loop3A_1877 step %parallel_loop3A_1878  : i32 {
        %parallel_loop3A_1900 = arith.constant -16 : i32
        %parallel_loop3A_1901 = arith.andi %parallel_loop3A_1899, %parallel_loop3A_1900 : i32
        %parallel_loop3A_1902 = vector.broadcast %parallel_loop3A_1901 : i32 to vector<16xi32>
        %parallel_loop3A_1903 = arith.addi %iota3A, %parallel_loop3A_1902 : vector<16xi32>
        %parallel_loop3A_1904 = arith.constant 3 : i32
        %parallel_loop3A_1905 = arith.index_cast %parallel_loop3A_1904 : i32 to index
        %parallel_loop3A_1906 = arith.index_cast %parallel_loop3A_1901 : i32 to index
        %parallel_loop3A_1907 = tpu.vector_load %arg7[%parallel_loop3A_1905, %parallel_loop3A_1906] {strides = array<i32>} : memref<4x128xi32, #tpu.memory_space<vmem>>, vector<16xi32>,
        %parallel_loop3A_1908 = arith.constant 15 : i32
        %parallel_loop3A_1909 = arith.andi %parallel_loop3A_1899, %parallel_loop3A_1908 : i32
        %parallel_loop3A_1910 = vector.broadcast %parallel_loop3A_1909 : i32 to vector<16xi32>
        %parallel_loop3A_1911 = arith.addi %iota3A, %parallel_loop3A_1910 : vector<16xi32>
        %parallel_loop3A_1912 = arith.constant 15 : i32
        %parallel_loop3A_1913 = vector.broadcast %parallel_loop3A_1912 : i32 to vector<16xi32>
        %parallel_loop3A_1914 = arith.andi %parallel_loop3A_1911, %parallel_loop3A_1913 : vector<16xi32>
        %parallel_loop3A_1915 = arith.addi %parallel_loop3A_1914, %parallel_loop3A_1907 : vector<16xi32>
        %parallel_loop3A_1916 = arith.constant 0 : i32
        %parallel_loop3A_1917 = vector.broadcast %parallel_loop3A_1916 : i32 to vector<16xi32>
        %parallel_loop3A_1918 = arith.addi %parallel_loop3A_1915, %parallel_loop3A_1917 : vector<16xi32>
        %parallel_loop3A_1919 = arith.constant 0 : i32
        %parallel_loop3A_1920 = arith.constant 0 : i32
        %parallel_loop3A_1921 = tpu.memref_slice %arg8[%parallel_loop3A_1879, %parallel_loop3A_1919, %parallel_loop3A_1920] : memref<4x128x128xf32, #tpu.memory_space<vmem>> -> memref<1x128x128xf32, #tpu.memory_space<vmem>>
        %parallel_loop3A_1922 = tpu.memref_squeeze %parallel_loop3A_1921 : memref<1x128x128xf32, #tpu.memory_space<vmem>> -> memref<128x128xf32, #tpu.memory_space<vmem>>
        %parallel_loop3A_1923 = tpu.vector_load_idx %parallel_loop3A_1922[%parallel_loop3A_1903, %parallel_loop3A_1918] : memref<128x128xf32, #tpu.memory_space<vmem>>[vector<16xi32>, vector<16xi32>], vector<16xf32>,
        %parallel_loop3A_1924 = arith.subi %parallel_loop3A_1918, %parallel_loop3A_1907 : vector<16xi32>
        %parallel_loop3A_1925 = arith.constant 0 : i32
        %parallel_loop3A_1926 = arith.constant 0 : i32
        %parallel_loop3A_1927 = tpu.memref_slice %arg9[%parallel_loop3A_1880, %parallel_loop3A_1925, %parallel_loop3A_1926] : memref<2x64x128xf32, #tpu.memory_space<vmem>> -> memref<1x64x128xf32, #tpu.memory_space<vmem>>
        %parallel_loop3A_1928 = tpu.memref_squeeze %parallel_loop3A_1927 : memref<1x64x128xf32, #tpu.memory_space<vmem>> -> memref<64x128xf32, #tpu.memory_space<vmem>>
        tpu.vector_store_idx %parallel_loop3A_1928[%parallel_loop3A_1924, %parallel_loop3A_1903], %parallel_loop3A_1923 : memref<64x128xf32, #tpu.memory_space<vmem>>[vector<16xi32>, vector<16xi32>], vector<16xf32>,
        %parallel_loop3A_1929 = arith.constant 16 : i32
        %parallel_loop3A_1930 = vector.broadcast %parallel_loop3A_1929 : i32 to vector<16xi32>
        %parallel_loop3A_1931 = arith.addi %parallel_loop3A_1915, %parallel_loop3A_1930 : vector<16xi32>
        %parallel_loop3A_1932 = arith.constant 0 : i32
        %parallel_loop3A_1933 = arith.constant 0 : i32
        %parallel_loop3A_1934 = tpu.memref_slice %arg8[%parallel_loop3A_1879, %parallel_loop3A_1932, %parallel_loop3A_1933] : memref<4x128x128xf32, #tpu.memory_space<vmem>> -> memref<1x128x128xf32, #tpu.memory_space<vmem>>
        %parallel_loop3A_1935 = tpu.memref_squeeze %parallel_loop3A_1934 : memref<1x128x128xf32, #tpu.memory_space<vmem>> -> memref<128x128xf32, #tpu.memory_space<vmem>>
        %parallel_loop3A_1936 = tpu.vector_load_idx %parallel_loop3A_1935[%parallel_loop3A_1903, %parallel_loop3A_1931] : memref<128x128xf32, #tpu.memory_space<vmem>>[vector<16xi32>, vector<16xi32>], vector<16xf32>,
        %parallel_loop3A_1937 = arith.subi %parallel_loop3A_1931, %parallel_loop3A_1907 : vector<16xi32>
        %parallel_loop3A_1938 = arith.constant 0 : i32
        %parallel_loop3A_1939 = arith.constant 0 : i32
        %parallel_loop3A_1940 = tpu.memref_slice %arg9[%parallel_loop3A_1880, %parallel_loop3A_1938, %parallel_loop3A_1939] : memref<2x64x128xf32, #tpu.memory_space<vmem>> -> memref<1x64x128xf32, #tpu.memory_space<vmem>>
        %parallel_loop3A_1941 = tpu.memref_squeeze %parallel_loop3A_1940 : memref<1x64x128xf32, #tpu.memory_space<vmem>> -> memref<64x128xf32, #tpu.memory_space<vmem>>
        tpu.vector_store_idx %parallel_loop3A_1941[%parallel_loop3A_1937, %parallel_loop3A_1903], %parallel_loop3A_1936 : memref<64x128xf32, #tpu.memory_space<vmem>>[vector<16xi32>, vector<16xi32>], vector<16xf32>,
        %parallel_loop3A_1942 = arith.constant 32 : i32
        %parallel_loop3A_1943 = vector.broadcast %parallel_loop3A_1942 : i32 to vector<16xi32>
        %parallel_loop3A_1944 = arith.addi %parallel_loop3A_1915, %parallel_loop3A_1943 : vector<16xi32>
        %parallel_loop3A_1945 = arith.constant 0 : i32
        %parallel_loop3A_1946 = arith.constant 0 : i32
        %parallel_loop3A_1947 = tpu.memref_slice %arg8[%parallel_loop3A_1879, %parallel_loop3A_1945, %parallel_loop3A_1946] : memref<4x128x128xf32, #tpu.memory_space<vmem>> -> memref<1x128x128xf32, #tpu.memory_space<vmem>>
        %parallel_loop3A_1948 = tpu.memref_squeeze %parallel_loop3A_1947 : memref<1x128x128xf32, #tpu.memory_space<vmem>> -> memref<128x128xf32, #tpu.memory_space<vmem>>
        %parallel_loop3A_1949 = tpu.vector_load_idx %parallel_loop3A_1948[%parallel_loop3A_1903, %parallel_loop3A_1944] : memref<128x128xf32, #tpu.memory_space<vmem>>[vector<16xi32>, vector<16xi32>], vector<16xf32>,
        %parallel_loop3A_1950 = arith.subi %parallel_loop3A_1944, %parallel_loop3A_1907 : vector<16xi32>
        %parallel_loop3A_1951 = arith.constant 0 : i32
        %parallel_loop3A_1952 = arith.constant 0 : i32
        %parallel_loop3A_1953 = tpu.memref_slice %arg9[%parallel_loop3A_1880, %parallel_loop3A_1951, %parallel_loop3A_1952] : memref<2x64x128xf32, #tpu.memory_space<vmem>> -> memref<1x64x128xf32, #tpu.memory_space<vmem>>
        %parallel_loop3A_1954 = tpu.memref_squeeze %parallel_loop3A_1953 : memref<1x64x128xf32, #tpu.memory_space<vmem>> -> memref<64x128xf32, #tpu.memory_space<vmem>>
        tpu.vector_store_idx %parallel_loop3A_1954[%parallel_loop3A_1950, %parallel_loop3A_1903], %parallel_loop3A_1949 : memref<64x128xf32, #tpu.memory_space<vmem>>[vector<16xi32>, vector<16xi32>], vector<16xf32>,
        %parallel_loop3A_1955 = arith.constant 48 : i32
        %parallel_loop3A_1956 = vector.broadcast %parallel_loop3A_1955 : i32 to vector<16xi32>
        %parallel_loop3A_1957 = arith.addi %parallel_loop3A_1915, %parallel_loop3A_1956 : vector<16xi32>
        %parallel_loop3A_1958 = arith.constant 0 : i32
        %parallel_loop3A_1959 = arith.constant 0 : i32
        %parallel_loop3A_1960 = tpu.memref_slice %arg8[%parallel_loop3A_1879, %parallel_loop3A_1958, %parallel_loop3A_1959] : memref<4x128x128xf32, #tpu.memory_space<vmem>> -> memref<1x128x128xf32, #tpu.memory_space<vmem>>
        %parallel_loop3A_1961 = tpu.memref_squeeze %parallel_loop3A_1960 : memref<1x128x128xf32, #tpu.memory_space<vmem>> -> memref<128x128xf32, #tpu.memory_space<vmem>>
        %parallel_loop3A_1962 = tpu.vector_load_idx %parallel_loop3A_1961[%parallel_loop3A_1903, %parallel_loop3A_1957] : memref<128x128xf32, #tpu.memory_space<vmem>>[vector<16xi32>, vector<16xi32>], vector<16xf32>,
        %parallel_loop3A_1963 = arith.subi %parallel_loop3A_1957, %parallel_loop3A_1907 : vector<16xi32>
        %parallel_loop3A_1964 = arith.constant 0 : i32
        %parallel_loop3A_1965 = arith.constant 0 : i32
        %parallel_loop3A_1966 = tpu.memref_slice %arg9[%parallel_loop3A_1880, %parallel_loop3A_1964, %parallel_loop3A_1965] : memref<2x64x128xf32, #tpu.memory_space<vmem>> -> memref<1x64x128xf32, #tpu.memory_space<vmem>>
        %parallel_loop3A_1967 = tpu.memref_squeeze %parallel_loop3A_1966 : memref<1x64x128xf32, #tpu.memory_space<vmem>> -> memref<64x128xf32, #tpu.memory_space<vmem>>
        tpu.vector_store_idx %parallel_loop3A_1967[%parallel_loop3A_1963, %parallel_loop3A_1903], %parallel_loop3A_1962 : memref<64x128xf32, #tpu.memory_space<vmem>>[vector<16xi32>, vector<16xi32>], vector<16xf32>,
      } {sc.loop_unroll_factor = 2 : i64, sc.parallel_access}
      %dma_start3A_1881 = arith.constant 1 : i32
      %dma_start3A_1882 = arith.constant 1 : i32
      %dma_start3A_1883 = arith.constant 0 : i32
      %dma_start3A_1884 = arith.constant 0 : i32
      %dma_start3A_1885 = tpu.memref_slice %arg9[%dma_start3A_1881, %dma_start3A_1883, %dma_start3A_1884] : memref<2x64x128xf32, #tpu.memory_space<vmem>> -> memref<1x64x128xf32, #tpu.memory_space<vmem>>
      %dma_start3A_1886 = tpu.memref_squeeze %dma_start3A_1885 : memref<1x64x128xf32, #tpu.memory_space<vmem>> -> memref<64x128xf32, #tpu.memory_space<vmem>>
      %dma_start3A_1887 = arith.constant 0 : i32
      %dma_start3A_1888 = tpu.memref_slice %arg5[%add3A_1741, %dma_start3A_1887, %mul3A_2] : memref<200x64x4096xf32, #tpu.memory_space<hbm>> -> memref<1x64x128xf32, #tpu.memory_space<hbm>>
      %dma_start3A_1889 = tpu.memref_squeeze %dma_start3A_1888 : memref<1x64x128xf32, #tpu.memory_space<hbm>> -> memref<64x128xf32, #tpu.memory_space<hbm>>
      %dma_start3A_1890 = tpu.memref_slice %arg13[%dma_start3A_1882] : memref<2x!tpu.dma_semaphore, #tpu.memory_space<semaphore_mem>> -> memref<1x!tpu.dma_semaphore, #tpu.memory_space<semaphore_mem>>
      %dma_start3A_1891 = tpu.memref_squeeze %dma_start3A_1890 : memref<1x!tpu.dma_semaphore, #tpu.memory_space<semaphore_mem>> -> memref<!tpu.dma_semaphore, #tpu.memory_space<semaphore_mem>>
      %dma_start3A_1892 = arith.constant 0 : i32
      %dma_start3A_1893 = tpu.memref_slice %arg5[%add3A_1741, %dma_start3A_1892, %mul3A_2] : memref<200x64x4096xf32, #tpu.memory_space<hbm>> -> memref<1x64x128xf32, #tpu.memory_space<hbm>>
      %dma_start3A_1894 = tpu.memref_squeeze %dma_start3A_1893 : memref<1x64x128xf32, #tpu.memory_space<hbm>> -> memref<64x128xf32, #tpu.memory_space<hbm>>
      %dma_start3A_1895 = arith.constant 0 : i32
      %dma_start3A_1896 = arith.constant 0 : i32
      %dma_start3A_1897 = tpu.memref_slice %arg9[%dma_start3A_1881, %dma_start3A_1895, %dma_start3A_1896] : memref<2x64x128xf32, #tpu.memory_space<vmem>> -> memref<1x64x128xf32, #tpu.memory_space<vmem>>
      %dma_start3A_1898 = tpu.memref_squeeze %dma_start3A_1897 : memref<1x64x128xf32, #tpu.memory_space<vmem>> -> memref<64x128xf32, #tpu.memory_space<vmem>>
      tpu.enqueue_dma source(%dma_start3A_1898 : memref<64x128xf32, #tpu.memory_space<vmem>>) target(%dma_start3A_1894 : memref<64x128xf32, #tpu.memory_space<hbm>>) target_semaphore(%dma_start3A_1891 : memref<!tpu.dma_semaphore, #tpu.memory_space<semaphore_mem>>)
    }
    %scan3A_852 = arith.constant 48 : i32
    %add3A_853 = arith.constant 6336 : i32
    %add3A_854 = arith.addi %add3A_853, %add3A : i32
    %add3A_855 = arith.constant 6336 : i32
    %add3A_856 = arith.addi %add3A_855, %add3A : i32
    %dma_wait3A_857 = arith.constant 2 : i32
    %dma_wait3A_858 = arith.constant 2 : i32
    %dma_wait3A_859 = arith.constant 0 : i32
    %dma_wait3A_860 = tpu.memref_slice %arg6[%dma_wait3A_857, %dma_wait3A_859] : memref<4x128xi32, #tpu.memory_space<vmem>> -> memref<1x128xi32, #tpu.memory_space<vmem>>
    %dma_wait3A_861 = tpu.memref_squeeze %dma_wait3A_860 : memref<1x128xi32, #tpu.memory_space<vmem>> -> memref<128xi32, #tpu.memory_space<vmem>>
    %dma_wait3A_862 = arith.constant 0 : i32
    %dma_wait3A_863 = tpu.memref_slice %arg3[%add3A_854, %dma_wait3A_862] : memref<6400x128xi32, #tpu.memory_space<hbm>> -> memref<1x128xi32, #tpu.memory_space<hbm>>
    %dma_wait3A_864 = tpu.memref_squeeze %dma_wait3A_863 : memref<1x128xi32, #tpu.memory_space<hbm>> -> memref<128xi32, #tpu.memory_space<hbm>>
    %dma_wait3A_865 = tpu.memref_slice %arg10[%dma_wait3A_858] : memref<4x!tpu.dma_semaphore, #tpu.memory_space<semaphore_mem>> -> memref<1x!tpu.dma_semaphore, #tpu.memory_space<semaphore_mem>>
    %dma_wait3A_866 = tpu.memref_squeeze %dma_wait3A_865 : memref<1x!tpu.dma_semaphore, #tpu.memory_space<semaphore_mem>> -> memref<!tpu.dma_semaphore, #tpu.memory_space<semaphore_mem>>
    %dma_wait3A_867 = arith.constant 0 : i32
    %dma_wait3A_868 = tpu.memref_slice %arg6[%dma_wait3A_857, %dma_wait3A_867] : memref<4x128xi32, #tpu.memory_space<vmem>> -> memref<1x128xi32, #tpu.memory_space<vmem>>
    %dma_wait3A_869 = tpu.memref_squeeze %dma_wait3A_868 : memref<1x128xi32, #tpu.memory_space<vmem>> -> memref<128xi32, #tpu.memory_space<vmem>>
    %dma_wait3A_870 = arith.constant 0 : i32
    %dma_wait3A_871 = tpu.memref_slice %arg3[%add3A_854, %dma_wait3A_870] : memref<6400x128xi32, #tpu.memory_space<hbm>> -> memref<1x128xi32, #tpu.memory_space<hbm>>
    %dma_wait3A_872 = tpu.memref_squeeze %dma_wait3A_871 : memref<1x128xi32, #tpu.memory_space<hbm>> -> memref<128xi32, #tpu.memory_space<hbm>>
    tpu.wait_dma2 semaphore(%dma_wait3A_866 : memref<!tpu.dma_semaphore, #tpu.memory_space<semaphore_mem>>) src(%dma_wait3A_872 : memref<128xi32, #tpu.memory_space<hbm>>) dst(%dma_wait3A_869 : memref<128xi32, #tpu.memory_space<vmem>>)
    %dma_wait3A_873 = arith.constant 2 : i32
    %dma_wait3A_874 = arith.constant 2 : i32
    %dma_wait3A_875 = arith.constant 0 : i32
    %dma_wait3A_876 = tpu.memref_slice %arg7[%dma_wait3A_873, %dma_wait3A_875] : memref<4x128xi32, #tpu.memory_space<vmem>> -> memref<1x128xi32, #tpu.memory_space<vmem>>
    %dma_wait3A_877 = tpu.memref_squeeze %dma_wait3A_876 : memref<1x128xi32, #tpu.memory_space<vmem>> -> memref<128xi32, #tpu.memory_space<vmem>>
    %dma_wait3A_878 = arith.constant 0 : i32
    %dma_wait3A_879 = tpu.memref_slice %arg4[%add3A_856, %dma_wait3A_878] : memref<6400x128xi32, #tpu.memory_space<hbm>> -> memref<1x128xi32, #tpu.memory_space<hbm>>
    %dma_wait3A_880 = tpu.memref_squeeze %dma_wait3A_879 : memref<1x128xi32, #tpu.memory_space<hbm>> -> memref<128xi32, #tpu.memory_space<hbm>>
    %dma_wait3A_881 = tpu.memref_slice %arg11[%dma_wait3A_874] : memref<4x!tpu.dma_semaphore, #tpu.memory_space<semaphore_mem>> -> memref<1x!tpu.dma_semaphore, #tpu.memory_space<semaphore_mem>>
    %dma_wait3A_882 = tpu.memref_squeeze %dma_wait3A_881 : memref<1x!tpu.dma_semaphore, #tpu.memory_space<semaphore_mem>> -> memref<!tpu.dma_semaphore, #tpu.memory_space<semaphore_mem>>
    %dma_wait3A_883 = arith.constant 0 : i32
    %dma_wait3A_884 = tpu.memref_slice %arg7[%dma_wait3A_873, %dma_wait3A_883] : memref<4x128xi32, #tpu.memory_space<vmem>> -> memref<1x128xi32, #tpu.memory_space<vmem>>
    %dma_wait3A_885 = tpu.memref_squeeze %dma_wait3A_884 : memref<1x128xi32, #tpu.memory_space<vmem>> -> memref<128xi32, #tpu.memory_space<vmem>>
    %dma_wait3A_886 = arith.constant 0 : i32
    %dma_wait3A_887 = tpu.memref_slice %arg4[%add3A_856, %dma_wait3A_886] : memref<6400x128xi32, #tpu.memory_space<hbm>> -> memref<1x128xi32, #tpu.memory_space<hbm>>
    %dma_wait3A_888 = tpu.memref_squeeze %dma_wait3A_887 : memref<1x128xi32, #tpu.memory_space<hbm>> -> memref<128xi32, #tpu.memory_space<hbm>>
    tpu.wait_dma2 semaphore(%dma_wait3A_882 : memref<!tpu.dma_semaphore, #tpu.memory_space<semaphore_mem>>) src(%dma_wait3A_888 : memref<128xi32, #tpu.memory_space<hbm>>) dst(%dma_wait3A_885 : memref<128xi32, #tpu.memory_space<vmem>>)
    %dma_start3A_889 = arith.constant 2 : i32
    %dma_start3A_890 = arith.constant 2 : i32
    %dma_start3A_891 = arith.constant 2 : i32
    %dma_start3A_892 = arith.constant 0 : i32
    %dma_start3A_893 = arith.constant 0 : i32
    %dma_start3A_894 = tpu.memref_slice %arg8[%dma_start3A_890, %dma_start3A_892, %dma_start3A_893] : memref<4x128x128xf32, #tpu.memory_space<vmem>> -> memref<1x128x128xf32, #tpu.memory_space<vmem>>
    %dma_start3A_895 = tpu.memref_squeeze %dma_start3A_894 : memref<1x128x128xf32, #tpu.memory_space<vmem>> -> memref<128x128xf32, #tpu.memory_space<vmem>>
    %dma_start3A_896 = arith.constant 0 : i32
    %dma_start3A_897 = tpu.memref_slice %arg6[%dma_start3A_889, %dma_start3A_896] : memref<4x128xi32, #tpu.memory_space<vmem>> -> memref<1x128xi32, #tpu.memory_space<vmem>>
    %dma_start3A_898 = tpu.memref_squeeze %dma_start3A_897 : memref<1x128xi32, #tpu.memory_space<vmem>> -> memref<128xi32, #tpu.memory_space<vmem>>
    %dma_start3A_899 = arith.constant 0 : i32
    %dma_start3A_900 = arith.constant 0 : i32
    %dma_start3A_901 = tpu.memref_slice %arg2[%dma_start3A_899, %dma_start3A_900] : memref<503808x128xf32, #tpu.memory_space<hbm>> -> memref<503808x128xf32, #tpu.memory_space<hbm>>
    %dma_start3A_902 = tpu.memref_slice %arg12[%dma_start3A_891] : memref<4x!tpu.dma_semaphore, #tpu.memory_space<semaphore_mem>> -> memref<1x!tpu.dma_semaphore, #tpu.memory_space<semaphore_mem>>
    %dma_start3A_903 = tpu.memref_squeeze %dma_start3A_902 : memref<1x!tpu.dma_semaphore, #tpu.memory_space<semaphore_mem>> -> memref<!tpu.dma_semaphore, #tpu.memory_space<semaphore_mem>>
    tpu.enqueue_indirect_dma source(%dma_start3A_901 : memref<503808x128xf32, #tpu.memory_space<hbm>>) target(%dma_start3A_895 : memref<128x128xf32, #tpu.memory_space<vmem>>) offsets(%dma_start3A_898 : memref<128xi32, #tpu.memory_space<vmem>>) semaphore(%dma_start3A_903 : memref<!tpu.dma_semaphore, #tpu.memory_space<semaphore_mem>>)
    %add3A_904 = arith.constant 6368 : i32
    %add3A_905 = arith.addi %add3A_904, %add3A : i32
    %add3A_906 = arith.constant 6368 : i32
    %add3A_907 = arith.addi %add3A_906, %add3A : i32
    %dma_start3A_908 = arith.constant 3 : i32
    %dma_start3A_909 = arith.constant 3 : i32
    %dma_start3A_910 = arith.constant 0 : i32
    %dma_start3A_911 = tpu.memref_slice %arg6[%dma_start3A_908, %dma_start3A_910] : memref<4x128xi32, #tpu.memory_space<vmem>> -> memref<1x128xi32, #tpu.memory_space<vmem>>
    %dma_start3A_912 = tpu.memref_squeeze %dma_start3A_911 : memref<1x128xi32, #tpu.memory_space<vmem>> -> memref<128xi32, #tpu.memory_space<vmem>>
    %dma_start3A_913 = arith.constant 0 : i32
    %dma_start3A_914 = tpu.memref_slice %arg3[%add3A_905, %dma_start3A_913] : memref<6400x128xi32, #tpu.memory_space<hbm>> -> memref<1x128xi32, #tpu.memory_space<hbm>>
    %dma_start3A_915 = tpu.memref_squeeze %dma_start3A_914 : memref<1x128xi32, #tpu.memory_space<hbm>> -> memref<128xi32, #tpu.memory_space<hbm>>
    %dma_start3A_916 = tpu.memref_slice %arg10[%dma_start3A_909] : memref<4x!tpu.dma_semaphore, #tpu.memory_space<semaphore_mem>> -> memref<1x!tpu.dma_semaphore, #tpu.memory_space<semaphore_mem>>
    %dma_start3A_917 = tpu.memref_squeeze %dma_start3A_916 : memref<1x!tpu.dma_semaphore, #tpu.memory_space<semaphore_mem>> -> memref<!tpu.dma_semaphore, #tpu.memory_space<semaphore_mem>>
    %dma_start3A_918 = arith.constant 0 : i32
    %dma_start3A_919 = tpu.memref_slice %arg6[%dma_start3A_908, %dma_start3A_918] : memref<4x128xi32, #tpu.memory_space<vmem>> -> memref<1x128xi32, #tpu.memory_space<vmem>>
    %dma_start3A_920 = tpu.memref_squeeze %dma_start3A_919 : memref<1x128xi32, #tpu.memory_space<vmem>> -> memref<128xi32, #tpu.memory_space<vmem>>
    %dma_start3A_921 = arith.constant 0 : i32
    %dma_start3A_922 = tpu.memref_slice %arg3[%add3A_905, %dma_start3A_921] : memref<6400x128xi32, #tpu.memory_space<hbm>> -> memref<1x128xi32, #tpu.memory_space<hbm>>
    %dma_start3A_923 = tpu.memref_squeeze %dma_start3A_922 : memref<1x128xi32, #tpu.memory_space<hbm>> -> memref<128xi32, #tpu.memory_space<hbm>>
    tpu.enqueue_dma source(%dma_start3A_923 : memref<128xi32, #tpu.memory_space<hbm>>) target(%dma_start3A_920 : memref<128xi32, #tpu.memory_space<vmem>>) target_semaphore(%dma_start3A_917 : memref<!tpu.dma_semaphore, #tpu.memory_space<semaphore_mem>>)
    %dma_start3A_924 = arith.constant 3 : i32
    %dma_start3A_925 = arith.constant 3 : i32
    %dma_start3A_926 = arith.constant 0 : i32
    %dma_start3A_927 = tpu.memref_slice %arg7[%dma_start3A_924, %dma_start3A_926] : memref<4x128xi32, #tpu.memory_space<vmem>> -> memref<1x128xi32, #tpu.memory_space<vmem>>
    %dma_start3A_928 = tpu.memref_squeeze %dma_start3A_927 : memref<1x128xi32, #tpu.memory_space<vmem>> -> memref<128xi32, #tpu.memory_space<vmem>>
    %dma_start3A_929 = arith.constant 0 : i32
    %dma_start3A_930 = tpu.memref_slice %arg4[%add3A_907, %dma_start3A_929] : memref<6400x128xi32, #tpu.memory_space<hbm>> -> memref<1x128xi32, #tpu.memory_space<hbm>>
    %dma_start3A_931 = tpu.memref_squeeze %dma_start3A_930 : memref<1x128xi32, #tpu.memory_space<hbm>> -> memref<128xi32, #tpu.memory_space<hbm>>
    %dma_start3A_932 = tpu.memref_slice %arg11[%dma_start3A_925] : memref<4x!tpu.dma_semaphore, #tpu.memory_space<semaphore_mem>> -> memref<1x!tpu.dma_semaphore, #tpu.memory_space<semaphore_mem>>
    %dma_start3A_933 = tpu.memref_squeeze %dma_start3A_932 : memref<1x!tpu.dma_semaphore, #tpu.memory_space<semaphore_mem>> -> memref<!tpu.dma_semaphore, #tpu.memory_space<semaphore_mem>>
    %dma_start3A_934 = arith.constant 0 : i32
    %dma_start3A_935 = tpu.memref_slice %arg7[%dma_start3A_924, %dma_start3A_934] : memref<4x128xi32, #tpu.memory_space<vmem>> -> memref<1x128xi32, #tpu.memory_space<vmem>>
    %dma_start3A_936 = tpu.memref_squeeze %dma_start3A_935 : memref<1x128xi32, #tpu.memory_space<vmem>> -> memref<128xi32, #tpu.memory_space<vmem>>
    %dma_start3A_937 = arith.constant 0 : i32
    %dma_start3A_938 = tpu.memref_slice %arg4[%add3A_907, %dma_start3A_937] : memref<6400x128xi32, #tpu.memory_space<hbm>> -> memref<1x128xi32, #tpu.memory_space<hbm>>
    %dma_start3A_939 = tpu.memref_squeeze %dma_start3A_938 : memref<1x128xi32, #tpu.memory_space<hbm>> -> memref<128xi32, #tpu.memory_space<hbm>>
    tpu.enqueue_dma source(%dma_start3A_939 : memref<128xi32, #tpu.memory_space<hbm>>) target(%dma_start3A_936 : memref<128xi32, #tpu.memory_space<vmem>>) target_semaphore(%dma_start3A_933 : memref<!tpu.dma_semaphore, #tpu.memory_space<semaphore_mem>>)
    %dma_wait3A_940 = arith.constant 0 : i32
    %dma_wait3A_941 = arith.constant 0 : i32
    %dma_wait3A_942 = arith.constant 0 : i32
    %dma_wait3A_943 = arith.constant 0 : i32
    %dma_wait3A_944 = arith.constant 0 : i32
    %dma_wait3A_945 = tpu.memref_slice %arg8[%dma_wait3A_941, %dma_wait3A_943, %dma_wait3A_944] : memref<4x128x128xf32, #tpu.memory_space<vmem>> -> memref<1x128x128xf32, #tpu.memory_space<vmem>>
    %dma_wait3A_946 = tpu.memref_squeeze %dma_wait3A_945 : memref<1x128x128xf32, #tpu.memory_space<vmem>> -> memref<128x128xf32, #tpu.memory_space<vmem>>
    %dma_wait3A_947 = arith.constant 0 : i32
    %dma_wait3A_948 = tpu.memref_slice %arg6[%dma_wait3A_940, %dma_wait3A_947] : memref<4x128xi32, #tpu.memory_space<vmem>> -> memref<1x128xi32, #tpu.memory_space<vmem>>
    %dma_wait3A_949 = tpu.memref_squeeze %dma_wait3A_948 : memref<1x128xi32, #tpu.memory_space<vmem>> -> memref<128xi32, #tpu.memory_space<vmem>>
    %dma_wait3A_950 = arith.constant 0 : i32
    %dma_wait3A_951 = arith.constant 0 : i32
    %dma_wait3A_952 = tpu.memref_slice %arg2[%dma_wait3A_950, %dma_wait3A_951] : memref<503808x128xf32, #tpu.memory_space<hbm>> -> memref<503808x128xf32, #tpu.memory_space<hbm>>
    %dma_wait3A_953 = tpu.memref_slice %arg12[%dma_wait3A_942] : memref<4x!tpu.dma_semaphore, #tpu.memory_space<semaphore_mem>> -> memref<1x!tpu.dma_semaphore, #tpu.memory_space<semaphore_mem>>
    %dma_wait3A_954 = tpu.memref_squeeze %dma_wait3A_953 : memref<1x!tpu.dma_semaphore, #tpu.memory_space<semaphore_mem>> -> memref<!tpu.dma_semaphore, #tpu.memory_space<semaphore_mem>>
    tpu.wait_indirect_dma semaphore(%dma_wait3A_954 : memref<!tpu.dma_semaphore, #tpu.memory_space<semaphore_mem>>) src(%dma_wait3A_952 : memref<503808x128xf32, #tpu.memory_space<hbm>>) dst(%dma_wait3A_946 : memref<128x128xf32, #tpu.memory_space<vmem>>)
    %dma_wait3A_955 = arith.constant 0 : i32
    %dma_wait3A_956 = arith.constant 194 : i32
    %dma_wait3A_957 = arith.constant 0 : i32
    %dma_wait3A_958 = arith.constant 0 : i32
    %dma_wait3A_959 = arith.constant 0 : i32
    %dma_wait3A_960 = tpu.memref_slice %arg9[%dma_wait3A_955, %dma_wait3A_958, %dma_wait3A_959] : memref<2x64x128xf32, #tpu.memory_space<vmem>> -> memref<1x64x128xf32, #tpu.memory_space<vmem>>
    %dma_wait3A_961 = tpu.memref_squeeze %dma_wait3A_960 : memref<1x64x128xf32, #tpu.memory_space<vmem>> -> memref<64x128xf32, #tpu.memory_space<vmem>>
    %dma_wait3A_962 = arith.constant 0 : i32
    %dma_wait3A_963 = tpu.memref_slice %arg5[%dma_wait3A_956, %dma_wait3A_962, %mul3A_2] : memref<200x64x4096xf32, #tpu.memory_space<hbm>> -> memref<1x64x128xf32, #tpu.memory_space<hbm>>
    %dma_wait3A_964 = tpu.memref_squeeze %dma_wait3A_963 : memref<1x64x128xf32, #tpu.memory_space<hbm>> -> memref<64x128xf32, #tpu.memory_space<hbm>>
    %dma_wait3A_965 = tpu.memref_slice %arg13[%dma_wait3A_957] : memref<2x!tpu.dma_semaphore, #tpu.memory_space<semaphore_mem>> -> memref<1x!tpu.dma_semaphore, #tpu.memory_space<semaphore_mem>>
    %dma_wait3A_966 = tpu.memref_squeeze %dma_wait3A_965 : memref<1x!tpu.dma_semaphore, #tpu.memory_space<semaphore_mem>> -> memref<!tpu.dma_semaphore, #tpu.memory_space<semaphore_mem>>
    %dma_wait3A_967 = arith.constant 0 : i32
    %dma_wait3A_968 = tpu.memref_slice %arg5[%dma_wait3A_956, %dma_wait3A_967, %mul3A_2] : memref<200x64x4096xf32, #tpu.memory_space<hbm>> -> memref<1x64x128xf32, #tpu.memory_space<hbm>>
    %dma_wait3A_969 = tpu.memref_squeeze %dma_wait3A_968 : memref<1x64x128xf32, #tpu.memory_space<hbm>> -> memref<64x128xf32, #tpu.memory_space<hbm>>
    %dma_wait3A_970 = arith.constant 0 : i32
    %dma_wait3A_971 = arith.constant 0 : i32
    %dma_wait3A_972 = tpu.memref_slice %arg9[%dma_wait3A_955, %dma_wait3A_970, %dma_wait3A_971] : memref<2x64x128xf32, #tpu.memory_space<vmem>> -> memref<1x64x128xf32, #tpu.memory_space<vmem>>
    %dma_wait3A_973 = tpu.memref_squeeze %dma_wait3A_972 : memref<1x64x128xf32, #tpu.memory_space<vmem>> -> memref<64x128xf32, #tpu.memory_space<vmem>>
    tpu.wait_dma2 semaphore(%dma_wait3A_966 : memref<!tpu.dma_semaphore, #tpu.memory_space<semaphore_mem>>) src(%dma_wait3A_973 : memref<64x128xf32, #tpu.memory_space<vmem>>) dst(%dma_wait3A_969 : memref<64x128xf32, #tpu.memory_space<hbm>>)
    %parallel_loop3A_974 = arith.constant 0 : i32
    %parallel_loop3A_975 = arith.constant 128 : i32
    %parallel_loop3A_976 = arith.constant 1 : i32
    %parallel_loop3A_977 = arith.constant 0 : i32
    %parallel_loop3A_978 = arith.constant 0 : i32
    scf.for %parallel_loop3A_1261 = %parallel_loop3A_974 to %parallel_loop3A_975 step %parallel_loop3A_976  : i32 {
      %parallel_loop3A_1262 = arith.constant -16 : i32
      %parallel_loop3A_1263 = arith.andi %parallel_loop3A_1261, %parallel_loop3A_1262 : i32
      %parallel_loop3A_1264 = vector.broadcast %parallel_loop3A_1263 : i32 to vector<16xi32>
      %parallel_loop3A_1265 = arith.addi %iota3A, %parallel_loop3A_1264 : vector<16xi32>
      %parallel_loop3A_1266 = arith.constant 0 : i32
      %parallel_loop3A_1267 = arith.index_cast %parallel_loop3A_1266 : i32 to index
      %parallel_loop3A_1268 = arith.index_cast %parallel_loop3A_1263 : i32 to index
      %parallel_loop3A_1269 = tpu.vector_load %arg7[%parallel_loop3A_1267, %parallel_loop3A_1268] {strides = array<i32>} : memref<4x128xi32, #tpu.memory_space<vmem>>, vector<16xi32>,
      %parallel_loop3A_1270 = arith.constant 15 : i32
      %parallel_loop3A_1271 = arith.andi %parallel_loop3A_1261, %parallel_loop3A_1270 : i32
      %parallel_loop3A_1272 = vector.broadcast %parallel_loop3A_1271 : i32 to vector<16xi32>
      %parallel_loop3A_1273 = arith.addi %iota3A, %parallel_loop3A_1272 : vector<16xi32>
      %parallel_loop3A_1274 = arith.constant 15 : i32
      %parallel_loop3A_1275 = vector.broadcast %parallel_loop3A_1274 : i32 to vector<16xi32>
      %parallel_loop3A_1276 = arith.andi %parallel_loop3A_1273, %parallel_loop3A_1275 : vector<16xi32>
      %parallel_loop3A_1277 = arith.addi %parallel_loop3A_1276, %parallel_loop3A_1269 : vector<16xi32>
      %parallel_loop3A_1278 = arith.constant 0 : i32
      %parallel_loop3A_1279 = vector.broadcast %parallel_loop3A_1278 : i32 to vector<16xi32>
      %parallel_loop3A_1280 = arith.addi %parallel_loop3A_1277, %parallel_loop3A_1279 : vector<16xi32>
      %parallel_loop3A_1281 = arith.constant 0 : i32
      %parallel_loop3A_1282 = arith.constant 0 : i32
      %parallel_loop3A_1283 = tpu.memref_slice %arg8[%parallel_loop3A_977, %parallel_loop3A_1281, %parallel_loop3A_1282] : memref<4x128x128xf32, #tpu.memory_space<vmem>> -> memref<1x128x128xf32, #tpu.memory_space<vmem>>
      %parallel_loop3A_1284 = tpu.memref_squeeze %parallel_loop3A_1283 : memref<1x128x128xf32, #tpu.memory_space<vmem>> -> memref<128x128xf32, #tpu.memory_space<vmem>>
      %parallel_loop3A_1285 = tpu.vector_load_idx %parallel_loop3A_1284[%parallel_loop3A_1265, %parallel_loop3A_1280] : memref<128x128xf32, #tpu.memory_space<vmem>>[vector<16xi32>, vector<16xi32>], vector<16xf32>,
      %parallel_loop3A_1286 = arith.subi %parallel_loop3A_1280, %parallel_loop3A_1269 : vector<16xi32>
      %parallel_loop3A_1287 = arith.constant 0 : i32
      %parallel_loop3A_1288 = arith.constant 0 : i32
      %parallel_loop3A_1289 = tpu.memref_slice %arg9[%parallel_loop3A_978, %parallel_loop3A_1287, %parallel_loop3A_1288] : memref<2x64x128xf32, #tpu.memory_space<vmem>> -> memref<1x64x128xf32, #tpu.memory_space<vmem>>
      %parallel_loop3A_1290 = tpu.memref_squeeze %parallel_loop3A_1289 : memref<1x64x128xf32, #tpu.memory_space<vmem>> -> memref<64x128xf32, #tpu.memory_space<vmem>>
      tpu.vector_store_idx %parallel_loop3A_1290[%parallel_loop3A_1286, %parallel_loop3A_1265], %parallel_loop3A_1285 : memref<64x128xf32, #tpu.memory_space<vmem>>[vector<16xi32>, vector<16xi32>], vector<16xf32>,
      %parallel_loop3A_1291 = arith.constant 16 : i32
      %parallel_loop3A_1292 = vector.broadcast %parallel_loop3A_1291 : i32 to vector<16xi32>
      %parallel_loop3A_1293 = arith.addi %parallel_loop3A_1277, %parallel_loop3A_1292 : vector<16xi32>
      %parallel_loop3A_1294 = arith.constant 0 : i32
      %parallel_loop3A_1295 = arith.constant 0 : i32
      %parallel_loop3A_1296 = tpu.memref_slice %arg8[%parallel_loop3A_977, %parallel_loop3A_1294, %parallel_loop3A_1295] : memref<4x128x128xf32, #tpu.memory_space<vmem>> -> memref<1x128x128xf32, #tpu.memory_space<vmem>>
      %parallel_loop3A_1297 = tpu.memref_squeeze %parallel_loop3A_1296 : memref<1x128x128xf32, #tpu.memory_space<vmem>> -> memref<128x128xf32, #tpu.memory_space<vmem>>
      %parallel_loop3A_1298 = tpu.vector_load_idx %parallel_loop3A_1297[%parallel_loop3A_1265, %parallel_loop3A_1293] : memref<128x128xf32, #tpu.memory_space<vmem>>[vector<16xi32>, vector<16xi32>], vector<16xf32>,
      %parallel_loop3A_1299 = arith.subi %parallel_loop3A_1293, %parallel_loop3A_1269 : vector<16xi32>
      %parallel_loop3A_1300 = arith.constant 0 : i32
      %parallel_loop3A_1301 = arith.constant 0 : i32
      %parallel_loop3A_1302 = tpu.memref_slice %arg9[%parallel_loop3A_978, %parallel_loop3A_1300, %parallel_loop3A_1301] : memref<2x64x128xf32, #tpu.memory_space<vmem>> -> memref<1x64x128xf32, #tpu.memory_space<vmem>>
      %parallel_loop3A_1303 = tpu.memref_squeeze %parallel_loop3A_1302 : memref<1x64x128xf32, #tpu.memory_space<vmem>> -> memref<64x128xf32, #tpu.memory_space<vmem>>
      tpu.vector_store_idx %parallel_loop3A_1303[%parallel_loop3A_1299, %parallel_loop3A_1265], %parallel_loop3A_1298 : memref<64x128xf32, #tpu.memory_space<vmem>>[vector<16xi32>, vector<16xi32>], vector<16xf32>,
      %parallel_loop3A_1304 = arith.constant 32 : i32
      %parallel_loop3A_1305 = vector.broadcast %parallel_loop3A_1304 : i32 to vector<16xi32>
      %parallel_loop3A_1306 = arith.addi %parallel_loop3A_1277, %parallel_loop3A_1305 : vector<16xi32>
      %parallel_loop3A_1307 = arith.constant 0 : i32
      %parallel_loop3A_1308 = arith.constant 0 : i32
      %parallel_loop3A_1309 = tpu.memref_slice %arg8[%parallel_loop3A_977, %parallel_loop3A_1307, %parallel_loop3A_1308] : memref<4x128x128xf32, #tpu.memory_space<vmem>> -> memref<1x128x128xf32, #tpu.memory_space<vmem>>
      %parallel_loop3A_1310 = tpu.memref_squeeze %parallel_loop3A_1309 : memref<1x128x128xf32, #tpu.memory_space<vmem>> -> memref<128x128xf32, #tpu.memory_space<vmem>>
      %parallel_loop3A_1311 = tpu.vector_load_idx %parallel_loop3A_1310[%parallel_loop3A_1265, %parallel_loop3A_1306] : memref<128x128xf32, #tpu.memory_space<vmem>>[vector<16xi32>, vector<16xi32>], vector<16xf32>,
      %parallel_loop3A_1312 = arith.subi %parallel_loop3A_1306, %parallel_loop3A_1269 : vector<16xi32>
      %parallel_loop3A_1313 = arith.constant 0 : i32
      %parallel_loop3A_1314 = arith.constant 0 : i32
      %parallel_loop3A_1315 = tpu.memref_slice %arg9[%parallel_loop3A_978, %parallel_loop3A_1313, %parallel_loop3A_1314] : memref<2x64x128xf32, #tpu.memory_space<vmem>> -> memref<1x64x128xf32, #tpu.memory_space<vmem>>
      %parallel_loop3A_1316 = tpu.memref_squeeze %parallel_loop3A_1315 : memref<1x64x128xf32, #tpu.memory_space<vmem>> -> memref<64x128xf32, #tpu.memory_space<vmem>>
      tpu.vector_store_idx %parallel_loop3A_1316[%parallel_loop3A_1312, %parallel_loop3A_1265], %parallel_loop3A_1311 : memref<64x128xf32, #tpu.memory_space<vmem>>[vector<16xi32>, vector<16xi32>], vector<16xf32>,
      %parallel_loop3A_1317 = arith.constant 48 : i32
      %parallel_loop3A_1318 = vector.broadcast %parallel_loop3A_1317 : i32 to vector<16xi32>
      %parallel_loop3A_1319 = arith.addi %parallel_loop3A_1277, %parallel_loop3A_1318 : vector<16xi32>
      %parallel_loop3A_1320 = arith.constant 0 : i32
      %parallel_loop3A_1321 = arith.constant 0 : i32
      %parallel_loop3A_1322 = tpu.memref_slice %arg8[%parallel_loop3A_977, %parallel_loop3A_1320, %parallel_loop3A_1321] : memref<4x128x128xf32, #tpu.memory_space<vmem>> -> memref<1x128x128xf32, #tpu.memory_space<vmem>>
      %parallel_loop3A_1323 = tpu.memref_squeeze %parallel_loop3A_1322 : memref<1x128x128xf32, #tpu.memory_space<vmem>> -> memref<128x128xf32, #tpu.memory_space<vmem>>
      %parallel_loop3A_1324 = tpu.vector_load_idx %parallel_loop3A_1323[%parallel_loop3A_1265, %parallel_loop3A_1319] : memref<128x128xf32, #tpu.memory_space<vmem>>[vector<16xi32>, vector<16xi32>], vector<16xf32>,
      %parallel_loop3A_1325 = arith.subi %parallel_loop3A_1319, %parallel_loop3A_1269 : vector<16xi32>
      %parallel_loop3A_1326 = arith.constant 0 : i32
      %parallel_loop3A_1327 = arith.constant 0 : i32
      %parallel_loop3A_1328 = tpu.memref_slice %arg9[%parallel_loop3A_978, %parallel_loop3A_1326, %parallel_loop3A_1327] : memref<2x64x128xf32, #tpu.memory_space<vmem>> -> memref<1x64x128xf32, #tpu.memory_space<vmem>>
      %parallel_loop3A_1329 = tpu.memref_squeeze %parallel_loop3A_1328 : memref<1x64x128xf32, #tpu.memory_space<vmem>> -> memref<64x128xf32, #tpu.memory_space<vmem>>
      tpu.vector_store_idx %parallel_loop3A_1329[%parallel_loop3A_1325, %parallel_loop3A_1265], %parallel_loop3A_1324 : memref<64x128xf32, #tpu.memory_space<vmem>>[vector<16xi32>, vector<16xi32>], vector<16xf32>,
    } {sc.loop_unroll_factor = 2 : i64, sc.parallel_access}
    %dma_start3A_979 = arith.constant 0 : i32
    %dma_start3A_980 = arith.constant 196 : i32
    %dma_start3A_981 = arith.constant 0 : i32
    %dma_start3A_982 = arith.constant 0 : i32
    %dma_start3A_983 = arith.constant 0 : i32
    %dma_start3A_984 = tpu.memref_slice %arg9[%dma_start3A_979, %dma_start3A_982, %dma_start3A_983] : memref<2x64x128xf32, #tpu.memory_space<vmem>> -> memref<1x64x128xf32, #tpu.memory_space<vmem>>
    %dma_start3A_985 = tpu.memref_squeeze %dma_start3A_984 : memref<1x64x128xf32, #tpu.memory_space<vmem>> -> memref<64x128xf32, #tpu.memory_space<vmem>>
    %dma_start3A_986 = arith.constant 0 : i32
    %dma_start3A_987 = tpu.memref_slice %arg5[%dma_start3A_980, %dma_start3A_986, %mul3A_2] : memref<200x64x4096xf32, #tpu.memory_space<hbm>> -> memref<1x64x128xf32, #tpu.memory_space<hbm>>
    %dma_start3A_988 = tpu.memref_squeeze %dma_start3A_987 : memref<1x64x128xf32, #tpu.memory_space<hbm>> -> memref<64x128xf32, #tpu.memory_space<hbm>>
    %dma_start3A_989 = tpu.memref_slice %arg13[%dma_start3A_981] : memref<2x!tpu.dma_semaphore, #tpu.memory_space<semaphore_mem>> -> memref<1x!tpu.dma_semaphore, #tpu.memory_space<semaphore_mem>>
    %dma_start3A_990 = tpu.memref_squeeze %dma_start3A_989 : memref<1x!tpu.dma_semaphore, #tpu.memory_space<semaphore_mem>> -> memref<!tpu.dma_semaphore, #tpu.memory_space<semaphore_mem>>
    %dma_start3A_991 = arith.constant 0 : i32
    %dma_start3A_992 = tpu.memref_slice %arg5[%dma_start3A_980, %dma_start3A_991, %mul3A_2] : memref<200x64x4096xf32, #tpu.memory_space<hbm>> -> memref<1x64x128xf32, #tpu.memory_space<hbm>>
    %dma_start3A_993 = tpu.memref_squeeze %dma_start3A_992 : memref<1x64x128xf32, #tpu.memory_space<hbm>> -> memref<64x128xf32, #tpu.memory_space<hbm>>
    %dma_start3A_994 = arith.constant 0 : i32
    %dma_start3A_995 = arith.constant 0 : i32
    %dma_start3A_996 = tpu.memref_slice %arg9[%dma_start3A_979, %dma_start3A_994, %dma_start3A_995] : memref<2x64x128xf32, #tpu.memory_space<vmem>> -> memref<1x64x128xf32, #tpu.memory_space<vmem>>
    %dma_start3A_997 = tpu.memref_squeeze %dma_start3A_996 : memref<1x64x128xf32, #tpu.memory_space<vmem>> -> memref<64x128xf32, #tpu.memory_space<vmem>>
    tpu.enqueue_dma source(%dma_start3A_997 : memref<64x128xf32, #tpu.memory_space<vmem>>) target(%dma_start3A_993 : memref<64x128xf32, #tpu.memory_space<hbm>>) target_semaphore(%dma_start3A_990 : memref<!tpu.dma_semaphore, #tpu.memory_space<semaphore_mem>>)
    %add3A_998 = arith.constant 6368 : i32
    %add3A_999 = arith.addi %add3A_998, %add3A : i32
    %add3A_1000 = arith.constant 6368 : i32
    %add3A_1001 = arith.addi %add3A_1000, %add3A : i32
    %dma_wait3A_1002 = arith.constant 3 : i32
    %dma_wait3A_1003 = arith.constant 3 : i32
    %dma_wait3A_1004 = arith.constant 0 : i32
    %dma_wait3A_1005 = tpu.memref_slice %arg6[%dma_wait3A_1002, %dma_wait3A_1004] : memref<4x128xi32, #tpu.memory_space<vmem>> -> memref<1x128xi32, #tpu.memory_space<vmem>>
    %dma_wait3A_1006 = tpu.memref_squeeze %dma_wait3A_1005 : memref<1x128xi32, #tpu.memory_space<vmem>> -> memref<128xi32, #tpu.memory_space<vmem>>
    %dma_wait3A_1007 = arith.constant 0 : i32
    %dma_wait3A_1008 = tpu.memref_slice %arg3[%add3A_999, %dma_wait3A_1007] : memref<6400x128xi32, #tpu.memory_space<hbm>> -> memref<1x128xi32, #tpu.memory_space<hbm>>
    %dma_wait3A_1009 = tpu.memref_squeeze %dma_wait3A_1008 : memref<1x128xi32, #tpu.memory_space<hbm>> -> memref<128xi32, #tpu.memory_space<hbm>>
    %dma_wait3A_1010 = tpu.memref_slice %arg10[%dma_wait3A_1003] : memref<4x!tpu.dma_semaphore, #tpu.memory_space<semaphore_mem>> -> memref<1x!tpu.dma_semaphore, #tpu.memory_space<semaphore_mem>>
    %dma_wait3A_1011 = tpu.memref_squeeze %dma_wait3A_1010 : memref<1x!tpu.dma_semaphore, #tpu.memory_space<semaphore_mem>> -> memref<!tpu.dma_semaphore, #tpu.memory_space<semaphore_mem>>
    %dma_wait3A_1012 = arith.constant 0 : i32
    %dma_wait3A_1013 = tpu.memref_slice %arg6[%dma_wait3A_1002, %dma_wait3A_1012] : memref<4x128xi32, #tpu.memory_space<vmem>> -> memref<1x128xi32, #tpu.memory_space<vmem>>
    %dma_wait3A_1014 = tpu.memref_squeeze %dma_wait3A_1013 : memref<1x128xi32, #tpu.memory_space<vmem>> -> memref<128xi32, #tpu.memory_space<vmem>>
    %dma_wait3A_1015 = arith.constant 0 : i32
    %dma_wait3A_1016 = tpu.memref_slice %arg3[%add3A_999, %dma_wait3A_1015] : memref<6400x128xi32, #tpu.memory_space<hbm>> -> memref<1x128xi32, #tpu.memory_space<hbm>>
    %dma_wait3A_1017 = tpu.memref_squeeze %dma_wait3A_1016 : memref<1x128xi32, #tpu.memory_space<hbm>> -> memref<128xi32, #tpu.memory_space<hbm>>
    tpu.wait_dma2 semaphore(%dma_wait3A_1011 : memref<!tpu.dma_semaphore, #tpu.memory_space<semaphore_mem>>) src(%dma_wait3A_1017 : memref<128xi32, #tpu.memory_space<hbm>>) dst(%dma_wait3A_1014 : memref<128xi32, #tpu.memory_space<vmem>>)
    %dma_wait3A_1018 = arith.constant 3 : i32
    %dma_wait3A_1019 = arith.constant 3 : i32
    %dma_wait3A_1020 = arith.constant 0 : i32
    %dma_wait3A_1021 = tpu.memref_slice %arg7[%dma_wait3A_1018, %dma_wait3A_1020] : memref<4x128xi32, #tpu.memory_space<vmem>> -> memref<1x128xi32, #tpu.memory_space<vmem>>
    %dma_wait3A_1022 = tpu.memref_squeeze %dma_wait3A_1021 : memref<1x128xi32, #tpu.memory_space<vmem>> -> memref<128xi32, #tpu.memory_space<vmem>>
    %dma_wait3A_1023 = arith.constant 0 : i32
    %dma_wait3A_1024 = tpu.memref_slice %arg4[%add3A_1001, %dma_wait3A_1023] : memref<6400x128xi32, #tpu.memory_space<hbm>> -> memref<1x128xi32, #tpu.memory_space<hbm>>
    %dma_wait3A_1025 = tpu.memref_squeeze %dma_wait3A_1024 : memref<1x128xi32, #tpu.memory_space<hbm>> -> memref<128xi32, #tpu.memory_space<hbm>>
    %dma_wait3A_1026 = tpu.memref_slice %arg11[%dma_wait3A_1019] : memref<4x!tpu.dma_semaphore, #tpu.memory_space<semaphore_mem>> -> memref<1x!tpu.dma_semaphore, #tpu.memory_space<semaphore_mem>>
    %dma_wait3A_1027 = tpu.memref_squeeze %dma_wait3A_1026 : memref<1x!tpu.dma_semaphore, #tpu.memory_space<semaphore_mem>> -> memref<!tpu.dma_semaphore, #tpu.memory_space<semaphore_mem>>
    %dma_wait3A_1028 = arith.constant 0 : i32
    %dma_wait3A_1029 = tpu.memref_slice %arg7[%dma_wait3A_1018, %dma_wait3A_1028] : memref<4x128xi32, #tpu.memory_space<vmem>> -> memref<1x128xi32, #tpu.memory_space<vmem>>
    %dma_wait3A_1030 = tpu.memref_squeeze %dma_wait3A_1029 : memref<1x128xi32, #tpu.memory_space<vmem>> -> memref<128xi32, #tpu.memory_space<vmem>>
    %dma_wait3A_1031 = arith.constant 0 : i32
    %dma_wait3A_1032 = tpu.memref_slice %arg4[%add3A_1001, %dma_wait3A_1031] : memref<6400x128xi32, #tpu.memory_space<hbm>> -> memref<1x128xi32, #tpu.memory_space<hbm>>
    %dma_wait3A_1033 = tpu.memref_squeeze %dma_wait3A_1032 : memref<1x128xi32, #tpu.memory_space<hbm>> -> memref<128xi32, #tpu.memory_space<hbm>>
    tpu.wait_dma2 semaphore(%dma_wait3A_1027 : memref<!tpu.dma_semaphore, #tpu.memory_space<semaphore_mem>>) src(%dma_wait3A_1033 : memref<128xi32, #tpu.memory_space<hbm>>) dst(%dma_wait3A_1030 : memref<128xi32, #tpu.memory_space<vmem>>)
    %dma_start3A_1034 = arith.constant 3 : i32
    %dma_start3A_1035 = arith.constant 3 : i32
    %dma_start3A_1036 = arith.constant 3 : i32
    %dma_start3A_1037 = arith.constant 0 : i32
    %dma_start3A_1038 = arith.constant 0 : i32
    %dma_start3A_1039 = tpu.memref_slice %arg8[%dma_start3A_1035, %dma_start3A_1037, %dma_start3A_1038] : memref<4x128x128xf32, #tpu.memory_space<vmem>> -> memref<1x128x128xf32, #tpu.memory_space<vmem>>
    %dma_start3A_1040 = tpu.memref_squeeze %dma_start3A_1039 : memref<1x128x128xf32, #tpu.memory_space<vmem>> -> memref<128x128xf32, #tpu.memory_space<vmem>>
    %dma_start3A_1041 = arith.constant 0 : i32
    %dma_start3A_1042 = tpu.memref_slice %arg6[%dma_start3A_1034, %dma_start3A_1041] : memref<4x128xi32, #tpu.memory_space<vmem>> -> memref<1x128xi32, #tpu.memory_space<vmem>>
    %dma_start3A_1043 = tpu.memref_squeeze %dma_start3A_1042 : memref<1x128xi32, #tpu.memory_space<vmem>> -> memref<128xi32, #tpu.memory_space<vmem>>
    %dma_start3A_1044 = arith.constant 0 : i32
    %dma_start3A_1045 = arith.constant 0 : i32
    %dma_start3A_1046 = tpu.memref_slice %arg2[%dma_start3A_1044, %dma_start3A_1045] : memref<503808x128xf32, #tpu.memory_space<hbm>> -> memref<503808x128xf32, #tpu.memory_space<hbm>>
    %dma_start3A_1047 = tpu.memref_slice %arg12[%dma_start3A_1036] : memref<4x!tpu.dma_semaphore, #tpu.memory_space<semaphore_mem>> -> memref<1x!tpu.dma_semaphore, #tpu.memory_space<semaphore_mem>>
    %dma_start3A_1048 = tpu.memref_squeeze %dma_start3A_1047 : memref<1x!tpu.dma_semaphore, #tpu.memory_space<semaphore_mem>> -> memref<!tpu.dma_semaphore, #tpu.memory_space<semaphore_mem>>
    tpu.enqueue_indirect_dma source(%dma_start3A_1046 : memref<503808x128xf32, #tpu.memory_space<hbm>>) target(%dma_start3A_1040 : memref<128x128xf32, #tpu.memory_space<vmem>>) offsets(%dma_start3A_1043 : memref<128xi32, #tpu.memory_space<vmem>>) semaphore(%dma_start3A_1048 : memref<!tpu.dma_semaphore, #tpu.memory_space<semaphore_mem>>)
    %dma_wait3A_1049 = arith.constant 1 : i32
    %dma_wait3A_1050 = arith.constant 1 : i32
    %dma_wait3A_1051 = arith.constant 1 : i32
    %dma_wait3A_1052 = arith.constant 0 : i32
    %dma_wait3A_1053 = arith.constant 0 : i32
    %dma_wait3A_1054 = tpu.memref_slice %arg8[%dma_wait3A_1050, %dma_wait3A_1052, %dma_wait3A_1053] : memref<4x128x128xf32, #tpu.memory_space<vmem>> -> memref<1x128x128xf32, #tpu.memory_space<vmem>>
    %dma_wait3A_1055 = tpu.memref_squeeze %dma_wait3A_1054 : memref<1x128x128xf32, #tpu.memory_space<vmem>> -> memref<128x128xf32, #tpu.memory_space<vmem>>
    %dma_wait3A_1056 = arith.constant 0 : i32
    %dma_wait3A_1057 = tpu.memref_slice %arg6[%dma_wait3A_1049, %dma_wait3A_1056] : memref<4x128xi32, #tpu.memory_space<vmem>> -> memref<1x128xi32, #tpu.memory_space<vmem>>
    %dma_wait3A_1058 = tpu.memref_squeeze %dma_wait3A_1057 : memref<1x128xi32, #tpu.memory_space<vmem>> -> memref<128xi32, #tpu.memory_space<vmem>>
    %dma_wait3A_1059 = arith.constant 0 : i32
    %dma_wait3A_1060 = arith.constant 0 : i32
    %dma_wait3A_1061 = tpu.memref_slice %arg2[%dma_wait3A_1059, %dma_wait3A_1060] : memref<503808x128xf32, #tpu.memory_space<hbm>> -> memref<503808x128xf32, #tpu.memory_space<hbm>>
    %dma_wait3A_1062 = tpu.memref_slice %arg12[%dma_wait3A_1051] : memref<4x!tpu.dma_semaphore, #tpu.memory_space<semaphore_mem>> -> memref<1x!tpu.dma_semaphore, #tpu.memory_space<semaphore_mem>>
    %dma_wait3A_1063 = tpu.memref_squeeze %dma_wait3A_1062 : memref<1x!tpu.dma_semaphore, #tpu.memory_space<semaphore_mem>> -> memref<!tpu.dma_semaphore, #tpu.memory_space<semaphore_mem>>
    tpu.wait_indirect_dma semaphore(%dma_wait3A_1063 : memref<!tpu.dma_semaphore, #tpu.memory_space<semaphore_mem>>) src(%dma_wait3A_1061 : memref<503808x128xf32, #tpu.memory_space<hbm>>) dst(%dma_wait3A_1055 : memref<128x128xf32, #tpu.memory_space<vmem>>)
    %dma_wait3A_1064 = arith.constant 1 : i32
    %dma_wait3A_1065 = arith.constant 195 : i32
    %dma_wait3A_1066 = arith.constant 1 : i32
    %dma_wait3A_1067 = arith.constant 0 : i32
    %dma_wait3A_1068 = arith.constant 0 : i32
    %dma_wait3A_1069 = tpu.memref_slice %arg9[%dma_wait3A_1064, %dma_wait3A_1067, %dma_wait3A_1068] : memref<2x64x128xf32, #tpu.memory_space<vmem>> -> memref<1x64x128xf32, #tpu.memory_space<vmem>>
    %dma_wait3A_1070 = tpu.memref_squeeze %dma_wait3A_1069 : memref<1x64x128xf32, #tpu.memory_space<vmem>> -> memref<64x128xf32, #tpu.memory_space<vmem>>
    %dma_wait3A_1071 = arith.constant 0 : i32
    %dma_wait3A_1072 = tpu.memref_slice %arg5[%dma_wait3A_1065, %dma_wait3A_1071, %mul3A_2] : memref<200x64x4096xf32, #tpu.memory_space<hbm>> -> memref<1x64x128xf32, #tpu.memory_space<hbm>>
    %dma_wait3A_1073 = tpu.memref_squeeze %dma_wait3A_1072 : memref<1x64x128xf32, #tpu.memory_space<hbm>> -> memref<64x128xf32, #tpu.memory_space<hbm>>
    %dma_wait3A_1074 = tpu.memref_slice %arg13[%dma_wait3A_1066] : memref<2x!tpu.dma_semaphore, #tpu.memory_space<semaphore_mem>> -> memref<1x!tpu.dma_semaphore, #tpu.memory_space<semaphore_mem>>
    %dma_wait3A_1075 = tpu.memref_squeeze %dma_wait3A_1074 : memref<1x!tpu.dma_semaphore, #tpu.memory_space<semaphore_mem>> -> memref<!tpu.dma_semaphore, #tpu.memory_space<semaphore_mem>>
    %dma_wait3A_1076 = arith.constant 0 : i32
    %dma_wait3A_1077 = tpu.memref_slice %arg5[%dma_wait3A_1065, %dma_wait3A_1076, %mul3A_2] : memref<200x64x4096xf32, #tpu.memory_space<hbm>> -> memref<1x64x128xf32, #tpu.memory_space<hbm>>
    %dma_wait3A_1078 = tpu.memref_squeeze %dma_wait3A_1077 : memref<1x64x128xf32, #tpu.memory_space<hbm>> -> memref<64x128xf32, #tpu.memory_space<hbm>>
    %dma_wait3A_1079 = arith.constant 0 : i32
    %dma_wait3A_1080 = arith.constant 0 : i32
    %dma_wait3A_1081 = tpu.memref_slice %arg9[%dma_wait3A_1064, %dma_wait3A_1079, %dma_wait3A_1080] : memref<2x64x128xf32, #tpu.memory_space<vmem>> -> memref<1x64x128xf32, #tpu.memory_space<vmem>>
    %dma_wait3A_1082 = tpu.memref_squeeze %dma_wait3A_1081 : memref<1x64x128xf32, #tpu.memory_space<vmem>> -> memref<64x128xf32, #tpu.memory_space<vmem>>
    tpu.wait_dma2 semaphore(%dma_wait3A_1075 : memref<!tpu.dma_semaphore, #tpu.memory_space<semaphore_mem>>) src(%dma_wait3A_1082 : memref<64x128xf32, #tpu.memory_space<vmem>>) dst(%dma_wait3A_1078 : memref<64x128xf32, #tpu.memory_space<hbm>>)
    %parallel_loop3A_1083 = arith.constant 0 : i32
    %parallel_loop3A_1084 = arith.constant 128 : i32
    %parallel_loop3A_1085 = arith.constant 1 : i32
    %parallel_loop3A_1086 = arith.constant 1 : i32
    %parallel_loop3A_1087 = arith.constant 1 : i32
    scf.for %parallel_loop3A_1261 = %parallel_loop3A_1083 to %parallel_loop3A_1084 step %parallel_loop3A_1085  : i32 {
      %parallel_loop3A_1262 = arith.constant -16 : i32
      %parallel_loop3A_1263 = arith.andi %parallel_loop3A_1261, %parallel_loop3A_1262 : i32
      %parallel_loop3A_1264 = vector.broadcast %parallel_loop3A_1263 : i32 to vector<16xi32>
      %parallel_loop3A_1265 = arith.addi %iota3A, %parallel_loop3A_1264 : vector<16xi32>
      %parallel_loop3A_1266 = arith.constant 1 : i32
      %parallel_loop3A_1267 = arith.index_cast %parallel_loop3A_1266 : i32 to index
      %parallel_loop3A_1268 = arith.index_cast %parallel_loop3A_1263 : i32 to index
      %parallel_loop3A_1269 = tpu.vector_load %arg7[%parallel_loop3A_1267, %parallel_loop3A_1268] {strides = array<i32>} : memref<4x128xi32, #tpu.memory_space<vmem>>, vector<16xi32>,
      %parallel_loop3A_1270 = arith.constant 15 : i32
      %parallel_loop3A_1271 = arith.andi %parallel_loop3A_1261, %parallel_loop3A_1270 : i32
      %parallel_loop3A_1272 = vector.broadcast %parallel_loop3A_1271 : i32 to vector<16xi32>
      %parallel_loop3A_1273 = arith.addi %iota3A, %parallel_loop3A_1272 : vector<16xi32>
      %parallel_loop3A_1274 = arith.constant 15 : i32
      %parallel_loop3A_1275 = vector.broadcast %parallel_loop3A_1274 : i32 to vector<16xi32>
      %parallel_loop3A_1276 = arith.andi %parallel_loop3A_1273, %parallel_loop3A_1275 : vector<16xi32>
      %parallel_loop3A_1277 = arith.addi %parallel_loop3A_1276, %parallel_loop3A_1269 : vector<16xi32>
      %parallel_loop3A_1278 = arith.constant 0 : i32
      %parallel_loop3A_1279 = vector.broadcast %parallel_loop3A_1278 : i32 to vector<16xi32>
      %parallel_loop3A_1280 = arith.addi %parallel_loop3A_1277, %parallel_loop3A_1279 : vector<16xi32>
      %parallel_loop3A_1281 = arith.constant 0 : i32
      %parallel_loop3A_1282 = arith.constant 0 : i32
      %parallel_loop3A_1283 = tpu.memref_slice %arg8[%parallel_loop3A_1086, %parallel_loop3A_1281, %parallel_loop3A_1282] : memref<4x128x128xf32, #tpu.memory_space<vmem>> -> memref<1x128x128xf32, #tpu.memory_space<vmem>>
      %parallel_loop3A_1284 = tpu.memref_squeeze %parallel_loop3A_1283 : memref<1x128x128xf32, #tpu.memory_space<vmem>> -> memref<128x128xf32, #tpu.memory_space<vmem>>
      %parallel_loop3A_1285 = tpu.vector_load_idx %parallel_loop3A_1284[%parallel_loop3A_1265, %parallel_loop3A_1280] : memref<128x128xf32, #tpu.memory_space<vmem>>[vector<16xi32>, vector<16xi32>], vector<16xf32>,
      %parallel_loop3A_1286 = arith.subi %parallel_loop3A_1280, %parallel_loop3A_1269 : vector<16xi32>
      %parallel_loop3A_1287 = arith.constant 0 : i32
      %parallel_loop3A_1288 = arith.constant 0 : i32
      %parallel_loop3A_1289 = tpu.memref_slice %arg9[%parallel_loop3A_1087, %parallel_loop3A_1287, %parallel_loop3A_1288] : memref<2x64x128xf32, #tpu.memory_space<vmem>> -> memref<1x64x128xf32, #tpu.memory_space<vmem>>
      %parallel_loop3A_1290 = tpu.memref_squeeze %parallel_loop3A_1289 : memref<1x64x128xf32, #tpu.memory_space<vmem>> -> memref<64x128xf32, #tpu.memory_space<vmem>>
      tpu.vector_store_idx %parallel_loop3A_1290[%parallel_loop3A_1286, %parallel_loop3A_1265], %parallel_loop3A_1285 : memref<64x128xf32, #tpu.memory_space<vmem>>[vector<16xi32>, vector<16xi32>], vector<16xf32>,
      %parallel_loop3A_1291 = arith.constant 16 : i32
      %parallel_loop3A_1292 = vector.broadcast %parallel_loop3A_1291 : i32 to vector<16xi32>
      %parallel_loop3A_1293 = arith.addi %parallel_loop3A_1277, %parallel_loop3A_1292 : vector<16xi32>
      %parallel_loop3A_1294 = arith.constant 0 : i32
      %parallel_loop3A_1295 = arith.constant 0 : i32
      %parallel_loop3A_1296 = tpu.memref_slice %arg8[%parallel_loop3A_1086, %parallel_loop3A_1294, %parallel_loop3A_1295] : memref<4x128x128xf32, #tpu.memory_space<vmem>> -> memref<1x128x128xf32, #tpu.memory_space<vmem>>
      %parallel_loop3A_1297 = tpu.memref_squeeze %parallel_loop3A_1296 : memref<1x128x128xf32, #tpu.memory_space<vmem>> -> memref<128x128xf32, #tpu.memory_space<vmem>>
      %parallel_loop3A_1298 = tpu.vector_load_idx %parallel_loop3A_1297[%parallel_loop3A_1265, %parallel_loop3A_1293] : memref<128x128xf32, #tpu.memory_space<vmem>>[vector<16xi32>, vector<16xi32>], vector<16xf32>,
      %parallel_loop3A_1299 = arith.subi %parallel_loop3A_1293, %parallel_loop3A_1269 : vector<16xi32>
      %parallel_loop3A_1300 = arith.constant 0 : i32
      %parallel_loop3A_1301 = arith.constant 0 : i32
      %parallel_loop3A_1302 = tpu.memref_slice %arg9[%parallel_loop3A_1087, %parallel_loop3A_1300, %parallel_loop3A_1301] : memref<2x64x128xf32, #tpu.memory_space<vmem>> -> memref<1x64x128xf32, #tpu.memory_space<vmem>>
      %parallel_loop3A_1303 = tpu.memref_squeeze %parallel_loop3A_1302 : memref<1x64x128xf32, #tpu.memory_space<vmem>> -> memref<64x128xf32, #tpu.memory_space<vmem>>
      tpu.vector_store_idx %parallel_loop3A_1303[%parallel_loop3A_1299, %parallel_loop3A_1265], %parallel_loop3A_1298 : memref<64x128xf32, #tpu.memory_space<vmem>>[vector<16xi32>, vector<16xi32>], vector<16xf32>,
      %parallel_loop3A_1304 = arith.constant 32 : i32
      %parallel_loop3A_1305 = vector.broadcast %parallel_loop3A_1304 : i32 to vector<16xi32>
      %parallel_loop3A_1306 = arith.addi %parallel_loop3A_1277, %parallel_loop3A_1305 : vector<16xi32>
      %parallel_loop3A_1307 = arith.constant 0 : i32
      %parallel_loop3A_1308 = arith.constant 0 : i32
      %parallel_loop3A_1309 = tpu.memref_slice %arg8[%parallel_loop3A_1086, %parallel_loop3A_1307, %parallel_loop3A_1308] : memref<4x128x128xf32, #tpu.memory_space<vmem>> -> memref<1x128x128xf32, #tpu.memory_space<vmem>>
      %parallel_loop3A_1310 = tpu.memref_squeeze %parallel_loop3A_1309 : memref<1x128x128xf32, #tpu.memory_space<vmem>> -> memref<128x128xf32, #tpu.memory_space<vmem>>
      %parallel_loop3A_1311 = tpu.vector_load_idx %parallel_loop3A_1310[%parallel_loop3A_1265, %parallel_loop3A_1306] : memref<128x128xf32, #tpu.memory_space<vmem>>[vector<16xi32>, vector<16xi32>], vector<16xf32>,
      %parallel_loop3A_1312 = arith.subi %parallel_loop3A_1306, %parallel_loop3A_1269 : vector<16xi32>
      %parallel_loop3A_1313 = arith.constant 0 : i32
      %parallel_loop3A_1314 = arith.constant 0 : i32
      %parallel_loop3A_1315 = tpu.memref_slice %arg9[%parallel_loop3A_1087, %parallel_loop3A_1313, %parallel_loop3A_1314] : memref<2x64x128xf32, #tpu.memory_space<vmem>> -> memref<1x64x128xf32, #tpu.memory_space<vmem>>
      %parallel_loop3A_1316 = tpu.memref_squeeze %parallel_loop3A_1315 : memref<1x64x128xf32, #tpu.memory_space<vmem>> -> memref<64x128xf32, #tpu.memory_space<vmem>>
      tpu.vector_store_idx %parallel_loop3A_1316[%parallel_loop3A_1312, %parallel_loop3A_1265], %parallel_loop3A_1311 : memref<64x128xf32, #tpu.memory_space<vmem>>[vector<16xi32>, vector<16xi32>], vector<16xf32>,
      %parallel_loop3A_1317 = arith.constant 48 : i32
      %parallel_loop3A_1318 = vector.broadcast %parallel_loop3A_1317 : i32 to vector<16xi32>
      %parallel_loop3A_1319 = arith.addi %parallel_loop3A_1277, %parallel_loop3A_1318 : vector<16xi32>
      %parallel_loop3A_1320 = arith.constant 0 : i32
      %parallel_loop3A_1321 = arith.constant 0 : i32
      %parallel_loop3A_1322 = tpu.memref_slice %arg8[%parallel_loop3A_1086, %parallel_loop3A_1320, %parallel_loop3A_1321] : memref<4x128x128xf32, #tpu.memory_space<vmem>> -> memref<1x128x128xf32, #tpu.memory_space<vmem>>
      %parallel_loop3A_1323 = tpu.memref_squeeze %parallel_loop3A_1322 : memref<1x128x128xf32, #tpu.memory_space<vmem>> -> memref<128x128xf32, #tpu.memory_space<vmem>>
      %parallel_loop3A_1324 = tpu.vector_load_idx %parallel_loop3A_1323[%parallel_loop3A_1265, %parallel_loop3A_1319] : memref<128x128xf32, #tpu.memory_space<vmem>>[vector<16xi32>, vector<16xi32>], vector<16xf32>,
      %parallel_loop3A_1325 = arith.subi %parallel_loop3A_1319, %parallel_loop3A_1269 : vector<16xi32>
      %parallel_loop3A_1326 = arith.constant 0 : i32
      %parallel_loop3A_1327 = arith.constant 0 : i32
      %parallel_loop3A_1328 = tpu.memref_slice %arg9[%parallel_loop3A_1087, %parallel_loop3A_1326, %parallel_loop3A_1327] : memref<2x64x128xf32, #tpu.memory_space<vmem>> -> memref<1x64x128xf32, #tpu.memory_space<vmem>>
      %parallel_loop3A_1329 = tpu.memref_squeeze %parallel_loop3A_1328 : memref<1x64x128xf32, #tpu.memory_space<vmem>> -> memref<64x128xf32, #tpu.memory_space<vmem>>
      tpu.vector_store_idx %parallel_loop3A_1329[%parallel_loop3A_1325, %parallel_loop3A_1265], %parallel_loop3A_1324 : memref<64x128xf32, #tpu.memory_space<vmem>>[vector<16xi32>, vector<16xi32>], vector<16xf32>,
    } {sc.loop_unroll_factor = 2 : i64, sc.parallel_access}
    %dma_start3A_1088 = arith.constant 1 : i32
    %dma_start3A_1089 = arith.constant 197 : i32
    %dma_start3A_1090 = arith.constant 1 : i32
    %dma_start3A_1091 = arith.constant 0 : i32
    %dma_start3A_1092 = arith.constant 0 : i32
    %dma_start3A_1093 = tpu.memref_slice %arg9[%dma_start3A_1088, %dma_start3A_1091, %dma_start3A_1092] : memref<2x64x128xf32, #tpu.memory_space<vmem>> -> memref<1x64x128xf32, #tpu.memory_space<vmem>>
    %dma_start3A_1094 = tpu.memref_squeeze %dma_start3A_1093 : memref<1x64x128xf32, #tpu.memory_space<vmem>> -> memref<64x128xf32, #tpu.memory_space<vmem>>
    %dma_start3A_1095 = arith.constant 0 : i32
    %dma_start3A_1096 = tpu.memref_slice %arg5[%dma_start3A_1089, %dma_start3A_1095, %mul3A_2] : memref<200x64x4096xf32, #tpu.memory_space<hbm>> -> memref<1x64x128xf32, #tpu.memory_space<hbm>>
    %dma_start3A_1097 = tpu.memref_squeeze %dma_start3A_1096 : memref<1x64x128xf32, #tpu.memory_space<hbm>> -> memref<64x128xf32, #tpu.memory_space<hbm>>
    %dma_start3A_1098 = tpu.memref_slice %arg13[%dma_start3A_1090] : memref<2x!tpu.dma_semaphore, #tpu.memory_space<semaphore_mem>> -> memref<1x!tpu.dma_semaphore, #tpu.memory_space<semaphore_mem>>
    %dma_start3A_1099 = tpu.memref_squeeze %dma_start3A_1098 : memref<1x!tpu.dma_semaphore, #tpu.memory_space<semaphore_mem>> -> memref<!tpu.dma_semaphore, #tpu.memory_space<semaphore_mem>>
    %dma_start3A_1100 = arith.constant 0 : i32
    %dma_start3A_1101 = tpu.memref_slice %arg5[%dma_start3A_1089, %dma_start3A_1100, %mul3A_2] : memref<200x64x4096xf32, #tpu.memory_space<hbm>> -> memref<1x64x128xf32, #tpu.memory_space<hbm>>
    %dma_start3A_1102 = tpu.memref_squeeze %dma_start3A_1101 : memref<1x64x128xf32, #tpu.memory_space<hbm>> -> memref<64x128xf32, #tpu.memory_space<hbm>>
    %dma_start3A_1103 = arith.constant 0 : i32
    %dma_start3A_1104 = arith.constant 0 : i32
    %dma_start3A_1105 = tpu.memref_slice %arg9[%dma_start3A_1088, %dma_start3A_1103, %dma_start3A_1104] : memref<2x64x128xf32, #tpu.memory_space<vmem>> -> memref<1x64x128xf32, #tpu.memory_space<vmem>>
    %dma_start3A_1106 = tpu.memref_squeeze %dma_start3A_1105 : memref<1x64x128xf32, #tpu.memory_space<vmem>> -> memref<64x128xf32, #tpu.memory_space<vmem>>
    tpu.enqueue_dma source(%dma_start3A_1106 : memref<64x128xf32, #tpu.memory_space<vmem>>) target(%dma_start3A_1102 : memref<64x128xf32, #tpu.memory_space<hbm>>) target_semaphore(%dma_start3A_1099 : memref<!tpu.dma_semaphore, #tpu.memory_space<semaphore_mem>>)
    %dma_wait3A_1107 = arith.constant 2 : i32
    %dma_wait3A_1108 = arith.constant 2 : i32
    %dma_wait3A_1109 = arith.constant 2 : i32
    %dma_wait3A_1110 = arith.constant 0 : i32
    %dma_wait3A_1111 = arith.constant 0 : i32
    %dma_wait3A_1112 = tpu.memref_slice %arg8[%dma_wait3A_1108, %dma_wait3A_1110, %dma_wait3A_1111] : memref<4x128x128xf32, #tpu.memory_space<vmem>> -> memref<1x128x128xf32, #tpu.memory_space<vmem>>
    %dma_wait3A_1113 = tpu.memref_squeeze %dma_wait3A_1112 : memref<1x128x128xf32, #tpu.memory_space<vmem>> -> memref<128x128xf32, #tpu.memory_space<vmem>>
    %dma_wait3A_1114 = arith.constant 0 : i32
    %dma_wait3A_1115 = tpu.memref_slice %arg6[%dma_wait3A_1107, %dma_wait3A_1114] : memref<4x128xi32, #tpu.memory_space<vmem>> -> memref<1x128xi32, #tpu.memory_space<vmem>>
    %dma_wait3A_1116 = tpu.memref_squeeze %dma_wait3A_1115 : memref<1x128xi32, #tpu.memory_space<vmem>> -> memref<128xi32, #tpu.memory_space<vmem>>
    %dma_wait3A_1117 = arith.constant 0 : i32
    %dma_wait3A_1118 = arith.constant 0 : i32
    %dma_wait3A_1119 = tpu.memref_slice %arg2[%dma_wait3A_1117, %dma_wait3A_1118] : memref<503808x128xf32, #tpu.memory_space<hbm>> -> memref<503808x128xf32, #tpu.memory_space<hbm>>
    %dma_wait3A_1120 = tpu.memref_slice %arg12[%dma_wait3A_1109] : memref<4x!tpu.dma_semaphore, #tpu.memory_space<semaphore_mem>> -> memref<1x!tpu.dma_semaphore, #tpu.memory_space<semaphore_mem>>
    %dma_wait3A_1121 = tpu.memref_squeeze %dma_wait3A_1120 : memref<1x!tpu.dma_semaphore, #tpu.memory_space<semaphore_mem>> -> memref<!tpu.dma_semaphore, #tpu.memory_space<semaphore_mem>>
    tpu.wait_indirect_dma semaphore(%dma_wait3A_1121 : memref<!tpu.dma_semaphore, #tpu.memory_space<semaphore_mem>>) src(%dma_wait3A_1119 : memref<503808x128xf32, #tpu.memory_space<hbm>>) dst(%dma_wait3A_1113 : memref<128x128xf32, #tpu.memory_space<vmem>>)
    %dma_wait3A_1122 = arith.constant 0 : i32
    %dma_wait3A_1123 = arith.constant 196 : i32
    %dma_wait3A_1124 = arith.constant 0 : i32
    %dma_wait3A_1125 = arith.constant 0 : i32
    %dma_wait3A_1126 = arith.constant 0 : i32
    %dma_wait3A_1127 = tpu.memref_slice %arg9[%dma_wait3A_1122, %dma_wait3A_1125, %dma_wait3A_1126] : memref<2x64x128xf32, #tpu.memory_space<vmem>> -> memref<1x64x128xf32, #tpu.memory_space<vmem>>
    %dma_wait3A_1128 = tpu.memref_squeeze %dma_wait3A_1127 : memref<1x64x128xf32, #tpu.memory_space<vmem>> -> memref<64x128xf32, #tpu.memory_space<vmem>>
    %dma_wait3A_1129 = arith.constant 0 : i32
    %dma_wait3A_1130 = tpu.memref_slice %arg5[%dma_wait3A_1123, %dma_wait3A_1129, %mul3A_2] : memref<200x64x4096xf32, #tpu.memory_space<hbm>> -> memref<1x64x128xf32, #tpu.memory_space<hbm>>
    %dma_wait3A_1131 = tpu.memref_squeeze %dma_wait3A_1130 : memref<1x64x128xf32, #tpu.memory_space<hbm>> -> memref<64x128xf32, #tpu.memory_space<hbm>>
    %dma_wait3A_1132 = tpu.memref_slice %arg13[%dma_wait3A_1124] : memref<2x!tpu.dma_semaphore, #tpu.memory_space<semaphore_mem>> -> memref<1x!tpu.dma_semaphore, #tpu.memory_space<semaphore_mem>>
    %dma_wait3A_1133 = tpu.memref_squeeze %dma_wait3A_1132 : memref<1x!tpu.dma_semaphore, #tpu.memory_space<semaphore_mem>> -> memref<!tpu.dma_semaphore, #tpu.memory_space<semaphore_mem>>
    %dma_wait3A_1134 = arith.constant 0 : i32
    %dma_wait3A_1135 = tpu.memref_slice %arg5[%dma_wait3A_1123, %dma_wait3A_1134, %mul3A_2] : memref<200x64x4096xf32, #tpu.memory_space<hbm>> -> memref<1x64x128xf32, #tpu.memory_space<hbm>>
    %dma_wait3A_1136 = tpu.memref_squeeze %dma_wait3A_1135 : memref<1x64x128xf32, #tpu.memory_space<hbm>> -> memref<64x128xf32, #tpu.memory_space<hbm>>
    %dma_wait3A_1137 = arith.constant 0 : i32
    %dma_wait3A_1138 = arith.constant 0 : i32
    %dma_wait3A_1139 = tpu.memref_slice %arg9[%dma_wait3A_1122, %dma_wait3A_1137, %dma_wait3A_1138] : memref<2x64x128xf32, #tpu.memory_space<vmem>> -> memref<1x64x128xf32, #tpu.memory_space<vmem>>
    %dma_wait3A_1140 = tpu.memref_squeeze %dma_wait3A_1139 : memref<1x64x128xf32, #tpu.memory_space<vmem>> -> memref<64x128xf32, #tpu.memory_space<vmem>>
    tpu.wait_dma2 semaphore(%dma_wait3A_1133 : memref<!tpu.dma_semaphore, #tpu.memory_space<semaphore_mem>>) src(%dma_wait3A_1140 : memref<64x128xf32, #tpu.memory_space<vmem>>) dst(%dma_wait3A_1136 : memref<64x128xf32, #tpu.memory_space<hbm>>)
    %parallel_loop3A_1141 = arith.constant 0 : i32
    %parallel_loop3A_1142 = arith.constant 128 : i32
    %parallel_loop3A_1143 = arith.constant 1 : i32
    %parallel_loop3A_1144 = arith.constant 2 : i32
    %parallel_loop3A_1145 = arith.constant 0 : i32
    scf.for %parallel_loop3A_1261 = %parallel_loop3A_1141 to %parallel_loop3A_1142 step %parallel_loop3A_1143  : i32 {
      %parallel_loop3A_1262 = arith.constant -16 : i32
      %parallel_loop3A_1263 = arith.andi %parallel_loop3A_1261, %parallel_loop3A_1262 : i32
      %parallel_loop3A_1264 = vector.broadcast %parallel_loop3A_1263 : i32 to vector<16xi32>
      %parallel_loop3A_1265 = arith.addi %iota3A, %parallel_loop3A_1264 : vector<16xi32>
      %parallel_loop3A_1266 = arith.constant 2 : i32
      %parallel_loop3A_1267 = arith.index_cast %parallel_loop3A_1266 : i32 to index
      %parallel_loop3A_1268 = arith.index_cast %parallel_loop3A_1263 : i32 to index
      %parallel_loop3A_1269 = tpu.vector_load %arg7[%parallel_loop3A_1267, %parallel_loop3A_1268] {strides = array<i32>} : memref<4x128xi32, #tpu.memory_space<vmem>>, vector<16xi32>,
      %parallel_loop3A_1270 = arith.constant 15 : i32
      %parallel_loop3A_1271 = arith.andi %parallel_loop3A_1261, %parallel_loop3A_1270 : i32
      %parallel_loop3A_1272 = vector.broadcast %parallel_loop3A_1271 : i32 to vector<16xi32>
      %parallel_loop3A_1273 = arith.addi %iota3A, %parallel_loop3A_1272 : vector<16xi32>
      %parallel_loop3A_1274 = arith.constant 15 : i32
      %parallel_loop3A_1275 = vector.broadcast %parallel_loop3A_1274 : i32 to vector<16xi32>
      %parallel_loop3A_1276 = arith.andi %parallel_loop3A_1273, %parallel_loop3A_1275 : vector<16xi32>
      %parallel_loop3A_1277 = arith.addi %parallel_loop3A_1276, %parallel_loop3A_1269 : vector<16xi32>
      %parallel_loop3A_1278 = arith.constant 0 : i32
      %parallel_loop3A_1279 = vector.broadcast %parallel_loop3A_1278 : i32 to vector<16xi32>
      %parallel_loop3A_1280 = arith.addi %parallel_loop3A_1277, %parallel_loop3A_1279 : vector<16xi32>
      %parallel_loop3A_1281 = arith.constant 0 : i32
      %parallel_loop3A_1282 = arith.constant 0 : i32
      %parallel_loop3A_1283 = tpu.memref_slice %arg8[%parallel_loop3A_1144, %parallel_loop3A_1281, %parallel_loop3A_1282] : memref<4x128x128xf32, #tpu.memory_space<vmem>> -> memref<1x128x128xf32, #tpu.memory_space<vmem>>
      %parallel_loop3A_1284 = tpu.memref_squeeze %parallel_loop3A_1283 : memref<1x128x128xf32, #tpu.memory_space<vmem>> -> memref<128x128xf32, #tpu.memory_space<vmem>>
      %parallel_loop3A_1285 = tpu.vector_load_idx %parallel_loop3A_1284[%parallel_loop3A_1265, %parallel_loop3A_1280] : memref<128x128xf32, #tpu.memory_space<vmem>>[vector<16xi32>, vector<16xi32>], vector<16xf32>,
      %parallel_loop3A_1286 = arith.subi %parallel_loop3A_1280, %parallel_loop3A_1269 : vector<16xi32>
      %parallel_loop3A_1287 = arith.constant 0 : i32
      %parallel_loop3A_1288 = arith.constant 0 : i32
      %parallel_loop3A_1289 = tpu.memref_slice %arg9[%parallel_loop3A_1145, %parallel_loop3A_1287, %parallel_loop3A_1288] : memref<2x64x128xf32, #tpu.memory_space<vmem>> -> memref<1x64x128xf32, #tpu.memory_space<vmem>>
      %parallel_loop3A_1290 = tpu.memref_squeeze %parallel_loop3A_1289 : memref<1x64x128xf32, #tpu.memory_space<vmem>> -> memref<64x128xf32, #tpu.memory_space<vmem>>
      tpu.vector_store_idx %parallel_loop3A_1290[%parallel_loop3A_1286, %parallel_loop3A_1265], %parallel_loop3A_1285 : memref<64x128xf32, #tpu.memory_space<vmem>>[vector<16xi32>, vector<16xi32>], vector<16xf32>,
      %parallel_loop3A_1291 = arith.constant 16 : i32
      %parallel_loop3A_1292 = vector.broadcast %parallel_loop3A_1291 : i32 to vector<16xi32>
      %parallel_loop3A_1293 = arith.addi %parallel_loop3A_1277, %parallel_loop3A_1292 : vector<16xi32>
      %parallel_loop3A_1294 = arith.constant 0 : i32
      %parallel_loop3A_1295 = arith.constant 0 : i32
      %parallel_loop3A_1296 = tpu.memref_slice %arg8[%parallel_loop3A_1144, %parallel_loop3A_1294, %parallel_loop3A_1295] : memref<4x128x128xf32, #tpu.memory_space<vmem>> -> memref<1x128x128xf32, #tpu.memory_space<vmem>>
      %parallel_loop3A_1297 = tpu.memref_squeeze %parallel_loop3A_1296 : memref<1x128x128xf32, #tpu.memory_space<vmem>> -> memref<128x128xf32, #tpu.memory_space<vmem>>
      %parallel_loop3A_1298 = tpu.vector_load_idx %parallel_loop3A_1297[%parallel_loop3A_1265, %parallel_loop3A_1293] : memref<128x128xf32, #tpu.memory_space<vmem>>[vector<16xi32>, vector<16xi32>], vector<16xf32>,
      %parallel_loop3A_1299 = arith.subi %parallel_loop3A_1293, %parallel_loop3A_1269 : vector<16xi32>
      %parallel_loop3A_1300 = arith.constant 0 : i32
      %parallel_loop3A_1301 = arith.constant 0 : i32
      %parallel_loop3A_1302 = tpu.memref_slice %arg9[%parallel_loop3A_1145, %parallel_loop3A_1300, %parallel_loop3A_1301] : memref<2x64x128xf32, #tpu.memory_space<vmem>> -> memref<1x64x128xf32, #tpu.memory_space<vmem>>
      %parallel_loop3A_1303 = tpu.memref_squeeze %parallel_loop3A_1302 : memref<1x64x128xf32, #tpu.memory_space<vmem>> -> memref<64x128xf32, #tpu.memory_space<vmem>>
      tpu.vector_store_idx %parallel_loop3A_1303[%parallel_loop3A_1299, %parallel_loop3A_1265], %parallel_loop3A_1298 : memref<64x128xf32, #tpu.memory_space<vmem>>[vector<16xi32>, vector<16xi32>], vector<16xf32>,
      %parallel_loop3A_1304 = arith.constant 32 : i32
      %parallel_loop3A_1305 = vector.broadcast %parallel_loop3A_1304 : i32 to vector<16xi32>
      %parallel_loop3A_1306 = arith.addi %parallel_loop3A_1277, %parallel_loop3A_1305 : vector<16xi32>
      %parallel_loop3A_1307 = arith.constant 0 : i32
      %parallel_loop3A_1308 = arith.constant 0 : i32
      %parallel_loop3A_1309 = tpu.memref_slice %arg8[%parallel_loop3A_1144, %parallel_loop3A_1307, %parallel_loop3A_1308] : memref<4x128x128xf32, #tpu.memory_space<vmem>> -> memref<1x128x128xf32, #tpu.memory_space<vmem>>
      %parallel_loop3A_1310 = tpu.memref_squeeze %parallel_loop3A_1309 : memref<1x128x128xf32, #tpu.memory_space<vmem>> -> memref<128x128xf32, #tpu.memory_space<vmem>>
      %parallel_loop3A_1311 = tpu.vector_load_idx %parallel_loop3A_1310[%parallel_loop3A_1265, %parallel_loop3A_1306] : memref<128x128xf32, #tpu.memory_space<vmem>>[vector<16xi32>, vector<16xi32>], vector<16xf32>,
      %parallel_loop3A_1312 = arith.subi %parallel_loop3A_1306, %parallel_loop3A_1269 : vector<16xi32>
      %parallel_loop3A_1313 = arith.constant 0 : i32
      %parallel_loop3A_1314 = arith.constant 0 : i32
      %parallel_loop3A_1315 = tpu.memref_slice %arg9[%parallel_loop3A_1145, %parallel_loop3A_1313, %parallel_loop3A_1314] : memref<2x64x128xf32, #tpu.memory_space<vmem>> -> memref<1x64x128xf32, #tpu.memory_space<vmem>>
      %parallel_loop3A_1316 = tpu.memref_squeeze %parallel_loop3A_1315 : memref<1x64x128xf32, #tpu.memory_space<vmem>> -> memref<64x128xf32, #tpu.memory_space<vmem>>
      tpu.vector_store_idx %parallel_loop3A_1316[%parallel_loop3A_1312, %parallel_loop3A_1265], %parallel_loop3A_1311 : memref<64x128xf32, #tpu.memory_space<vmem>>[vector<16xi32>, vector<16xi32>], vector<16xf32>,
      %parallel_loop3A_1317 = arith.constant 48 : i32
      %parallel_loop3A_1318 = vector.broadcast %parallel_loop3A_1317 : i32 to vector<16xi32>
      %parallel_loop3A_1319 = arith.addi %parallel_loop3A_1277, %parallel_loop3A_1318 : vector<16xi32>
      %parallel_loop3A_1320 = arith.constant 0 : i32
      %parallel_loop3A_1321 = arith.constant 0 : i32
      %parallel_loop3A_1322 = tpu.memref_slice %arg8[%parallel_loop3A_1144, %parallel_loop3A_1320, %parallel_loop3A_1321] : memref<4x128x128xf32, #tpu.memory_space<vmem>> -> memref<1x128x128xf32, #tpu.memory_space<vmem>>
      %parallel_loop3A_1323 = tpu.memref_squeeze %parallel_loop3A_1322 : memref<1x128x128xf32, #tpu.memory_space<vmem>> -> memref<128x128xf32, #tpu.memory_space<vmem>>
      %parallel_loop3A_1324 = tpu.vector_load_idx %parallel_loop3A_1323[%parallel_loop3A_1265, %parallel_loop3A_1319] : memref<128x128xf32, #tpu.memory_space<vmem>>[vector<16xi32>, vector<16xi32>], vector<16xf32>,
      %parallel_loop3A_1325 = arith.subi %parallel_loop3A_1319, %parallel_loop3A_1269 : vector<16xi32>
      %parallel_loop3A_1326 = arith.constant 0 : i32
      %parallel_loop3A_1327 = arith.constant 0 : i32
      %parallel_loop3A_1328 = tpu.memref_slice %arg9[%parallel_loop3A_1145, %parallel_loop3A_1326, %parallel_loop3A_1327] : memref<2x64x128xf32, #tpu.memory_space<vmem>> -> memref<1x64x128xf32, #tpu.memory_space<vmem>>
      %parallel_loop3A_1329 = tpu.memref_squeeze %parallel_loop3A_1328 : memref<1x64x128xf32, #tpu.memory_space<vmem>> -> memref<64x128xf32, #tpu.memory_space<vmem>>
      tpu.vector_store_idx %parallel_loop3A_1329[%parallel_loop3A_1325, %parallel_loop3A_1265], %parallel_loop3A_1324 : memref<64x128xf32, #tpu.memory_space<vmem>>[vector<16xi32>, vector<16xi32>], vector<16xf32>,
    } {sc.loop_unroll_factor = 2 : i64, sc.parallel_access}
    %dma_start3A_1146 = arith.constant 0 : i32
    %dma_start3A_1147 = arith.constant 198 : i32
    %dma_start3A_1148 = arith.constant 0 : i32
    %dma_start3A_1149 = arith.constant 0 : i32
    %dma_start3A_1150 = arith.constant 0 : i32
    %dma_start3A_1151 = tpu.memref_slice %arg9[%dma_start3A_1146, %dma_start3A_1149, %dma_start3A_1150] : memref<2x64x128xf32, #tpu.memory_space<vmem>> -> memref<1x64x128xf32, #tpu.memory_space<vmem>>
    %dma_start3A_1152 = tpu.memref_squeeze %dma_start3A_1151 : memref<1x64x128xf32, #tpu.memory_space<vmem>> -> memref<64x128xf32, #tpu.memory_space<vmem>>
    %dma_start3A_1153 = arith.constant 0 : i32
    %dma_start3A_1154 = tpu.memref_slice %arg5[%dma_start3A_1147, %dma_start3A_1153, %mul3A_2] : memref<200x64x4096xf32, #tpu.memory_space<hbm>> -> memref<1x64x128xf32, #tpu.memory_space<hbm>>
    %dma_start3A_1155 = tpu.memref_squeeze %dma_start3A_1154 : memref<1x64x128xf32, #tpu.memory_space<hbm>> -> memref<64x128xf32, #tpu.memory_space<hbm>>
    %dma_start3A_1156 = tpu.memref_slice %arg13[%dma_start3A_1148] : memref<2x!tpu.dma_semaphore, #tpu.memory_space<semaphore_mem>> -> memref<1x!tpu.dma_semaphore, #tpu.memory_space<semaphore_mem>>
    %dma_start3A_1157 = tpu.memref_squeeze %dma_start3A_1156 : memref<1x!tpu.dma_semaphore, #tpu.memory_space<semaphore_mem>> -> memref<!tpu.dma_semaphore, #tpu.memory_space<semaphore_mem>>
    %dma_start3A_1158 = arith.constant 0 : i32
    %dma_start3A_1159 = tpu.memref_slice %arg5[%dma_start3A_1147, %dma_start3A_1158, %mul3A_2] : memref<200x64x4096xf32, #tpu.memory_space<hbm>> -> memref<1x64x128xf32, #tpu.memory_space<hbm>>
    %dma_start3A_1160 = tpu.memref_squeeze %dma_start3A_1159 : memref<1x64x128xf32, #tpu.memory_space<hbm>> -> memref<64x128xf32, #tpu.memory_space<hbm>>
    %dma_start3A_1161 = arith.constant 0 : i32
    %dma_start3A_1162 = arith.constant 0 : i32
    %dma_start3A_1163 = tpu.memref_slice %arg9[%dma_start3A_1146, %dma_start3A_1161, %dma_start3A_1162] : memref<2x64x128xf32, #tpu.memory_space<vmem>> -> memref<1x64x128xf32, #tpu.memory_space<vmem>>
    %dma_start3A_1164 = tpu.memref_squeeze %dma_start3A_1163 : memref<1x64x128xf32, #tpu.memory_space<vmem>> -> memref<64x128xf32, #tpu.memory_space<vmem>>
    tpu.enqueue_dma source(%dma_start3A_1164 : memref<64x128xf32, #tpu.memory_space<vmem>>) target(%dma_start3A_1160 : memref<64x128xf32, #tpu.memory_space<hbm>>) target_semaphore(%dma_start3A_1157 : memref<!tpu.dma_semaphore, #tpu.memory_space<semaphore_mem>>)
    %dma_wait3A_1165 = arith.constant 3 : i32
    %dma_wait3A_1166 = arith.constant 3 : i32
    %dma_wait3A_1167 = arith.constant 3 : i32
    %dma_wait3A_1168 = arith.constant 0 : i32
    %dma_wait3A_1169 = arith.constant 0 : i32
    %dma_wait3A_1170 = tpu.memref_slice %arg8[%dma_wait3A_1166, %dma_wait3A_1168, %dma_wait3A_1169] : memref<4x128x128xf32, #tpu.memory_space<vmem>> -> memref<1x128x128xf32, #tpu.memory_space<vmem>>
    %dma_wait3A_1171 = tpu.memref_squeeze %dma_wait3A_1170 : memref<1x128x128xf32, #tpu.memory_space<vmem>> -> memref<128x128xf32, #tpu.memory_space<vmem>>
    %dma_wait3A_1172 = arith.constant 0 : i32
    %dma_wait3A_1173 = tpu.memref_slice %arg6[%dma_wait3A_1165, %dma_wait3A_1172] : memref<4x128xi32, #tpu.memory_space<vmem>> -> memref<1x128xi32, #tpu.memory_space<vmem>>
    %dma_wait3A_1174 = tpu.memref_squeeze %dma_wait3A_1173 : memref<1x128xi32, #tpu.memory_space<vmem>> -> memref<128xi32, #tpu.memory_space<vmem>>
    %dma_wait3A_1175 = arith.constant 0 : i32
    %dma_wait3A_1176 = arith.constant 0 : i32
    %dma_wait3A_1177 = tpu.memref_slice %arg2[%dma_wait3A_1175, %dma_wait3A_1176] : memref<503808x128xf32, #tpu.memory_space<hbm>> -> memref<503808x128xf32, #tpu.memory_space<hbm>>
    %dma_wait3A_1178 = tpu.memref_slice %arg12[%dma_wait3A_1167] : memref<4x!tpu.dma_semaphore, #tpu.memory_space<semaphore_mem>> -> memref<1x!tpu.dma_semaphore, #tpu.memory_space<semaphore_mem>>
    %dma_wait3A_1179 = tpu.memref_squeeze %dma_wait3A_1178 : memref<1x!tpu.dma_semaphore, #tpu.memory_space<semaphore_mem>> -> memref<!tpu.dma_semaphore, #tpu.memory_space<semaphore_mem>>
    tpu.wait_indirect_dma semaphore(%dma_wait3A_1179 : memref<!tpu.dma_semaphore, #tpu.memory_space<semaphore_mem>>) src(%dma_wait3A_1177 : memref<503808x128xf32, #tpu.memory_space<hbm>>) dst(%dma_wait3A_1171 : memref<128x128xf32, #tpu.memory_space<vmem>>)
    %dma_wait3A_1180 = arith.constant 1 : i32
    %dma_wait3A_1181 = arith.constant 197 : i32
    %dma_wait3A_1182 = arith.constant 1 : i32
    %dma_wait3A_1183 = arith.constant 0 : i32
    %dma_wait3A_1184 = arith.constant 0 : i32
    %dma_wait3A_1185 = tpu.memref_slice %arg9[%dma_wait3A_1180, %dma_wait3A_1183, %dma_wait3A_1184] : memref<2x64x128xf32, #tpu.memory_space<vmem>> -> memref<1x64x128xf32, #tpu.memory_space<vmem>>
    %dma_wait3A_1186 = tpu.memref_squeeze %dma_wait3A_1185 : memref<1x64x128xf32, #tpu.memory_space<vmem>> -> memref<64x128xf32, #tpu.memory_space<vmem>>
    %dma_wait3A_1187 = arith.constant 0 : i32
    %dma_wait3A_1188 = tpu.memref_slice %arg5[%dma_wait3A_1181, %dma_wait3A_1187, %mul3A_2] : memref<200x64x4096xf32, #tpu.memory_space<hbm>> -> memref<1x64x128xf32, #tpu.memory_space<hbm>>
    %dma_wait3A_1189 = tpu.memref_squeeze %dma_wait3A_1188 : memref<1x64x128xf32, #tpu.memory_space<hbm>> -> memref<64x128xf32, #tpu.memory_space<hbm>>
    %dma_wait3A_1190 = tpu.memref_slice %arg13[%dma_wait3A_1182] : memref<2x!tpu.dma_semaphore, #tpu.memory_space<semaphore_mem>> -> memref<1x!tpu.dma_semaphore, #tpu.memory_space<semaphore_mem>>
    %dma_wait3A_1191 = tpu.memref_squeeze %dma_wait3A_1190 : memref<1x!tpu.dma_semaphore, #tpu.memory_space<semaphore_mem>> -> memref<!tpu.dma_semaphore, #tpu.memory_space<semaphore_mem>>
    %dma_wait3A_1192 = arith.constant 0 : i32
    %dma_wait3A_1193 = tpu.memref_slice %arg5[%dma_wait3A_1181, %dma_wait3A_1192, %mul3A_2] : memref<200x64x4096xf32, #tpu.memory_space<hbm>> -> memref<1x64x128xf32, #tpu.memory_space<hbm>>
    %dma_wait3A_1194 = tpu.memref_squeeze %dma_wait3A_1193 : memref<1x64x128xf32, #tpu.memory_space<hbm>> -> memref<64x128xf32, #tpu.memory_space<hbm>>
    %dma_wait3A_1195 = arith.constant 0 : i32
    %dma_wait3A_1196 = arith.constant 0 : i32
    %dma_wait3A_1197 = tpu.memref_slice %arg9[%dma_wait3A_1180, %dma_wait3A_1195, %dma_wait3A_1196] : memref<2x64x128xf32, #tpu.memory_space<vmem>> -> memref<1x64x128xf32, #tpu.memory_space<vmem>>
    %dma_wait3A_1198 = tpu.memref_squeeze %dma_wait3A_1197 : memref<1x64x128xf32, #tpu.memory_space<vmem>> -> memref<64x128xf32, #tpu.memory_space<vmem>>
    tpu.wait_dma2 semaphore(%dma_wait3A_1191 : memref<!tpu.dma_semaphore, #tpu.memory_space<semaphore_mem>>) src(%dma_wait3A_1198 : memref<64x128xf32, #tpu.memory_space<vmem>>) dst(%dma_wait3A_1194 : memref<64x128xf32, #tpu.memory_space<hbm>>)
    %parallel_loop3A_1199 = arith.constant 0 : i32
    %parallel_loop3A_1200 = arith.constant 128 : i32
    %parallel_loop3A_1201 = arith.constant 1 : i32
    %parallel_loop3A_1202 = arith.constant 3 : i32
    %parallel_loop3A_1203 = arith.constant 1 : i32
    scf.for %parallel_loop3A_1261 = %parallel_loop3A_1199 to %parallel_loop3A_1200 step %parallel_loop3A_1201  : i32 {
      %parallel_loop3A_1262 = arith.constant -16 : i32
      %parallel_loop3A_1263 = arith.andi %parallel_loop3A_1261, %parallel_loop3A_1262 : i32
      %parallel_loop3A_1264 = vector.broadcast %parallel_loop3A_1263 : i32 to vector<16xi32>
      %parallel_loop3A_1265 = arith.addi %iota3A, %parallel_loop3A_1264 : vector<16xi32>
      %parallel_loop3A_1266 = arith.constant 3 : i32
      %parallel_loop3A_1267 = arith.index_cast %parallel_loop3A_1266 : i32 to index
      %parallel_loop3A_1268 = arith.index_cast %parallel_loop3A_1263 : i32 to index
      %parallel_loop3A_1269 = tpu.vector_load %arg7[%parallel_loop3A_1267, %parallel_loop3A_1268] {strides = array<i32>} : memref<4x128xi32, #tpu.memory_space<vmem>>, vector<16xi32>,
      %parallel_loop3A_1270 = arith.constant 15 : i32
      %parallel_loop3A_1271 = arith.andi %parallel_loop3A_1261, %parallel_loop3A_1270 : i32
      %parallel_loop3A_1272 = vector.broadcast %parallel_loop3A_1271 : i32 to vector<16xi32>
      %parallel_loop3A_1273 = arith.addi %iota3A, %parallel_loop3A_1272 : vector<16xi32>
      %parallel_loop3A_1274 = arith.constant 15 : i32
      %parallel_loop3A_1275 = vector.broadcast %parallel_loop3A_1274 : i32 to vector<16xi32>
      %parallel_loop3A_1276 = arith.andi %parallel_loop3A_1273, %parallel_loop3A_1275 : vector<16xi32>
      %parallel_loop3A_1277 = arith.addi %parallel_loop3A_1276, %parallel_loop3A_1269 : vector<16xi32>
      %parallel_loop3A_1278 = arith.constant 0 : i32
      %parallel_loop3A_1279 = vector.broadcast %parallel_loop3A_1278 : i32 to vector<16xi32>
      %parallel_loop3A_1280 = arith.addi %parallel_loop3A_1277, %parallel_loop3A_1279 : vector<16xi32>
      %parallel_loop3A_1281 = arith.constant 0 : i32
      %parallel_loop3A_1282 = arith.constant 0 : i32
      %parallel_loop3A_1283 = tpu.memref_slice %arg8[%parallel_loop3A_1202, %parallel_loop3A_1281, %parallel_loop3A_1282] : memref<4x128x128xf32, #tpu.memory_space<vmem>> -> memref<1x128x128xf32, #tpu.memory_space<vmem>>
      %parallel_loop3A_1284 = tpu.memref_squeeze %parallel_loop3A_1283 : memref<1x128x128xf32, #tpu.memory_space<vmem>> -> memref<128x128xf32, #tpu.memory_space<vmem>>
      %parallel_loop3A_1285 = tpu.vector_load_idx %parallel_loop3A_1284[%parallel_loop3A_1265, %parallel_loop3A_1280] : memref<128x128xf32, #tpu.memory_space<vmem>>[vector<16xi32>, vector<16xi32>], vector<16xf32>,
      %parallel_loop3A_1286 = arith.subi %parallel_loop3A_1280, %parallel_loop3A_1269 : vector<16xi32>
      %parallel_loop3A_1287 = arith.constant 0 : i32
      %parallel_loop3A_1288 = arith.constant 0 : i32
      %parallel_loop3A_1289 = tpu.memref_slice %arg9[%parallel_loop3A_1203, %parallel_loop3A_1287, %parallel_loop3A_1288] : memref<2x64x128xf32, #tpu.memory_space<vmem>> -> memref<1x64x128xf32, #tpu.memory_space<vmem>>
      %parallel_loop3A_1290 = tpu.memref_squeeze %parallel_loop3A_1289 : memref<1x64x128xf32, #tpu.memory_space<vmem>> -> memref<64x128xf32, #tpu.memory_space<vmem>>
      tpu.vector_store_idx %parallel_loop3A_1290[%parallel_loop3A_1286, %parallel_loop3A_1265], %parallel_loop3A_1285 : memref<64x128xf32, #tpu.memory_space<vmem>>[vector<16xi32>, vector<16xi32>], vector<16xf32>,
      %parallel_loop3A_1291 = arith.constant 16 : i32
      %parallel_loop3A_1292 = vector.broadcast %parallel_loop3A_1291 : i32 to vector<16xi32>
      %parallel_loop3A_1293 = arith.addi %parallel_loop3A_1277, %parallel_loop3A_1292 : vector<16xi32>
      %parallel_loop3A_1294 = arith.constant 0 : i32
      %parallel_loop3A_1295 = arith.constant 0 : i32
      %parallel_loop3A_1296 = tpu.memref_slice %arg8[%parallel_loop3A_1202, %parallel_loop3A_1294, %parallel_loop3A_1295] : memref<4x128x128xf32, #tpu.memory_space<vmem>> -> memref<1x128x128xf32, #tpu.memory_space<vmem>>
      %parallel_loop3A_1297 = tpu.memref_squeeze %parallel_loop3A_1296 : memref<1x128x128xf32, #tpu.memory_space<vmem>> -> memref<128x128xf32, #tpu.memory_space<vmem>>
      %parallel_loop3A_1298 = tpu.vector_load_idx %parallel_loop3A_1297[%parallel_loop3A_1265, %parallel_loop3A_1293] : memref<128x128xf32, #tpu.memory_space<vmem>>[vector<16xi32>, vector<16xi32>], vector<16xf32>,
      %parallel_loop3A_1299 = arith.subi %parallel_loop3A_1293, %parallel_loop3A_1269 : vector<16xi32>
      %parallel_loop3A_1300 = arith.constant 0 : i32
      %parallel_loop3A_1301 = arith.constant 0 : i32
      %parallel_loop3A_1302 = tpu.memref_slice %arg9[%parallel_loop3A_1203, %parallel_loop3A_1300, %parallel_loop3A_1301] : memref<2x64x128xf32, #tpu.memory_space<vmem>> -> memref<1x64x128xf32, #tpu.memory_space<vmem>>
      %parallel_loop3A_1303 = tpu.memref_squeeze %parallel_loop3A_1302 : memref<1x64x128xf32, #tpu.memory_space<vmem>> -> memref<64x128xf32, #tpu.memory_space<vmem>>
      tpu.vector_store_idx %parallel_loop3A_1303[%parallel_loop3A_1299, %parallel_loop3A_1265], %parallel_loop3A_1298 : memref<64x128xf32, #tpu.memory_space<vmem>>[vector<16xi32>, vector<16xi32>], vector<16xf32>,
      %parallel_loop3A_1304 = arith.constant 32 : i32
      %parallel_loop3A_1305 = vector.broadcast %parallel_loop3A_1304 : i32 to vector<16xi32>
      %parallel_loop3A_1306 = arith.addi %parallel_loop3A_1277, %parallel_loop3A_1305 : vector<16xi32>
      %parallel_loop3A_1307 = arith.constant 0 : i32
      %parallel_loop3A_1308 = arith.constant 0 : i32
      %parallel_loop3A_1309 = tpu.memref_slice %arg8[%parallel_loop3A_1202, %parallel_loop3A_1307, %parallel_loop3A_1308] : memref<4x128x128xf32, #tpu.memory_space<vmem>> -> memref<1x128x128xf32, #tpu.memory_space<vmem>>
      %parallel_loop3A_1310 = tpu.memref_squeeze %parallel_loop3A_1309 : memref<1x128x128xf32, #tpu.memory_space<vmem>> -> memref<128x128xf32, #tpu.memory_space<vmem>>
      %parallel_loop3A_1311 = tpu.vector_load_idx %parallel_loop3A_1310[%parallel_loop3A_1265, %parallel_loop3A_1306] : memref<128x128xf32, #tpu.memory_space<vmem>>[vector<16xi32>, vector<16xi32>], vector<16xf32>,
      %parallel_loop3A_1312 = arith.subi %parallel_loop3A_1306, %parallel_loop3A_1269 : vector<16xi32>
      %parallel_loop3A_1313 = arith.constant 0 : i32
      %parallel_loop3A_1314 = arith.constant 0 : i32
      %parallel_loop3A_1315 = tpu.memref_slice %arg9[%parallel_loop3A_1203, %parallel_loop3A_1313, %parallel_loop3A_1314] : memref<2x64x128xf32, #tpu.memory_space<vmem>> -> memref<1x64x128xf32, #tpu.memory_space<vmem>>
      %parallel_loop3A_1316 = tpu.memref_squeeze %parallel_loop3A_1315 : memref<1x64x128xf32, #tpu.memory_space<vmem>> -> memref<64x128xf32, #tpu.memory_space<vmem>>
      tpu.vector_store_idx %parallel_loop3A_1316[%parallel_loop3A_1312, %parallel_loop3A_1265], %parallel_loop3A_1311 : memref<64x128xf32, #tpu.memory_space<vmem>>[vector<16xi32>, vector<16xi32>], vector<16xf32>,
      %parallel_loop3A_1317 = arith.constant 48 : i32
      %parallel_loop3A_1318 = vector.broadcast %parallel_loop3A_1317 : i32 to vector<16xi32>
      %parallel_loop3A_1319 = arith.addi %parallel_loop3A_1277, %parallel_loop3A_1318 : vector<16xi32>
      %parallel_loop3A_1320 = arith.constant 0 : i32
      %parallel_loop3A_1321 = arith.constant 0 : i32
      %parallel_loop3A_1322 = tpu.memref_slice %arg8[%parallel_loop3A_1202, %parallel_loop3A_1320, %parallel_loop3A_1321] : memref<4x128x128xf32, #tpu.memory_space<vmem>> -> memref<1x128x128xf32, #tpu.memory_space<vmem>>
      %parallel_loop3A_1323 = tpu.memref_squeeze %parallel_loop3A_1322 : memref<1x128x128xf32, #tpu.memory_space<vmem>> -> memref<128x128xf32, #tpu.memory_space<vmem>>
      %parallel_loop3A_1324 = tpu.vector_load_idx %parallel_loop3A_1323[%parallel_loop3A_1265, %parallel_loop3A_1319] : memref<128x128xf32, #tpu.memory_space<vmem>>[vector<16xi32>, vector<16xi32>], vector<16xf32>,
      %parallel_loop3A_1325 = arith.subi %parallel_loop3A_1319, %parallel_loop3A_1269 : vector<16xi32>
      %parallel_loop3A_1326 = arith.constant 0 : i32
      %parallel_loop3A_1327 = arith.constant 0 : i32
      %parallel_loop3A_1328 = tpu.memref_slice %arg9[%parallel_loop3A_1203, %parallel_loop3A_1326, %parallel_loop3A_1327] : memref<2x64x128xf32, #tpu.memory_space<vmem>> -> memref<1x64x128xf32, #tpu.memory_space<vmem>>
      %parallel_loop3A_1329 = tpu.memref_squeeze %parallel_loop3A_1328 : memref<1x64x128xf32, #tpu.memory_space<vmem>> -> memref<64x128xf32, #tpu.memory_space<vmem>>
      tpu.vector_store_idx %parallel_loop3A_1329[%parallel_loop3A_1325, %parallel_loop3A_1265], %parallel_loop3A_1324 : memref<64x128xf32, #tpu.memory_space<vmem>>[vector<16xi32>, vector<16xi32>], vector<16xf32>,
    } {sc.loop_unroll_factor = 2 : i64, sc.parallel_access}
    %dma_start3A_1204 = arith.constant 1 : i32
    %dma_start3A_1205 = arith.constant 199 : i32
    %dma_start3A_1206 = arith.constant 1 : i32
    %dma_start3A_1207 = arith.constant 0 : i32
    %dma_start3A_1208 = arith.constant 0 : i32
    %dma_start3A_1209 = tpu.memref_slice %arg9[%dma_start3A_1204, %dma_start3A_1207, %dma_start3A_1208] : memref<2x64x128xf32, #tpu.memory_space<vmem>> -> memref<1x64x128xf32, #tpu.memory_space<vmem>>
    %dma_start3A_1210 = tpu.memref_squeeze %dma_start3A_1209 : memref<1x64x128xf32, #tpu.memory_space<vmem>> -> memref<64x128xf32, #tpu.memory_space<vmem>>
    %dma_start3A_1211 = arith.constant 0 : i32
    %dma_start3A_1212 = tpu.memref_slice %arg5[%dma_start3A_1205, %dma_start3A_1211, %mul3A_2] : memref<200x64x4096xf32, #tpu.memory_space<hbm>> -> memref<1x64x128xf32, #tpu.memory_space<hbm>>
    %dma_start3A_1213 = tpu.memref_squeeze %dma_start3A_1212 : memref<1x64x128xf32, #tpu.memory_space<hbm>> -> memref<64x128xf32, #tpu.memory_space<hbm>>
    %dma_start3A_1214 = tpu.memref_slice %arg13[%dma_start3A_1206] : memref<2x!tpu.dma_semaphore, #tpu.memory_space<semaphore_mem>> -> memref<1x!tpu.dma_semaphore, #tpu.memory_space<semaphore_mem>>
    %dma_start3A_1215 = tpu.memref_squeeze %dma_start3A_1214 : memref<1x!tpu.dma_semaphore, #tpu.memory_space<semaphore_mem>> -> memref<!tpu.dma_semaphore, #tpu.memory_space<semaphore_mem>>
    %dma_start3A_1216 = arith.constant 0 : i32
    %dma_start3A_1217 = tpu.memref_slice %arg5[%dma_start3A_1205, %dma_start3A_1216, %mul3A_2] : memref<200x64x4096xf32, #tpu.memory_space<hbm>> -> memref<1x64x128xf32, #tpu.memory_space<hbm>>
    %dma_start3A_1218 = tpu.memref_squeeze %dma_start3A_1217 : memref<1x64x128xf32, #tpu.memory_space<hbm>> -> memref<64x128xf32, #tpu.memory_space<hbm>>
    %dma_start3A_1219 = arith.constant 0 : i32
    %dma_start3A_1220 = arith.constant 0 : i32
    %dma_start3A_1221 = tpu.memref_slice %arg9[%dma_start3A_1204, %dma_start3A_1219, %dma_start3A_1220] : memref<2x64x128xf32, #tpu.memory_space<vmem>> -> memref<1x64x128xf32, #tpu.memory_space<vmem>>
    %dma_start3A_1222 = tpu.memref_squeeze %dma_start3A_1221 : memref<1x64x128xf32, #tpu.memory_space<vmem>> -> memref<64x128xf32, #tpu.memory_space<vmem>>
    tpu.enqueue_dma source(%dma_start3A_1222 : memref<64x128xf32, #tpu.memory_space<vmem>>) target(%dma_start3A_1218 : memref<64x128xf32, #tpu.memory_space<hbm>>) target_semaphore(%dma_start3A_1215 : memref<!tpu.dma_semaphore, #tpu.memory_space<semaphore_mem>>)
    %dma_wait3A_1223 = arith.constant 0 : i32
    %dma_wait3A_1224 = arith.constant 198 : i32
    %dma_wait3A_1225 = arith.constant 0 : i32
    %dma_wait3A_1226 = arith.constant 0 : i32
    %dma_wait3A_1227 = arith.constant 0 : i32
    %dma_wait3A_1228 = tpu.memref_slice %arg9[%dma_wait3A_1223, %dma_wait3A_1226, %dma_wait3A_1227] : memref<2x64x128xf32, #tpu.memory_space<vmem>> -> memref<1x64x128xf32, #tpu.memory_space<vmem>>
    %dma_wait3A_1229 = tpu.memref_squeeze %dma_wait3A_1228 : memref<1x64x128xf32, #tpu.memory_space<vmem>> -> memref<64x128xf32, #tpu.memory_space<vmem>>
    %dma_wait3A_1230 = arith.constant 0 : i32
    %dma_wait3A_1231 = tpu.memref_slice %arg5[%dma_wait3A_1224, %dma_wait3A_1230, %mul3A_2] : memref<200x64x4096xf32, #tpu.memory_space<hbm>> -> memref<1x64x128xf32, #tpu.memory_space<hbm>>
    %dma_wait3A_1232 = tpu.memref_squeeze %dma_wait3A_1231 : memref<1x64x128xf32, #tpu.memory_space<hbm>> -> memref<64x128xf32, #tpu.memory_space<hbm>>
    %dma_wait3A_1233 = tpu.memref_slice %arg13[%dma_wait3A_1225] : memref<2x!tpu.dma_semaphore, #tpu.memory_space<semaphore_mem>> -> memref<1x!tpu.dma_semaphore, #tpu.memory_space<semaphore_mem>>
    %dma_wait3A_1234 = tpu.memref_squeeze %dma_wait3A_1233 : memref<1x!tpu.dma_semaphore, #tpu.memory_space<semaphore_mem>> -> memref<!tpu.dma_semaphore, #tpu.memory_space<semaphore_mem>>
    %dma_wait3A_1235 = arith.constant 0 : i32
    %dma_wait3A_1236 = tpu.memref_slice %arg5[%dma_wait3A_1224, %dma_wait3A_1235, %mul3A_2] : memref<200x64x4096xf32, #tpu.memory_space<hbm>> -> memref<1x64x128xf32, #tpu.memory_space<hbm>>
    %dma_wait3A_1237 = tpu.memref_squeeze %dma_wait3A_1236 : memref<1x64x128xf32, #tpu.memory_space<hbm>> -> memref<64x128xf32, #tpu.memory_space<hbm>>
    %dma_wait3A_1238 = arith.constant 0 : i32
    %dma_wait3A_1239 = arith.constant 0 : i32
    %dma_wait3A_1240 = tpu.memref_slice %arg9[%dma_wait3A_1223, %dma_wait3A_1238, %dma_wait3A_1239] : memref<2x64x128xf32, #tpu.memory_space<vmem>> -> memref<1x64x128xf32, #tpu.memory_space<vmem>>
    %dma_wait3A_1241 = tpu.memref_squeeze %dma_wait3A_1240 : memref<1x64x128xf32, #tpu.memory_space<vmem>> -> memref<64x128xf32, #tpu.memory_space<vmem>>
    tpu.wait_dma2 semaphore(%dma_wait3A_1234 : memref<!tpu.dma_semaphore, #tpu.memory_space<semaphore_mem>>) src(%dma_wait3A_1241 : memref<64x128xf32, #tpu.memory_space<vmem>>) dst(%dma_wait3A_1237 : memref<64x128xf32, #tpu.memory_space<hbm>>)
    %dma_wait3A_1242 = arith.constant 1 : i32
    %dma_wait3A_1243 = arith.constant 199 : i32
    %dma_wait3A_1244 = arith.constant 1 : i32
    %dma_wait3A_1245 = arith.constant 0 : i32
    %dma_wait3A_1246 = arith.constant 0 : i32
    %dma_wait3A_1247 = tpu.memref_slice %arg9[%dma_wait3A_1242, %dma_wait3A_1245, %dma_wait3A_1246] : memref<2x64x128xf32, #tpu.memory_space<vmem>> -> memref<1x64x128xf32, #tpu.memory_space<vmem>>
    %dma_wait3A_1248 = tpu.memref_squeeze %dma_wait3A_1247 : memref<1x64x128xf32, #tpu.memory_space<vmem>> -> memref<64x128xf32, #tpu.memory_space<vmem>>
    %dma_wait3A_1249 = arith.constant 0 : i32
    %dma_wait3A_1250 = tpu.memref_slice %arg5[%dma_wait3A_1243, %dma_wait3A_1249, %mul3A_2] : memref<200x64x4096xf32, #tpu.memory_space<hbm>> -> memref<1x64x128xf32, #tpu.memory_space<hbm>>
    %dma_wait3A_1251 = tpu.memref_squeeze %dma_wait3A_1250 : memref<1x64x128xf32, #tpu.memory_space<hbm>> -> memref<64x128xf32, #tpu.memory_space<hbm>>
    %dma_wait3A_1252 = tpu.memref_slice %arg13[%dma_wait3A_1244] : memref<2x!tpu.dma_semaphore, #tpu.memory_space<semaphore_mem>> -> memref<1x!tpu.dma_semaphore, #tpu.memory_space<semaphore_mem>>
    %dma_wait3A_1253 = tpu.memref_squeeze %dma_wait3A_1252 : memref<1x!tpu.dma_semaphore, #tpu.memory_space<semaphore_mem>> -> memref<!tpu.dma_semaphore, #tpu.memory_space<semaphore_mem>>
    %dma_wait3A_1254 = arith.constant 0 : i32
    %dma_wait3A_1255 = tpu.memref_slice %arg5[%dma_wait3A_1243, %dma_wait3A_1254, %mul3A_2] : memref<200x64x4096xf32, #tpu.memory_space<hbm>> -> memref<1x64x128xf32, #tpu.memory_space<hbm>>
    %dma_wait3A_1256 = tpu.memref_squeeze %dma_wait3A_1255 : memref<1x64x128xf32, #tpu.memory_space<hbm>> -> memref<64x128xf32, #tpu.memory_space<hbm>>
    %dma_wait3A_1257 = arith.constant 0 : i32
    %dma_wait3A_1258 = arith.constant 0 : i32
    %dma_wait3A_1259 = tpu.memref_slice %arg9[%dma_wait3A_1242, %dma_wait3A_1257, %dma_wait3A_1258] : memref<2x64x128xf32, #tpu.memory_space<vmem>> -> memref<1x64x128xf32, #tpu.memory_space<vmem>>
    %dma_wait3A_1260 = tpu.memref_squeeze %dma_wait3A_1259 : memref<1x64x128xf32, #tpu.memory_space<vmem>> -> memref<64x128xf32, #tpu.memory_space<vmem>>
    tpu.wait_dma2 semaphore(%dma_wait3A_1253 : memref<!tpu.dma_semaphore, #tpu.memory_space<semaphore_mem>>) src(%dma_wait3A_1260 : memref<64x128xf32, #tpu.memory_space<vmem>>) dst(%dma_wait3A_1256 : memref<64x128xf32, #tpu.memory_space<hbm>>)
    return
  }
}

module attributes {stable_mosaic.version = 14 : i64} {
  func.func @repack_kernel(%arg0: i32, %arg1: memref<64x4096xf32, #tpu.memory_space<vmem>>, %arg2: memref<64x4096xf32, #tpu.memory_space<vmem>>, %arg3: memref<4096x128xf32, #tpu.memory_space<vmem>>) attributes {dimension_semantics = [#tpu.dimension_semantics<arbitrary>], iteration_bounds = array<i64: 123>, scalar_prefetch = 0 : i64, scratch_operands = 0 : i64, tpu.core_type = #tpu.core_type<tc>, window_params = [{transform_indices = @transform_0, window_bounds = array<i64: 64, 4096>}, {transform_indices = @transform_1, window_bounds = array<i64: 64, 4096>}, {transform_indices = @transform_2, window_bounds = array<i64: 4096, 128>}]} {
    %get3A = arith.constant 0 : index
    %get3A_0 = arith.constant 0 : index
    %get3A_1 = vector.load %arg1[%get3A, %get3A_0] : memref<64x4096xf32, #tpu.memory_space<vmem>>, vector<64x4096xf32>
    %transpose3A = tpu.transpose %get3A_1, [1, 0] : vector<64x4096xf32> -> vector<4096x64xf32>
    %mul3A = arith.constant 8.000000e+00 : f32
    %mul3A_2 = vector.broadcast %mul3A : f32 to vector<4096x64xf32>
    %mul3A_3 = arith.mulf %transpose3A, %mul3A_2 : vector<4096x64xf32>
    %swap3A = arith.constant 0 : index
    %swap3A_4 = arith.constant 0 : index
    %swap3A_5 = vector.load %arg3[%swap3A, %swap3A_4] : memref<4096x128xf32, #tpu.memory_space<vmem>>, vector<4096x64xf32>
    tpu.vector_store %arg3[%swap3A, %swap3A_4], %mul3A_3 {strides = array<i32>} : memref<4096x128xf32, #tpu.memory_space<vmem>>, vector<4096x64xf32>,
    %get3A_6 = arith.constant 0 : index
    %get3A_7 = arith.constant 0 : index
    %get3A_8 = vector.load %arg2[%get3A_6, %get3A_7] : memref<64x4096xf32, #tpu.memory_space<vmem>>, vector<64x4096xf32>
    %transpose3A_9 = tpu.transpose %get3A_8, [1, 0] : vector<64x4096xf32> -> vector<4096x64xf32>
    %mul3A_10 = arith.constant 8.000000e+00 : f32
    %mul3A_11 = vector.broadcast %mul3A_10 : f32 to vector<4096x64xf32>
    %mul3A_12 = arith.mulf %transpose3A_9, %mul3A_11 : vector<4096x64xf32>
    %swap3A_13 = arith.constant 0 : index
    %swap3A_14 = arith.constant 64 : index
    %swap3A_15 = vector.load %arg3[%swap3A_13, %swap3A_14] : memref<4096x128xf32, #tpu.memory_space<vmem>>, vector<4096x64xf32>
    tpu.vector_store %arg3[%swap3A_13, %swap3A_14], %mul3A_12 {strides = array<i32>} : memref<4096x128xf32, #tpu.memory_space<vmem>>, vector<4096x64xf32>,
    return
  }
  func.func @transform_0(%arg0: i32) -> (i32, i32) {
    %c0_i32 = arith.constant 0 : i32
    %c0_i32_0 = arith.constant 0 : i32
    return %c0_i32, %arg0 : i32, i32
  }
  func.func @transform_1(%arg0: i32) -> (i32, i32) {
    %add3A = arith.constant 123 : i32
    %add3A_0 = arith.addi %arg0, %add3A : i32
    %min3A = arith.constant 244 : i32
    %min3A_1 = arith.minsi %add3A_0, %min3A : i32
    %c0_i32 = arith.constant 0 : i32
    %c0_i32_2 = arith.constant 0 : i32
    return %c0_i32, %min3A_1 : i32, i32
  }
  func.func @transform_2(%arg0: i32) -> (i32, i32) {
    %c0_i32 = arith.constant 0 : i32
    %c0_i32_0 = arith.constant 0 : i32
    return %arg0, %c0_i32 : i32, i32
  }
}

</mosaic_0001>

<sc_bundles>
// kernel: kernel.4.cloned.1.call-start
scs
__scs_entry_jumppad:
0x0: {  	(pc) =	sbr.rel $0x88, $3  }
0x1: {  	(tag) =	ssettag $0x0;
	lr =	simm.s32 $0x1  }
0x2: {  	[smem:$0x3F9F] =	sst lr;
	_ =	strace $0xD0000000  }
0x3: {  	_ = 	snop  }
0x4: {  	_ = 	snop  }
0x5: {  	_ = 	snop  }
0x6: {  	_ = 	snop  }
0x7: {  	_ = 	snop  }
__scs_overlays_trampoline_lowered:
0x8: {  	[smem:$0x3FAE] =	sst s0  }
0x9: {  	[smem:$0x3FAF] =	sst s1  }
0xa: {  	[smem:$0x3FB0] =	sst s2  }
0xb: {  	[smem:$0x3FB1] =	sst s3  }
0xc: {  	[smem:$0x3FB2] =	sst s4  }
0xd: {  	[smem:$0x3FB3] =	sst s5  }
0xe: {  	[smem:$0x3FB4] =	sst s6  }
0xf: {  	[smem:$0x3FB5] =	sst s7  }
0x10: {  	[smem:$0x3FB6] =	sst s8  }
0x11: {  	[smem:$0x3FB7] =	sst s9;
	s0 =	simm.s32 @!p0 $0x0  }
0x12: {  	s1 =	sld [smem:$0x3F9D];
	s0 =	simm.s32 @p0 $0x1  }
0x13: {  	[smem:$0x3FB8] =	sst s0;
	s0 =	simm.s32 @!p1 $0x0  }
0x14: {  	s2 =	sld [smem:$0x3F9C];
	s0 =	simm.s32 @p1 $0x1  }
0x15: {  	[smem:$0x3FB9] =	sst s0;
	s0 =	simm.s32 @!p2 $0x0  }
0x16: {  	s3 =	sld [smem:$0x3FDB];
	s0 =	simm.s32 @p2 $0x1  }
0x17: {  	s4 =	simm.s32 $0x1BF5;
	[smem:$0x3FBB] =	sst s0  }
0x18: {  	s0 =	sld [smem:$0x3F9E];
	_ =	swait.ge [sflag:s4], $0x0  }
0x19: {  	s7 =	sld [smem:$0x3F9F]  }
0x1a: {  	s8 =	sadd.s32 $0xFFFFE003, lr  }
0x1b: {  	s9 =	sadd.s32 $0xFFFFFEF7, lr;
	s5 =	simm.s32 $0xFFFFFFFF;
	p2 =	slt.u32 s8, $0xFFFFF086  }
0x1c: {  	p1 =	slt.u32 s9, $0xF7A;
	s5 =	simm.s32 @!p2 $0x0  }
0x1d: {  	s5 =	simm.s32 @p1 $0x1;
	p0 =	seq.s32 s7, s2  }
0x1e: {  	s7 =	smul.u32 @!p0 $0xF7A, s2;
	p2 =	seq.s32 @!p0 s5, $0x0  }
0x1f: {  	s9 =	smul.u32 $0xF7A, s1;
	s8 =	simm.s32 @!p0 $0x1BF5;
	p2 =	por !p2, p0  }
0x20: {  	[sflag:s8] =	ssyncset.s32 @!p0 $0xFFFFF086;
	s6 =	sadd.s32 @!p0 s3, s7;
	s7 =	simm.s32 @!p0 $0x108  }
0x21: {  	s3 =	sadd.s32 s3, s9;
	s6 =	sadd.s32 @!p0 $0x88, s6;
	s7 =	simm.s32 @p2 $0x1082  }
0x22: {  	[simem:s7], [sflag:s8] =	dma.local @!p0 [hbm:s6], $0xF7A  }
0x23: {  	s9 =	sor.u32 $0xD0000000, s2;
	s6 =	simm.s32 $0x108;
	_ =	swait.ge @!p0 [sflag:s8], $0x0  }
0x24: {  	s3 =	sadd.s32 $0x88, s3;
	s6 =	simm.s32 @!p1 $0x1082;
	[sflag:s4] =	ssyncset.s32 $0xFFFFF086  }
0x25: {  	[simem:s6], [sflag:s4] =	dma.local [hbm:s3], $0xF7A  }
0x26: {  	[smem:$0x3F9F] =	sst s1;
	(tag) =	ssettag s2;
	_ =	strace s9  }
0x27: {  	s1 =	sld [smem:$0x3FAF]  }
0x28: {  	s2 =	sld [smem:$0x3FB0]  }
0x29: {  	s4 =	sld [smem:$0x3FB2]  }
0x2a: {  	p0 =	seq.s32 s5, $0x0;
	s5 =	sld [smem:$0x3FB3]  }
0x2b: {  	s6 =	sld [smem:$0x3FB4]  }
0x2c: {  	s7 =	sld [smem:$0x3FB5]  }
0x2d: {  	s3 =	simm.s32 $0x108;
	s8 =	sld [smem:$0x3FB6]  }
0x2e: {  	s3 =	simm.s32 @!p0 $0x1082;
	s9 =	sld [smem:$0x3FB7]  }
0x2f: {  	lr =	sadd.s32 s0, s3;
	s0 =	sld [smem:$0x3FAE]  }
0x30: {  	s3 =	sld [smem:$0x3FB1]  }
0x31: {  	[smem:$0x3FBA] =	sst s10  }
0x32: {  	s10 =	sld [smem:$0x3FB8];
	_ =	sdelay $0x3  }
0x33: {  	p0 =	seq.s32 s10, $0x1;
	s10 =	sld [smem:$0x3FBA];
	_ =	sdelay $0x3  }
0x34: {  	[smem:$0x3FBA] =	sst s10  }
0x35: {  	s10 =	sld [smem:$0x3FB9];
	_ =	sdelay $0x3  }
0x36: {  	p1 =	seq.s32 s10, $0x1;
	s10 =	sld [smem:$0x3FBA];
	_ =	sdelay $0x3  }
0x37: {  	[smem:$0x3FBA] =	sst s10  }
0x38: {  	s10 =	sld [smem:$0x3FBB]  }
0x39: {  	_ = 	snop;
	(pc) =	sbr.ind lr, $3  }
0x3a: {  	_ = 	snop  }
0x3b: {  	_ = 	snop  }
0x3c: {  	p2 =	seq.s32 s10, $0x1;
	s10 =	sld [smem:$0x3FBA]  }
0x3d: {  	_ =	shalt  }
0x3e: {  	_ =	shalt  }
0x3f: {  	_ =	shalt  }
0x40: {  	_ =	shalt  }
0x41: {  	_ =	shalt  }
0x42: {  	_ =	shalt  }
0x43: {  	_ =	shalt  }
0x44: {  	_ =	shalt  }
0x45: {  	_ =	shalt  }
0x46: {  	_ =	shalt  }
0x47: {  	_ =	shalt  }
0x48: {  	_ =	shalt  }
0x49: {  	_ =	shalt  }
0x4a: {  	_ =	shalt  }
0x4b: {  	_ =	shalt  }
0x4c: {  	_ =	shalt  }
0x4d: {  	_ =	shalt  }
0x4e: {  	_ =	shalt  }
0x4f: {  	_ =	shalt  }
0x50: {  	_ =	shalt  }
0x51: {  	_ =	shalt  }
0x52: {  	_ =	shalt  }
0x53: {  	_ =	shalt  }
0x54: {  	_ =	shalt  }
0x55: {  	_ =	shalt  }
0x56: {  	_ =	shalt  }
0x57: {  	_ =	shalt  }
0x58: {  	_ =	shalt  }
0x59: {  	_ =	shalt  }
0x5a: {  	_ =	shalt  }
0x5b: {  	_ =	shalt  }
0x5c: {  	_ =	shalt  }
0x5d: {  	_ =	shalt  }
0x5e: {  	_ =	shalt  }
0x5f: {  	_ =	shalt  }
0x60: {  	_ =	shalt  }
0x61: {  	_ =	shalt  }
0x62: {  	_ =	shalt  }
0x63: {  	_ =	shalt  }
0x64: {  	_ =	shalt  }
0x65: {  	_ =	shalt  }
0x66: {  	_ =	shalt  }
0x67: {  	_ =	shalt  }
0x68: {  	_ =	shalt  }
0x69: {  	_ =	shalt  }
0x6a: {  	_ =	shalt  }
0x6b: {  	_ =	shalt  }
0x6c: {  	_ =	shalt  }
0x6d: {  	_ =	shalt  }
0x6e: {  	_ =	shalt  }
0x6f: {  	_ =	shalt  }
0x70: {  	_ =	shalt  }
0x71: {  	_ =	shalt  }
0x72: {  	_ =	shalt  }
0x73: {  	_ =	shalt  }
0x74: {  	_ =	shalt  }
0x75: {  	_ =	shalt  }
0x76: {  	_ =	shalt  }
0x77: {  	_ =	shalt  }
0x78: {  	_ =	shalt  }
0x79: {  	_ =	shalt  }
0x7a: {  	_ =	shalt  }
0x7b: {  	_ =	shalt  }
0x7c: {  	_ =	shalt  }
0x7d: {  	_ =	shalt  }
0x7e: {  	_ =	shalt  }
0x7f: {  	_ =	shalt  }
0x80: {  	_ =	shalt  }
0x81: {  	_ =	shalt  }
0x82: {  	_ =	shalt  }
0x83: {  	_ =	shalt  }
0x84: {  	_ =	shalt  }
0x85: {  	_ =	shalt  }
0x86: {  	_ =	shalt  }
0x87: {  	_ =	shalt  }
.Lfunc_end0:
.L_simem_size_0:
called_computation_lowered:
.L_overlay_start_0:
0x88: {  	s2 =	sld [smem:$0x3FD9]  }
0x89: {  	s3 =	sld [smem:$0x3FFE];
	_ =	sdelay $0x1  }
0x8a: {  	s1 =	srdreg.scid  }
0x8b: {  	s0 =	sand.u32 $0x1, s1  }
0x8c: {  	s17 =	sshll.u32 s0, $0xA;
	s2 =	sadd.s32 s3, s2  }
0x8d: {  	s2 =	sadd.s32 s2, s17  }
0x8e: {  	[smem:$0x3FC6] =	sst s2  }
0x8f: {  	_ = 	snop  }
0x90: {  	s2 =	sld [smem:$0x3FD0];
	(tm) =	ssettm $0x1  }
0x91: {  	s18 =	sld [smem:$0x3FFB];
	_ =	sdelay $0x3  }
0x92: {  	_ =	strace s18  }
0x93: {  	s3 =	sld [smem:$0x3FFC];
	_ =	sdelay $0x3  }
0x94: {  	_ =	strace s3  }
0x95: {  	s3 =	sld [smem:$0x3FFD];
	_ =	sdelay $0x3  }
0x96: {  	_ =	strace s3  }
0x97: {  	_ =	strace $0x8FFFFFFF  }
0x98: {  	s19 =	sld [smem:$0x3FDB];
	_ =	sdelay $0x1  }
0x99: {  	s4 =	simm.s32 $_scs_section_size  }
0x9a: {  	s5 =	simm.s32 $_size__tile_overlayer_lowered;
	s6 =	simm.s32 $_tile_overlayer_lowered  }
0x9b: {  	s22 =	simm.s32 $0x1BFF;
	s21 =	sshll.u32 s6, $0x1;
	s3 =	sadd.s32 s4, s19  }
0x9c: {  	s7 =	simm.s32 $0x0;
	s20 =	sshll.u32 s5, $0x1;
	s5 =	sadd.s32 s21, s3  }
0x9d: {  	[timem:s7], [sflag:s22] =	dma.local [hbm:s5], s20  }
0x9e: {  	_ =	swait.ge [sflag:s22], s20  }
0x9f: {  	s4 =	ssub.s32 $0x0, s20;
	[sflag:s22] =	ssyncset.done $0x0  }
0xa0: {  	[sflag:s22] =	ssyncadd.s32 s4;
	_ =	sdelay $0x1  }
0xa1: {  	s23 =	simm.s32 $0x1B8B  }
0xa2: {  	_ =	swait.ge [sflag:s23], $0x1  }
0xa3: {  	[sflag:s23] =	ssyncset.done $0x0  }
0xa4: {  	s25 =	simm.s32 $0x1B8E;
	s24 =	sld [smem:$0x3FFE];
	[sflag:s23] =	ssyncadd.s32 $0xFFFFFFFF  }
0xa5: {  	s26 =	simm.s32 $execute0_lowered;
	[smem:$0x3FD2] =	sst s25  }
0xa6: {  	s5 =	sshll.u32 s26, $0x1;
	_ =	strace $0x80000046;
	[dreg:$0x1] =	wrdreg $0xFFFFFFFF  }
0xa7: {  	s28 =	simm.s32 $_size_execute0_lowered;
	s3 =	sadd.s32 s3, s5;
	[dreg:$0x0] =	wrdreg $0x0  }
0xa8: {  	s5 =	sshll.u32 s28, $0x1;
	[dreg:$0x2] =	wrdreg s3  }
0xa9: {  	[dreg:$0x3] =	wrdreg s5  }
0xaa: {  	[dreg:$0x4] =	wrdreg $0xC0  }
0xab: {  	_ =	task [dreg:s7], $0x5FFFF  }
0xac: {  	[dreg:$0x1] =	wrdreg $0xFFFFFFFF  }
0xad: {  	[dreg:$0x0] =	wrdreg $0x60  }
0xae: {  	[dreg:$0x2] =	wrdreg s24  }
0xaf: {  	[dreg:$0x3] =	wrdreg s2  }
0xb0: {  	[dreg:$0x4] =	wrdreg $0x9  }
0xb1: {  	_ =	task.clear_ibuf [dreg:s7], $0x5FFFF;
	_ =	strace $0x90000046  }
0xb2: {  	s29 =	simm.s32 $0x9;
	_ =	strace $0x80000048  }
0xb3: {  	_ =	swait.ge [sflag:s29], $0x1  }
0xb4: {  	[sflag:s29] =	ssyncadd.s32 $0xFFFFFFFF  }
0xb5: {  	_ =	strace $0x90000048  }
0xb6: {  	_ =	sfence  }
0xb7: {  	s30 =	sld [smem:$0x0];
	_ =	sdelay $0x2  }
0xb8: {  	s31 =	sshll.u32 s1, $0xD;
	s1 =	sshrl.u32 s1, $0x2  }
0xb9: {  	s3 =	sand.u32 $0x4000, s31;
	s1 =	sadd.s32 s1, s30  }
0xba: {  	s0 =	sor.u32 s3, s0;
	s1 =	sshll.u32 s1, $0x11  }
0xbb: {  	s0 =	sor.u32 s1, s0  }
0xbc: {  	s0 =	sadd.s32 $0x8F2B, s0  }
0xbd: {  	[sflag:s0] =	ssyncadd.remote.s32 $0x1  }
0xbe: {  	_ =	sfence.sel $0xFFFF  }
0xbf: {  	[dreg:$0x0] =	wrdreg $0xFFFFFFFF;
	(pc) =	sbr.abs _section_cstart, $3  }
0xc0: {  	[dreg:$0x1] =	wrdreg $0xFFFFFFFF  }
0xc1: {  	_ =	task.clear_ibuf [dreg:s7], $0x2FFFF;
	_ =	strace $0x9FFFFFFF  }
0xc2: {  	(tm) =	ssettm $0x7FFFFFFF  }
0xc3: {  	_ =	shalt  }
tec
execute0_lowered:
.L_overlay_start_1:
0x0: {  	(tag) =	ssettag $0x1  }
0x1: {  	s0 =	rddreg [dreg:$0x0]  }
0x2: {  	s10 =	rddreg [dreg:$0x1];
	s3 =	simm.s32 $0x0;
	s1 =	srdreg.scid  }
0x3: {  	s11 =	stileid.u32;
	[smem:$0x7FF] =	sst s3;
	s4 =	sadd.s32 $0x32600, s0  }
0x4: {  	s1 =	sand.u32 $0x1, s1;
	s2 =	sshll.u32 s11, $0x1;
	s5 =	sadd.s32 $0x19600, s0  }
0x5: {  	s6 =	sadd.s32 $0x600, s0;
	s24 =	sadd.s32 $0x8000, s10;
	s29 =	sadd.s32 $0x10000, s10  }
0x6: {  	_ =	strace $0x80000047;
	s7 =	ssub.s32 $0x2, s1;
	[dreg:$0xc] =	wrdreg s24  }
0x7: {  	s1 =	sor.u32 s1, s2;
	[dreg:$0xf] =	wrdreg s29;
	s14 =	sor.u32 $0x80, s2  }
0x8: {  	s15 =	sshrl.u32 s7, $0x1;
	s8 =	sshll.u32 s1, $0x4;
	s16 =	sshll.u32 s1, $0x7  }
0x9: {  	[dreg:$0x14] =	wrdreg s14;
	s7 =	ssub.s32 s7, s15;
	s0 =	sadd.s32 s16, s29  }
0xa: {  	s9 =	sor.u32 $0x200, s8;
	s15 =	sor.u32 $0xA0, s2;
	[dreg:$0x11] =	wrdreg s0  }
0xb: {  	s12 =	sadd.s32 s5, s9;
	[dreg:$0x15] =	wrdreg s15  }
0xc: {  	s17 =	sor.u32 $0x400, s8;
	s9 =	sadd.s32 s6, s9;
	[dreg:$0x3] =	wrdreg s12  }
0xd: {  	s19 =	sor.u32 $0x600, s8;
	s18 =	sadd.s32 s5, s17;
	[dreg:$0x4] =	wrdreg s9  }
0xe: {  	s21 =	sor.u32 $0x800, s8;
	s20 =	sadd.s32 s5, s19;
	[dreg:$0x5] =	wrdreg s18  }
0xf: {  	s22 =	sadd.s32 s5, s21;
	[dreg:$0x7] =	wrdreg s20  }
0x10: {  	s25 =	sor.u32 $0xA00, s8;
	s23 =	sadd.s32 s6, s21;
	[dreg:$0xa] =	wrdreg s22  }
0x11: {  	s26 =	sadd.s32 s5, s25;
	[dreg:$0xb] =	wrdreg s23  }
0x12: {  	s13 =	sshll.u32 s1, $0xA;
	s1 =	sadd.s32 s6, s25;
	[dreg:$0xe] =	wrdreg s26  }
0x13: {  	s31 =	simm.s32 $0x100;
	s9 =	sadd.s32 s6, s17;
	[dreg:$0x10] =	wrdreg s1  }
0x14: {  	s30 =	simm.s32 $0x400;
	s18 =	sadd.s32 s5, s8;
	[dreg:$0x6] =	wrdreg s9  }
0x15: {  	s28 =	simm.s32 $0xE;
	s20 =	sadd.s32 s6, s8;
	[dreg:$0x18] =	wrdreg s18  }
0x16: {  	s14 =	simm.s32 $0x10400;
	s22 =	smax.u32 s7, $0x1;
	[dreg:$0x19] =	wrdreg s20  }
0x17: {  	s15 =	simm.s32 $0x9;
	s12 =	sadd.s32 s10, s16;
	[dreg:$0x1c] =	wrdreg s22  }
0x18: {  	s17 =	sshll.u32 s11, $0x5;
	s9 =	sadd.s32 s6, s19;
	[dreg:$0x9] =	wrdreg s12  }
0x19: {  	s7 =	simm.s32 $0x4400;
	s23 =	sadd.s32 $0x18000, s12;
	[dreg:$0x8] =	wrdreg s9  }
0x1a: {  	s19 =	sor.u32 $0x18E00, s8;
	s25 =	sadd.s32 $0x628000, s12;
	[dreg:$0x1d] =	wrdreg s23  }
0x1b: {  	s26 =	sadd.s32 $0x630000, s12;
	s29 =	sadd.s32 $0x638000, s12;
	[dreg:$0x1f] =	wrdreg s25  }
0x1c: {  	s18 =	simm.s32 $0x80;
	s22 =	simm.s32 $0x8;
	[smem:$0x7FC] =	sst s26  }
0x1d: {  	s20 =	simm.s32 $0xB;
	s9 =	sadd.s32 s16, s24;
	[smem:$0x7FD] =	sst s29  }
0x1e: {  	s16 =	sor.u32 $0xC0, s2;
	s21 =	sadd.s32 s5, s19;
	[dreg:$0xd] =	wrdreg s9  }
0x1f: {  	s1 =	sadd.s32 s6, s19;
	s24 =	sadd.s32 $0x620000, s12;
	[dreg:$0x16] =	wrdreg s16  }
0x20: {  	s19 =	simm.s32 $0x4;
	s12 =	simm.s32 $0xC400;
	[dreg:$0x1a] =	wrdreg s21  }
0x21: {  	s25 =	simm.s32 $0xD;
	s9 =	sor.u32 $0xC00, s8;
	[dreg:$0x1b] =	wrdreg s1  }
0x22: {  	s26 =	simm.s32 $0xC;
	[dreg:$0x1e] =	wrdreg s24;
	s10 =	sadd.s32 s5, s9  }
0x23: {  	s16 =	simm.s32 $0x8000;
	s0 =	sadd.s32 s6, s9;
	[dreg:$0x12] =	wrdreg s10  }
0x24: {  	s1 =	simm.s32 $0xA;
	s9 =	simm.s32 $0x7;
	[dreg:$0x13] =	wrdreg s0  }
0x25: {  	s0 =	sand.u32 $0x180, s17;
	s10 =	simm.s32 $0x8400;
	s17 =	simm.s32 $0x12400  }
0x26: {  	v0 =	vlaneseq.u32;
	[dreg:$0x17] =	wrdreg s0;
	s0 =	sand.u32 $0x70, s8;
	s8 =	simm.s32 $0x0  }
.LBB2_1:
0x27: {  	[smem:$0x7FB] =	sst s8  }
0x28: {  	s2 =	rddreg [dreg:$0x18]  }
0x29: {  	[tilespmem:s3], [sflag:$0x1] =	stream.linear.gather [hbm4b:s2+s3], $0x80, $0x38;
	[tilespmem:$0x14400] =	vst v63  }
0x2a: {  	s24 =	rddreg [dreg:$0x19];
	s29 =	simm.s32 $0x200  }
0x2b: {  	[tilespmem:s29], [sflag:$0x5] =	stream.linear.gather [hbm4b:s24+s3], $0x80, $0x38;
	[tilespmem:$0x14400] =	vst v63  }
0x2c: {  	s8 =	rddreg [dreg:$0x3]  }
0x2d: {  	[tilespmem:s18], [sflag:$0x2] =	stream.linear.gather [hbm4b:s8+s3], $0x80, $0x38;
	[tilespmem:$0x14400] =	vst v63  }
0x2e: {  	s11 =	rddreg [dreg:$0x4];
	s21 =	simm.s32 $0x280  }
0x2f: {  	[tilespmem:s21], [sflag:$0x6] =	stream.linear.gather [hbm4b:s11+s3], $0x80, $0x38;
	[tilespmem:$0x14400] =	vst v63  }
0x30: {  	s23 =	rddreg [dreg:$0x5]  }
0x31: {  	[tilespmem:s31], [sflag:$0x3] =	stream.linear.gather [hbm4b:s23+s3], $0x80, $0x38;
	[tilespmem:$0x14400] =	vst v63  }
0x32: {  	s24 =	rddreg [dreg:$0x6];
	s29 =	simm.s32 $0x300;
	s11 =	simm.s32 $0x1  }
0x33: {  	[tilespmem:s29], [sflag:$0x7] =	stream.linear.gather [hbm4b:s24+s3], $0x80, $0x38;
	[tilespmem:$0x14400] =	vst v63  }
0x34: {  	_ =	swait.ge [sflag:s11], $0x80  }
0x35: {  	[sflag:s11] =	ssyncset.done $0x0  }
0x36: {  	s21 =	simm.s32 $0x5;
	[sflag:s11] =	ssyncadd.s32 $0xFFFFFF80  }
0x37: {  	_ =	swait.ge [sflag:s21], $0x80  }
0x38: {  	[sflag:s21] =	ssyncset.done $0x0  }
0x39: {  	s23 =	simm.s32 $0x2;
	[sflag:s21] =	ssyncadd.s32 $0xFFFFFF80  }
0x3a: {  	[tilespmem:s30], [sflag:$0x9] =	stream.indirect.gather [hbm4b:s4+s18], $0x80, s3, s18, $0xb8;
	[tilespmem:$0x14400] =	vst v63  }
0x3b: {  	_ =	swait.ge [sflag:s23], $0x80  }
0x3c: {  	[sflag:s23] =	ssyncset.done $0x0  }
0x3d: {  	s24 =	simm.s32 $0x6;
	[sflag:s23] =	ssyncadd.s32 $0xFFFFFF80  }
0x3e: {  	_ =	swait.ge [sflag:s24], $0x80  }
0x3f: {  	[sflag:s24] =	ssyncset.done $0x0  }
0x40: {  	s29 =	simm.s32 $0x3;
	[sflag:s24] =	ssyncadd.s32 $0xFFFFFF80  }
0x41: {  	[tilespmem:s7], [sflag:$0xA] =	stream.indirect.gather [hbm4b:s4+s18], $0x80, s18, s18, $0xb8;
	[tilespmem:$0x14400] =	vst v63  }
0x42: {  	_ =	swait.ge [sflag:s29], $0x80  }
0x43: {  	[sflag:s29] =	ssyncset.done $0x0  }
0x44: {  	[sflag:s29] =	ssyncadd.s32 $0xFFFFFF80  }
0x45: {  	_ =	swait.ge [sflag:s9], $0x80  }
0x46: {  	[sflag:s9] =	ssyncset.done $0x0  }
0x47: {  	[sflag:s9] =	ssyncadd.s32 $0xFFFFFF80  }
0x48: {  	[tilespmem:s10], [sflag:$0xB] =	stream.indirect.gather [hbm4b:s4+s18], $0x80, s31, s18, $0xb8;
	[tilespmem:$0x14400] =	vst v63  }
0x49: {  	s11 =	simm.s32 $0x180;
	s8 =	rddreg [dreg:$0x7]  }
0x4a: {  	[tilespmem:s11], [sflag:$0x4] =	stream.linear.gather [hbm4b:s8+s3], $0x80, $0x38;
	[tilespmem:$0x14400] =	vst v63  }
0x4b: {  	s23 =	simm.s32 $0x380;
	s21 =	rddreg [dreg:$0x8]  }
0x4c: {  	[tilespmem:s23], [sflag:$0x8] =	stream.linear.gather [hbm4b:s21+s3], $0x80, $0x38;
	[tilespmem:$0x14400] =	vst v63  }
0x4d: {  	_ =	swait.ge [sflag:s15], $0x4000  }
0x4e: {  	s11 =	simm.s32 $0x0;
	[sflag:s15] =	ssyncset.done $0x0  }
0x4f: {  	s21 =	sand.u32 $0x70, s11;
	[sflag:s15] =	ssyncadd.s32 $0xFFFFC000  }
0x50: {  	v1 =	vld [tilespmem:s21+$0x200]  }
0x51: {  	s11 =	sand.u32 $0xE, s11  }
0x52: {  	v2 =	vadd.s32 s11, v0;
	s11 =	sor.u32 $0x1, s11  }
0x53: {  	v3 =	vadd.s32 s11, v0;
	s11 =	simm.s32 $0x2  }
0x54: {  	v5 =	vor.u32 s21, v0;
	v2 =	vand.u32 $0xF, v2;
	v3 =	vand.u32 $0xF, v3;
	s29 =	sand.u32 $0x70, s11  }
0x55: {  	v8 =	vshll.u32 v5, $0x7;
	v14 =	vor.u32 s29, v0;
	v6 =	vadd.s32 v3, v1  }
0x56: {  	v4 =	vadd.s32 v2, v1;
	v2 =	vshll.u32 v2, $0x7;
	v7 =	vand.u32 $0xFFFFFF80, v6  }
0x57: {  	v3 =	vshll.u32 v3, $0x7;
	v9 =	vand.u32 $0x7F, v6;
	v7 =	vadd.s32 v8, v7  }
0x58: {  	v1 =	vand.u32 $0xFFFFFF80, v4;
	v10 =	vand.u32 $0x7F, v4;
	v7 =	vor.u32 v9, v7  }
0x59: {  	s24 =	sand.u32 $0xE, s11;
	v11 =	vadd.s32 $0x10, v6;
	v12 =	vor.u32 v5, v2;
	v19 =	vor.u32 v5, v3  }
0x5a: {  	v5 =	vadd.s32 s24, v0;
	v1 =	vadd.s32 v8, v1;
	v9 =	vadd.s32 $0x10, v4  }
0x5b: {  	v2 =	vand.u32 $0xFFFFFF80, v11;
	v1 =	vor.u32 v10, v1;
	v10 =	vand.u32 $0xFFFFFF80, v9  }
0x5c: {  	v3 =	vand.u32 $0x7F, v11;
	v9 =	vand.u32 $0x7F, v9;
	v10 =	vadd.s32 v8, v10  }
0x5d: {  	s21 =	sor.u32 $0x1, s24;
	v2 =	vadd.s32 v8, v2;
	v9 =	vor.u32 v9, v10;
	v10 =	vadd.s32 $0x20, v4;
	v7 =	vld.idx.msk [tilespmem:v7+s30+$0x0], $0xffff  }
0x5e: {  	v11 =	vadd.s32 s21, v0;
	v13 =	vor.u32 v3, v2;
	v2 =	vand.u32 $0xFFFFFF80, v10  }
0x5f: {  	v15 =	vld [tilespmem:s29+$0x200];
	v4 =	vadd.s32 $0x30, v4;
	v3 =	vand.u32 $0x7F, v10;
	v2 =	vadd.s32 v8, v2  }
0x60: {  	v16 =	vor.u32 $0x800, v12;
	v10 =	vld.idx.msk [tilespmem:v1+s30+$0x0], $0xffff;
	v1 =	vand.u32 $0xFFFFFF80, v4;
	v17 =	vor.u32 v3, v2  }
0x61: {  	v3 =	vand.u32 $0x7F, v4;
	v1 =	vadd.s32 v8, v1;
	v4 =	vadd.s32 $0x20, v6  }
0x62: {  	v18 =	vor.u32 $0x800, v19;
	v3 =	vor.u32 v3, v1;
	v1 =	vand.u32 $0xFFFFFF80, v4;
	[tilespmem:v19+s14+$0x0] =	vst.idx.msk $0xffff, v7  }
0x63: {  	v11 =	vand.u32 $0xF, v11;
	v4 =	vand.u32 $0x7F, v4;
	v1 =	vadd.s32 v8, v1;
	v13 =	vld.idx.msk [tilespmem:v13+s30+$0x0], $0xffff  }
0x64: {  	v21 =	vand.u32 $0xF, v5;
	v5 =	vadd.s32 v11, v15;
	v20 =	vor.u32 v4, v1  }
0x65: {  	v2 =	vor.u32 $0x1000, v12;
	v6 =	vadd.s32 $0x30, v6;
	v1 =	vor.u32 $0x1800, v12;
	[tilespmem:v12+s14+$0x0] =	vst.idx.msk $0xffff, v10  }
0x66: {  	v4 =	vshll.u32 v14, $0x7;
	v7 =	vadd.s32 v21, v15;
	v12 =	vand.u32 $0xFFFFFF80, v5;
	v9 =	vld.idx.msk [tilespmem:v9+s30+$0x0], $0xffff  }
0x67: {  	v15 =	vand.u32 $0x7F, v5;
	v10 =	vand.u32 $0xFFFFFF80, v7;
	v12 =	vadd.s32 v4, v12  }
0x68: {  	v10 =	vadd.s32 v4, v10;
	v12 =	vor.u32 v15, v12;
	[tilespmem:v18+s14+$0x0] =	vst.idx.msk $0xffff, v13;
	v13 =	vand.u32 $0xFFFFFF80, v6  }
0x69: {  	v6 =	vand.u32 $0x7F, v6;
	v18 =	vld.idx.msk [tilespmem:v20+s30+$0x0], $0xffff;
	v20 =	vor.u32 $0x1000, v19;
	v8 =	vadd.s32 v8, v13  }
0x6a: {  	v15 =	vadd.s32 $0x10, v7;
	v13 =	vand.u32 $0x7F, v7;
	v6 =	vor.u32 v6, v8  }
0x6b: {  	v11 =	vshll.u32 v11, $0x7;
	[tilespmem:v16+s14+$0x0] =	vst.idx.msk $0xffff, v9;
	v16 =	vand.u32 $0x7F, v15;
	v22 =	vor.u32 v13, v10  }
0x6c: {  	v9 =	vld.idx.msk [tilespmem:v17+s30+$0x0], $0xffff;
	v17 =	vadd.s32 $0x10, v5;
	v8 =	vshll.u32 v21, $0x7;
	v10 =	vand.u32 $0xFFFFFF80, v15  }
0x6d: {  	v13 =	vld.idx.msk [tilespmem:v12+s30+$0x0], $0xffff;
	v12 =	vand.u32 $0xFFFFFF80, v17;
	v15 =	vor.u32 v14, v11;
	v10 =	vadd.s32 v4, v10  }
0x6e: {  	v11 =	vand.u32 $0x7F, v17;
	v8 =	vor.u32 v14, v8;
	v14 =	vadd.s32 v4, v12;
	[tilespmem:v20+s14+$0x0] =	vst.idx.msk $0xffff, v18  }
0x6f: {  	v17 =	vadd.s32 $0x20, v7;
	v12 =	vor.u32 v16, v10;
	v16 =	vor.u32 v11, v14;
	v10 =	vld.idx.msk [tilespmem:v6+s30+$0x0], $0xffff  }
0x70: {  	v11 =	vor.u32 $0x1800, v19;
	v18 =	vand.u32 $0xFFFFFF80, v17;
	v17 =	vand.u32 $0x7F, v17;
	v14 =	vld.idx.msk [tilespmem:v22+s30+$0x0], $0xffff;
	v6 =	vmovc v15  }
.LBB2_2:
0x71: {  	s11 =	sadd.s32 $0x2, s11;
	v19 =	vor.u32 $0x800, v8;
	v18 =	vadd.s32 v4, v18;
	v7 =	vadd.s32 $0x30, v7;
	[tilespmem:v2+s14+$0x0] =	vst.idx.msk $0xffff, v9  }
0x72: {  	s21 =	sand.u32 $0x70, s11;
	p0 =	slt.u32 s11, $0x7E;
	v9 =	vor.u32 v17, v18;
	v17 =	vand.u32 $0xFFFFFF80, v7;
	v7 =	vand.u32 $0x7F, v7;
	v18 =	vld.idx.msk [tilespmem:v3+s30+$0x0], $0xffff  }
0x73: {  	v2 =	vor.u32 $0x1000, v8;
	v20 =	vld [tilespmem:s21+$0x200];
	v3 =	vadd.s32 v4, v17;
	[tilespmem:v15+s14+$0x0] =	vst.idx.msk $0xffff, v13;
	v13 =	vadd.s32 $0x20, v5  }
0x74: {  	s23 =	sand.u32 $0xE, s11;
	v15 =	vor.u32 $0x1800, v8;
	v3 =	vor.u32 v7, v3;
	v16 =	vld.idx.msk [tilespmem:v16+s30+$0x0], $0xffff;
	v7 =	vand.u32 $0xFFFFFF80, v13  }
0x75: {  	s24 =	sor.u32 $0x1, s23;
	v17 =	vor.u32 $0x800, v6;
	v13 =	vand.u32 $0x7F, v13;
	v7 =	vadd.s32 v4, v7;
	[tilespmem:v11+s14+$0x0] =	vst.idx.msk $0xffff, v10  }
0x76: {  	v10 =	vadd.s32 s23, v0;
	v11 =	vadd.s32 s24, v0;
	[tilespmem:v8+s14+$0x0] =	vst.idx.msk $0xffff, v14;
	v8 =	vor.u32 v13, v7  }
0x77: {  	v10 =	vand.u32 $0xF, v10;
	v11 =	vand.u32 $0xF, v11;
	v12 =	vld.idx.msk [tilespmem:v12+s30+$0x0], $0xffff  }
0x78: {  	v14 =	vor.u32 s21, v0;
	v7 =	vadd.s32 v10, v20;
	v13 =	vadd.s32 v11, v20;
	[tilespmem:v1+s14+$0x0] =	vst.idx.msk $0xffff, v18  }
0x79: {  	v20 =	vshll.u32 v14, $0x7;
	v1 =	vmovc v15;
	v18 =	vand.u32 $0xFFFFFF80, v7;
	v21 =	vand.u32 $0xFFFFFF80, v13  }
0x7a: {  	v15 =	vand.u32 $0x7F, v13;
	v21 =	vadd.s32 v20, v21;
	[tilespmem:v17+s14+$0x0] =	vst.idx.msk $0xffff, v16;
	v16 =	vadd.s32 $0x30, v5;
	v5 =	vmovc v13  }
0x7b: {  	v13 =	vadd.s32 v20, v18;
	v15 =	vor.u32 v15, v21;
	v17 =	vld.idx.msk [tilespmem:v8+s30+$0x0], $0xffff;
	v8 =	vand.u32 $0xFFFFFF80, v16  }
0x7c: {  	v18 =	vor.u32 $0x1000, v6;
	v16 =	vand.u32 $0x7F, v16;
	v8 =	vadd.s32 v4, v8;
	v4 =	vmovc v20  }
0x7d: {  	v21 =	vadd.s32 $0x10, v7;
	v20 =	vand.u32 $0x7F, v7;
	[tilespmem:v19+s14+$0x0] =	vst.idx.msk $0xffff, v12;
	v19 =	vor.u32 v16, v8  }
0x7e: {  	v20 =	vor.u32 v20, v13;
	v8 =	vshll.u32 v10, $0x7;
	v10 =	vand.u32 $0xFFFFFF80, v21;
	v9 =	vld.idx.msk [tilespmem:v9+s30+$0x0], $0xffff  }
.Ltmp0:
0x7f: {  	v12 =	vand.u32 $0x7F, v21;
	v16 =	vadd.s32 $0x10, v5;
	v10 =	vadd.s32 v4, v10;
	(pc) =	sbr.rel @p0 .LBB2_2-.Ltmp0, $4  }
0x80: {  	v11 =	vshll.u32 v11, $0x7;
	v8 =	vor.u32 v14, v8;
	v21 =	vand.u32 $0xFFFFFF80, v16;
	v13 =	vld.idx.msk [tilespmem:v15+s30+$0x0], $0xffff  }
0x81: {  	v15 =	vor.u32 v14, v11;
	v11 =	vand.u32 $0x7F, v16;
	v14 =	vadd.s32 v4, v21;
	[tilespmem:v18+s14+$0x0] =	vst.idx.msk $0xffff, v17  }
0x82: {  	v12 =	vor.u32 v12, v10;
	v17 =	vadd.s32 $0x20, v7;
	v16 =	vor.u32 v11, v14;
	v10 =	vld.idx.msk [tilespmem:v19+s30+$0x0], $0xffff  }
0x83: {  	v11 =	vor.u32 $0x1800, v6;
	v6 =	vmovc v15;
	v18 =	vand.u32 $0xFFFFFF80, v17;
	v17 =	vand.u32 $0x7F, v17;
	v14 =	vld.idx.msk [tilespmem:v20+s30+$0x0], $0xffff  }
0x84: {  	_ =	sdelay $0x2  }
0x85: {  	v19 =	vadd.s32 $0x20, v5  }
0x86: {  	[tilespmem:v15+s14+$0x0] =	vst.idx.msk $0xffff, v13;
	v13 =	vand.u32 $0xFFFFFF80, v19  }
0x87: {  	v19 =	vand.u32 $0x7F, v19;
	v15 =	vld.idx.msk [tilespmem:v16+s30+$0x0], $0xffff;
	v16 =	vor.u32 $0x800, v6;
	v13 =	vadd.s32 v4, v13;
	[tilespmem:v8+s14+$0x0] =	vst.idx.msk $0xffff, v14  }
0x88: {  	v18 =	vadd.s32 v4, v18;
	v13 =	vor.u32 v19, v13;
	v14 =	vor.u32 $0x800, v8;
	v12 =	vld.idx.msk [tilespmem:v12+s30+$0x0], $0xffff  }
0x89: {  	v17 =	vor.u32 v17, v18;
	_ =	sdelay $0x1  }
0x8a: {  	v7 =	vadd.s32 $0x30, v7;
	v5 =	vadd.s32 $0x30, v5  }
0x8b: {  	v18 =	vand.u32 $0xFFFFFF80, v7;
	v7 =	vand.u32 $0x7F, v7;
	[tilespmem:v16+s14+$0x0] =	vst.idx.msk $0xffff, v15;
	v15 =	vand.u32 $0xFFFFFF80, v5  }
0x8c: {  	v16 =	vor.u32 $0x1000, v6;
	v5 =	vand.u32 $0x7F, v5;
	v13 =	vld.idx.msk [tilespmem:v13+s30+$0x0], $0xffff;
	v15 =	vadd.s32 v4, v15;
	[tilespmem:v14+s14+$0x0] =	vst.idx.msk $0xffff, v12  }
0x8d: {  	v4 =	vadd.s32 v4, v18;
	v5 =	vor.u32 v5, v15;
	v12 =	vor.u32 $0x1000, v8;
	v14 =	vld.idx.msk [tilespmem:v17+s30+$0x0], $0xffff  }
0x8e: {  	v4 =	vor.u32 v7, v4;
	_ =	sdelay $0x1  }
0x8f: {  	[tilespmem:v2+s14+$0x0] =	vst.idx.msk $0xffff, v9  }
0x90: {  	v2 =	vld.idx.msk [tilespmem:v3+s30+$0x0], $0xffff;
	[tilespmem:v16+s14+$0x0] =	vst.idx.msk $0xffff, v13  }
0x91: {  	v3 =	vld.idx.msk [tilespmem:v5+s30+$0x0], $0xffff;
	v5 =	vor.u32 $0x1800, v6;
	[tilespmem:v12+s14+$0x0] =	vst.idx.msk $0xffff, v14  }
0x92: {  	v6 =	vor.u32 $0x1800, v8;
	v4 =	vld.idx.msk [tilespmem:v4+s30+$0x0], $0xffff;
	_ =	sdelay $0x1  }
0x93: {  	[tilespmem:v11+s14+$0x0] =	vst.idx.msk $0xffff, v10  }
0x94: {  	[tilespmem:v1+s14+$0x0] =	vst.idx.msk $0xffff, v2  }
0x95: {  	[tilespmem:v5+s14+$0x0] =	vst.idx.msk $0xffff, v3  }
0x96: {  	[tilespmem:v6+s14+$0x0] =	vst.idx.msk $0xffff, v4  }
0x97: {  	s2 =	rddreg [dreg:$0x9]  }
0x98: {  	[hbm4b:s2+s30] =	stream.strided.scatter [tilespmem:s14], [sflag:$0xD], $0x2000, s16, s30, $0x38;
	[tilespmem:$0x14400] =	vst v63  }
0x99: {  	_ =	swait.ge [sflag:s19], $0x80  }
0x9a: {  	[sflag:s19] =	ssyncset.done $0x0  }
0x9b: {  	[sflag:s19] =	ssyncadd.s32 $0xFFFFFF80  }
0x9c: {  	_ =	swait.ge [sflag:s22], $0x80  }
0x9d: {  	[sflag:s22] =	ssyncset.done $0x0  }
0x9e: {  	s23 =	simm.s32 $0x180;
	[sflag:s22] =	ssyncadd.s32 $0xFFFFFF80  }
0x9f: {  	[tilespmem:s12], [sflag:$0xC] =	stream.indirect.gather [hbm4b:s4+s18], $0x80, s23, s18, $0xb8;
	[tilespmem:$0x14400] =	vst v63  }
0xa0: {  	s24 =	rddreg [dreg:$0xa]  }
0xa1: {  	[tilespmem:s3], [sflag:$0x1] =	stream.linear.gather [hbm4b:s24+s3], $0x80, $0x38;
	[tilespmem:$0x14400] =	vst v63  }
0xa2: {  	s8 =	simm.s32 $0x200;
	s29 =	rddreg [dreg:$0xb]  }
0xa3: {  	[tilespmem:s8], [sflag:$0x5] =	stream.linear.gather [hbm4b:s29+s3], $0x80, $0x38;
	[tilespmem:$0x14400] =	vst v63  }
0xa4: {  	_ =	swait.ge [sflag:s1], $0x4000  }
0xa5: {  	s11 =	simm.s32 $0x0;
	[sflag:s1] =	ssyncset.done $0x0  }
0xa6: {  	s21 =	sand.u32 $0x70, s11;
	[sflag:s1] =	ssyncadd.s32 $0xFFFFC000  }
0xa7: {  	v1 =	vld [tilespmem:s21+$0x280]  }
0xa8: {  	s11 =	sand.u32 $0xE, s11  }
0xa9: {  	s23 =	sor.u32 $0x1, s11  }
0xaa: {  	v2 =	vadd.s32 s11, v0;
	s11 =	simm.s32 $0x2;
	v3 =	vadd.s32 s23, v0  }
0xab: {  	v2 =	vand.u32 $0xF, v2;
	v5 =	vor.u32 s21, v0;
	v3 =	vand.u32 $0xF, v3;
	s29 =	sand.u32 $0xE, s11  }
0xac: {  	v8 =	vshll.u32 v5, $0x7;
	s24 =	sor.u32 $0x1, s29;
	v16 =	vadd.s32 s29, v0;
	v6 =	vadd.s32 v3, v1  }
0xad: {  	v17 =	vadd.s32 s24, v0;
	v16 =	vand.u32 $0xF, v16;
	v7 =	vand.u32 $0xFFFFFF80, v6  }
0xae: {  	v4 =	vadd.s32 v2, v1;
	v9 =	vand.u32 $0x7F, v6;
	v7 =	vadd.s32 v8, v7  }
0xaf: {  	v2 =	vshll.u32 v2, $0x7;
	v1 =	vand.u32 $0xFFFFFF80, v4;
	v7 =	vor.u32 v9, v7  }
0xb0: {  	v3 =	vshll.u32 v3, $0x7;
	v10 =	vand.u32 $0x7F, v4;
	v1 =	vadd.s32 v8, v1  }
0xb1: {  	v11 =	vadd.s32 $0x10, v6;
	v12 =	vor.u32 v5, v2;
	v1 =	vor.u32 v10, v1  }
0xb2: {  	v19 =	vor.u32 v5, v3;
	v5 =	vadd.s32 $0x20, v4;
	v9 =	vadd.s32 $0x10, v4  }
0xb3: {  	v2 =	vand.u32 $0xFFFFFF80, v11;
	v3 =	vand.u32 $0x7F, v11;
	v10 =	vand.u32 $0xFFFFFF80, v9  }
0xb4: {  	v2 =	vadd.s32 v8, v2;
	v9 =	vand.u32 $0x7F, v9;
	v10 =	vadd.s32 v8, v10;
	v7 =	vld.idx.msk [tilespmem:v7+s7+$0x0], $0xffff  }
0xb5: {  	v9 =	vor.u32 v9, v10;
	v10 =	vor.u32 v3, v2;
	v2 =	vand.u32 $0xFFFFFF80, v5  }
0xb6: {  	s8 =	sand.u32 $0x70, s11;
	v4 =	vadd.s32 $0x30, v4;
	v3 =	vand.u32 $0x7F, v5;
	v2 =	vadd.s32 v8, v2;
	v5 =	vld.idx.msk [tilespmem:v1+s7+$0x0], $0xffff  }
0xb7: {  	v13 =	vor.u32 v3, v2;
	v1 =	vand.u32 $0xFFFFFF80, v4;
	v3 =	vand.u32 $0x7F, v4;
	v4 =	vld [tilespmem:s8+$0x280]  }
0xb8: {  	v17 =	vand.u32 $0xF, v17;
	v14 =	vadd.s32 $0x20, v6;
	v6 =	vadd.s32 $0x30, v6  }
0xb9: {  	v11 =	vor.u32 $0x800, v12;
	v15 =	vor.u32 $0x800, v19;
	[tilespmem:v19+s17+$0x0] =	vst.idx.msk $0xffff, v7;
	v7 =	vand.u32 $0xFFFFFF80, v14  }
0xba: {  	v1 =	vadd.s32 v8, v1;
	v14 =	vand.u32 $0x7F, v14;
	v10 =	vld.idx.msk [tilespmem:v10+s7+$0x0], $0xffff;
	v7 =	vadd.s32 v8, v7  }
0xbb: {  	v2 =	vor.u32 $0x1000, v12;
	v3 =	vor.u32 v3, v1;
	v14 =	vor.u32 v14, v7  }
0xbc: {  	v1 =	vor.u32 $0x1800, v12;
	[tilespmem:v12+s17+$0x0] =	vst.idx.msk $0xffff, v5;
	v12 =	vor.u32 s8, v0;
	v5 =	vadd.s32 v17, v4  }
0xbd: {  	v9 =	vld.idx.msk [tilespmem:v9+s7+$0x0], $0xffff;
	v20 =	vand.u32 $0xFFFFFF80, v5;
	v7 =	vadd.s32 v16, v4;
	v4 =	vshll.u32 v12, $0x7  }
0xbe: {  	v21 =	vand.u32 $0x7F, v5;
	v18 =	vand.u32 $0xFFFFFF80, v7;
	v20 =	vadd.s32 v4, v20  }
0xbf: {  	[tilespmem:v15+s17+$0x0] =	vst.idx.msk $0xffff, v10;
	v10 =	vadd.s32 v4, v18;
	v15 =	vor.u32 v21, v20;
	v18 =	vand.u32 $0xFFFFFF80, v6  }
0xc0: {  	v20 =	vor.u32 $0x1000, v19;
	v6 =	vand.u32 $0x7F, v6;
	v14 =	vld.idx.msk [tilespmem:v14+s7+$0x0], $0xffff;
	v8 =	vadd.s32 v8, v18  }
0xc1: {  	v63 =	vadd.s32 $0x10, v7;
	v18 =	vand.u32 $0x7F, v7;
	v6 =	vor.u32 v6, v8  }
0xc2: {  	[tilespmem:v11+s17+$0x0] =	vst.idx.msk $0xffff, v9;
	v11 =	vor.u32 v18, v10;
	v8 =	vshll.u32 v16, $0x7;
	v10 =	vand.u32 $0xFFFFFF80, v63  }
0xc3: {  	v9 =	vld.idx.msk [tilespmem:v13+s7+$0x0], $0xffff;
	v16 =	vand.u32 $0x7F, v63;
	v18 =	vadd.s32 $0x10, v5;
	v10 =	vadd.s32 v4, v10  }
0xc4: {  	v8 =	vor.u32 v12, v8;
	v13 =	vld.idx.msk [tilespmem:v15+s7+$0x0], $0xffff;
	v15 =	vshll.u32 v17, $0x7;
	v17 =	vand.u32 $0xFFFFFF80, v18  }
0xc5: {  	v18 =	vand.u32 $0x7F, v18;
	v15 =	vor.u32 v12, v15;
	v17 =	vadd.s32 v4, v17;
	[tilespmem:v20+s17+$0x0] =	vst.idx.msk $0xffff, v14  }
0xc6: {  	v12 =	vor.u32 v16, v10;
	v20 =	vadd.s32 $0x20, v7;
	v16 =	vor.u32 v18, v17;
	v10 =	vld.idx.msk [tilespmem:v6+s7+$0x0], $0xffff  }
0xc7: {  	v14 =	vld.idx.msk [tilespmem:v11+s7+$0x0], $0xffff;
	v18 =	vand.u32 $0xFFFFFF80, v20;
	v17 =	vand.u32 $0x7F, v20;
	v11 =	vor.u32 $0x1800, v19;
	v6 =	vmovc v15  }
.LBB2_4:
0xc8: {  	s11 =	sadd.s32 $0x2, s11;
	v19 =	vor.u32 $0x800, v8;
	v18 =	vadd.s32 v4, v18;
	v7 =	vadd.s32 $0x30, v7;
	[tilespmem:v2+s17+$0x0] =	vst.idx.msk $0xffff, v9  }
0xc9: {  	s21 =	sand.u32 $0x70, s11;
	p0 =	slt.u32 s11, $0x7E;
	v9 =	vor.u32 v17, v18;
	v17 =	vand.u32 $0xFFFFFF80, v7;
	v7 =	vand.u32 $0x7F, v7;
	v18 =	vld.idx.msk [tilespmem:v3+s7+$0x0], $0xffff  }
0xca: {  	v2 =	vor.u32 $0x1000, v8;
	v20 =	vld [tilespmem:s21+$0x280];
	v3 =	vadd.s32 v4, v17;
	[tilespmem:v15+s17+$0x0] =	vst.idx.msk $0xffff, v13;
	v13 =	vadd.s32 $0x20, v5  }
0xcb: {  	s23 =	sand.u32 $0xE, s11;
	v15 =	vor.u32 $0x1800, v8;
	v3 =	vor.u32 v7, v3;
	v16 =	vld.idx.msk [tilespmem:v16+s7+$0x0], $0xffff;
	v7 =	vand.u32 $0xFFFFFF80, v13  }
0xcc: {  	s24 =	sor.u32 $0x1, s23;
	v17 =	vor.u32 $0x800, v6;
	v13 =	vand.u32 $0x7F, v13;
	v7 =	vadd.s32 v4, v7;
	[tilespmem:v11+s17+$0x0] =	vst.idx.msk $0xffff, v10  }
0xcd: {  	v10 =	vadd.s32 s23, v0;
	v11 =	vadd.s32 s24, v0;
	[tilespmem:v8+s17+$0x0] =	vst.idx.msk $0xffff, v14;
	v8 =	vor.u32 v13, v7  }
0xce: {  	v10 =	vand.u32 $0xF, v10;
	v11 =	vand.u32 $0xF, v11;
	v12 =	vld.idx.msk [tilespmem:v12+s7+$0x0], $0xffff  }
0xcf: {  	v14 =	vor.u32 s21, v0;
	v7 =	vadd.s32 v10, v20;
	v13 =	vadd.s32 v11, v20;
	[tilespmem:v1+s17+$0x0] =	vst.idx.msk $0xffff, v18  }
0xd0: {  	v20 =	vshll.u32 v14, $0x7;
	v1 =	vmovc v15;
	v18 =	vand.u32 $0xFFFFFF80, v7;
	v21 =	vand.u32 $0xFFFFFF80, v13  }
0xd1: {  	v15 =	vand.u32 $0x7F, v13;
	v21 =	vadd.s32 v20, v21;
	[tilespmem:v17+s17+$0x0] =	vst.idx.msk $0xffff, v16;
	v16 =	vadd.s32 $0x30, v5;
	v5 =	vmovc v13  }
0xd2: {  	v13 =	vadd.s32 v20, v18;
	v15 =	vor.u32 v15, v21;
	v17 =	vld.idx.msk [tilespmem:v8+s7+$0x0], $0xffff;
	v8 =	vand.u32 $0xFFFFFF80, v16  }
0xd3: {  	v18 =	vor.u32 $0x1000, v6;
	v16 =	vand.u32 $0x7F, v16;
	v8 =	vadd.s32 v4, v8;
	v4 =	vmovc v20  }
0xd4: {  	v21 =	vadd.s32 $0x10, v7;
	v20 =	vand.u32 $0x7F, v7;
	[tilespmem:v19+s17+$0x0] =	vst.idx.msk $0xffff, v12;
	v19 =	vor.u32 v16, v8  }
0xd5: {  	v20 =	vor.u32 v20, v13;
	v8 =	vshll.u32 v10, $0x7;
	v10 =	vand.u32 $0xFFFFFF80, v21;
	v9 =	vld.idx.msk [tilespmem:v9+s7+$0x0], $0xffff  }
.Ltmp1:
0xd6: {  	v12 =	vand.u32 $0x7F, v21;
	v16 =	vadd.s32 $0x10, v5;
	v10 =	vadd.s32 v4, v10;
	(pc) =	sbr.rel @p0 .LBB2_4-.Ltmp1, $4  }
0xd7: {  	v11 =	vshll.u32 v11, $0x7;
	v8 =	vor.u32 v14, v8;
	v21 =	vand.u32 $0xFFFFFF80, v16;
	v13 =	vld.idx.msk [tilespmem:v15+s7+$0x0], $0xffff  }
0xd8: {  	v15 =	vor.u32 v14, v11;
	v11 =	vand.u32 $0x7F, v16;
	v14 =	vadd.s32 v4, v21;
	[tilespmem:v18+s17+$0x0] =	vst.idx.msk $0xffff, v17  }
0xd9: {  	v12 =	vor.u32 v12, v10;
	v17 =	vadd.s32 $0x20, v7;
	v16 =	vor.u32 v11, v14;
	v10 =	vld.idx.msk [tilespmem:v19+s7+$0x0], $0xffff  }
0xda: {  	v11 =	vor.u32 $0x1800, v6;
	v6 =	vmovc v15;
	v18 =	vand.u32 $0xFFFFFF80, v17;
	v17 =	vand.u32 $0x7F, v17;
	v14 =	vld.idx.msk [tilespmem:v20+s7+$0x0], $0xffff  }
0xdb: {  	_ =	sdelay $0x2  }
0xdc: {  	v19 =	vadd.s32 $0x20, v5  }
0xdd: {  	[tilespmem:v15+s17+$0x0] =	vst.idx.msk $0xffff, v13;
	v13 =	vand.u32 $0xFFFFFF80, v19  }
0xde: {  	v19 =	vand.u32 $0x7F, v19;
	v15 =	vld.idx.msk [tilespmem:v16+s7+$0x0], $0xffff;
	v16 =	vor.u32 $0x800, v6;
	v13 =	vadd.s32 v4, v13;
	[tilespmem:v8+s17+$0x0] =	vst.idx.msk $0xffff, v14  }
0xdf: {  	v18 =	vadd.s32 v4, v18;
	v13 =	vor.u32 v19, v13;
	v14 =	vor.u32 $0x800, v8;
	v12 =	vld.idx.msk [tilespmem:v12+s7+$0x0], $0xffff  }
0xe0: {  	v17 =	vor.u32 v17, v18;
	_ =	sdelay $0x1  }
0xe1: {  	v7 =	vadd.s32 $0x30, v7;
	v5 =	vadd.s32 $0x30, v5  }
0xe2: {  	v18 =	vand.u32 $0xFFFFFF80, v7;
	v7 =	vand.u32 $0x7F, v7;
	[tilespmem:v16+s17+$0x0] =	vst.idx.msk $0xffff, v15;
	v15 =	vand.u32 $0xFFFFFF80, v5  }
0xe3: {  	v16 =	vor.u32 $0x1000, v6;
	v5 =	vand.u32 $0x7F, v5;
	v13 =	vld.idx.msk [tilespmem:v13+s7+$0x0], $0xffff;
	v15 =	vadd.s32 v4, v15;
	[tilespmem:v14+s17+$0x0] =	vst.idx.msk $0xffff, v12  }
0xe4: {  	v4 =	vadd.s32 v4, v18;
	v5 =	vor.u32 v5, v15;
	v12 =	vor.u32 $0x1000, v8;
	v14 =	vld.idx.msk [tilespmem:v17+s7+$0x0], $0xffff  }
0xe5: {  	v4 =	vor.u32 v7, v4;
	_ =	sdelay $0x1  }
0xe6: {  	[tilespmem:v2+s17+$0x0] =	vst.idx.msk $0xffff, v9  }
0xe7: {  	v2 =	vld.idx.msk [tilespmem:v3+s7+$0x0], $0xffff;
	[tilespmem:v16+s17+$0x0] =	vst.idx.msk $0xffff, v13  }
0xe8: {  	v3 =	vld.idx.msk [tilespmem:v5+s7+$0x0], $0xffff;
	v5 =	vor.u32 $0x1800, v6;
	[tilespmem:v12+s17+$0x0] =	vst.idx.msk $0xffff, v14  }
0xe9: {  	v6 =	vor.u32 $0x1800, v8;
	v4 =	vld.idx.msk [tilespmem:v4+s7+$0x0], $0xffff;
	_ =	sdelay $0x1  }
0xea: {  	[tilespmem:v11+s17+$0x0] =	vst.idx.msk $0xffff, v10  }
0xeb: {  	[tilespmem:v1+s17+$0x0] =	vst.idx.msk $0xffff, v2  }
0xec: {  	[tilespmem:v5+s17+$0x0] =	vst.idx.msk $0xffff, v3  }
0xed: {  	[tilespmem:v6+s17+$0x0] =	vst.idx.msk $0xffff, v4  }
0xee: {  	s21 =	simm.s32 $0x1;
	s2 =	rddreg [dreg:$0xd]  }
0xef: {  	[hbm4b:s2+s30] =	stream.strided.scatter [tilespmem:s17], [sflag:$0xE], $0x2000, s16, s30, $0x38;
	[tilespmem:$0x14400] =	vst v63  }
0xf0: {  	_ =	swait.ge [sflag:s21], $0x80  }
0xf1: {  	[sflag:s21] =	ssyncset.done $0x0  }
0xf2: {  	s23 =	simm.s32 $0x5;
	[sflag:s21] =	ssyncadd.s32 $0xFFFFFF80  }
0xf3: {  	_ =	swait.ge [sflag:s23], $0x80  }
0xf4: {  	[sflag:s23] =	ssyncset.done $0x0  }
0xf5: {  	[sflag:s23] =	ssyncadd.s32 $0xFFFFFF80  }
0xf6: {  	[tilespmem:s30], [sflag:$0x9] =	stream.indirect.gather [hbm4b:s4+s18], $0x80, s3, s18, $0xb8;
	[tilespmem:$0x14400] =	vst v63  }
0xf7: {  	s24 =	rddreg [dreg:$0xe]  }
0xf8: {  	[tilespmem:s18], [sflag:$0x2] =	stream.linear.gather [hbm4b:s24+s3], $0x80, $0x38;
	[tilespmem:$0x14400] =	vst v63  }
0xf9: {  	s8 =	simm.s32 $0x280;
	s29 =	rddreg [dreg:$0x10]  }
0xfa: {  	[tilespmem:s8], [sflag:$0x6] =	stream.linear.gather [hbm4b:s29+s3], $0x80, $0x38;
	[tilespmem:$0x14400] =	vst v63  }
0xfb: {  	_ =	swait.ge [sflag:s20], $0x4000  }
0xfc: {  	[sflag:s20] =	ssyncset.done $0x0  }
0xfd: {  	[sflag:s20] =	ssyncadd.s32 $0xFFFFC000  }
0xfe: {  	_ =	swait.ge [sflag:s25], $0x2000  }
0xff: {  	s11 =	simm.s32 $0x0;
	[sflag:s25] =	ssyncset.done $0x0  }
0x100: {  	s21 =	sand.u32 $0x70, s11;
	[sflag:s25] =	ssyncadd.s32 $0xFFFFE000  }
0x101: {  	v1 =	vld [tilespmem:s21+$0x300]  }
0x102: {  	s11 =	sand.u32 $0xE, s11  }
0x103: {  	s23 =	sor.u32 $0x1, s11  }
0x104: {  	v2 =	vadd.s32 s11, v0;
	s11 =	simm.s32 $0x2;
	v3 =	vadd.s32 s23, v0  }
0x105: {  	v5 =	vor.u32 s21, v0;
	v2 =	vand.u32 $0xF, v2;
	v3 =	vand.u32 $0xF, v3;
	s29 =	sand.u32 $0xE, s11  }
0x106: {  	v8 =	vshll.u32 v5, $0x7;
	s24 =	sor.u32 $0x1, s29;
	v16 =	vadd.s32 s29, v0;
	v6 =	vadd.s32 v3, v1  }
0x107: {  	v17 =	vadd.s32 s24, v0;
	v16 =	vand.u32 $0xF, v16;
	v7 =	vand.u32 $0xFFFFFF80, v6  }
0x108: {  	v4 =	vadd.s32 v2, v1;
	v9 =	vand.u32 $0x7F, v6;
	v7 =	vadd.s32 v8, v7  }
0x109: {  	v2 =	vshll.u32 v2, $0x7;
	v1 =	vand.u32 $0xFFFFFF80, v4;
	v7 =	vor.u32 v9, v7  }
0x10a: {  	v3 =	vshll.u32 v3, $0x7;
	v10 =	vand.u32 $0x7F, v4;
	v1 =	vadd.s32 v8, v1  }
0x10b: {  	v11 =	vadd.s32 $0x10, v6;
	v12 =	vor.u32 v5, v2;
	v1 =	vor.u32 v10, v1  }
0x10c: {  	v19 =	vor.u32 v5, v3;
	v5 =	vadd.s32 $0x20, v4;
	v9 =	vadd.s32 $0x10, v4  }
0x10d: {  	v2 =	vand.u32 $0xFFFFFF80, v11;
	v3 =	vand.u32 $0x7F, v11;
	v10 =	vand.u32 $0xFFFFFF80, v9  }
0x10e: {  	v2 =	vadd.s32 v8, v2;
	v9 =	vand.u32 $0x7F, v9;
	v10 =	vadd.s32 v8, v10;
	v7 =	vld.idx.msk [tilespmem:v7+s10+$0x0], $0xffff  }
0x10f: {  	v9 =	vor.u32 v9, v10;
	v10 =	vor.u32 v3, v2;
	v2 =	vand.u32 $0xFFFFFF80, v5  }
0x110: {  	s8 =	sand.u32 $0x70, s11;
	v4 =	vadd.s32 $0x30, v4;
	v3 =	vand.u32 $0x7F, v5;
	v2 =	vadd.s32 v8, v2;
	v5 =	vld.idx.msk [tilespmem:v1+s10+$0x0], $0xffff  }
0x111: {  	v13 =	vor.u32 v3, v2;
	v1 =	vand.u32 $0xFFFFFF80, v4;
	v3 =	vand.u32 $0x7F, v4;
	v4 =	vld [tilespmem:s8+$0x300]  }
0x112: {  	v17 =	vand.u32 $0xF, v17;
	v14 =	vadd.s32 $0x20, v6;
	v6 =	vadd.s32 $0x30, v6  }
0x113: {  	v11 =	vor.u32 $0x800, v12;
	v15 =	vor.u32 $0x800, v19;
	[tilespmem:v19+s14+$0x0] =	vst.idx.msk $0xffff, v7;
	v7 =	vand.u32 $0xFFFFFF80, v14  }
0x114: {  	v1 =	vadd.s32 v8, v1;
	v14 =	vand.u32 $0x7F, v14;
	v10 =	vld.idx.msk [tilespmem:v10+s10+$0x0], $0xffff;
	v7 =	vadd.s32 v8, v7  }
0x115: {  	v2 =	vor.u32 $0x1000, v12;
	v3 =	vor.u32 v3, v1;
	v14 =	vor.u32 v14, v7  }
0x116: {  	v1 =	vor.u32 $0x1800, v12;
	[tilespmem:v12+s14+$0x0] =	vst.idx.msk $0xffff, v5;
	v12 =	vor.u32 s8, v0;
	v5 =	vadd.s32 v17, v4  }
0x117: {  	v9 =	vld.idx.msk [tilespmem:v9+s10+$0x0], $0xffff;
	v20 =	vand.u32 $0xFFFFFF80, v5;
	v7 =	vadd.s32 v16, v4;
	v4 =	vshll.u32 v12, $0x7  }
0x118: {  	v21 =	vand.u32 $0x7F, v5;
	v18 =	vand.u32 $0xFFFFFF80, v7;
	v20 =	vadd.s32 v4, v20  }
0x119: {  	[tilespmem:v15+s14+$0x0] =	vst.idx.msk $0xffff, v10;
	v10 =	vadd.s32 v4, v18;
	v15 =	vor.u32 v21, v20;
	v18 =	vand.u32 $0xFFFFFF80, v6  }
0x11a: {  	v20 =	vor.u32 $0x1000, v19;
	v6 =	vand.u32 $0x7F, v6;
	v14 =	vld.idx.msk [tilespmem:v14+s10+$0x0], $0xffff;
	v8 =	vadd.s32 v8, v18  }
0x11b: {  	v63 =	vadd.s32 $0x10, v7;
	v18 =	vand.u32 $0x7F, v7;
	v6 =	vor.u32 v6, v8  }
0x11c: {  	[tilespmem:v11+s14+$0x0] =	vst.idx.msk $0xffff, v9;
	v11 =	vor.u32 v18, v10;
	v8 =	vshll.u32 v16, $0x7;
	v10 =	vand.u32 $0xFFFFFF80, v63  }
0x11d: {  	v9 =	vld.idx.msk [tilespmem:v13+s10+$0x0], $0xffff;
	v16 =	vand.u32 $0x7F, v63;
	v18 =	vadd.s32 $0x10, v5;
	v10 =	vadd.s32 v4, v10  }
0x11e: {  	v8 =	vor.u32 v12, v8;
	v13 =	vld.idx.msk [tilespmem:v15+s10+$0x0], $0xffff;
	v15 =	vshll.u32 v17, $0x7;
	v17 =	vand.u32 $0xFFFFFF80, v18  }
0x11f: {  	v18 =	vand.u32 $0x7F, v18;
	v15 =	vor.u32 v12, v15;
	v17 =	vadd.s32 v4, v17;
	[tilespmem:v20+s14+$0x0] =	vst.idx.msk $0xffff, v14  }
0x120: {  	v12 =	vor.u32 v16, v10;
	v20 =	vadd.s32 $0x20, v7;
	v16 =	vor.u32 v18, v17;
	v10 =	vld.idx.msk [tilespmem:v6+s10+$0x0], $0xffff  }
0x121: {  	v14 =	vld.idx.msk [tilespmem:v11+s10+$0x0], $0xffff;
	v18 =	vand.u32 $0xFFFFFF80, v20;
	v17 =	vand.u32 $0x7F, v20;
	v11 =	vor.u32 $0x1800, v19;
	v6 =	vmovc v15  }
.LBB2_6:
0x122: {  	s11 =	sadd.s32 $0x2, s11;
	v19 =	vor.u32 $0x800, v8;
	v18 =	vadd.s32 v4, v18;
	v7 =	vadd.s32 $0x30, v7;
	[tilespmem:v2+s14+$0x0] =	vst.idx.msk $0xffff, v9  }
0x123: {  	s21 =	sand.u32 $0x70, s11;
	p0 =	slt.u32 s11, $0x7E;
	v9 =	vor.u32 v17, v18;
	v17 =	vand.u32 $0xFFFFFF80, v7;
	v7 =	vand.u32 $0x7F, v7;
	v18 =	vld.idx.msk [tilespmem:v3+s10+$0x0], $0xffff  }
0x124: {  	v2 =	vor.u32 $0x1000, v8;
	v20 =	vld [tilespmem:s21+$0x300];
	v3 =	vadd.s32 v4, v17;
	[tilespmem:v15+s14+$0x0] =	vst.idx.msk $0xffff, v13;
	v13 =	vadd.s32 $0x20, v5  }
0x125: {  	s23 =	sand.u32 $0xE, s11;
	v15 =	vor.u32 $0x1800, v8;
	v3 =	vor.u32 v7, v3;
	v16 =	vld.idx.msk [tilespmem:v16+s10+$0x0], $0xffff;
	v7 =	vand.u32 $0xFFFFFF80, v13  }
0x126: {  	s24 =	sor.u32 $0x1, s23;
	v17 =	vor.u32 $0x800, v6;
	v13 =	vand.u32 $0x7F, v13;
	v7 =	vadd.s32 v4, v7;
	[tilespmem:v11+s14+$0x0] =	vst.idx.msk $0xffff, v10  }
0x127: {  	v10 =	vadd.s32 s23, v0;
	v11 =	vadd.s32 s24, v0;
	[tilespmem:v8+s14+$0x0] =	vst.idx.msk $0xffff, v14;
	v8 =	vor.u32 v13, v7  }
0x128: {  	v10 =	vand.u32 $0xF, v10;
	v11 =	vand.u32 $0xF, v11;
	v12 =	vld.idx.msk [tilespmem:v12+s10+$0x0], $0xffff  }
0x129: {  	v14 =	vor.u32 s21, v0;
	v7 =	vadd.s32 v10, v20;
	v13 =	vadd.s32 v11, v20;
	[tilespmem:v1+s14+$0x0] =	vst.idx.msk $0xffff, v18  }
0x12a: {  	v20 =	vshll.u32 v14, $0x7;
	v1 =	vmovc v15;
	v18 =	vand.u32 $0xFFFFFF80, v7;
	v21 =	vand.u32 $0xFFFFFF80, v13  }
0x12b: {  	v15 =	vand.u32 $0x7F, v13;
	v21 =	vadd.s32 v20, v21;
	[tilespmem:v17+s14+$0x0] =	vst.idx.msk $0xffff, v16;
	v16 =	vadd.s32 $0x30, v5;
	v5 =	vmovc v13  }
0x12c: {  	v13 =	vadd.s32 v20, v18;
	v15 =	vor.u32 v15, v21;
	v17 =	vld.idx.msk [tilespmem:v8+s10+$0x0], $0xffff;
	v8 =	vand.u32 $0xFFFFFF80, v16  }
0x12d: {  	v18 =	vor.u32 $0x1000, v6;
	v16 =	vand.u32 $0x7F, v16;
	v8 =	vadd.s32 v4, v8;
	v4 =	vmovc v20  }
0x12e: {  	v21 =	vadd.s32 $0x10, v7;
	v20 =	vand.u32 $0x7F, v7;
	[tilespmem:v19+s14+$0x0] =	vst.idx.msk $0xffff, v12;
	v19 =	vor.u32 v16, v8  }
0x12f: {  	v20 =	vor.u32 v20, v13;
	v8 =	vshll.u32 v10, $0x7;
	v10 =	vand.u32 $0xFFFFFF80, v21;
	v9 =	vld.idx.msk [tilespmem:v9+s10+$0x0], $0xffff  }
.Ltmp2:
0x130: {  	v12 =	vand.u32 $0x7F, v21;
	v16 =	vadd.s32 $0x10, v5;
	v10 =	vadd.s32 v4, v10;
	(pc) =	sbr.rel @p0 .LBB2_6-.Ltmp2, $4  }
0x131: {  	v11 =	vshll.u32 v11, $0x7;
	v8 =	vor.u32 v14, v8;
	v21 =	vand.u32 $0xFFFFFF80, v16;
	v13 =	vld.idx.msk [tilespmem:v15+s10+$0x0], $0xffff  }
0x132: {  	v15 =	vor.u32 v14, v11;
	v11 =	vand.u32 $0x7F, v16;
	v14 =	vadd.s32 v4, v21;
	[tilespmem:v18+s14+$0x0] =	vst.idx.msk $0xffff, v17  }
0x133: {  	v12 =	vor.u32 v12, v10;
	v17 =	vadd.s32 $0x20, v7;
	v16 =	vor.u32 v11, v14;
	v10 =	vld.idx.msk [tilespmem:v19+s10+$0x0], $0xffff  }
0x134: {  	v11 =	vor.u32 $0x1800, v6;
	v6 =	vmovc v15;
	v18 =	vand.u32 $0xFFFFFF80, v17;
	v17 =	vand.u32 $0x7F, v17;
	v14 =	vld.idx.msk [tilespmem:v20+s10+$0x0], $0xffff  }
0x135: {  	_ =	sdelay $0x2  }
0x136: {  	v19 =	vadd.s32 $0x20, v5  }
0x137: {  	[tilespmem:v15+s14+$0x0] =	vst.idx.msk $0xffff, v13;
	v13 =	vand.u32 $0xFFFFFF80, v19  }
0x138: {  	v19 =	vand.u32 $0x7F, v19;
	v15 =	vld.idx.msk [tilespmem:v16+s10+$0x0], $0xffff;
	v16 =	vor.u32 $0x800, v6;
	v13 =	vadd.s32 v4, v13;
	[tilespmem:v8+s14+$0x0] =	vst.idx.msk $0xffff, v14  }
0x139: {  	v18 =	vadd.s32 v4, v18;
	v13 =	vor.u32 v19, v13;
	v14 =	vor.u32 $0x800, v8;
	v12 =	vld.idx.msk [tilespmem:v12+s10+$0x0], $0xffff  }
0x13a: {  	v17 =	vor.u32 v17, v18;
	_ =	sdelay $0x1  }
0x13b: {  	v7 =	vadd.s32 $0x30, v7;
	v5 =	vadd.s32 $0x30, v5  }
0x13c: {  	v18 =	vand.u32 $0xFFFFFF80, v7;
	v7 =	vand.u32 $0x7F, v7;
	[tilespmem:v16+s14+$0x0] =	vst.idx.msk $0xffff, v15;
	v15 =	vand.u32 $0xFFFFFF80, v5  }
0x13d: {  	v16 =	vor.u32 $0x1000, v6;
	v5 =	vand.u32 $0x7F, v5;
	v13 =	vld.idx.msk [tilespmem:v13+s10+$0x0], $0xffff;
	v15 =	vadd.s32 v4, v15;
	[tilespmem:v14+s14+$0x0] =	vst.idx.msk $0xffff, v12  }
0x13e: {  	v4 =	vadd.s32 v4, v18;
	v5 =	vor.u32 v5, v15;
	v12 =	vor.u32 $0x1000, v8;
	v14 =	vld.idx.msk [tilespmem:v17+s10+$0x0], $0xffff  }
0x13f: {  	v4 =	vor.u32 v7, v4;
	_ =	sdelay $0x1  }
0x140: {  	[tilespmem:v2+s14+$0x0] =	vst.idx.msk $0xffff, v9  }
0x141: {  	v2 =	vld.idx.msk [tilespmem:v3+s10+$0x0], $0xffff;
	[tilespmem:v16+s14+$0x0] =	vst.idx.msk $0xffff, v13  }
0x142: {  	v3 =	vld.idx.msk [tilespmem:v5+s10+$0x0], $0xffff;
	v5 =	vor.u32 $0x1800, v6;
	[tilespmem:v12+s14+$0x0] =	vst.idx.msk $0xffff, v14  }
0x143: {  	v6 =	vor.u32 $0x1800, v8;
	v4 =	vld.idx.msk [tilespmem:v4+s10+$0x0], $0xffff;
	_ =	sdelay $0x1  }
0x144: {  	[tilespmem:v11+s14+$0x0] =	vst.idx.msk $0xffff, v10  }
0x145: {  	[tilespmem:v1+s14+$0x0] =	vst.idx.msk $0xffff, v2  }
0x146: {  	[tilespmem:v5+s14+$0x0] =	vst.idx.msk $0xffff, v3  }
0x147: {  	[tilespmem:v6+s14+$0x0] =	vst.idx.msk $0xffff, v4  }
0x148: {  	s21 =	simm.s32 $0x2;
	s2 =	rddreg [dreg:$0x11]  }
0x149: {  	[hbm4b:s2+s30] =	stream.strided.scatter [tilespmem:s14], [sflag:$0xD], $0x2000, s16, s30, $0x38;
	[tilespmem:$0x14400] =	vst v63  }
0x14a: {  	_ =	swait.ge [sflag:s21], $0x80  }
0x14b: {  	[sflag:s21] =	ssyncset.done $0x0  }
0x14c: {  	s23 =	simm.s32 $0x6;
	[sflag:s21] =	ssyncadd.s32 $0xFFFFFF80  }
0x14d: {  	_ =	swait.ge [sflag:s23], $0x80  }
0x14e: {  	[sflag:s23] =	ssyncset.done $0x0  }
0x14f: {  	[sflag:s23] =	ssyncadd.s32 $0xFFFFFF80  }
0x150: {  	[tilespmem:s7], [sflag:$0xA] =	stream.indirect.gather [hbm4b:s4+s18], $0x80, s18, s18, $0xb8;
	[tilespmem:$0x14400] =	vst v63  }
0x151: {  	s24 =	rddreg [dreg:$0x12]  }
0x152: {  	[tilespmem:s31], [sflag:$0x3] =	stream.linear.gather [hbm4b:s24+s3], $0x80, $0x38;
	[tilespmem:$0x14400] =	vst v63  }
0x153: {  	s8 =	simm.s32 $0x300;
	s29 =	rddreg [dreg:$0x13]  }
0x154: {  	[tilespmem:s8], [sflag:$0x7] =	stream.linear.gather [hbm4b:s29+s3], $0x80, $0x38;
	[tilespmem:$0x14400] =	vst v63  }
0x155: {  	_ =	swait.ge [sflag:s26], $0x4000  }
0x156: {  	[sflag:s26] =	ssyncset.done $0x0  }
0x157: {  	[sflag:s26] =	ssyncadd.s32 $0xFFFFC000  }
0x158: {  	_ =	swait.ge [sflag:s28], $0x2000  }
0x159: {  	s11 =	simm.s32 $0x0;
	[sflag:s28] =	ssyncset.done $0x0  }
0x15a: {  	s21 =	sand.u32 $0x70, s11;
	[sflag:s28] =	ssyncadd.s32 $0xFFFFE000  }
0x15b: {  	v1 =	vld [tilespmem:s21+$0x380]  }
0x15c: {  	s11 =	sand.u32 $0xE, s11  }
0x15d: {  	s23 =	sor.u32 $0x1, s11  }
0x15e: {  	v2 =	vadd.s32 s11, v0;
	s11 =	simm.s32 $0x2;
	v3 =	vadd.s32 s23, v0  }
0x15f: {  	v5 =	vor.u32 s21, v0;
	v2 =	vand.u32 $0xF, v2;
	v3 =	vand.u32 $0xF, v3;
	s29 =	sand.u32 $0xE, s11  }
0x160: {  	v8 =	vshll.u32 v5, $0x7;
	s24 =	sor.u32 $0x1, s29;
	v16 =	vadd.s32 s29, v0;
	v6 =	vadd.s32 v3, v1  }
0x161: {  	v17 =	vadd.s32 s24, v0;
	v16 =	vand.u32 $0xF, v16;
	v7 =	vand.u32 $0xFFFFFF80, v6  }
0x162: {  	v4 =	vadd.s32 v2, v1;
	v9 =	vand.u32 $0x7F, v6;
	v7 =	vadd.s32 v8, v7  }
0x163: {  	v2 =	vshll.u32 v2, $0x7;
	v1 =	vand.u32 $0xFFFFFF80, v4;
	v7 =	vor.u32 v9, v7  }
0x164: {  	v3 =	vshll.u32 v3, $0x7;
	v10 =	vand.u32 $0x7F, v4;
	v1 =	vadd.s32 v8, v1  }
0x165: {  	v11 =	vadd.s32 $0x10, v6;
	v12 =	vor.u32 v5, v2;
	v1 =	vor.u32 v10, v1  }
0x166: {  	v19 =	vor.u32 v5, v3;
	v5 =	vadd.s32 $0x20, v4;
	v9 =	vadd.s32 $0x10, v4  }
0x167: {  	v2 =	vand.u32 $0xFFFFFF80, v11;
	v3 =	vand.u32 $0x7F, v11;
	v10 =	vand.u32 $0xFFFFFF80, v9  }
0x168: {  	v2 =	vadd.s32 v8, v2;
	v9 =	vand.u32 $0x7F, v9;
	v10 =	vadd.s32 v8, v10;
	v7 =	vld.idx.msk [tilespmem:v7+s12+$0x0], $0xffff  }
0x169: {  	v9 =	vor.u32 v9, v10;
	v10 =	vor.u32 v3, v2;
	v2 =	vand.u32 $0xFFFFFF80, v5  }
0x16a: {  	s8 =	sand.u32 $0x70, s11;
	v4 =	vadd.s32 $0x30, v4;
	v3 =	vand.u32 $0x7F, v5;
	v2 =	vadd.s32 v8, v2;
	v5 =	vld.idx.msk [tilespmem:v1+s12+$0x0], $0xffff  }
0x16b: {  	v13 =	vor.u32 v3, v2;
	v1 =	vand.u32 $0xFFFFFF80, v4;
	v3 =	vand.u32 $0x7F, v4;
	v4 =	vld [tilespmem:s8+$0x380]  }
0x16c: {  	v17 =	vand.u32 $0xF, v17;
	v14 =	vadd.s32 $0x20, v6;
	v6 =	vadd.s32 $0x30, v6  }
0x16d: {  	v11 =	vor.u32 $0x800, v12;
	v15 =	vor.u32 $0x800, v19;
	[tilespmem:v19+s17+$0x0] =	vst.idx.msk $0xffff, v7;
	v7 =	vand.u32 $0xFFFFFF80, v14  }
0x16e: {  	v1 =	vadd.s32 v8, v1;
	v14 =	vand.u32 $0x7F, v14;
	v10 =	vld.idx.msk [tilespmem:v10+s12+$0x0], $0xffff;
	v7 =	vadd.s32 v8, v7  }
0x16f: {  	v2 =	vor.u32 $0x1000, v12;
	v3 =	vor.u32 v3, v1;
	v14 =	vor.u32 v14, v7  }
0x170: {  	v1 =	vor.u32 $0x1800, v12;
	[tilespmem:v12+s17+$0x0] =	vst.idx.msk $0xffff, v5;
	v12 =	vor.u32 s8, v0;
	v5 =	vadd.s32 v17, v4  }
0x171: {  	v9 =	vld.idx.msk [tilespmem:v9+s12+$0x0], $0xffff;
	v20 =	vand.u32 $0xFFFFFF80, v5;
	v7 =	vadd.s32 v16, v4;
	v4 =	vshll.u32 v12, $0x7  }
0x172: {  	v21 =	vand.u32 $0x7F, v5;
	v18 =	vand.u32 $0xFFFFFF80, v7;
	v20 =	vadd.s32 v4, v20  }
0x173: {  	[tilespmem:v15+s17+$0x0] =	vst.idx.msk $0xffff, v10;
	v10 =	vadd.s32 v4, v18;
	v15 =	vor.u32 v21, v20;
	v18 =	vand.u32 $0xFFFFFF80, v6  }
0x174: {  	v20 =	vor.u32 $0x1000, v19;
	v6 =	vand.u32 $0x7F, v6;
	v14 =	vld.idx.msk [tilespmem:v14+s12+$0x0], $0xffff;
	v8 =	vadd.s32 v8, v18  }
0x175: {  	v63 =	vadd.s32 $0x10, v7;
	v18 =	vand.u32 $0x7F, v7;
	v6 =	vor.u32 v6, v8  }
0x176: {  	[tilespmem:v11+s17+$0x0] =	vst.idx.msk $0xffff, v9;
	v11 =	vor.u32 v18, v10;
	v8 =	vshll.u32 v16, $0x7;
	v10 =	vand.u32 $0xFFFFFF80, v63  }
0x177: {  	v9 =	vld.idx.msk [tilespmem:v13+s12+$0x0], $0xffff;
	v16 =	vand.u32 $0x7F, v63;
	v18 =	vadd.s32 $0x10, v5;
	v10 =	vadd.s32 v4, v10  }
0x178: {  	v8 =	vor.u32 v12, v8;
	v13 =	vld.idx.msk [tilespmem:v15+s12+$0x0], $0xffff;
	v15 =	vshll.u32 v17, $0x7;
	v17 =	vand.u32 $0xFFFFFF80, v18  }
0x179: {  	v18 =	vand.u32 $0x7F, v18;
	v15 =	vor.u32 v12, v15;
	v17 =	vadd.s32 v4, v17;
	[tilespmem:v20+s17+$0x0] =	vst.idx.msk $0xffff, v14  }
0x17a: {  	v12 =	vor.u32 v16, v10;
	v20 =	vadd.s32 $0x20, v7;
	v16 =	vor.u32 v18, v17;
	v10 =	vld.idx.msk [tilespmem:v6+s12+$0x0], $0xffff  }
0x17b: {  	v14 =	vld.idx.msk [tilespmem:v11+s12+$0x0], $0xffff;
	v18 =	vand.u32 $0xFFFFFF80, v20;
	v17 =	vand.u32 $0x7F, v20;
	v11 =	vor.u32 $0x1800, v19;
	v6 =	vmovc v15  }
.LBB2_8:
0x17c: {  	s11 =	sadd.s32 $0x2, s11;
	v19 =	vor.u32 $0x800, v8;
	v18 =	vadd.s32 v4, v18;
	v7 =	vadd.s32 $0x30, v7;
	[tilespmem:v2+s17+$0x0] =	vst.idx.msk $0xffff, v9  }
0x17d: {  	s21 =	sand.u32 $0x70, s11;
	p0 =	slt.u32 s11, $0x7E;
	v9 =	vor.u32 v17, v18;
	v17 =	vand.u32 $0xFFFFFF80, v7;
	v7 =	vand.u32 $0x7F, v7;
	v18 =	vld.idx.msk [tilespmem:v3+s12+$0x0], $0xffff  }
0x17e: {  	v2 =	vor.u32 $0x1000, v8;
	v20 =	vld [tilespmem:s21+$0x380];
	v3 =	vadd.s32 v4, v17;
	[tilespmem:v15+s17+$0x0] =	vst.idx.msk $0xffff, v13;
	v13 =	vadd.s32 $0x20, v5  }
0x17f: {  	s23 =	sand.u32 $0xE, s11;
	v15 =	vor.u32 $0x1800, v8;
	v3 =	vor.u32 v7, v3;
	v16 =	vld.idx.msk [tilespmem:v16+s12+$0x0], $0xffff;
	v7 =	vand.u32 $0xFFFFFF80, v13  }
0x180: {  	s24 =	sor.u32 $0x1, s23;
	v17 =	vor.u32 $0x800, v6;
	v13 =	vand.u32 $0x7F, v13;
	v7 =	vadd.s32 v4, v7;
	[tilespmem:v11+s17+$0x0] =	vst.idx.msk $0xffff, v10  }
0x181: {  	v10 =	vadd.s32 s23, v0;
	v11 =	vadd.s32 s24, v0;
	[tilespmem:v8+s17+$0x0] =	vst.idx.msk $0xffff, v14;
	v8 =	vor.u32 v13, v7  }
0x182: {  	v10 =	vand.u32 $0xF, v10;
	v11 =	vand.u32 $0xF, v11;
	v12 =	vld.idx.msk [tilespmem:v12+s12+$0x0], $0xffff  }
0x183: {  	v14 =	vor.u32 s21, v0;
	v7 =	vadd.s32 v10, v20;
	v13 =	vadd.s32 v11, v20;
	[tilespmem:v1+s17+$0x0] =	vst.idx.msk $0xffff, v18  }
0x184: {  	v20 =	vshll.u32 v14, $0x7;
	v1 =	vmovc v15;
	v18 =	vand.u32 $0xFFFFFF80, v7;
	v21 =	vand.u32 $0xFFFFFF80, v13  }
0x185: {  	v15 =	vand.u32 $0x7F, v13;
	v21 =	vadd.s32 v20, v21;
	[tilespmem:v17+s17+$0x0] =	vst.idx.msk $0xffff, v16;
	v16 =	vadd.s32 $0x30, v5;
	v5 =	vmovc v13  }
0x186: {  	v13 =	vadd.s32 v20, v18;
	v15 =	vor.u32 v15, v21;
	v17 =	vld.idx.msk [tilespmem:v8+s12+$0x0], $0xffff;
	v8 =	vand.u32 $0xFFFFFF80, v16  }
0x187: {  	v18 =	vor.u32 $0x1000, v6;
	v16 =	vand.u32 $0x7F, v16;
	v8 =	vadd.s32 v4, v8;
	v4 =	vmovc v20  }
0x188: {  	v21 =	vadd.s32 $0x10, v7;
	v20 =	vand.u32 $0x7F, v7;
	[tilespmem:v19+s17+$0x0] =	vst.idx.msk $0xffff, v12;
	v19 =	vor.u32 v16, v8  }
0x189: {  	v20 =	vor.u32 v20, v13;
	v8 =	vshll.u32 v10, $0x7;
	v10 =	vand.u32 $0xFFFFFF80, v21;
	v9 =	vld.idx.msk [tilespmem:v9+s12+$0x0], $0xffff  }
.Ltmp3:
0x18a: {  	v12 =	vand.u32 $0x7F, v21;
	v16 =	vadd.s32 $0x10, v5;
	v10 =	vadd.s32 v4, v10;
	(pc) =	sbr.rel @p0 .LBB2_8-.Ltmp3, $4  }
0x18b: {  	v11 =	vshll.u32 v11, $0x7;
	v8 =	vor.u32 v14, v8;
	v21 =	vand.u32 $0xFFFFFF80, v16;
	v13 =	vld.idx.msk [tilespmem:v15+s12+$0x0], $0xffff  }
0x18c: {  	v15 =	vor.u32 v14, v11;
	v11 =	vand.u32 $0x7F, v16;
	v14 =	vadd.s32 v4, v21;
	[tilespmem:v18+s17+$0x0] =	vst.idx.msk $0xffff, v17  }
0x18d: {  	v12 =	vor.u32 v12, v10;
	v17 =	vadd.s32 $0x20, v7;
	v16 =	vor.u32 v11, v14;
	v10 =	vld.idx.msk [tilespmem:v19+s12+$0x0], $0xffff  }
0x18e: {  	v11 =	vor.u32 $0x1800, v6;
	v6 =	vmovc v15;
	v18 =	vand.u32 $0xFFFFFF80, v17;
	v17 =	vand.u32 $0x7F, v17;
	v14 =	vld.idx.msk [tilespmem:v20+s12+$0x0], $0xffff  }
0x18f: {  	_ =	sdelay $0x2  }
0x190: {  	v19 =	vadd.s32 $0x20, v5  }
0x191: {  	[tilespmem:v15+s17+$0x0] =	vst.idx.msk $0xffff, v13;
	v53 =	vand.u32 $0xFFFFFF80, v19  }
0x192: {  	v54 =	vor.u32 $0x800, v6;
	v19 =	vand.u32 $0x7F, v19;
	v15 =	vld.idx.msk [tilespmem:v16+s12+$0x0], $0xffff;
	v13 =	vadd.s32 v4, v53;
	[tilespmem:v8+s17+$0x0] =	vst.idx.msk $0xffff, v14  }
0x193: {  	v55 =	vor.u32 $0x800, v8;
	v18 =	vadd.s32 v4, v18;
	v13 =	vor.u32 v19, v13;
	v12 =	vld.idx.msk [tilespmem:v12+s12+$0x0], $0xffff  }
0x194: {  	v17 =	vor.u32 v17, v18;
	_ =	sdelay $0x1  }
0x195: {  	v7 =	vadd.s32 $0x30, v7;
	v56 =	vadd.s32 $0x30, v5  }
0x196: {  	v59 =	vor.u32 $0x1000, v6;
	v60 =	vor.u32 $0x1000, v8;
	v58 =	vand.u32 $0xFFFFFF80, v56;
	[tilespmem:v54+s17+$0x0] =	vst.idx.msk $0xffff, v15  }
0x197: {  	v57 =	vand.u32 $0xFFFFFF80, v7;
	v5 =	vand.u32 $0x7F, v56;
	v15 =	vadd.s32 v4, v58;
	v13 =	vld.idx.msk [tilespmem:v13+s12+$0x0], $0xffff;
	[tilespmem:v55+s17+$0x0] =	vst.idx.msk $0xffff, v12  }
0x198: {  	v7 =	vand.u32 $0x7F, v7;
	v61 =	vadd.s32 v4, v57;
	v5 =	vor.u32 v5, v15;
	v14 =	vld.idx.msk [tilespmem:v17+s12+$0x0], $0xffff  }
0x199: {  	v4 =	vor.u32 v7, v61;
	_ =	sdelay $0x1  }
0x19a: {  	[tilespmem:v2+s17+$0x0] =	vst.idx.msk $0xffff, v9  }
0x19b: {  	v2 =	vld.idx.msk [tilespmem:v3+s12+$0x0], $0xffff;
	[tilespmem:v59+s17+$0x0] =	vst.idx.msk $0xffff, v13  }
0x19c: {  	v62 =	vor.u32 $0x1800, v6;
	v3 =	vld.idx.msk [tilespmem:v5+s12+$0x0], $0xffff;
	[tilespmem:v60+s17+$0x0] =	vst.idx.msk $0xffff, v14  }
0x19d: {  	v63 =	vor.u32 $0x1800, v8;
	v4 =	vld.idx.msk [tilespmem:v4+s12+$0x0], $0xffff;
	_ =	sdelay $0x1  }
0x19e: {  	[tilespmem:v11+s17+$0x0] =	vst.idx.msk $0xffff, v10  }
0x19f: {  	[tilespmem:v1+s17+$0x0] =	vst.idx.msk $0xffff, v2  }
0x1a0: {  	[tilespmem:v62+s17+$0x0] =	vst.idx.msk $0xffff, v3  }
0x1a1: {  	[tilespmem:v63+s17+$0x0] =	vst.idx.msk $0xffff, v4  }
0x1a2: {  	s29 =	simm.s32 $0x1;
	s2 =	rddreg [dreg:$0x1d]  }
0x1a3: {  	[hbm4b:s2+s30] =	stream.strided.scatter [tilespmem:s17], [sflag:$0xE], $0x2000, s16, s30, $0x38;
	[tilespmem:$0x14400] =	vst v63  }
.LBB2_10:
0x1a4: {  	s2 =	simm.s32 $0x3  }
0x1a5: {  	_ =	swait.ge [sflag:s2], $0x80  }
0x1a6: {  	[sflag:s2] =	ssyncset.done $0x0  }
0x1a7: {  	[sflag:s2] =	ssyncadd.s32 $0xFFFFFF80  }
0x1a8: {  	_ =	swait.ge [sflag:s9], $0x80  }
0x1a9: {  	[sflag:s9] =	ssyncset.done $0x0  }
0x1aa: {  	s21 =	sshllo.u32 s29, $0x2;
	[sflag:s9] =	ssyncadd.s32 $0xFFFFFF80  }
0x1ab: {  	[tilespmem:s10], [sflag:$0xB] =	stream.indirect.gather [hbm4b:s4+s18], $0x80, s31, s18, $0xb8;
	[tilespmem:$0x14400] =	vst v63  }
0x1ac: {  	s11 =	sshll.u32 s21, $0x9;
	s31 =	rddreg [dreg:$0x17]  }
0x1ad: {  	s11 =	sor.u32 s11, s31  }
0x1ae: {  	s11 =	sor.u32 s0, s11  }
0x1af: {  	s8 =	simm.s32 $0x180;
	s23 =	sadd.s32 s5, s11  }
0x1b0: {  	[tilespmem:s8], [sflag:$0x4] =	stream.linear.gather [hbm4b:s23+s3], $0x80, $0x38;
	[tilespmem:$0x14400] =	vst v63  }
0x1b1: {  	s11 =	sadd.s32 s6, s11;
	s23 =	simm.s32 $0x380  }
0x1b2: {  	[tilespmem:s23], [sflag:$0x8] =	stream.linear.gather [hbm4b:s11+s3], $0x80, $0x38;
	[tilespmem:$0x14400] =	vst v63  }
0x1b3: {  	_ =	swait.ge [sflag:s15], $0x4000  }
0x1b4: {  	[sflag:s15] =	ssyncset.done $0x0  }
0x1b5: {  	[sflag:s15] =	ssyncadd.s32 $0xFFFFC000  }
0x1b6: {  	_ =	swait.ge [sflag:s25], $0x2000  }
0x1b7: {  	s24 =	simm.s32 $0x0;
	[sflag:s25] =	ssyncset.done $0x0  }
0x1b8: {  	s31 =	sand.u32 $0x70, s24;
	[sflag:s25] =	ssyncadd.s32 $0xFFFFE000  }
0x1b9: {  	v1 =	vld [tilespmem:s31+$0x200]  }
0x1ba: {  	s11 =	sand.u32 $0xE, s24  }
0x1bb: {  	s24 =	sor.u32 $0x1, s11  }
0x1bc: {  	v5 =	vor.u32 s31, v0;
	v2 =	vadd.s32 s11, v0;
	s11 =	simm.s32 $0x2;
	v3 =	vadd.s32 s24, v0  }
0x1bd: {  	v8 =	vshll.u32 v5, $0x7;
	s2 =	sand.u32 $0xE, s11;
	v3 =	vand.u32 $0xF, v3  }
0x1be: {  	v2 =	vand.u32 $0xF, v2;
	s8 =	sor.u32 $0x1, s2;
	v16 =	vadd.s32 s2, v0;
	v6 =	vadd.s32 v3, v1  }
0x1bf: {  	v17 =	vadd.s32 s8, v0;
	v16 =	vand.u32 $0xF, v16;
	v7 =	vand.u32 $0xFFFFFF80, v6  }
0x1c0: {  	v4 =	vadd.s32 v2, v1;
	v9 =	vand.u32 $0x7F, v6;
	v7 =	vadd.s32 v8, v7  }
0x1c1: {  	v2 =	vshll.u32 v2, $0x7;
	v1 =	vand.u32 $0xFFFFFF80, v4;
	v7 =	vor.u32 v9, v7  }
0x1c2: {  	v3 =	vshll.u32 v3, $0x7;
	v10 =	vand.u32 $0x7F, v4;
	v1 =	vadd.s32 v8, v1  }
0x1c3: {  	v11 =	vadd.s32 $0x10, v6;
	v12 =	vor.u32 v5, v2;
	v1 =	vor.u32 v10, v1  }
0x1c4: {  	v19 =	vor.u32 v5, v3;
	v5 =	vadd.s32 $0x20, v4;
	v9 =	vadd.s32 $0x10, v4  }
0x1c5: {  	v2 =	vand.u32 $0xFFFFFF80, v11;
	v3 =	vand.u32 $0x7F, v11;
	v10 =	vand.u32 $0xFFFFFF80, v9  }
0x1c6: {  	v2 =	vadd.s32 v8, v2;
	v9 =	vand.u32 $0x7F, v9;
	v10 =	vadd.s32 v8, v10;
	v7 =	vld.idx.msk [tilespmem:v7+s30+$0x0], $0xffff  }
0x1c7: {  	v9 =	vor.u32 v9, v10;
	v10 =	vor.u32 v3, v2;
	v2 =	vand.u32 $0xFFFFFF80, v5  }
0x1c8: {  	s23 =	sand.u32 $0x70, s11;
	v4 =	vadd.s32 $0x30, v4;
	v3 =	vand.u32 $0x7F, v5;
	v2 =	vadd.s32 v8, v2;
	v5 =	vld.idx.msk [tilespmem:v1+s30+$0x0], $0xffff  }
0x1c9: {  	v13 =	vor.u32 v3, v2;
	v1 =	vand.u32 $0xFFFFFF80, v4;
	v3 =	vand.u32 $0x7F, v4;
	v4 =	vld [tilespmem:s23+$0x200]  }
0x1ca: {  	v17 =	vand.u32 $0xF, v17;
	v14 =	vadd.s32 $0x20, v6;
	v6 =	vadd.s32 $0x30, v6  }
0x1cb: {  	v11 =	vor.u32 $0x800, v12;
	v15 =	vor.u32 $0x800, v19;
	[tilespmem:v19+s14+$0x0] =	vst.idx.msk $0xffff, v7;
	v7 =	vand.u32 $0xFFFFFF80, v14  }
0x1cc: {  	v1 =	vadd.s32 v8, v1;
	v14 =	vand.u32 $0x7F, v14;
	v10 =	vld.idx.msk [tilespmem:v10+s30+$0x0], $0xffff;
	v7 =	vadd.s32 v8, v7  }
0x1cd: {  	v2 =	vor.u32 $0x1000, v12;
	v3 =	vor.u32 v3, v1;
	v14 =	vor.u32 v14, v7  }
0x1ce: {  	v1 =	vor.u32 $0x1800, v12;
	[tilespmem:v12+s14+$0x0] =	vst.idx.msk $0xffff, v5;
	v12 =	vor.u32 s23, v0;
	v5 =	vadd.s32 v17, v4  }
0x1cf: {  	v9 =	vld.idx.msk [tilespmem:v9+s30+$0x0], $0xffff;
	v20 =	vand.u32 $0xFFFFFF80, v5;
	v7 =	vadd.s32 v16, v4;
	v4 =	vshll.u32 v12, $0x7  }
0x1d0: {  	v21 =	vand.u32 $0x7F, v5;
	v18 =	vand.u32 $0xFFFFFF80, v7;
	v20 =	vadd.s32 v4, v20  }
0x1d1: {  	[tilespmem:v15+s14+$0x0] =	vst.idx.msk $0xffff, v10;
	v10 =	vadd.s32 v4, v18;
	v15 =	vor.u32 v21, v20;
	v18 =	vand.u32 $0xFFFFFF80, v6  }
0x1d2: {  	v20 =	vor.u32 $0x1000, v19;
	v6 =	vand.u32 $0x7F, v6;
	v14 =	vld.idx.msk [tilespmem:v14+s30+$0x0], $0xffff;
	v8 =	vadd.s32 v8, v18  }
0x1d3: {  	v63 =	vadd.s32 $0x10, v7;
	v18 =	vand.u32 $0x7F, v7;
	v6 =	vor.u32 v6, v8  }
0x1d4: {  	[tilespmem:v11+s14+$0x0] =	vst.idx.msk $0xffff, v9;
	v11 =	vor.u32 v18, v10;
	v8 =	vshll.u32 v16, $0x7;
	v10 =	vand.u32 $0xFFFFFF80, v63  }
0x1d5: {  	v9 =	vld.idx.msk [tilespmem:v13+s30+$0x0], $0xffff;
	v16 =	vand.u32 $0x7F, v63;
	v18 =	vadd.s32 $0x10, v5;
	v10 =	vadd.s32 v4, v10  }
0x1d6: {  	v8 =	vor.u32 v12, v8;
	v13 =	vld.idx.msk [tilespmem:v15+s30+$0x0], $0xffff;
	v15 =	vshll.u32 v17, $0x7;
	v17 =	vand.u32 $0xFFFFFF80, v18  }
0x1d7: {  	v18 =	vand.u32 $0x7F, v18;
	v15 =	vor.u32 v12, v15;
	v17 =	vadd.s32 v4, v17;
	[tilespmem:v20+s14+$0x0] =	vst.idx.msk $0xffff, v14  }
0x1d8: {  	v12 =	vor.u32 v16, v10;
	v20 =	vadd.s32 $0x20, v7;
	v16 =	vor.u32 v18, v17;
	v10 =	vld.idx.msk [tilespmem:v6+s30+$0x0], $0xffff  }
0x1d9: {  	v14 =	vld.idx.msk [tilespmem:v11+s30+$0x0], $0xffff;
	v18 =	vand.u32 $0xFFFFFF80, v20;
	v17 =	vand.u32 $0x7F, v20;
	v11 =	vor.u32 $0x1800, v19;
	v6 =	vmovc v15  }
.LBB2_11:
0x1da: {  	s11 =	sadd.s32 $0x2, s11;
	v19 =	vor.u32 $0x800, v8;
	v18 =	vadd.s32 v4, v18;
	v7 =	vadd.s32 $0x30, v7;
	[tilespmem:v2+s14+$0x0] =	vst.idx.msk $0xffff, v9  }
0x1db: {  	s23 =	sand.u32 $0x70, s11;
	p0 =	slt.u32 s11, $0x7E;
	v9 =	vor.u32 v17, v18;
	v17 =	vand.u32 $0xFFFFFF80, v7;
	v7 =	vand.u32 $0x7F, v7;
	v18 =	vld.idx.msk [tilespmem:v3+s30+$0x0], $0xffff  }
0x1dc: {  	v2 =	vor.u32 $0x1000, v8;
	v20 =	vld [tilespmem:s23+$0x200];
	v3 =	vadd.s32 v4, v17;
	[tilespmem:v15+s14+$0x0] =	vst.idx.msk $0xffff, v13;
	v13 =	vadd.s32 $0x20, v5  }
0x1dd: {  	s24 =	sand.u32 $0xE, s11;
	v15 =	vor.u32 $0x1800, v8;
	v3 =	vor.u32 v7, v3;
	v16 =	vld.idx.msk [tilespmem:v16+s30+$0x0], $0xffff;
	v7 =	vand.u32 $0xFFFFFF80, v13  }
0x1de: {  	s31 =	sor.u32 $0x1, s24;
	v17 =	vor.u32 $0x800, v6;
	v13 =	vand.u32 $0x7F, v13;
	v7 =	vadd.s32 v4, v7;
	[tilespmem:v11+s14+$0x0] =	vst.idx.msk $0xffff, v10  }
0x1df: {  	v10 =	vadd.s32 s24, v0;
	v11 =	vadd.s32 s31, v0;
	[tilespmem:v8+s14+$0x0] =	vst.idx.msk $0xffff, v14;
	v8 =	vor.u32 v13, v7  }
0x1e0: {  	v10 =	vand.u32 $0xF, v10;
	v11 =	vand.u32 $0xF, v11;
	v12 =	vld.idx.msk [tilespmem:v12+s30+$0x0], $0xffff  }
0x1e1: {  	v14 =	vor.u32 s23, v0;
	v7 =	vadd.s32 v10, v20;
	v13 =	vadd.s32 v11, v20;
	[tilespmem:v1+s14+$0x0] =	vst.idx.msk $0xffff, v18  }
0x1e2: {  	v20 =	vshll.u32 v14, $0x7;
	v1 =	vmovc v15;
	v18 =	vand.u32 $0xFFFFFF80, v7;
	v21 =	vand.u32 $0xFFFFFF80, v13  }
0x1e3: {  	v15 =	vand.u32 $0x7F, v13;
	v21 =	vadd.s32 v20, v21;
	[tilespmem:v17+s14+$0x0] =	vst.idx.msk $0xffff, v16;
	v16 =	vadd.s32 $0x30, v5;
	v5 =	vmovc v13  }
0x1e4: {  	v13 =	vadd.s32 v20, v18;
	v15 =	vor.u32 v15, v21;
	v17 =	vld.idx.msk [tilespmem:v8+s30+$0x0], $0xffff;
	v8 =	vand.u32 $0xFFFFFF80, v16  }
0x1e5: {  	v18 =	vor.u32 $0x1000, v6;
	v16 =	vand.u32 $0x7F, v16;
	v8 =	vadd.s32 v4, v8;
	v4 =	vmovc v20  }
0x1e6: {  	v21 =	vadd.s32 $0x10, v7;
	v20 =	vand.u32 $0x7F, v7;
	[tilespmem:v19+s14+$0x0] =	vst.idx.msk $0xffff, v12;
	v19 =	vor.u32 v16, v8  }
0x1e7: {  	v20 =	vor.u32 v20, v13;
	v8 =	vshll.u32 v10, $0x7;
	v10 =	vand.u32 $0xFFFFFF80, v21;
	v9 =	vld.idx.msk [tilespmem:v9+s30+$0x0], $0xffff  }
.Ltmp4:
0x1e8: {  	v12 =	vand.u32 $0x7F, v21;
	v16 =	vadd.s32 $0x10, v5;
	v10 =	vadd.s32 v4, v10;
	(pc) =	sbr.rel @p0 .LBB2_11-.Ltmp4, $4  }
0x1e9: {  	v11 =	vshll.u32 v11, $0x7;
	v8 =	vor.u32 v14, v8;
	v21 =	vand.u32 $0xFFFFFF80, v16;
	v13 =	vld.idx.msk [tilespmem:v15+s30+$0x0], $0xffff  }
0x1ea: {  	v15 =	vor.u32 v14, v11;
	v11 =	vand.u32 $0x7F, v16;
	v14 =	vadd.s32 v4, v21;
	[tilespmem:v18+s14+$0x0] =	vst.idx.msk $0xffff, v17  }
0x1eb: {  	v12 =	vor.u32 v12, v10;
	v17 =	vadd.s32 $0x20, v7;
	v16 =	vor.u32 v11, v14;
	v10 =	vld.idx.msk [tilespmem:v19+s30+$0x0], $0xffff  }
0x1ec: {  	v11 =	vor.u32 $0x1800, v6;
	v6 =	vmovc v15;
	v18 =	vand.u32 $0xFFFFFF80, v17;
	v17 =	vand.u32 $0x7F, v17;
	v14 =	vld.idx.msk [tilespmem:v20+s30+$0x0], $0xffff  }
0x1ed: {  	_ =	sdelay $0x2  }
0x1ee: {  	v19 =	vadd.s32 $0x20, v5  }
0x1ef: {  	[tilespmem:v15+s14+$0x0] =	vst.idx.msk $0xffff, v13;
	v13 =	vand.u32 $0xFFFFFF80, v19  }
0x1f0: {  	v19 =	vand.u32 $0x7F, v19;
	v15 =	vld.idx.msk [tilespmem:v16+s30+$0x0], $0xffff;
	v16 =	vor.u32 $0x800, v6;
	v13 =	vadd.s32 v4, v13;
	[tilespmem:v8+s14+$0x0] =	vst.idx.msk $0xffff, v14  }
0x1f1: {  	v18 =	vadd.s32 v4, v18;
	v13 =	vor.u32 v19, v13;
	v14 =	vor.u32 $0x800, v8;
	v12 =	vld.idx.msk [tilespmem:v12+s30+$0x0], $0xffff  }
0x1f2: {  	v17 =	vor.u32 v17, v18;
	_ =	sdelay $0x1  }
0x1f3: {  	v7 =	vadd.s32 $0x30, v7;
	v5 =	vadd.s32 $0x30, v5  }
0x1f4: {  	v18 =	vand.u32 $0xFFFFFF80, v7;
	v7 =	vand.u32 $0x7F, v7;
	[tilespmem:v16+s14+$0x0] =	vst.idx.msk $0xffff, v15;
	v15 =	vand.u32 $0xFFFFFF80, v5  }
0x1f5: {  	v16 =	vor.u32 $0x1000, v6;
	v5 =	vand.u32 $0x7F, v5;
	v13 =	vld.idx.msk [tilespmem:v13+s30+$0x0], $0xffff;
	v15 =	vadd.s32 v4, v15;
	[tilespmem:v14+s14+$0x0] =	vst.idx.msk $0xffff, v12  }
0x1f6: {  	v4 =	vadd.s32 v4, v18;
	v5 =	vor.u32 v5, v15;
	v12 =	vor.u32 $0x1000, v8;
	v14 =	vld.idx.msk [tilespmem:v17+s30+$0x0], $0xffff  }
0x1f7: {  	v4 =	vor.u32 v7, v4;
	_ =	sdelay $0x1  }
0x1f8: {  	[tilespmem:v2+s14+$0x0] =	vst.idx.msk $0xffff, v9  }
0x1f9: {  	v2 =	vld.idx.msk [tilespmem:v3+s30+$0x0], $0xffff;
	[tilespmem:v16+s14+$0x0] =	vst.idx.msk $0xffff, v13  }
0x1fa: {  	v3 =	vld.idx.msk [tilespmem:v5+s30+$0x0], $0xffff;
	v5 =	vor.u32 $0x1800, v6;
	[tilespmem:v12+s14+$0x0] =	vst.idx.msk $0xffff, v14  }
0x1fb: {  	v6 =	vor.u32 $0x1800, v8;
	v4 =	vld.idx.msk [tilespmem:v4+s30+$0x0], $0xffff;
	_ =	sdelay $0x1  }
0x1fc: {  	s11 =	sshll.u32 s29, $0x14;
	[tilespmem:v11+s14+$0x0] =	vst.idx.msk $0xffff, v10  }
0x1fd: {  	s11 =	sor.u32 s13, s11;
	[tilespmem:v1+s14+$0x0] =	vst.idx.msk $0xffff, v2  }
0x1fe: {  	s2 =	rddreg [dreg:$0x1];
	s11 =	sshrl.u32 s11, $0x3;
	[tilespmem:v5+s14+$0x0] =	vst.idx.msk $0xffff, v3  }
0x1ff: {  	s23 =	sadd.s32 s2, s11;
	[tilespmem:v6+s14+$0x0] =	vst.idx.msk $0xffff, v4  }
0x200: {  	[hbm4b:s23+s30] =	stream.strided.scatter [tilespmem:s14], [sflag:$0xD], $0x2000, s16, s30, $0x38;
	[tilespmem:$0x14400] =	vst v63  }
0x201: {  	_ =	swait.ge [sflag:s19], $0x80  }
0x202: {  	[sflag:s19] =	ssyncset.done $0x0  }
0x203: {  	[sflag:s19] =	ssyncadd.s32 $0xFFFFFF80  }
0x204: {  	_ =	swait.ge [sflag:s22], $0x80  }
0x205: {  	[sflag:s22] =	ssyncset.done $0x0  }
0x206: {  	s23 =	simm.s32 $0x180;
	[sflag:s22] =	ssyncadd.s32 $0xFFFFFF80  }
0x207: {  	[tilespmem:s12], [sflag:$0xC] =	stream.indirect.gather [hbm4b:s4+s18], $0x80, s23, s18, $0xb8;
	[tilespmem:$0x14400] =	vst v63  }
0x208: {  	s24 =	rddreg [dreg:$0x14];
	s23 =	sshll.u32 s29, $0x7  }
0x209: {  	s24 =	sadd.s32 s24, s23  }
0x20a: {  	s24 =	sshll.u32 s24, $0x4  }
0x20b: {  	s24 =	sand.u32 $0x3F980, s24  }
0x20c: {  	s24 =	sor.u32 s0, s24  }
0x20d: {  	s31 =	sadd.s32 s5, s24  }
0x20e: {  	[tilespmem:s3], [sflag:$0x1] =	stream.linear.gather [hbm4b:s31+s3], $0x80, $0x38;
	[tilespmem:$0x14400] =	vst v63  }
0x20f: {  	s24 =	sadd.s32 s6, s24;
	s31 =	simm.s32 $0x200  }
0x210: {  	[tilespmem:s31], [sflag:$0x5] =	stream.linear.gather [hbm4b:s24+s3], $0x80, $0x38;
	[tilespmem:$0x14400] =	vst v63  }
0x211: {  	_ =	swait.ge [sflag:s1], $0x4000  }
0x212: {  	[sflag:s1] =	ssyncset.done $0x0  }
0x213: {  	[sflag:s1] =	ssyncadd.s32 $0xFFFFC000  }
0x214: {  	_ =	swait.ge [sflag:s28], $0x2000  }
0x215: {  	s2 =	simm.s32 $0x0;
	[sflag:s28] =	ssyncset.done $0x0  }
0x216: {  	s8 =	sand.u32 $0x70, s2;
	[sflag:s28] =	ssyncadd.s32 $0xFFFFE000  }
0x217: {  	v1 =	vld [tilespmem:s8+$0x280]  }
0x218: {  	s24 =	sand.u32 $0xE, s2  }
0x219: {  	v2 =	vadd.s32 s24, v0;
	s24 =	sor.u32 $0x1, s24  }
0x21a: {  	v5 =	vor.u32 s8, v0;
	v3 =	vadd.s32 s24, v0;
	s24 =	simm.s32 $0x2  }
0x21b: {  	v8 =	vshll.u32 v5, $0x7;
	v3 =	vand.u32 $0xF, v3;
	s8 =	sand.u32 $0x70, s24  }
0x21c: {  	v2 =	vand.u32 $0xF, v2;
	v14 =	vor.u32 s8, v0;
	v6 =	vadd.s32 v3, v1  }
0x21d: {  	v4 =	vadd.s32 v2, v1;
	v2 =	vshll.u32 v2, $0x7;
	v7 =	vand.u32 $0xFFFFFF80, v6  }
0x21e: {  	v3 =	vshll.u32 v3, $0x7;
	v9 =	vand.u32 $0x7F, v6;
	v7 =	vadd.s32 v8, v7  }
0x21f: {  	v1 =	vand.u32 $0xFFFFFF80, v4;
	v10 =	vand.u32 $0x7F, v4;
	v7 =	vor.u32 v9, v7  }
0x220: {  	s2 =	sand.u32 $0xE, s24;
	v11 =	vadd.s32 $0x10, v6;
	v12 =	vor.u32 v5, v2;
	v19 =	vor.u32 v5, v3  }
0x221: {  	v5 =	vadd.s32 s2, v0;
	v1 =	vadd.s32 v8, v1;
	v9 =	vadd.s32 $0x10, v4  }
0x222: {  	v2 =	vand.u32 $0xFFFFFF80, v11;
	v1 =	vor.u32 v10, v1;
	v10 =	vand.u32 $0xFFFFFF80, v9  }
0x223: {  	v3 =	vand.u32 $0x7F, v11;
	v9 =	vand.u32 $0x7F, v9;
	v10 =	vadd.s32 v8, v10  }
0x224: {  	s31 =	sor.u32 $0x1, s2;
	v2 =	vadd.s32 v8, v2;
	v9 =	vor.u32 v9, v10;
	v10 =	vadd.s32 $0x20, v4;
	v7 =	vld.idx.msk [tilespmem:v7+s7+$0x0], $0xffff  }
0x225: {  	v11 =	vadd.s32 s31, v0;
	v13 =	vor.u32 v3, v2;
	v2 =	vand.u32 $0xFFFFFF80, v10  }
0x226: {  	v15 =	vld [tilespmem:s8+$0x280];
	v4 =	vadd.s32 $0x30, v4;
	v3 =	vand.u32 $0x7F, v10;
	v2 =	vadd.s32 v8, v2  }
0x227: {  	v16 =	vor.u32 $0x800, v12;
	v10 =	vld.idx.msk [tilespmem:v1+s7+$0x0], $0xffff;
	v1 =	vand.u32 $0xFFFFFF80, v4;
	v17 =	vor.u32 v3, v2  }
0x228: {  	v3 =	vand.u32 $0x7F, v4;
	v1 =	vadd.s32 v8, v1;
	v4 =	vadd.s32 $0x20, v6  }
0x229: {  	v18 =	vor.u32 $0x800, v19;
	v3 =	vor.u32 v3, v1;
	v1 =	vand.u32 $0xFFFFFF80, v4;
	[tilespmem:v19+s17+$0x0] =	vst.idx.msk $0xffff, v7  }
0x22a: {  	v11 =	vand.u32 $0xF, v11;
	v4 =	vand.u32 $0x7F, v4;
	v1 =	vadd.s32 v8, v1;
	v13 =	vld.idx.msk [tilespmem:v13+s7+$0x0], $0xffff  }
0x22b: {  	v21 =	vand.u32 $0xF, v5;
	v5 =	vadd.s32 v11, v15;
	v20 =	vor.u32 v4, v1  }
0x22c: {  	v2 =	vor.u32 $0x1000, v12;
	v6 =	vadd.s32 $0x30, v6;
	v1 =	vor.u32 $0x1800, v12;
	[tilespmem:v12+s17+$0x0] =	vst.idx.msk $0xffff, v10  }
0x22d: {  	v4 =	vshll.u32 v14, $0x7;
	v7 =	vadd.s32 v21, v15;
	v12 =	vand.u32 $0xFFFFFF80, v5;
	v9 =	vld.idx.msk [tilespmem:v9+s7+$0x0], $0xffff  }
0x22e: {  	v15 =	vand.u32 $0x7F, v5;
	v10 =	vand.u32 $0xFFFFFF80, v7;
	v12 =	vadd.s32 v4, v12  }
0x22f: {  	v10 =	vadd.s32 v4, v10;
	v12 =	vor.u32 v15, v12;
	[tilespmem:v18+s17+$0x0] =	vst.idx.msk $0xffff, v13;
	v13 =	vand.u32 $0xFFFFFF80, v6  }
0x230: {  	v6 =	vand.u32 $0x7F, v6;
	v18 =	vld.idx.msk [tilespmem:v20+s7+$0x0], $0xffff;
	v20 =	vor.u32 $0x1000, v19;
	v8 =	vadd.s32 v8, v13  }
0x231: {  	v15 =	vadd.s32 $0x10, v7;
	v13 =	vand.u32 $0x7F, v7;
	v6 =	vor.u32 v6, v8  }
0x232: {  	v11 =	vshll.u32 v11, $0x7;
	[tilespmem:v16+s17+$0x0] =	vst.idx.msk $0xffff, v9;
	v16 =	vand.u32 $0x7F, v15;
	v22 =	vor.u32 v13, v10  }
0x233: {  	v9 =	vld.idx.msk [tilespmem:v17+s7+$0x0], $0xffff;
	v17 =	vadd.s32 $0x10, v5;
	v8 =	vshll.u32 v21, $0x7;
	v10 =	vand.u32 $0xFFFFFF80, v15  }
0x234: {  	v13 =	vld.idx.msk [tilespmem:v12+s7+$0x0], $0xffff;
	v12 =	vand.u32 $0xFFFFFF80, v17;
	v15 =	vor.u32 v14, v11;
	v10 =	vadd.s32 v4, v10  }
0x235: {  	v11 =	vand.u32 $0x7F, v17;
	v8 =	vor.u32 v14, v8;
	v14 =	vadd.s32 v4, v12;
	[tilespmem:v20+s17+$0x0] =	vst.idx.msk $0xffff, v18  }
0x236: {  	v17 =	vadd.s32 $0x20, v7;
	v12 =	vor.u32 v16, v10;
	v16 =	vor.u32 v11, v14;
	v10 =	vld.idx.msk [tilespmem:v6+s7+$0x0], $0xffff  }
0x237: {  	v11 =	vor.u32 $0x1800, v19;
	v18 =	vand.u32 $0xFFFFFF80, v17;
	v17 =	vand.u32 $0x7F, v17;
	v14 =	vld.idx.msk [tilespmem:v22+s7+$0x0], $0xffff;
	v6 =	vmovc v15  }
.LBB2_13:
0x238: {  	s24 =	sadd.s32 $0x2, s24;
	v19 =	vor.u32 $0x800, v8;
	v18 =	vadd.s32 v4, v18;
	v7 =	vadd.s32 $0x30, v7;
	[tilespmem:v2+s17+$0x0] =	vst.idx.msk $0xffff, v9  }
0x239: {  	s31 =	sand.u32 $0x70, s24;
	p0 =	slt.u32 s24, $0x7E;
	v9 =	vor.u32 v17, v18;
	v17 =	vand.u32 $0xFFFFFF80, v7;
	v7 =	vand.u32 $0x7F, v7;
	v18 =	vld.idx.msk [tilespmem:v3+s7+$0x0], $0xffff  }
0x23a: {  	v2 =	vor.u32 $0x1000, v8;
	v20 =	vld [tilespmem:s31+$0x280];
	v3 =	vadd.s32 v4, v17;
	[tilespmem:v15+s17+$0x0] =	vst.idx.msk $0xffff, v13;
	v13 =	vadd.s32 $0x20, v5  }
0x23b: {  	s2 =	sand.u32 $0xE, s24;
	v15 =	vor.u32 $0x1800, v8;
	v3 =	vor.u32 v7, v3;
	v16 =	vld.idx.msk [tilespmem:v16+s7+$0x0], $0xffff;
	v7 =	vand.u32 $0xFFFFFF80, v13  }
0x23c: {  	s8 =	sor.u32 $0x1, s2;
	v17 =	vor.u32 $0x800, v6;
	v13 =	vand.u32 $0x7F, v13;
	v7 =	vadd.s32 v4, v7;
	[tilespmem:v11+s17+$0x0] =	vst.idx.msk $0xffff, v10  }
0x23d: {  	v10 =	vadd.s32 s2, v0;
	v11 =	vadd.s32 s8, v0;
	[tilespmem:v8+s17+$0x0] =	vst.idx.msk $0xffff, v14;
	v8 =	vor.u32 v13, v7  }
0x23e: {  	v10 =	vand.u32 $0xF, v10;
	v11 =	vand.u32 $0xF, v11;
	v12 =	vld.idx.msk [tilespmem:v12+s7+$0x0], $0xffff  }
0x23f: {  	v14 =	vor.u32 s31, v0;
	v7 =	vadd.s32 v10, v20;
	v13 =	vadd.s32 v11, v20;
	[tilespmem:v1+s17+$0x0] =	vst.idx.msk $0xffff, v18  }
0x240: {  	v20 =	vshll.u32 v14, $0x7;
	v1 =	vmovc v15;
	v18 =	vand.u32 $0xFFFFFF80, v7;
	v21 =	vand.u32 $0xFFFFFF80, v13  }
0x241: {  	v15 =	vand.u32 $0x7F, v13;
	v21 =	vadd.s32 v20, v21;
	[tilespmem:v17+s17+$0x0] =	vst.idx.msk $0xffff, v16;
	v16 =	vadd.s32 $0x30, v5;
	v5 =	vmovc v13  }
0x242: {  	v13 =	vadd.s32 v20, v18;
	v15 =	vor.u32 v15, v21;
	v17 =	vld.idx.msk [tilespmem:v8+s7+$0x0], $0xffff;
	v8 =	vand.u32 $0xFFFFFF80, v16  }
0x243: {  	v18 =	vor.u32 $0x1000, v6;
	v16 =	vand.u32 $0x7F, v16;
	v8 =	vadd.s32 v4, v8;
	v4 =	vmovc v20  }
0x244: {  	v21 =	vadd.s32 $0x10, v7;
	v20 =	vand.u32 $0x7F, v7;
	[tilespmem:v19+s17+$0x0] =	vst.idx.msk $0xffff, v12;
	v19 =	vor.u32 v16, v8  }
0x245: {  	v20 =	vor.u32 v20, v13;
	v8 =	vshll.u32 v10, $0x7;
	v10 =	vand.u32 $0xFFFFFF80, v21;
	v9 =	vld.idx.msk [tilespmem:v9+s7+$0x0], $0xffff  }
.Ltmp5:
0x246: {  	v12 =	vand.u32 $0x7F, v21;
	v16 =	vadd.s32 $0x10, v5;
	v10 =	vadd.s32 v4, v10;
	(pc) =	sbr.rel @p0 .LBB2_13-.Ltmp5, $4  }
0x247: {  	v11 =	vshll.u32 v11, $0x7;
	v8 =	vor.u32 v14, v8;
	v21 =	vand.u32 $0xFFFFFF80, v16;
	v13 =	vld.idx.msk [tilespmem:v15+s7+$0x0], $0xffff  }
0x248: {  	v15 =	vor.u32 v14, v11;
	v11 =	vand.u32 $0x7F, v16;
	v14 =	vadd.s32 v4, v21;
	[tilespmem:v18+s17+$0x0] =	vst.idx.msk $0xffff, v17  }
0x249: {  	v12 =	vor.u32 v12, v10;
	v17 =	vadd.s32 $0x20, v7;
	v16 =	vor.u32 v11, v14;
	v10 =	vld.idx.msk [tilespmem:v19+s7+$0x0], $0xffff  }
0x24a: {  	v11 =	vor.u32 $0x1800, v6;
	v6 =	vmovc v15;
	v18 =	vand.u32 $0xFFFFFF80, v17;
	v17 =	vand.u32 $0x7F, v17;
	v14 =	vld.idx.msk [tilespmem:v20+s7+$0x0], $0xffff  }
0x24b: {  	_ =	sdelay $0x2  }
0x24c: {  	v19 =	vadd.s32 $0x20, v5  }
0x24d: {  	[tilespmem:v15+s17+$0x0] =	vst.idx.msk $0xffff, v13;
	v13 =	vand.u32 $0xFFFFFF80, v19  }
0x24e: {  	v19 =	vand.u32 $0x7F, v19;
	v15 =	vld.idx.msk [tilespmem:v16+s7+$0x0], $0xffff;
	v16 =	vor.u32 $0x800, v6;
	v13 =	vadd.s32 v4, v13;
	[tilespmem:v8+s17+$0x0] =	vst.idx.msk $0xffff, v14  }
0x24f: {  	v18 =	vadd.s32 v4, v18;
	v13 =	vor.u32 v19, v13;
	v14 =	vor.u32 $0x800, v8;
	v12 =	vld.idx.msk [tilespmem:v12+s7+$0x0], $0xffff  }
0x250: {  	v17 =	vor.u32 v17, v18;
	_ =	sdelay $0x1  }
0x251: {  	v7 =	vadd.s32 $0x30, v7;
	v5 =	vadd.s32 $0x30, v5  }
0x252: {  	v18 =	vand.u32 $0xFFFFFF80, v7;
	v7 =	vand.u32 $0x7F, v7;
	[tilespmem:v16+s17+$0x0] =	vst.idx.msk $0xffff, v15;
	v15 =	vand.u32 $0xFFFFFF80, v5  }
0x253: {  	v16 =	vor.u32 $0x1000, v6;
	v5 =	vand.u32 $0x7F, v5;
	v13 =	vld.idx.msk [tilespmem:v13+s7+$0x0], $0xffff;
	v15 =	vadd.s32 v4, v15;
	[tilespmem:v14+s17+$0x0] =	vst.idx.msk $0xffff, v12  }
0x254: {  	v4 =	vadd.s32 v4, v18;
	v5 =	vor.u32 v5, v15;
	v12 =	vor.u32 $0x1000, v8;
	v14 =	vld.idx.msk [tilespmem:v17+s7+$0x0], $0xffff  }
0x255: {  	v4 =	vor.u32 v7, v4;
	_ =	sdelay $0x1  }
0x256: {  	[tilespmem:v2+s17+$0x0] =	vst.idx.msk $0xffff, v9  }
0x257: {  	v2 =	vld.idx.msk [tilespmem:v3+s7+$0x0], $0xffff;
	[tilespmem:v16+s17+$0x0] =	vst.idx.msk $0xffff, v13  }
0x258: {  	v3 =	vld.idx.msk [tilespmem:v5+s7+$0x0], $0xffff;
	v5 =	vor.u32 $0x1800, v6;
	[tilespmem:v12+s17+$0x0] =	vst.idx.msk $0xffff, v14  }
0x259: {  	v6 =	vor.u32 $0x1800, v8;
	v4 =	vld.idx.msk [tilespmem:v4+s7+$0x0], $0xffff;
	_ =	sdelay $0x1  }
0x25a: {  	[tilespmem:v11+s17+$0x0] =	vst.idx.msk $0xffff, v10  }
0x25b: {  	[tilespmem:v1+s17+$0x0] =	vst.idx.msk $0xffff, v2  }
0x25c: {  	[tilespmem:v5+s17+$0x0] =	vst.idx.msk $0xffff, v3  }
0x25d: {  	[tilespmem:v6+s17+$0x0] =	vst.idx.msk $0xffff, v4  }
0x25e: {  	s2 =	rddreg [dreg:$0xc]  }
0x25f: {  	s31 =	simm.s32 $0x1;
	s2 =	sadd.s32 s11, s2  }
0x260: {  	[hbm4b:s2+s30] =	stream.strided.scatter [tilespmem:s17], [sflag:$0xE], $0x2000, s16, s30, $0x38;
	[tilespmem:$0x14400] =	vst v63  }
0x261: {  	_ =	swait.ge [sflag:s31], $0x80  }
0x262: {  	[sflag:s31] =	ssyncset.done $0x0  }
0x263: {  	s8 =	simm.s32 $0x5;
	[sflag:s31] =	ssyncadd.s32 $0xFFFFFF80  }
0x264: {  	_ =	swait.ge [sflag:s8], $0x80  }
0x265: {  	[sflag:s8] =	ssyncset.done $0x0;
	s24 =	rddreg [dreg:$0x15]  }
0x266: {  	[sflag:s8] =	ssyncadd.s32 $0xFFFFFF80;
	s2 =	sadd.s32 s24, s23  }
0x267: {  	[tilespmem:s30], [sflag:$0x9] =	stream.indirect.gather [hbm4b:s4+s18], $0x80, s3, s18, $0xb8;
	[tilespmem:$0x14400] =	vst v63  }
0x268: {  	s2 =	sshll.u32 s2, $0x4  }
0x269: {  	s2 =	sand.u32 $0x3FB80, s2  }
0x26a: {  	s2 =	sor.u32 s0, s2  }
0x26b: {  	s8 =	sadd.s32 s5, s2  }
0x26c: {  	[tilespmem:s18], [sflag:$0x2] =	stream.linear.gather [hbm4b:s8+s3], $0x80, $0x38;
	[tilespmem:$0x14400] =	vst v63  }
0x26d: {  	s31 =	simm.s32 $0x280;
	s2 =	sadd.s32 s6, s2  }
0x26e: {  	[tilespmem:s31], [sflag:$0x6] =	stream.linear.gather [hbm4b:s2+s3], $0x80, $0x38;
	[tilespmem:$0x14400] =	vst v63  }
0x26f: {  	_ =	swait.ge [sflag:s20], $0x4000  }
0x270: {  	[sflag:s20] =	ssyncset.done $0x0  }
0x271: {  	[sflag:s20] =	ssyncadd.s32 $0xFFFFC000  }
0x272: {  	_ =	swait.ge [sflag:s25], $0x2000  }
0x273: {  	s24 =	simm.s32 $0x0;
	[sflag:s25] =	ssyncset.done $0x0  }
0x274: {  	s31 =	sand.u32 $0x70, s24;
	[sflag:s25] =	ssyncadd.s32 $0xFFFFE000  }
0x275: {  	v1 =	vld [tilespmem:s31+$0x300]  }
0x276: {  	s2 =	sand.u32 $0xE, s24  }
0x277: {  	s24 =	sor.u32 $0x1, s2  }
0x278: {  	v2 =	vadd.s32 s2, v0;
	v3 =	vadd.s32 s24, v0;
	s24 =	simm.s32 $0x2  }
0x279: {  	v5 =	vor.u32 s31, v0;
	v2 =	vand.u32 $0xF, v2;
	v3 =	vand.u32 $0xF, v3;
	s8 =	sand.u32 $0xE, s24  }
0x27a: {  	v8 =	vshll.u32 v5, $0x7;
	v16 =	vadd.s32 s8, v0;
	s31 =	sor.u32 $0x1, s8;
	v6 =	vadd.s32 v3, v1  }
0x27b: {  	v16 =	vand.u32 $0xF, v16;
	v17 =	vadd.s32 s31, v0;
	v7 =	vand.u32 $0xFFFFFF80, v6  }
0x27c: {  	v4 =	vadd.s32 v2, v1;
	v9 =	vand.u32 $0x7F, v6;
	v7 =	vadd.s32 v8, v7  }
0x27d: {  	v2 =	vshll.u32 v2, $0x7;
	v1 =	vand.u32 $0xFFFFFF80, v4;
	v7 =	vor.u32 v9, v7  }
0x27e: {  	v3 =	vshll.u32 v3, $0x7;
	v10 =	vand.u32 $0x7F, v4;
	v1 =	vadd.s32 v8, v1  }
0x27f: {  	v11 =	vadd.s32 $0x10, v6;
	v12 =	vor.u32 v5, v2;
	v1 =	vor.u32 v10, v1  }
0x280: {  	v19 =	vor.u32 v5, v3;
	v5 =	vadd.s32 $0x20, v4;
	v9 =	vadd.s32 $0x10, v4  }
0x281: {  	v2 =	vand.u32 $0xFFFFFF80, v11;
	v3 =	vand.u32 $0x7F, v11;
	v10 =	vand.u32 $0xFFFFFF80, v9  }
0x282: {  	v2 =	vadd.s32 v8, v2;
	v9 =	vand.u32 $0x7F, v9;
	v10 =	vadd.s32 v8, v10;
	v7 =	vld.idx.msk [tilespmem:v7+s10+$0x0], $0xffff  }
0x283: {  	v9 =	vor.u32 v9, v10;
	v10 =	vor.u32 v3, v2;
	v2 =	vand.u32 $0xFFFFFF80, v5  }
0x284: {  	s2 =	sand.u32 $0x70, s24;
	v4 =	vadd.s32 $0x30, v4;
	v3 =	vand.u32 $0x7F, v5;
	v2 =	vadd.s32 v8, v2;
	v5 =	vld.idx.msk [tilespmem:v1+s10+$0x0], $0xffff  }
0x285: {  	v13 =	vor.u32 v3, v2;
	v1 =	vand.u32 $0xFFFFFF80, v4;
	v3 =	vand.u32 $0x7F, v4;
	v4 =	vld [tilespmem:s2+$0x300]  }
0x286: {  	v17 =	vand.u32 $0xF, v17;
	v14 =	vadd.s32 $0x20, v6;
	v6 =	vadd.s32 $0x30, v6  }
0x287: {  	v11 =	vor.u32 $0x800, v12;
	v15 =	vor.u32 $0x800, v19;
	[tilespmem:v19+s14+$0x0] =	vst.idx.msk $0xffff, v7;
	v7 =	vand.u32 $0xFFFFFF80, v14  }
0x288: {  	v1 =	vadd.s32 v8, v1;
	v14 =	vand.u32 $0x7F, v14;
	v10 =	vld.idx.msk [tilespmem:v10+s10+$0x0], $0xffff;
	v7 =	vadd.s32 v8, v7  }
0x289: {  	v2 =	vor.u32 $0x1000, v12;
	v3 =	vor.u32 v3, v1;
	v14 =	vor.u32 v14, v7  }
0x28a: {  	v1 =	vor.u32 $0x1800, v12;
	[tilespmem:v12+s14+$0x0] =	vst.idx.msk $0xffff, v5;
	v12 =	vor.u32 s2, v0;
	v5 =	vadd.s32 v17, v4  }
0x28b: {  	v9 =	vld.idx.msk [tilespmem:v9+s10+$0x0], $0xffff;
	v20 =	vand.u32 $0xFFFFFF80, v5;
	v7 =	vadd.s32 v16, v4;
	v4 =	vshll.u32 v12, $0x7  }
0x28c: {  	v21 =	vand.u32 $0x7F, v5;
	v18 =	vand.u32 $0xFFFFFF80, v7;
	v20 =	vadd.s32 v4, v20  }
0x28d: {  	[tilespmem:v15+s14+$0x0] =	vst.idx.msk $0xffff, v10;
	v10 =	vadd.s32 v4, v18;
	v15 =	vor.u32 v21, v20;
	v18 =	vand.u32 $0xFFFFFF80, v6  }
0x28e: {  	v20 =	vor.u32 $0x1000, v19;
	v6 =	vand.u32 $0x7F, v6;
	v14 =	vld.idx.msk [tilespmem:v14+s10+$0x0], $0xffff;
	v8 =	vadd.s32 v8, v18  }
0x28f: {  	v63 =	vadd.s32 $0x10, v7;
	v18 =	vand.u32 $0x7F, v7;
	v6 =	vor.u32 v6, v8  }
0x290: {  	[tilespmem:v11+s14+$0x0] =	vst.idx.msk $0xffff, v9;
	v11 =	vor.u32 v18, v10;
	v8 =	vshll.u32 v16, $0x7;
	v10 =	vand.u32 $0xFFFFFF80, v63  }
0x291: {  	v9 =	vld.idx.msk [tilespmem:v13+s10+$0x0], $0xffff;
	v16 =	vand.u32 $0x7F, v63;
	v18 =	vadd.s32 $0x10, v5;
	v10 =	vadd.s32 v4, v10  }
0x292: {  	v8 =	vor.u32 v12, v8;
	v13 =	vld.idx.msk [tilespmem:v15+s10+$0x0], $0xffff;
	v15 =	vshll.u32 v17, $0x7;
	v17 =	vand.u32 $0xFFFFFF80, v18  }
0x293: {  	v18 =	vand.u32 $0x7F, v18;
	v15 =	vor.u32 v12, v15;
	v17 =	vadd.s32 v4, v17;
	[tilespmem:v20+s14+$0x0] =	vst.idx.msk $0xffff, v14  }
0x294: {  	v12 =	vor.u32 v16, v10;
	v20 =	vadd.s32 $0x20, v7;
	v16 =	vor.u32 v18, v17;
	v10 =	vld.idx.msk [tilespmem:v6+s10+$0x0], $0xffff  }
0x295: {  	v14 =	vld.idx.msk [tilespmem:v11+s10+$0x0], $0xffff;
	v18 =	vand.u32 $0xFFFFFF80, v20;
	v17 =	vand.u32 $0x7F, v20;
	v11 =	vor.u32 $0x1800, v19;
	v6 =	vmovc v15  }
.LBB2_15:
0x296: {  	s24 =	sadd.s32 $0x2, s24;
	v19 =	vor.u32 $0x800, v8;
	v18 =	vadd.s32 v4, v18;
	v7 =	vadd.s32 $0x30, v7;
	[tilespmem:v2+s14+$0x0] =	vst.idx.msk $0xffff, v9  }
0x297: {  	s2 =	sand.u32 $0x70, s24;
	p0 =	slt.u32 s24, $0x7E;
	v9 =	vor.u32 v17, v18;
	v17 =	vand.u32 $0xFFFFFF80, v7;
	v7 =	vand.u32 $0x7F, v7;
	v18 =	vld.idx.msk [tilespmem:v3+s10+$0x0], $0xffff  }
0x298: {  	v2 =	vor.u32 $0x1000, v8;
	v20 =	vld [tilespmem:s2+$0x300];
	v3 =	vadd.s32 v4, v17;
	[tilespmem:v15+s14+$0x0] =	vst.idx.msk $0xffff, v13;
	v13 =	vadd.s32 $0x20, v5  }
0x299: {  	s8 =	sand.u32 $0xE, s24;
	v15 =	vor.u32 $0x1800, v8;
	v3 =	vor.u32 v7, v3;
	v16 =	vld.idx.msk [tilespmem:v16+s10+$0x0], $0xffff;
	v7 =	vand.u32 $0xFFFFFF80, v13  }
0x29a: {  	s31 =	sor.u32 $0x1, s8;
	v17 =	vor.u32 $0x800, v6;
	v13 =	vand.u32 $0x7F, v13;
	v7 =	vadd.s32 v4, v7;
	[tilespmem:v11+s14+$0x0] =	vst.idx.msk $0xffff, v10  }
0x29b: {  	v10 =	vadd.s32 s8, v0;
	v11 =	vadd.s32 s31, v0;
	[tilespmem:v8+s14+$0x0] =	vst.idx.msk $0xffff, v14;
	v8 =	vor.u32 v13, v7  }
0x29c: {  	v10 =	vand.u32 $0xF, v10;
	v11 =	vand.u32 $0xF, v11;
	v12 =	vld.idx.msk [tilespmem:v12+s10+$0x0], $0xffff  }
0x29d: {  	v14 =	vor.u32 s2, v0;
	v7 =	vadd.s32 v10, v20;
	v13 =	vadd.s32 v11, v20;
	[tilespmem:v1+s14+$0x0] =	vst.idx.msk $0xffff, v18  }
0x29e: {  	v20 =	vshll.u32 v14, $0x7;
	v1 =	vmovc v15;
	v18 =	vand.u32 $0xFFFFFF80, v7;
	v21 =	vand.u32 $0xFFFFFF80, v13  }
0x29f: {  	v15 =	vand.u32 $0x7F, v13;
	v21 =	vadd.s32 v20, v21;
	[tilespmem:v17+s14+$0x0] =	vst.idx.msk $0xffff, v16;
	v16 =	vadd.s32 $0x30, v5;
	v5 =	vmovc v13  }
0x2a0: {  	v13 =	vadd.s32 v20, v18;
	v15 =	vor.u32 v15, v21;
	v17 =	vld.idx.msk [tilespmem:v8+s10+$0x0], $0xffff;
	v8 =	vand.u32 $0xFFFFFF80, v16  }
0x2a1: {  	v18 =	vor.u32 $0x1000, v6;
	v16 =	vand.u32 $0x7F, v16;
	v8 =	vadd.s32 v4, v8;
	v4 =	vmovc v20  }
0x2a2: {  	v21 =	vadd.s32 $0x10, v7;
	v20 =	vand.u32 $0x7F, v7;
	[tilespmem:v19+s14+$0x0] =	vst.idx.msk $0xffff, v12;
	v19 =	vor.u32 v16, v8  }
0x2a3: {  	v20 =	vor.u32 v20, v13;
	v8 =	vshll.u32 v10, $0x7;
	v10 =	vand.u32 $0xFFFFFF80, v21;
	v9 =	vld.idx.msk [tilespmem:v9+s10+$0x0], $0xffff  }
.Ltmp6:
0x2a4: {  	v12 =	vand.u32 $0x7F, v21;
	v16 =	vadd.s32 $0x10, v5;
	v10 =	vadd.s32 v4, v10;
	(pc) =	sbr.rel @p0 .LBB2_15-.Ltmp6, $4  }
0x2a5: {  	v11 =	vshll.u32 v11, $0x7;
	v8 =	vor.u32 v14, v8;
	v21 =	vand.u32 $0xFFFFFF80, v16;
	v13 =	vld.idx.msk [tilespmem:v15+s10+$0x0], $0xffff  }
0x2a6: {  	v15 =	vor.u32 v14, v11;
	v11 =	vand.u32 $0x7F, v16;
	v14 =	vadd.s32 v4, v21;
	[tilespmem:v18+s14+$0x0] =	vst.idx.msk $0xffff, v17  }
0x2a7: {  	v12 =	vor.u32 v12, v10;
	v17 =	vadd.s32 $0x20, v7;
	v16 =	vor.u32 v11, v14;
	v10 =	vld.idx.msk [tilespmem:v19+s10+$0x0], $0xffff  }
0x2a8: {  	v11 =	vor.u32 $0x1800, v6;
	v6 =	vmovc v15;
	v18 =	vand.u32 $0xFFFFFF80, v17;
	v17 =	vand.u32 $0x7F, v17;
	v14 =	vld.idx.msk [tilespmem:v20+s10+$0x0], $0xffff  }
0x2a9: {  	_ =	sdelay $0x2  }
0x2aa: {  	v19 =	vadd.s32 $0x20, v5  }
0x2ab: {  	[tilespmem:v15+s14+$0x0] =	vst.idx.msk $0xffff, v13;
	v13 =	vand.u32 $0xFFFFFF80, v19  }
0x2ac: {  	v19 =	vand.u32 $0x7F, v19;
	v15 =	vld.idx.msk [tilespmem:v16+s10+$0x0], $0xffff;
	v16 =	vor.u32 $0x800, v6;
	v13 =	vadd.s32 v4, v13;
	[tilespmem:v8+s14+$0x0] =	vst.idx.msk $0xffff, v14  }
0x2ad: {  	v18 =	vadd.s32 v4, v18;
	v13 =	vor.u32 v19, v13;
	v14 =	vor.u32 $0x800, v8;
	v12 =	vld.idx.msk [tilespmem:v12+s10+$0x0], $0xffff  }
0x2ae: {  	v17 =	vor.u32 v17, v18;
	_ =	sdelay $0x1  }
0x2af: {  	v7 =	vadd.s32 $0x30, v7;
	v5 =	vadd.s32 $0x30, v5  }
0x2b0: {  	v18 =	vand.u32 $0xFFFFFF80, v7;
	v7 =	vand.u32 $0x7F, v7;
	[tilespmem:v16+s14+$0x0] =	vst.idx.msk $0xffff, v15;
	v15 =	vand.u32 $0xFFFFFF80, v5  }
0x2b1: {  	v16 =	vor.u32 $0x1000, v6;
	v5 =	vand.u32 $0x7F, v5;
	v13 =	vld.idx.msk [tilespmem:v13+s10+$0x0], $0xffff;
	v15 =	vadd.s32 v4, v15;
	[tilespmem:v14+s14+$0x0] =	vst.idx.msk $0xffff, v12  }
0x2b2: {  	v4 =	vadd.s32 v4, v18;
	v5 =	vor.u32 v5, v15;
	v12 =	vor.u32 $0x1000, v8;
	v14 =	vld.idx.msk [tilespmem:v17+s10+$0x0], $0xffff  }
0x2b3: {  	v4 =	vor.u32 v7, v4;
	_ =	sdelay $0x1  }
0x2b4: {  	[tilespmem:v2+s14+$0x0] =	vst.idx.msk $0xffff, v9  }
0x2b5: {  	v2 =	vld.idx.msk [tilespmem:v3+s10+$0x0], $0xffff;
	[tilespmem:v16+s14+$0x0] =	vst.idx.msk $0xffff, v13  }
0x2b6: {  	v3 =	vld.idx.msk [tilespmem:v5+s10+$0x0], $0xffff;
	v5 =	vor.u32 $0x1800, v6;
	[tilespmem:v12+s14+$0x0] =	vst.idx.msk $0xffff, v14  }
0x2b7: {  	v6 =	vor.u32 $0x1800, v8;
	v4 =	vld.idx.msk [tilespmem:v4+s10+$0x0], $0xffff;
	_ =	sdelay $0x1  }
0x2b8: {  	[tilespmem:v11+s14+$0x0] =	vst.idx.msk $0xffff, v10  }
0x2b9: {  	[tilespmem:v1+s14+$0x0] =	vst.idx.msk $0xffff, v2  }
0x2ba: {  	[tilespmem:v5+s14+$0x0] =	vst.idx.msk $0xffff, v3  }
0x2bb: {  	[tilespmem:v6+s14+$0x0] =	vst.idx.msk $0xffff, v4  }
0x2bc: {  	s2 =	rddreg [dreg:$0xf]  }
0x2bd: {  	s24 =	simm.s32 $0x2;
	s2 =	sadd.s32 s11, s2  }
0x2be: {  	[hbm4b:s2+s30] =	stream.strided.scatter [tilespmem:s14], [sflag:$0xD], $0x2000, s16, s30, $0x38;
	[tilespmem:$0x14400] =	vst v63  }
0x2bf: {  	_ =	swait.ge [sflag:s24], $0x80  }
0x2c0: {  	[sflag:s24] =	ssyncset.done $0x0  }
0x2c1: {  	s8 =	simm.s32 $0x6;
	[sflag:s24] =	ssyncadd.s32 $0xFFFFFF80  }
0x2c2: {  	_ =	swait.ge [sflag:s8], $0x80  }
0x2c3: {  	[sflag:s8] =	ssyncset.done $0x0;
	s11 =	rddreg [dreg:$0x16]  }
0x2c4: {  	[sflag:s8] =	ssyncadd.s32 $0xFFFFFF80;
	s2 =	sadd.s32 s11, s23  }
0x2c5: {  	[tilespmem:s7], [sflag:$0xA] =	stream.indirect.gather [hbm4b:s4+s18], $0x80, s18, s18, $0xb8;
	[tilespmem:$0x14400] =	vst v63  }
0x2c6: {  	s2 =	sshll.u32 s2, $0x4  }
0x2c7: {  	s2 =	sand.u32 $0x3FD80, s2  }
0x2c8: {  	s2 =	sor.u32 s0, s2  }
0x2c9: {  	s31 =	simm.s32 $0x100;
	s8 =	sadd.s32 s5, s2  }
0x2ca: {  	[tilespmem:s31], [sflag:$0x3] =	stream.linear.gather [hbm4b:s8+s3], $0x80, $0x38;
	[tilespmem:$0x14400] =	vst v63  }
0x2cb: {  	s24 =	simm.s32 $0x300;
	s2 =	sadd.s32 s6, s2  }
0x2cc: {  	[tilespmem:s24], [sflag:$0x7] =	stream.linear.gather [hbm4b:s2+s3], $0x80, $0x38;
	[tilespmem:$0x14400] =	vst v63  }
0x2cd: {  	_ =	swait.ge [sflag:s26], $0x4000  }
0x2ce: {  	[sflag:s26] =	ssyncset.done $0x0  }
0x2cf: {  	[sflag:s26] =	ssyncadd.s32 $0xFFFFC000  }
0x2d0: {  	_ =	swait.ge [sflag:s28], $0x2000  }
0x2d1: {  	s11 =	simm.s32 $0x0;
	[sflag:s28] =	ssyncset.done $0x0  }
0x2d2: {  	s23 =	sand.u32 $0x70, s11;
	[sflag:s28] =	ssyncadd.s32 $0xFFFFE000  }
0x2d3: {  	v1 =	vld [tilespmem:s23+$0x380]  }
0x2d4: {  	s2 =	sand.u32 $0xE, s11  }
0x2d5: {  	s24 =	sor.u32 $0x1, s2  }
0x2d6: {  	v5 =	vor.u32 s23, v0;
	s11 =	simm.s32 $0x2;
	v3 =	vadd.s32 s24, v0  }
0x2d7: {  	v8 =	vshll.u32 v5, $0x7;
	v2 =	vadd.s32 s2, v0;
	v3 =	vand.u32 $0xF, v3;
	s23 =	sand.u32 $0xE, s11  }
0x2d8: {  	v2 =	vand.u32 $0xF, v2;
	s24 =	sor.u32 $0x1, s23;
	v16 =	vadd.s32 s23, v0;
	v6 =	vadd.s32 v3, v1  }
0x2d9: {  	v17 =	vadd.s32 s24, v0;
	v16 =	vand.u32 $0xF, v16;
	v7 =	vand.u32 $0xFFFFFF80, v6  }
0x2da: {  	v4 =	vadd.s32 v2, v1;
	v9 =	vand.u32 $0x7F, v6;
	v7 =	vadd.s32 v8, v7  }
0x2db: {  	v2 =	vshll.u32 v2, $0x7;
	v1 =	vand.u32 $0xFFFFFF80, v4;
	v7 =	vor.u32 v9, v7  }
0x2dc: {  	v3 =	vshll.u32 v3, $0x7;
	v10 =	vand.u32 $0x7F, v4;
	v1 =	vadd.s32 v8, v1  }
0x2dd: {  	v11 =	vadd.s32 $0x10, v6;
	v12 =	vor.u32 v5, v2;
	v1 =	vor.u32 v10, v1  }
0x2de: {  	v19 =	vor.u32 v5, v3;
	v5 =	vadd.s32 $0x20, v4;
	v9 =	vadd.s32 $0x10, v4  }
0x2df: {  	v2 =	vand.u32 $0xFFFFFF80, v11;
	v3 =	vand.u32 $0x7F, v11;
	v10 =	vand.u32 $0xFFFFFF80, v9  }
0x2e0: {  	v2 =	vadd.s32 v8, v2;
	v9 =	vand.u32 $0x7F, v9;
	v10 =	vadd.s32 v8, v10;
	v7 =	vld.idx.msk [tilespmem:v7+s12+$0x0], $0xffff  }
0x2e1: {  	v9 =	vor.u32 v9, v10;
	v10 =	vor.u32 v3, v2;
	v2 =	vand.u32 $0xFFFFFF80, v5  }
0x2e2: {  	s2 =	sand.u32 $0x70, s11;
	v4 =	vadd.s32 $0x30, v4;
	v3 =	vand.u32 $0x7F, v5;
	v2 =	vadd.s32 v8, v2;
	v5 =	vld.idx.msk [tilespmem:v1+s12+$0x0], $0xffff  }
0x2e3: {  	v13 =	vor.u32 v3, v2;
	v1 =	vand.u32 $0xFFFFFF80, v4;
	v3 =	vand.u32 $0x7F, v4;
	v4 =	vld [tilespmem:s2+$0x380]  }
0x2e4: {  	v17 =	vand.u32 $0xF, v17;
	v14 =	vadd.s32 $0x20, v6;
	v6 =	vadd.s32 $0x30, v6  }
0x2e5: {  	v11 =	vor.u32 $0x800, v12;
	v15 =	vor.u32 $0x800, v19;
	[tilespmem:v19+s17+$0x0] =	vst.idx.msk $0xffff, v7;
	v7 =	vand.u32 $0xFFFFFF80, v14  }
0x2e6: {  	v1 =	vadd.s32 v8, v1;
	v14 =	vand.u32 $0x7F, v14;
	v10 =	vld.idx.msk [tilespmem:v10+s12+$0x0], $0xffff;
	v7 =	vadd.s32 v8, v7  }
0x2e7: {  	v2 =	vor.u32 $0x1000, v12;
	v3 =	vor.u32 v3, v1;
	v14 =	vor.u32 v14, v7  }
0x2e8: {  	v1 =	vor.u32 $0x1800, v12;
	[tilespmem:v12+s17+$0x0] =	vst.idx.msk $0xffff, v5;
	v12 =	vor.u32 s2, v0;
	v5 =	vadd.s32 v17, v4  }
0x2e9: {  	v9 =	vld.idx.msk [tilespmem:v9+s12+$0x0], $0xffff;
	v20 =	vand.u32 $0xFFFFFF80, v5;
	v7 =	vadd.s32 v16, v4;
	v4 =	vshll.u32 v12, $0x7  }
0x2ea: {  	v21 =	vand.u32 $0x7F, v5;
	v18 =	vand.u32 $0xFFFFFF80, v7;
	v20 =	vadd.s32 v4, v20  }
0x2eb: {  	[tilespmem:v15+s17+$0x0] =	vst.idx.msk $0xffff, v10;
	v10 =	vadd.s32 v4, v18;
	v15 =	vor.u32 v21, v20;
	v18 =	vand.u32 $0xFFFFFF80, v6  }
0x2ec: {  	v20 =	vor.u32 $0x1000, v19;
	v6 =	vand.u32 $0x7F, v6;
	v14 =	vld.idx.msk [tilespmem:v14+s12+$0x0], $0xffff;
	v8 =	vadd.s32 v8, v18  }
0x2ed: {  	v63 =	vadd.s32 $0x10, v7;
	v18 =	vand.u32 $0x7F, v7;
	v6 =	vor.u32 v6, v8  }
0x2ee: {  	[tilespmem:v11+s17+$0x0] =	vst.idx.msk $0xffff, v9;
	v11 =	vor.u32 v18, v10;
	v8 =	vshll.u32 v16, $0x7;
	v10 =	vand.u32 $0xFFFFFF80, v63  }
0x2ef: {  	v9 =	vld.idx.msk [tilespmem:v13+s12+$0x0], $0xffff;
	v16 =	vand.u32 $0x7F, v63;
	v18 =	vadd.s32 $0x10, v5;
	v10 =	vadd.s32 v4, v10  }
0x2f0: {  	v8 =	vor.u32 v12, v8;
	v13 =	vld.idx.msk [tilespmem:v15+s12+$0x0], $0xffff;
	v15 =	vshll.u32 v17, $0x7;
	v17 =	vand.u32 $0xFFFFFF80, v18  }
0x2f1: {  	v18 =	vand.u32 $0x7F, v18;
	v15 =	vor.u32 v12, v15;
	v17 =	vadd.s32 v4, v17;
	[tilespmem:v20+s17+$0x0] =	vst.idx.msk $0xffff, v14  }
0x2f2: {  	v12 =	vor.u32 v16, v10;
	v20 =	vadd.s32 $0x20, v7;
	v16 =	vor.u32 v18, v17;
	v10 =	vld.idx.msk [tilespmem:v6+s12+$0x0], $0xffff  }
0x2f3: {  	v14 =	vld.idx.msk [tilespmem:v11+s12+$0x0], $0xffff;
	v18 =	vand.u32 $0xFFFFFF80, v20;
	v17 =	vand.u32 $0x7F, v20;
	v11 =	vor.u32 $0x1800, v19;
	v6 =	vmovc v15  }
.LBB2_17:
0x2f4: {  	s11 =	sadd.s32 $0x2, s11;
	v19 =	vor.u32 $0x800, v8;
	v18 =	vadd.s32 v4, v18;
	v7 =	vadd.s32 $0x30, v7;
	[tilespmem:v2+s17+$0x0] =	vst.idx.msk $0xffff, v9  }
0x2f5: {  	s2 =	sand.u32 $0x70, s11;
	p0 =	slt.u32 s11, $0x7E;
	v9 =	vor.u32 v17, v18;
	v17 =	vand.u32 $0xFFFFFF80, v7;
	v7 =	vand.u32 $0x7F, v7;
	v18 =	vld.idx.msk [tilespmem:v3+s12+$0x0], $0xffff  }
0x2f6: {  	v2 =	vor.u32 $0x1000, v8;
	v20 =	vld [tilespmem:s2+$0x380];
	v3 =	vadd.s32 v4, v17;
	[tilespmem:v15+s17+$0x0] =	vst.idx.msk $0xffff, v13;
	v13 =	vadd.s32 $0x20, v5  }
0x2f7: {  	s8 =	sand.u32 $0xE, s11;
	v15 =	vor.u32 $0x1800, v8;
	v3 =	vor.u32 v7, v3;
	v16 =	vld.idx.msk [tilespmem:v16+s12+$0x0], $0xffff;
	v7 =	vand.u32 $0xFFFFFF80, v13  }
0x2f8: {  	s23 =	sor.u32 $0x1, s8;
	v17 =	vor.u32 $0x800, v6;
	v13 =	vand.u32 $0x7F, v13;
	v7 =	vadd.s32 v4, v7;
	[tilespmem:v11+s17+$0x0] =	vst.idx.msk $0xffff, v10  }
0x2f9: {  	v10 =	vadd.s32 s8, v0;
	v11 =	vadd.s32 s23, v0;
	[tilespmem:v8+s17+$0x0] =	vst.idx.msk $0xffff, v14;
	v8 =	vor.u32 v13, v7  }
0x2fa: {  	v10 =	vand.u32 $0xF, v10;
	v11 =	vand.u32 $0xF, v11;
	v12 =	vld.idx.msk [tilespmem:v12+s12+$0x0], $0xffff  }
0x2fb: {  	v14 =	vor.u32 s2, v0;
	v7 =	vadd.s32 v10, v20;
	v13 =	vadd.s32 v11, v20;
	[tilespmem:v1+s17+$0x0] =	vst.idx.msk $0xffff, v18  }
0x2fc: {  	v20 =	vshll.u32 v14, $0x7;
	v1 =	vmovc v15;
	v18 =	vand.u32 $0xFFFFFF80, v7;
	v21 =	vand.u32 $0xFFFFFF80, v13  }
0x2fd: {  	v15 =	vand.u32 $0x7F, v13;
	v21 =	vadd.s32 v20, v21;
	[tilespmem:v17+s17+$0x0] =	vst.idx.msk $0xffff, v16;
	v16 =	vadd.s32 $0x30, v5;
	v5 =	vmovc v13  }
0x2fe: {  	v13 =	vadd.s32 v20, v18;
	v15 =	vor.u32 v15, v21;
	v17 =	vld.idx.msk [tilespmem:v8+s12+$0x0], $0xffff;
	v8 =	vand.u32 $0xFFFFFF80, v16  }
0x2ff: {  	v18 =	vor.u32 $0x1000, v6;
	v16 =	vand.u32 $0x7F, v16;
	v8 =	vadd.s32 v4, v8;
	v4 =	vmovc v20  }
0x300: {  	v21 =	vadd.s32 $0x10, v7;
	v20 =	vand.u32 $0x7F, v7;
	[tilespmem:v19+s17+$0x0] =	vst.idx.msk $0xffff, v12;
	v19 =	vor.u32 v16, v8  }
0x301: {  	v20 =	vor.u32 v20, v13;
	v8 =	vshll.u32 v10, $0x7;
	v10 =	vand.u32 $0xFFFFFF80, v21;
	v9 =	vld.idx.msk [tilespmem:v9+s12+$0x0], $0xffff  }
.Ltmp7:
0x302: {  	v12 =	vand.u32 $0x7F, v21;
	v16 =	vadd.s32 $0x10, v5;
	v10 =	vadd.s32 v4, v10;
	(pc) =	sbr.rel @p0 .LBB2_17-.Ltmp7, $4  }
0x303: {  	v11 =	vshll.u32 v11, $0x7;
	v8 =	vor.u32 v14, v8;
	v21 =	vand.u32 $0xFFFFFF80, v16;
	v13 =	vld.idx.msk [tilespmem:v15+s12+$0x0], $0xffff  }
0x304: {  	v15 =	vor.u32 v14, v11;
	v11 =	vand.u32 $0x7F, v16;
	v14 =	vadd.s32 v4, v21;
	[tilespmem:v18+s17+$0x0] =	vst.idx.msk $0xffff, v17  }
0x305: {  	v12 =	vor.u32 v12, v10;
	v17 =	vadd.s32 $0x20, v7;
	v16 =	vor.u32 v11, v14;
	v10 =	vld.idx.msk [tilespmem:v19+s12+$0x0], $0xffff  }
0x306: {  	v11 =	vor.u32 $0x1800, v6;
	v6 =	vmovc v15;
	v18 =	vand.u32 $0xFFFFFF80, v17;
	v17 =	vand.u32 $0x7F, v17;
	v14 =	vld.idx.msk [tilespmem:v20+s12+$0x0], $0xffff  }
0x307: {  	_ =	sdelay $0x2  }
0x308: {  	v19 =	vadd.s32 $0x20, v5  }
0x309: {  	[tilespmem:v15+s17+$0x0] =	vst.idx.msk $0xffff, v13;
	v53 =	vand.u32 $0xFFFFFF80, v19  }
0x30a: {  	v54 =	vor.u32 $0x800, v6;
	v19 =	vand.u32 $0x7F, v19;
	v15 =	vld.idx.msk [tilespmem:v16+s12+$0x0], $0xffff;
	v13 =	vadd.s32 v4, v53;
	[tilespmem:v8+s17+$0x0] =	vst.idx.msk $0xffff, v14  }
0x30b: {  	v55 =	vor.u32 $0x800, v8;
	v18 =	vadd.s32 v4, v18;
	v13 =	vor.u32 v19, v13;
	v12 =	vld.idx.msk [tilespmem:v12+s12+$0x0], $0xffff  }
0x30c: {  	v17 =	vor.u32 v17, v18;
	_ =	sdelay $0x1  }
0x30d: {  	v7 =	vadd.s32 $0x30, v7;
	v56 =	vadd.s32 $0x30, v5  }
0x30e: {  	v59 =	vor.u32 $0x1000, v6;
	v60 =	vor.u32 $0x1000, v8;
	v58 =	vand.u32 $0xFFFFFF80, v56;
	[tilespmem:v54+s17+$0x0] =	vst.idx.msk $0xffff, v15  }
0x30f: {  	v57 =	vand.u32 $0xFFFFFF80, v7;
	v5 =	vand.u32 $0x7F, v56;
	v15 =	vadd.s32 v4, v58;
	v13 =	vld.idx.msk [tilespmem:v13+s12+$0x0], $0xffff;
	[tilespmem:v55+s17+$0x0] =	vst.idx.msk $0xffff, v12  }
0x310: {  	v7 =	vand.u32 $0x7F, v7;
	v61 =	vadd.s32 v4, v57;
	v5 =	vor.u32 v5, v15;
	v14 =	vld.idx.msk [tilespmem:v17+s12+$0x0], $0xffff  }
0x311: {  	v4 =	vor.u32 v7, v61;
	_ =	sdelay $0x1  }
0x312: {  	[tilespmem:v2+s17+$0x0] =	vst.idx.msk $0xffff, v9  }
0x313: {  	v2 =	vld.idx.msk [tilespmem:v3+s12+$0x0], $0xffff;
	[tilespmem:v59+s17+$0x0] =	vst.idx.msk $0xffff, v13  }
0x314: {  	v62 =	vor.u32 $0x1800, v6;
	v3 =	vld.idx.msk [tilespmem:v5+s12+$0x0], $0xffff;
	[tilespmem:v60+s17+$0x0] =	vst.idx.msk $0xffff, v14  }
0x315: {  	v63 =	vor.u32 $0x1800, v8;
	s29 =	sadd.s32 $0x1, s29;
	v4 =	vld.idx.msk [tilespmem:v4+s12+$0x0], $0xffff  }
0x316: {  	p0 =	sne.s32 s29, $0x31  }
.Ltmp8:
0x317: {  	s2 =	sshll.u32 s21, $0x12;
	[tilespmem:v11+s17+$0x0] =	vst.idx.msk $0xffff, v10;
	(pc) =	sbr.rel @p0 .LBB2_10-.Ltmp8, $4  }
0x318: {  	s2 =	sor.u32 s13, s2;
	[tilespmem:v1+s17+$0x0] =	vst.idx.msk $0xffff, v2  }
0x319: {  	s8 =	rddreg [dreg:$0x1];
	s2 =	sshrl.u32 s2, $0x3;
	[tilespmem:v62+s17+$0x0] =	vst.idx.msk $0xffff, v3  }
0x31a: {  	s2 =	sadd.s32 s8, s2;
	[tilespmem:v63+s17+$0x0] =	vst.idx.msk $0xffff, v4  }
0x31b: {  	[hbm4b:s2+s30] =	stream.strided.scatter [tilespmem:s17], [sflag:$0xE], $0x2000, s16, s30, $0x38;
	[tilespmem:$0x14400] =	vst v63  }
0x31c: {  	s2 =	simm.s32 $0x3  }
0x31d: {  	_ =	swait.ge [sflag:s2], $0x80  }
0x31e: {  	[sflag:s2] =	ssyncset.done $0x0  }
0x31f: {  	[sflag:s2] =	ssyncadd.s32 $0xFFFFFF80  }
0x320: {  	_ =	swait.ge [sflag:s9], $0x80  }
0x321: {  	[sflag:s9] =	ssyncset.done $0x0  }
0x322: {  	[sflag:s9] =	ssyncadd.s32 $0xFFFFFF80  }
0x323: {  	[tilespmem:s10], [sflag:$0xB] =	stream.indirect.gather [hbm4b:s4+s18], $0x80, s31, s18, $0xb8;
	[tilespmem:$0x14400] =	vst v63  }
0x324: {  	s8 =	simm.s32 $0x180;
	s29 =	rddreg [dreg:$0x1a]  }
0x325: {  	[tilespmem:s8], [sflag:$0x4] =	stream.linear.gather [hbm4b:s29+s3], $0x80, $0x38;
	[tilespmem:$0x14400] =	vst v63  }
0x326: {  	s11 =	simm.s32 $0x380;
	s8 =	rddreg [dreg:$0x1b]  }
0x327: {  	[tilespmem:s11], [sflag:$0x8] =	stream.linear.gather [hbm4b:s8+s3], $0x80, $0x38;
	[tilespmem:$0x14400] =	vst v63  }
0x328: {  	_ =	swait.ge [sflag:s15], $0x4000  }
0x329: {  	[sflag:s15] =	ssyncset.done $0x0  }
0x32a: {  	[sflag:s15] =	ssyncadd.s32 $0xFFFFC000  }
0x32b: {  	_ =	swait.ge [sflag:s25], $0x2000  }
0x32c: {  	s21 =	simm.s32 $0x0;
	[sflag:s25] =	ssyncset.done $0x0  }
0x32d: {  	s23 =	sand.u32 $0x70, s21;
	[sflag:s25] =	ssyncadd.s32 $0xFFFFE000  }
0x32e: {  	v1 =	vld [tilespmem:s23+$0x200]  }
0x32f: {  	s2 =	sand.u32 $0xE, s21  }
0x330: {  	s11 =	sor.u32 $0x1, s2  }
0x331: {  	v5 =	vor.u32 s23, v0;
	v3 =	vadd.s32 s11, v0;
	s11 =	simm.s32 $0x2  }
0x332: {  	v8 =	vshll.u32 v5, $0x7;
	v2 =	vadd.s32 s2, v0;
	v3 =	vand.u32 $0xF, v3;
	s29 =	sand.u32 $0xE, s11  }
0x333: {  	v2 =	vand.u32 $0xF, v2;
	s21 =	sor.u32 $0x1, s29;
	v16 =	vadd.s32 s29, v0;
	v6 =	vadd.s32 v3, v1  }
0x334: {  	v17 =	vadd.s32 s21, v0;
	v16 =	vand.u32 $0xF, v16;
	v7 =	vand.u32 $0xFFFFFF80, v6  }
0x335: {  	v4 =	vadd.s32 v2, v1;
	v9 =	vand.u32 $0x7F, v6;
	v7 =	vadd.s32 v8, v7  }
0x336: {  	v2 =	vshll.u32 v2, $0x7;
	v1 =	vand.u32 $0xFFFFFF80, v4;
	v7 =	vor.u32 v9, v7  }
0x337: {  	v3 =	vshll.u32 v3, $0x7;
	v10 =	vand.u32 $0x7F, v4;
	v1 =	vadd.s32 v8, v1  }
0x338: {  	v11 =	vadd.s32 $0x10, v6;
	v12 =	vor.u32 v5, v2;
	v1 =	vor.u32 v10, v1  }
0x339: {  	v19 =	vor.u32 v5, v3;
	v5 =	vadd.s32 $0x20, v4;
	v9 =	vadd.s32 $0x10, v4  }
0x33a: {  	v2 =	vand.u32 $0xFFFFFF80, v11;
	v3 =	vand.u32 $0x7F, v11;
	v10 =	vand.u32 $0xFFFFFF80, v9  }
0x33b: {  	v2 =	vadd.s32 v8, v2;
	v9 =	vand.u32 $0x7F, v9;
	v10 =	vadd.s32 v8, v10;
	v7 =	vld.idx.msk [tilespmem:v7+s30+$0x0], $0xffff  }
0x33c: {  	v9 =	vor.u32 v9, v10;
	v10 =	vor.u32 v3, v2;
	v2 =	vand.u32 $0xFFFFFF80, v5  }
0x33d: {  	s24 =	sand.u32 $0x70, s11;
	v4 =	vadd.s32 $0x30, v4;
	v3 =	vand.u32 $0x7F, v5;
	v2 =	vadd.s32 v8, v2;
	v5 =	vld.idx.msk [tilespmem:v1+s30+$0x0], $0xffff  }
0x33e: {  	v13 =	vor.u32 v3, v2;
	v1 =	vand.u32 $0xFFFFFF80, v4;
	v3 =	vand.u32 $0x7F, v4;
	v4 =	vld [tilespmem:s24+$0x200]  }
0x33f: {  	v17 =	vand.u32 $0xF, v17;
	v14 =	vadd.s32 $0x20, v6;
	v6 =	vadd.s32 $0x30, v6  }
0x340: {  	v11 =	vor.u32 $0x800, v12;
	v15 =	vor.u32 $0x800, v19;
	[tilespmem:v19+s14+$0x0] =	vst.idx.msk $0xffff, v7;
	v7 =	vand.u32 $0xFFFFFF80, v14  }
0x341: {  	v1 =	vadd.s32 v8, v1;
	v14 =	vand.u32 $0x7F, v14;
	v10 =	vld.idx.msk [tilespmem:v10+s30+$0x0], $0xffff;
	v7 =	vadd.s32 v8, v7  }
0x342: {  	v2 =	vor.u32 $0x1000, v12;
	v3 =	vor.u32 v3, v1;
	v14 =	vor.u32 v14, v7  }
0x343: {  	v1 =	vor.u32 $0x1800, v12;
	[tilespmem:v12+s14+$0x0] =	vst.idx.msk $0xffff, v5;
	v12 =	vor.u32 s24, v0;
	v5 =	vadd.s32 v17, v4  }
0x344: {  	v9 =	vld.idx.msk [tilespmem:v9+s30+$0x0], $0xffff;
	v20 =	vand.u32 $0xFFFFFF80, v5;
	v7 =	vadd.s32 v16, v4;
	v4 =	vshll.u32 v12, $0x7  }
0x345: {  	v21 =	vand.u32 $0x7F, v5;
	v18 =	vand.u32 $0xFFFFFF80, v7;
	v20 =	vadd.s32 v4, v20  }
0x346: {  	[tilespmem:v15+s14+$0x0] =	vst.idx.msk $0xffff, v10;
	v10 =	vadd.s32 v4, v18;
	v15 =	vor.u32 v21, v20;
	v18 =	vand.u32 $0xFFFFFF80, v6  }
0x347: {  	v20 =	vor.u32 $0x1000, v19;
	v6 =	vand.u32 $0x7F, v6;
	v14 =	vld.idx.msk [tilespmem:v14+s30+$0x0], $0xffff;
	v8 =	vadd.s32 v8, v18  }
0x348: {  	v63 =	vadd.s32 $0x10, v7;
	v18 =	vand.u32 $0x7F, v7;
	v6 =	vor.u32 v6, v8  }
0x349: {  	[tilespmem:v11+s14+$0x0] =	vst.idx.msk $0xffff, v9;
	v11 =	vor.u32 v18, v10;
	v8 =	vshll.u32 v16, $0x7;
	v10 =	vand.u32 $0xFFFFFF80, v63  }
0x34a: {  	v9 =	vld.idx.msk [tilespmem:v13+s30+$0x0], $0xffff;
	v16 =	vand.u32 $0x7F, v63;
	v18 =	vadd.s32 $0x10, v5;
	v10 =	vadd.s32 v4, v10  }
0x34b: {  	v8 =	vor.u32 v12, v8;
	v13 =	vld.idx.msk [tilespmem:v15+s30+$0x0], $0xffff;
	v15 =	vshll.u32 v17, $0x7;
	v17 =	vand.u32 $0xFFFFFF80, v18  }
0x34c: {  	v18 =	vand.u32 $0x7F, v18;
	v15 =	vor.u32 v12, v15;
	v17 =	vadd.s32 v4, v17;
	[tilespmem:v20+s14+$0x0] =	vst.idx.msk $0xffff, v14  }
0x34d: {  	v12 =	vor.u32 v16, v10;
	v20 =	vadd.s32 $0x20, v7;
	v16 =	vor.u32 v18, v17;
	v10 =	vld.idx.msk [tilespmem:v6+s30+$0x0], $0xffff  }
0x34e: {  	v14 =	vld.idx.msk [tilespmem:v11+s30+$0x0], $0xffff;
	v18 =	vand.u32 $0xFFFFFF80, v20;
	v17 =	vand.u32 $0x7F, v20;
	v11 =	vor.u32 $0x1800, v19;
	v6 =	vmovc v15  }
.LBB2_20:
0x34f: {  	s11 =	sadd.s32 $0x2, s11;
	v19 =	vor.u32 $0x800, v8;
	v18 =	vadd.s32 v4, v18;
	v7 =	vadd.s32 $0x30, v7;
	[tilespmem:v2+s14+$0x0] =	vst.idx.msk $0xffff, v9  }
0x350: {  	s2 =	sand.u32 $0x70, s11;
	p0 =	slt.u32 s11, $0x7E;
	v9 =	vor.u32 v17, v18;
	v17 =	vand.u32 $0xFFFFFF80, v7;
	v7 =	vand.u32 $0x7F, v7;
	v18 =	vld.idx.msk [tilespmem:v3+s30+$0x0], $0xffff  }
0x351: {  	v2 =	vor.u32 $0x1000, v8;
	v20 =	vld [tilespmem:s2+$0x200];
	v3 =	vadd.s32 v4, v17;
	[tilespmem:v15+s14+$0x0] =	vst.idx.msk $0xffff, v13;
	v13 =	vadd.s32 $0x20, v5  }
0x352: {  	s8 =	sand.u32 $0xE, s11;
	v15 =	vor.u32 $0x1800, v8;
	v3 =	vor.u32 v7, v3;
	v16 =	vld.idx.msk [tilespmem:v16+s30+$0x0], $0xffff;
	v7 =	vand.u32 $0xFFFFFF80, v13  }
0x353: {  	s21 =	sor.u32 $0x1, s8;
	v17 =	vor.u32 $0x800, v6;
	v13 =	vand.u32 $0x7F, v13;
	v7 =	vadd.s32 v4, v7;
	[tilespmem:v11+s14+$0x0] =	vst.idx.msk $0xffff, v10  }
0x354: {  	v10 =	vadd.s32 s8, v0;
	v11 =	vadd.s32 s21, v0;
	[tilespmem:v8+s14+$0x0] =	vst.idx.msk $0xffff, v14;
	v8 =	vor.u32 v13, v7  }
0x355: {  	v10 =	vand.u32 $0xF, v10;
	v11 =	vand.u32 $0xF, v11;
	v12 =	vld.idx.msk [tilespmem:v12+s30+$0x0], $0xffff  }
0x356: {  	v14 =	vor.u32 s2, v0;
	v7 =	vadd.s32 v10, v20;
	v13 =	vadd.s32 v11, v20;
	[tilespmem:v1+s14+$0x0] =	vst.idx.msk $0xffff, v18  }
0x357: {  	v20 =	vshll.u32 v14, $0x7;
	v1 =	vmovc v15;
	v18 =	vand.u32 $0xFFFFFF80, v7;
	v21 =	vand.u32 $0xFFFFFF80, v13  }
0x358: {  	v15 =	vand.u32 $0x7F, v13;
	v21 =	vadd.s32 v20, v21;
	[tilespmem:v17+s14+$0x0] =	vst.idx.msk $0xffff, v16;
	v16 =	vadd.s32 $0x30, v5;
	v5 =	vmovc v13  }
0x359: {  	v13 =	vadd.s32 v20, v18;
	v15 =	vor.u32 v15, v21;
	v17 =	vld.idx.msk [tilespmem:v8+s30+$0x0], $0xffff;
	v8 =	vand.u32 $0xFFFFFF80, v16  }
0x35a: {  	v18 =	vor.u32 $0x1000, v6;
	v16 =	vand.u32 $0x7F, v16;
	v8 =	vadd.s32 v4, v8;
	v4 =	vmovc v20  }
0x35b: {  	v21 =	vadd.s32 $0x10, v7;
	v20 =	vand.u32 $0x7F, v7;
	[tilespmem:v19+s14+$0x0] =	vst.idx.msk $0xffff, v12;
	v19 =	vor.u32 v16, v8  }
0x35c: {  	v20 =	vor.u32 v20, v13;
	v8 =	vshll.u32 v10, $0x7;
	v10 =	vand.u32 $0xFFFFFF80, v21;
	v9 =	vld.idx.msk [tilespmem:v9+s30+$0x0], $0xffff  }
.Ltmp9:
0x35d: {  	v12 =	vand.u32 $0x7F, v21;
	v16 =	vadd.s32 $0x10, v5;
	v10 =	vadd.s32 v4, v10;
	(pc) =	sbr.rel @p0 .LBB2_20-.Ltmp9, $4  }
0x35e: {  	v11 =	vshll.u32 v11, $0x7;
	v8 =	vor.u32 v14, v8;
	v21 =	vand.u32 $0xFFFFFF80, v16;
	v13 =	vld.idx.msk [tilespmem:v15+s30+$0x0], $0xffff  }
0x35f: {  	v15 =	vor.u32 v14, v11;
	v11 =	vand.u32 $0x7F, v16;
	v14 =	vadd.s32 v4, v21;
	[tilespmem:v18+s14+$0x0] =	vst.idx.msk $0xffff, v17  }
0x360: {  	v12 =	vor.u32 v12, v10;
	v17 =	vadd.s32 $0x20, v7;
	v16 =	vor.u32 v11, v14;
	v10 =	vld.idx.msk [tilespmem:v19+s30+$0x0], $0xffff  }
0x361: {  	v11 =	vor.u32 $0x1800, v6;
	v6 =	vmovc v15;
	v18 =	vand.u32 $0xFFFFFF80, v17;
	v17 =	vand.u32 $0x7F, v17;
	v14 =	vld.idx.msk [tilespmem:v20+s30+$0x0], $0xffff  }
0x362: {  	_ =	sdelay $0x2  }
0x363: {  	v19 =	vadd.s32 $0x20, v5  }
0x364: {  	[tilespmem:v15+s14+$0x0] =	vst.idx.msk $0xffff, v13;
	v13 =	vand.u32 $0xFFFFFF80, v19  }
0x365: {  	v19 =	vand.u32 $0x7F, v19;
	v15 =	vld.idx.msk [tilespmem:v16+s30+$0x0], $0xffff;
	v16 =	vor.u32 $0x800, v6;
	v13 =	vadd.s32 v4, v13;
	[tilespmem:v8+s14+$0x0] =	vst.idx.msk $0xffff, v14  }
0x366: {  	v18 =	vadd.s32 v4, v18;
	v13 =	vor.u32 v19, v13;
	v14 =	vor.u32 $0x800, v8;
	v12 =	vld.idx.msk [tilespmem:v12+s30+$0x0], $0xffff  }
0x367: {  	v17 =	vor.u32 v17, v18;
	_ =	sdelay $0x1  }
0x368: {  	v7 =	vadd.s32 $0x30, v7;
	v5 =	vadd.s32 $0x30, v5  }
0x369: {  	v18 =	vand.u32 $0xFFFFFF80, v7;
	v7 =	vand.u32 $0x7F, v7;
	[tilespmem:v16+s14+$0x0] =	vst.idx.msk $0xffff, v15;
	v15 =	vand.u32 $0xFFFFFF80, v5  }
0x36a: {  	v16 =	vor.u32 $0x1000, v6;
	v5 =	vand.u32 $0x7F, v5;
	v13 =	vld.idx.msk [tilespmem:v13+s30+$0x0], $0xffff;
	v15 =	vadd.s32 v4, v15;
	[tilespmem:v14+s14+$0x0] =	vst.idx.msk $0xffff, v12  }
0x36b: {  	v4 =	vadd.s32 v4, v18;
	v5 =	vor.u32 v5, v15;
	v12 =	vor.u32 $0x1000, v8;
	v14 =	vld.idx.msk [tilespmem:v17+s30+$0x0], $0xffff  }
0x36c: {  	v4 =	vor.u32 v7, v4;
	_ =	sdelay $0x1  }
0x36d: {  	[tilespmem:v2+s14+$0x0] =	vst.idx.msk $0xffff, v9  }
0x36e: {  	v2 =	vld.idx.msk [tilespmem:v3+s30+$0x0], $0xffff;
	[tilespmem:v16+s14+$0x0] =	vst.idx.msk $0xffff, v13  }
0x36f: {  	v3 =	vld.idx.msk [tilespmem:v5+s30+$0x0], $0xffff;
	v5 =	vor.u32 $0x1800, v6;
	[tilespmem:v12+s14+$0x0] =	vst.idx.msk $0xffff, v14  }
0x370: {  	v6 =	vor.u32 $0x1800, v8;
	v4 =	vld.idx.msk [tilespmem:v4+s30+$0x0], $0xffff;
	_ =	sdelay $0x1  }
0x371: {  	[tilespmem:v11+s14+$0x0] =	vst.idx.msk $0xffff, v10  }
0x372: {  	[tilespmem:v1+s14+$0x0] =	vst.idx.msk $0xffff, v2  }
0x373: {  	[tilespmem:v5+s14+$0x0] =	vst.idx.msk $0xffff, v3  }
0x374: {  	[tilespmem:v6+s14+$0x0] =	vst.idx.msk $0xffff, v4  }
0x375: {  	s2 =	rddreg [dreg:$0x1e]  }
0x376: {  	[hbm4b:s2+s30] =	stream.strided.scatter [tilespmem:s14], [sflag:$0xD], $0x2000, s16, s30, $0x38;
	[tilespmem:$0x14400] =	vst v63  }
0x377: {  	_ =	swait.ge [sflag:s19], $0x80  }
0x378: {  	[sflag:s19] =	ssyncset.done $0x0  }
0x379: {  	[sflag:s19] =	ssyncadd.s32 $0xFFFFFF80  }
0x37a: {  	_ =	swait.ge [sflag:s22], $0x80  }
0x37b: {  	[sflag:s22] =	ssyncset.done $0x0  }
0x37c: {  	s21 =	simm.s32 $0x180;
	[sflag:s22] =	ssyncadd.s32 $0xFFFFFF80  }
0x37d: {  	[tilespmem:s12], [sflag:$0xC] =	stream.indirect.gather [hbm4b:s4+s18], $0x80, s21, s18, $0xb8;
	[tilespmem:$0x14400] =	vst v63  }
0x37e: {  	_ =	swait.ge [sflag:s1], $0x4000  }
0x37f: {  	[sflag:s1] =	ssyncset.done $0x0  }
0x380: {  	[sflag:s1] =	ssyncadd.s32 $0xFFFFC000  }
0x381: {  	_ =	swait.ge [sflag:s28], $0x2000  }
0x382: {  	s23 =	simm.s32 $0x0;
	[sflag:s28] =	ssyncset.done $0x0  }
0x383: {  	s8 =	sand.u32 $0x70, s23;
	[sflag:s28] =	ssyncadd.s32 $0xFFFFE000  }
0x384: {  	v1 =	vld [tilespmem:s8+$0x280]  }
0x385: {  	s2 =	sand.u32 $0xE, s23  }
0x386: {  	s11 =	sor.u32 $0x1, s2  }
0x387: {  	v5 =	vor.u32 s8, v0;
	v3 =	vadd.s32 s11, v0;
	s11 =	simm.s32 $0x2  }
0x388: {  	v8 =	vshll.u32 v5, $0x7;
	v2 =	vadd.s32 s2, v0;
	v3 =	vand.u32 $0xF, v3;
	s29 =	sand.u32 $0xE, s11  }
0x389: {  	v2 =	vand.u32 $0xF, v2;
	v16 =	vadd.s32 s29, v0;
	s21 =	sor.u32 $0x1, s29;
	v6 =	vadd.s32 v3, v1  }
0x38a: {  	v16 =	vand.u32 $0xF, v16;
	v17 =	vadd.s32 s21, v0;
	v7 =	vand.u32 $0xFFFFFF80, v6  }
0x38b: {  	v4 =	vadd.s32 v2, v1;
	v9 =	vand.u32 $0x7F, v6;
	v7 =	vadd.s32 v8, v7  }
0x38c: {  	v2 =	vshll.u32 v2, $0x7;
	v1 =	vand.u32 $0xFFFFFF80, v4;
	v7 =	vor.u32 v9, v7  }
0x38d: {  	v3 =	vshll.u32 v3, $0x7;
	v10 =	vand.u32 $0x7F, v4;
	v1 =	vadd.s32 v8, v1  }
0x38e: {  	v11 =	vadd.s32 $0x10, v6;
	v12 =	vor.u32 v5, v2;
	v1 =	vor.u32 v10, v1  }
0x38f: {  	v19 =	vor.u32 v5, v3;
	v5 =	vadd.s32 $0x20, v4;
	v9 =	vadd.s32 $0x10, v4  }
0x390: {  	v2 =	vand.u32 $0xFFFFFF80, v11;
	v3 =	vand.u32 $0x7F, v11;
	v10 =	vand.u32 $0xFFFFFF80, v9  }
0x391: {  	v2 =	vadd.s32 v8, v2;
	v9 =	vand.u32 $0x7F, v9;
	v10 =	vadd.s32 v8, v10;
	v7 =	vld.idx.msk [tilespmem:v7+s7+$0x0], $0xffff  }
0x392: {  	v9 =	vor.u32 v9, v10;
	v10 =	vor.u32 v3, v2;
	v2 =	vand.u32 $0xFFFFFF80, v5  }
0x393: {  	s24 =	sand.u32 $0x70, s11;
	v4 =	vadd.s32 $0x30, v4;
	v3 =	vand.u32 $0x7F, v5;
	v2 =	vadd.s32 v8, v2;
	v5 =	vld.idx.msk [tilespmem:v1+s7+$0x0], $0xffff  }
0x394: {  	v13 =	vor.u32 v3, v2;
	v1 =	vand.u32 $0xFFFFFF80, v4;
	v3 =	vand.u32 $0x7F, v4;
	v4 =	vld [tilespmem:s24+$0x280]  }
0x395: {  	v17 =	vand.u32 $0xF, v17;
	v14 =	vadd.s32 $0x20, v6;
	v6 =	vadd.s32 $0x30, v6  }
0x396: {  	v11 =	vor.u32 $0x800, v12;
	v15 =	vor.u32 $0x800, v19;
	[tilespmem:v19+s17+$0x0] =	vst.idx.msk $0xffff, v7;
	v7 =	vand.u32 $0xFFFFFF80, v14  }
0x397: {  	v1 =	vadd.s32 v8, v1;
	v14 =	vand.u32 $0x7F, v14;
	v10 =	vld.idx.msk [tilespmem:v10+s7+$0x0], $0xffff;
	v7 =	vadd.s32 v8, v7  }
0x398: {  	v2 =	vor.u32 $0x1000, v12;
	v3 =	vor.u32 v3, v1;
	v14 =	vor.u32 v14, v7  }
0x399: {  	v1 =	vor.u32 $0x1800, v12;
	[tilespmem:v12+s17+$0x0] =	vst.idx.msk $0xffff, v5;
	v12 =	vor.u32 s24, v0;
	v5 =	vadd.s32 v17, v4  }
0x39a: {  	v9 =	vld.idx.msk [tilespmem:v9+s7+$0x0], $0xffff;
	v20 =	vand.u32 $0xFFFFFF80, v5;
	v7 =	vadd.s32 v16, v4;
	v4 =	vshll.u32 v12, $0x7  }
0x39b: {  	v21 =	vand.u32 $0x7F, v5;
	v18 =	vand.u32 $0xFFFFFF80, v7;
	v20 =	vadd.s32 v4, v20  }
0x39c: {  	[tilespmem:v15+s17+$0x0] =	vst.idx.msk $0xffff, v10;
	v10 =	vadd.s32 v4, v18;
	v15 =	vor.u32 v21, v20;
	v18 =	vand.u32 $0xFFFFFF80, v6  }
0x39d: {  	v20 =	vor.u32 $0x1000, v19;
	v6 =	vand.u32 $0x7F, v6;
	v14 =	vld.idx.msk [tilespmem:v14+s7+$0x0], $0xffff;
	v8 =	vadd.s32 v8, v18  }
0x39e: {  	v63 =	vadd.s32 $0x10, v7;
	v18 =	vand.u32 $0x7F, v7;
	v6 =	vor.u32 v6, v8  }
0x39f: {  	[tilespmem:v11+s17+$0x0] =	vst.idx.msk $0xffff, v9;
	v11 =	vor.u32 v18, v10;
	v8 =	vshll.u32 v16, $0x7;
	v10 =	vand.u32 $0xFFFFFF80, v63  }
0x3a0: {  	v9 =	vld.idx.msk [tilespmem:v13+s7+$0x0], $0xffff;
	v16 =	vand.u32 $0x7F, v63;
	v18 =	vadd.s32 $0x10, v5;
	v10 =	vadd.s32 v4, v10  }
0x3a1: {  	v8 =	vor.u32 v12, v8;
	v13 =	vld.idx.msk [tilespmem:v15+s7+$0x0], $0xffff;
	v15 =	vshll.u32 v17, $0x7;
	v17 =	vand.u32 $0xFFFFFF80, v18  }
0x3a2: {  	v18 =	vand.u32 $0x7F, v18;
	v15 =	vor.u32 v12, v15;
	v17 =	vadd.s32 v4, v17;
	[tilespmem:v20+s17+$0x0] =	vst.idx.msk $0xffff, v14  }
0x3a3: {  	v12 =	vor.u32 v16, v10;
	v20 =	vadd.s32 $0x20, v7;
	v16 =	vor.u32 v18, v17;
	v10 =	vld.idx.msk [tilespmem:v6+s7+$0x0], $0xffff  }
0x3a4: {  	v14 =	vld.idx.msk [tilespmem:v11+s7+$0x0], $0xffff;
	v18 =	vand.u32 $0xFFFFFF80, v20;
	v17 =	vand.u32 $0x7F, v20;
	v11 =	vor.u32 $0x1800, v19;
	v6 =	vmovc v15  }
.LBB2_22:
0x3a5: {  	s11 =	sadd.s32 $0x2, s11;
	v19 =	vor.u32 $0x800, v8;
	v18 =	vadd.s32 v4, v18;
	v7 =	vadd.s32 $0x30, v7;
	[tilespmem:v2+s17+$0x0] =	vst.idx.msk $0xffff, v9  }
0x3a6: {  	s2 =	sand.u32 $0x70, s11;
	p0 =	slt.u32 s11, $0x7E;
	v9 =	vor.u32 v17, v18;
	v17 =	vand.u32 $0xFFFFFF80, v7;
	v7 =	vand.u32 $0x7F, v7;
	v18 =	vld.idx.msk [tilespmem:v3+s7+$0x0], $0xffff  }
0x3a7: {  	v2 =	vor.u32 $0x1000, v8;
	v20 =	vld [tilespmem:s2+$0x280];
	v3 =	vadd.s32 v4, v17;
	[tilespmem:v15+s17+$0x0] =	vst.idx.msk $0xffff, v13;
	v13 =	vadd.s32 $0x20, v5  }
0x3a8: {  	s8 =	sand.u32 $0xE, s11;
	v15 =	vor.u32 $0x1800, v8;
	v3 =	vor.u32 v7, v3;
	v16 =	vld.idx.msk [tilespmem:v16+s7+$0x0], $0xffff;
	v7 =	vand.u32 $0xFFFFFF80, v13  }
0x3a9: {  	s21 =	sor.u32 $0x1, s8;
	v17 =	vor.u32 $0x800, v6;
	v13 =	vand.u32 $0x7F, v13;
	v7 =	vadd.s32 v4, v7;
	[tilespmem:v11+s17+$0x0] =	vst.idx.msk $0xffff, v10  }
0x3aa: {  	v10 =	vadd.s32 s8, v0;
	v11 =	vadd.s32 s21, v0;
	[tilespmem:v8+s17+$0x0] =	vst.idx.msk $0xffff, v14;
	v8 =	vor.u32 v13, v7  }
0x3ab: {  	v10 =	vand.u32 $0xF, v10;
	v11 =	vand.u32 $0xF, v11;
	v12 =	vld.idx.msk [tilespmem:v12+s7+$0x0], $0xffff  }
0x3ac: {  	v14 =	vor.u32 s2, v0;
	v7 =	vadd.s32 v10, v20;
	v13 =	vadd.s32 v11, v20;
	[tilespmem:v1+s17+$0x0] =	vst.idx.msk $0xffff, v18  }
0x3ad: {  	v20 =	vshll.u32 v14, $0x7;
	v1 =	vmovc v15;
	v18 =	vand.u32 $0xFFFFFF80, v7;
	v21 =	vand.u32 $0xFFFFFF80, v13  }
0x3ae: {  	v15 =	vand.u32 $0x7F, v13;
	v21 =	vadd.s32 v20, v21;
	[tilespmem:v17+s17+$0x0] =	vst.idx.msk $0xffff, v16;
	v16 =	vadd.s32 $0x30, v5;
	v5 =	vmovc v13  }
0x3af: {  	v13 =	vadd.s32 v20, v18;
	v15 =	vor.u32 v15, v21;
	v17 =	vld.idx.msk [tilespmem:v8+s7+$0x0], $0xffff;
	v8 =	vand.u32 $0xFFFFFF80, v16  }
0x3b0: {  	v18 =	vor.u32 $0x1000, v6;
	v16 =	vand.u32 $0x7F, v16;
	v8 =	vadd.s32 v4, v8;
	v4 =	vmovc v20  }
0x3b1: {  	v21 =	vadd.s32 $0x10, v7;
	v20 =	vand.u32 $0x7F, v7;
	[tilespmem:v19+s17+$0x0] =	vst.idx.msk $0xffff, v12;
	v19 =	vor.u32 v16, v8  }
0x3b2: {  	v20 =	vor.u32 v20, v13;
	v8 =	vshll.u32 v10, $0x7;
	v10 =	vand.u32 $0xFFFFFF80, v21;
	v9 =	vld.idx.msk [tilespmem:v9+s7+$0x0], $0xffff  }
.Ltmp10:
0x3b3: {  	v12 =	vand.u32 $0x7F, v21;
	v16 =	vadd.s32 $0x10, v5;
	v10 =	vadd.s32 v4, v10;
	(pc) =	sbr.rel @p0 .LBB2_22-.Ltmp10, $4  }
0x3b4: {  	v11 =	vshll.u32 v11, $0x7;
	v8 =	vor.u32 v14, v8;
	v21 =	vand.u32 $0xFFFFFF80, v16;
	v13 =	vld.idx.msk [tilespmem:v15+s7+$0x0], $0xffff  }
0x3b5: {  	v15 =	vor.u32 v14, v11;
	v11 =	vand.u32 $0x7F, v16;
	v14 =	vadd.s32 v4, v21;
	[tilespmem:v18+s17+$0x0] =	vst.idx.msk $0xffff, v17  }
0x3b6: {  	v12 =	vor.u32 v12, v10;
	v17 =	vadd.s32 $0x20, v7;
	v16 =	vor.u32 v11, v14;
	v10 =	vld.idx.msk [tilespmem:v19+s7+$0x0], $0xffff  }
0x3b7: {  	v11 =	vor.u32 $0x1800, v6;
	v6 =	vmovc v15;
	v18 =	vand.u32 $0xFFFFFF80, v17;
	v17 =	vand.u32 $0x7F, v17;
	v14 =	vld.idx.msk [tilespmem:v20+s7+$0x0], $0xffff  }
0x3b8: {  	_ =	sdelay $0x2  }
0x3b9: {  	v19 =	vadd.s32 $0x20, v5  }
0x3ba: {  	[tilespmem:v15+s17+$0x0] =	vst.idx.msk $0xffff, v13;
	v13 =	vand.u32 $0xFFFFFF80, v19  }
0x3bb: {  	v19 =	vand.u32 $0x7F, v19;
	v15 =	vld.idx.msk [tilespmem:v16+s7+$0x0], $0xffff;
	v16 =	vor.u32 $0x800, v6;
	v13 =	vadd.s32 v4, v13;
	[tilespmem:v8+s17+$0x0] =	vst.idx.msk $0xffff, v14  }
0x3bc: {  	v18 =	vadd.s32 v4, v18;
	v13 =	vor.u32 v19, v13;
	v14 =	vor.u32 $0x800, v8;
	v12 =	vld.idx.msk [tilespmem:v12+s7+$0x0], $0xffff  }
0x3bd: {  	v17 =	vor.u32 v17, v18;
	_ =	sdelay $0x1  }
0x3be: {  	v7 =	vadd.s32 $0x30, v7;
	v5 =	vadd.s32 $0x30, v5  }
0x3bf: {  	v18 =	vand.u32 $0xFFFFFF80, v7;
	v7 =	vand.u32 $0x7F, v7;
	[tilespmem:v16+s17+$0x0] =	vst.idx.msk $0xffff, v15;
	v15 =	vand.u32 $0xFFFFFF80, v5  }
0x3c0: {  	v16 =	vor.u32 $0x1000, v6;
	v5 =	vand.u32 $0x7F, v5;
	v13 =	vld.idx.msk [tilespmem:v13+s7+$0x0], $0xffff;
	v15 =	vadd.s32 v4, v15;
	[tilespmem:v14+s17+$0x0] =	vst.idx.msk $0xffff, v12  }
0x3c1: {  	v4 =	vadd.s32 v4, v18;
	v5 =	vor.u32 v5, v15;
	v12 =	vor.u32 $0x1000, v8;
	v14 =	vld.idx.msk [tilespmem:v17+s7+$0x0], $0xffff  }
0x3c2: {  	v4 =	vor.u32 v7, v4;
	_ =	sdelay $0x1  }
0x3c3: {  	[tilespmem:v2+s17+$0x0] =	vst.idx.msk $0xffff, v9  }
0x3c4: {  	v2 =	vld.idx.msk [tilespmem:v3+s7+$0x0], $0xffff;
	[tilespmem:v16+s17+$0x0] =	vst.idx.msk $0xffff, v13  }
0x3c5: {  	v3 =	vld.idx.msk [tilespmem:v5+s7+$0x0], $0xffff;
	v5 =	vor.u32 $0x1800, v6;
	[tilespmem:v12+s17+$0x0] =	vst.idx.msk $0xffff, v14  }
0x3c6: {  	v6 =	vor.u32 $0x1800, v8;
	v4 =	vld.idx.msk [tilespmem:v4+s7+$0x0], $0xffff;
	_ =	sdelay $0x1  }
0x3c7: {  	[tilespmem:v11+s17+$0x0] =	vst.idx.msk $0xffff, v10  }
0x3c8: {  	[tilespmem:v1+s17+$0x0] =	vst.idx.msk $0xffff, v2  }
0x3c9: {  	[tilespmem:v5+s17+$0x0] =	vst.idx.msk $0xffff, v3  }
0x3ca: {  	[tilespmem:v6+s17+$0x0] =	vst.idx.msk $0xffff, v4  }
0x3cb: {  	s2 =	rddreg [dreg:$0x1f]  }
0x3cc: {  	[hbm4b:s2+s30] =	stream.strided.scatter [tilespmem:s17], [sflag:$0xE], $0x2000, s16, s30, $0x38;
	[tilespmem:$0x14400] =	vst v63  }
0x3cd: {  	_ =	swait.ge [sflag:s20], $0x4000  }
0x3ce: {  	[sflag:s20] =	ssyncset.done $0x0  }
0x3cf: {  	[sflag:s20] =	ssyncadd.s32 $0xFFFFC000  }
0x3d0: {  	_ =	swait.ge [sflag:s25], $0x2000  }
0x3d1: {  	s23 =	simm.s32 $0x0;
	[sflag:s25] =	ssyncset.done $0x0  }
0x3d2: {  	s8 =	sand.u32 $0x70, s23;
	[sflag:s25] =	ssyncadd.s32 $0xFFFFE000  }
0x3d3: {  	v1 =	vld [tilespmem:s8+$0x300]  }
0x3d4: {  	s2 =	sand.u32 $0xE, s23  }
0x3d5: {  	s11 =	sor.u32 $0x1, s2  }
0x3d6: {  	v5 =	vor.u32 s8, v0;
	v3 =	vadd.s32 s11, v0;
	s11 =	simm.s32 $0x2  }
0x3d7: {  	v8 =	vshll.u32 v5, $0x7;
	v2 =	vadd.s32 s2, v0;
	v3 =	vand.u32 $0xF, v3;
	s29 =	sand.u32 $0xE, s11  }
0x3d8: {  	v2 =	vand.u32 $0xF, v2;
	s21 =	sor.u32 $0x1, s29;
	v16 =	vadd.s32 s29, v0;
	v6 =	vadd.s32 v3, v1  }
0x3d9: {  	v17 =	vadd.s32 s21, v0;
	v16 =	vand.u32 $0xF, v16;
	v7 =	vand.u32 $0xFFFFFF80, v6  }
0x3da: {  	v4 =	vadd.s32 v2, v1;
	v9 =	vand.u32 $0x7F, v6;
	v7 =	vadd.s32 v8, v7  }
0x3db: {  	v2 =	vshll.u32 v2, $0x7;
	v1 =	vand.u32 $0xFFFFFF80, v4;
	v7 =	vor.u32 v9, v7  }
0x3dc: {  	v3 =	vshll.u32 v3, $0x7;
	v10 =	vand.u32 $0x7F, v4;
	v1 =	vadd.s32 v8, v1  }
0x3dd: {  	v11 =	vadd.s32 $0x10, v6;
	v12 =	vor.u32 v5, v2;
	v1 =	vor.u32 v10, v1  }
0x3de: {  	v19 =	vor.u32 v5, v3;
	v5 =	vadd.s32 $0x20, v4;
	v9 =	vadd.s32 $0x10, v4  }
0x3df: {  	v2 =	vand.u32 $0xFFFFFF80, v11;
	v3 =	vand.u32 $0x7F, v11;
	v10 =	vand.u32 $0xFFFFFF80, v9  }
0x3e0: {  	v2 =	vadd.s32 v8, v2;
	v9 =	vand.u32 $0x7F, v9;
	v10 =	vadd.s32 v8, v10;
	v7 =	vld.idx.msk [tilespmem:v7+s10+$0x0], $0xffff  }
0x3e1: {  	v9 =	vor.u32 v9, v10;
	v10 =	vor.u32 v3, v2;
	v2 =	vand.u32 $0xFFFFFF80, v5  }
0x3e2: {  	s24 =	sand.u32 $0x70, s11;
	v4 =	vadd.s32 $0x30, v4;
	v3 =	vand.u32 $0x7F, v5;
	v2 =	vadd.s32 v8, v2;
	v5 =	vld.idx.msk [tilespmem:v1+s10+$0x0], $0xffff  }
0x3e3: {  	v13 =	vor.u32 v3, v2;
	v1 =	vand.u32 $0xFFFFFF80, v4;
	v3 =	vand.u32 $0x7F, v4;
	v4 =	vld [tilespmem:s24+$0x300]  }
0x3e4: {  	v17 =	vand.u32 $0xF, v17;
	v14 =	vadd.s32 $0x20, v6;
	v6 =	vadd.s32 $0x30, v6  }
0x3e5: {  	v11 =	vor.u32 $0x800, v12;
	v15 =	vor.u32 $0x800, v19;
	[tilespmem:v19+s14+$0x0] =	vst.idx.msk $0xffff, v7;
	v7 =	vand.u32 $0xFFFFFF80, v14  }
0x3e6: {  	v1 =	vadd.s32 v8, v1;
	v14 =	vand.u32 $0x7F, v14;
	v10 =	vld.idx.msk [tilespmem:v10+s10+$0x0], $0xffff;
	v7 =	vadd.s32 v8, v7  }
0x3e7: {  	v2 =	vor.u32 $0x1000, v12;
	v3 =	vor.u32 v3, v1;
	v14 =	vor.u32 v14, v7  }
0x3e8: {  	v1 =	vor.u32 $0x1800, v12;
	[tilespmem:v12+s14+$0x0] =	vst.idx.msk $0xffff, v5;
	v12 =	vor.u32 s24, v0;
	v5 =	vadd.s32 v17, v4  }
0x3e9: {  	v9 =	vld.idx.msk [tilespmem:v9+s10+$0x0], $0xffff;
	v20 =	vand.u32 $0xFFFFFF80, v5;
	v7 =	vadd.s32 v16, v4;
	v4 =	vshll.u32 v12, $0x7  }
0x3ea: {  	v21 =	vand.u32 $0x7F, v5;
	v18 =	vand.u32 $0xFFFFFF80, v7;
	v20 =	vadd.s32 v4, v20  }
0x3eb: {  	[tilespmem:v15+s14+$0x0] =	vst.idx.msk $0xffff, v10;
	v10 =	vadd.s32 v4, v18;
	v15 =	vor.u32 v21, v20;
	v18 =	vand.u32 $0xFFFFFF80, v6  }
0x3ec: {  	v20 =	vor.u32 $0x1000, v19;
	v6 =	vand.u32 $0x7F, v6;
	v14 =	vld.idx.msk [tilespmem:v14+s10+$0x0], $0xffff;
	v8 =	vadd.s32 v8, v18  }
0x3ed: {  	v63 =	vadd.s32 $0x10, v7;
	v18 =	vand.u32 $0x7F, v7;
	v6 =	vor.u32 v6, v8  }
0x3ee: {  	[tilespmem:v11+s14+$0x0] =	vst.idx.msk $0xffff, v9;
	v11 =	vor.u32 v18, v10;
	v8 =	vshll.u32 v16, $0x7;
	v10 =	vand.u32 $0xFFFFFF80, v63  }
0x3ef: {  	v9 =	vld.idx.msk [tilespmem:v13+s10+$0x0], $0xffff;
	v16 =	vand.u32 $0x7F, v63;
	v18 =	vadd.s32 $0x10, v5;
	v10 =	vadd.s32 v4, v10  }
0x3f0: {  	v8 =	vor.u32 v12, v8;
	v13 =	vld.idx.msk [tilespmem:v15+s10+$0x0], $0xffff;
	v15 =	vshll.u32 v17, $0x7;
	v17 =	vand.u32 $0xFFFFFF80, v18  }
0x3f1: {  	v18 =	vand.u32 $0x7F, v18;
	v15 =	vor.u32 v12, v15;
	v17 =	vadd.s32 v4, v17;
	[tilespmem:v20+s14+$0x0] =	vst.idx.msk $0xffff, v14  }
0x3f2: {  	v12 =	vor.u32 v16, v10;
	v20 =	vadd.s32 $0x20, v7;
	v16 =	vor.u32 v18, v17;
	v10 =	vld.idx.msk [tilespmem:v6+s10+$0x0], $0xffff  }
0x3f3: {  	v14 =	vld.idx.msk [tilespmem:v11+s10+$0x0], $0xffff;
	v18 =	vand.u32 $0xFFFFFF80, v20;
	v17 =	vand.u32 $0x7F, v20;
	v11 =	vor.u32 $0x1800, v19;
	v6 =	vmovc v15  }
.LBB2_24:
0x3f4: {  	s11 =	sadd.s32 $0x2, s11;
	v19 =	vor.u32 $0x800, v8;
	v18 =	vadd.s32 v4, v18;
	v7 =	vadd.s32 $0x30, v7;
	[tilespmem:v2+s14+$0x0] =	vst.idx.msk $0xffff, v9  }
0x3f5: {  	s2 =	sand.u32 $0x70, s11;
	p0 =	slt.u32 s11, $0x7E;
	v9 =	vor.u32 v17, v18;
	v17 =	vand.u32 $0xFFFFFF80, v7;
	v7 =	vand.u32 $0x7F, v7;
	v18 =	vld.idx.msk [tilespmem:v3+s10+$0x0], $0xffff  }
0x3f6: {  	v2 =	vor.u32 $0x1000, v8;
	v20 =	vld [tilespmem:s2+$0x300];
	v3 =	vadd.s32 v4, v17;
	[tilespmem:v15+s14+$0x0] =	vst.idx.msk $0xffff, v13;
	v13 =	vadd.s32 $0x20, v5  }
0x3f7: {  	s8 =	sand.u32 $0xE, s11;
	v15 =	vor.u32 $0x1800, v8;
	v3 =	vor.u32 v7, v3;
	v16 =	vld.idx.msk [tilespmem:v16+s10+$0x0], $0xffff;
	v7 =	vand.u32 $0xFFFFFF80, v13  }
0x3f8: {  	s21 =	sor.u32 $0x1, s8;
	v17 =	vor.u32 $0x800, v6;
	v13 =	vand.u32 $0x7F, v13;
	v7 =	vadd.s32 v4, v7;
	[tilespmem:v11+s14+$0x0] =	vst.idx.msk $0xffff, v10  }
0x3f9: {  	v10 =	vadd.s32 s8, v0;
	v11 =	vadd.s32 s21, v0;
	[tilespmem:v8+s14+$0x0] =	vst.idx.msk $0xffff, v14;
	v8 =	vor.u32 v13, v7  }
0x3fa: {  	v10 =	vand.u32 $0xF, v10;
	v11 =	vand.u32 $0xF, v11;
	v12 =	vld.idx.msk [tilespmem:v12+s10+$0x0], $0xffff  }
0x3fb: {  	v14 =	vor.u32 s2, v0;
	v7 =	vadd.s32 v10, v20;
	v13 =	vadd.s32 v11, v20;
	[tilespmem:v1+s14+$0x0] =	vst.idx.msk $0xffff, v18  }
0x3fc: {  	v20 =	vshll.u32 v14, $0x7;
	v1 =	vmovc v15;
	v18 =	vand.u32 $0xFFFFFF80, v7;
	v21 =	vand.u32 $0xFFFFFF80, v13  }
0x3fd: {  	v15 =	vand.u32 $0x7F, v13;
	v21 =	vadd.s32 v20, v21;
	[tilespmem:v17+s14+$0x0] =	vst.idx.msk $0xffff, v16;
	v16 =	vadd.s32 $0x30, v5;
	v5 =	vmovc v13  }
0x3fe: {  	v13 =	vadd.s32 v20, v18;
	v15 =	vor.u32 v15, v21;
	v17 =	vld.idx.msk [tilespmem:v8+s10+$0x0], $0xffff;
	v8 =	vand.u32 $0xFFFFFF80, v16  }
0x3ff: {  	v18 =	vor.u32 $0x1000, v6;
	v16 =	vand.u32 $0x7F, v16;
	v8 =	vadd.s32 v4, v8;
	v4 =	vmovc v20  }
0x400: {  	v21 =	vadd.s32 $0x10, v7;
	v20 =	vand.u32 $0x7F, v7;
	[tilespmem:v19+s14+$0x0] =	vst.idx.msk $0xffff, v12;
	v19 =	vor.u32 v16, v8  }
0x401: {  	v20 =	vor.u32 v20, v13;
	v8 =	vshll.u32 v10, $0x7;
	v10 =	vand.u32 $0xFFFFFF80, v21;
	v9 =	vld.idx.msk [tilespmem:v9+s10+$0x0], $0xffff  }
.Ltmp11:
0x402: {  	v12 =	vand.u32 $0x7F, v21;
	v16 =	vadd.s32 $0x10, v5;
	v10 =	vadd.s32 v4, v10;
	(pc) =	sbr.rel @p0 .LBB2_24-.Ltmp11, $4  }
0x403: {  	v11 =	vshll.u32 v11, $0x7;
	v8 =	vor.u32 v14, v8;
	v21 =	vand.u32 $0xFFFFFF80, v16;
	v13 =	vld.idx.msk [tilespmem:v15+s10+$0x0], $0xffff  }
0x404: {  	v15 =	vor.u32 v14, v11;
	v11 =	vand.u32 $0x7F, v16;
	v14 =	vadd.s32 v4, v21;
	[tilespmem:v18+s14+$0x0] =	vst.idx.msk $0xffff, v17  }
0x405: {  	v12 =	vor.u32 v12, v10;
	v17 =	vadd.s32 $0x20, v7;
	v16 =	vor.u32 v11, v14;
	v10 =	vld.idx.msk [tilespmem:v19+s10+$0x0], $0xffff  }
0x406: {  	v11 =	vor.u32 $0x1800, v6;
	v6 =	vmovc v15;
	v18 =	vand.u32 $0xFFFFFF80, v17;
	v17 =	vand.u32 $0x7F, v17;
	v14 =	vld.idx.msk [tilespmem:v20+s10+$0x0], $0xffff  }
0x407: {  	_ =	sdelay $0x2  }
0x408: {  	v19 =	vadd.s32 $0x20, v5  }
0x409: {  	[tilespmem:v15+s14+$0x0] =	vst.idx.msk $0xffff, v13;
	v13 =	vand.u32 $0xFFFFFF80, v19  }
0x40a: {  	v19 =	vand.u32 $0x7F, v19;
	v15 =	vld.idx.msk [tilespmem:v16+s10+$0x0], $0xffff;
	v16 =	vor.u32 $0x800, v6;
	v13 =	vadd.s32 v4, v13;
	[tilespmem:v8+s14+$0x0] =	vst.idx.msk $0xffff, v14  }
0x40b: {  	v18 =	vadd.s32 v4, v18;
	v13 =	vor.u32 v19, v13;
	v14 =	vor.u32 $0x800, v8;
	v12 =	vld.idx.msk [tilespmem:v12+s10+$0x0], $0xffff  }
0x40c: {  	v17 =	vor.u32 v17, v18;
	_ =	sdelay $0x1  }
0x40d: {  	v7 =	vadd.s32 $0x30, v7;
	v5 =	vadd.s32 $0x30, v5  }
0x40e: {  	v18 =	vand.u32 $0xFFFFFF80, v7;
	v7 =	vand.u32 $0x7F, v7;
	[tilespmem:v16+s14+$0x0] =	vst.idx.msk $0xffff, v15;
	v15 =	vand.u32 $0xFFFFFF80, v5  }
0x40f: {  	v16 =	vor.u32 $0x1000, v6;
	v5 =	vand.u32 $0x7F, v5;
	v13 =	vld.idx.msk [tilespmem:v13+s10+$0x0], $0xffff;
	v15 =	vadd.s32 v4, v15;
	[tilespmem:v14+s14+$0x0] =	vst.idx.msk $0xffff, v12  }
0x410: {  	v4 =	vadd.s32 v4, v18;
	v5 =	vor.u32 v5, v15;
	v12 =	vor.u32 $0x1000, v8;
	v14 =	vld.idx.msk [tilespmem:v17+s10+$0x0], $0xffff  }
0x411: {  	v4 =	vor.u32 v7, v4;
	_ =	sdelay $0x1  }
0x412: {  	[tilespmem:v2+s14+$0x0] =	vst.idx.msk $0xffff, v9  }
0x413: {  	v2 =	vld.idx.msk [tilespmem:v3+s10+$0x0], $0xffff;
	[tilespmem:v16+s14+$0x0] =	vst.idx.msk $0xffff, v13  }
0x414: {  	v3 =	vld.idx.msk [tilespmem:v5+s10+$0x0], $0xffff;
	v5 =	vor.u32 $0x1800, v6;
	[tilespmem:v12+s14+$0x0] =	vst.idx.msk $0xffff, v14  }
0x415: {  	v6 =	vor.u32 $0x1800, v8;
	v4 =	vld.idx.msk [tilespmem:v4+s10+$0x0], $0xffff;
	_ =	sdelay $0x1  }
0x416: {  	[tilespmem:v11+s14+$0x0] =	vst.idx.msk $0xffff, v10  }
0x417: {  	[tilespmem:v1+s14+$0x0] =	vst.idx.msk $0xffff, v2  }
0x418: {  	[tilespmem:v5+s14+$0x0] =	vst.idx.msk $0xffff, v3  }
0x419: {  	[tilespmem:v6+s14+$0x0] =	vst.idx.msk $0xffff, v4  }
0x41a: {  	s2 =	sld [smem:$0x7FC];
	_ =	sdelay $0x2  }
0x41b: {  	[hbm4b:s2+s30] =	stream.strided.scatter [tilespmem:s14], [sflag:$0xD], $0x2000, s16, s30, $0x38;
	[tilespmem:$0x14400] =	vst v63  }
0x41c: {  	_ =	swait.ge [sflag:s26], $0x4000  }
0x41d: {  	[sflag:s26] =	ssyncset.done $0x0  }
0x41e: {  	[sflag:s26] =	ssyncadd.s32 $0xFFFFC000  }
0x41f: {  	_ =	swait.ge [sflag:s28], $0x2000  }
0x420: {  	s23 =	simm.s32 $0x0;
	[sflag:s28] =	ssyncset.done $0x0  }
0x421: {  	s8 =	sand.u32 $0x70, s23;
	[sflag:s28] =	ssyncadd.s32 $0xFFFFE000  }
0x422: {  	v1 =	vld [tilespmem:s8+$0x380]  }
0x423: {  	s2 =	sand.u32 $0xE, s23  }
0x424: {  	s11 =	sor.u32 $0x1, s2  }
0x425: {  	v5 =	vor.u32 s8, v0;
	v3 =	vadd.s32 s11, v0;
	s11 =	simm.s32 $0x2  }
0x426: {  	v8 =	vshll.u32 v5, $0x7;
	v2 =	vadd.s32 s2, v0;
	v3 =	vand.u32 $0xF, v3;
	s29 =	sand.u32 $0xE, s11  }
0x427: {  	v2 =	vand.u32 $0xF, v2;
	s21 =	sor.u32 $0x1, s29;
	v16 =	vadd.s32 s29, v0;
	v6 =	vadd.s32 v3, v1  }
0x428: {  	v17 =	vadd.s32 s21, v0;
	v16 =	vand.u32 $0xF, v16;
	v7 =	vand.u32 $0xFFFFFF80, v6  }
0x429: {  	v4 =	vadd.s32 v2, v1;
	v9 =	vand.u32 $0x7F, v6;
	v7 =	vadd.s32 v8, v7  }
0x42a: {  	v2 =	vshll.u32 v2, $0x7;
	v1 =	vand.u32 $0xFFFFFF80, v4;
	v7 =	vor.u32 v9, v7  }
0x42b: {  	v3 =	vshll.u32 v3, $0x7;
	v10 =	vand.u32 $0x7F, v4;
	v1 =	vadd.s32 v8, v1  }
0x42c: {  	v11 =	vadd.s32 $0x10, v6;
	v12 =	vor.u32 v5, v2;
	v1 =	vor.u32 v10, v1  }
0x42d: {  	v19 =	vor.u32 v5, v3;
	v5 =	vadd.s32 $0x20, v4;
	v9 =	vadd.s32 $0x10, v4  }
0x42e: {  	v2 =	vand.u32 $0xFFFFFF80, v11;
	v3 =	vand.u32 $0x7F, v11;
	v10 =	vand.u32 $0xFFFFFF80, v9  }
0x42f: {  	v2 =	vadd.s32 v8, v2;
	v9 =	vand.u32 $0x7F, v9;
	v10 =	vadd.s32 v8, v10;
	v7 =	vld.idx.msk [tilespmem:v7+s12+$0x0], $0xffff  }
0x430: {  	v9 =	vor.u32 v9, v10;
	v10 =	vor.u32 v3, v2;
	v2 =	vand.u32 $0xFFFFFF80, v5  }
0x431: {  	s24 =	sand.u32 $0x70, s11;
	v4 =	vadd.s32 $0x30, v4;
	v3 =	vand.u32 $0x7F, v5;
	v2 =	vadd.s32 v8, v2;
	v5 =	vld.idx.msk [tilespmem:v1+s12+$0x0], $0xffff  }
0x432: {  	v13 =	vor.u32 v3, v2;
	v1 =	vand.u32 $0xFFFFFF80, v4;
	v3 =	vand.u32 $0x7F, v4;
	v4 =	vld [tilespmem:s24+$0x380]  }
0x433: {  	v17 =	vand.u32 $0xF, v17;
	v14 =	vadd.s32 $0x20, v6;
	v6 =	vadd.s32 $0x30, v6  }
0x434: {  	v11 =	vor.u32 $0x800, v12;
	v15 =	vor.u32 $0x800, v19;
	[tilespmem:v19+s17+$0x0] =	vst.idx.msk $0xffff, v7;
	v7 =	vand.u32 $0xFFFFFF80, v14  }
0x435: {  	v1 =	vadd.s32 v8, v1;
	v14 =	vand.u32 $0x7F, v14;
	v10 =	vld.idx.msk [tilespmem:v10+s12+$0x0], $0xffff;
	v7 =	vadd.s32 v8, v7  }
0x436: {  	v2 =	vor.u32 $0x1000, v12;
	v3 =	vor.u32 v3, v1;
	v14 =	vor.u32 v14, v7  }
0x437: {  	v1 =	vor.u32 $0x1800, v12;
	[tilespmem:v12+s17+$0x0] =	vst.idx.msk $0xffff, v5;
	v12 =	vor.u32 s24, v0;
	v5 =	vadd.s32 v17, v4  }
0x438: {  	v9 =	vld.idx.msk [tilespmem:v9+s12+$0x0], $0xffff;
	v20 =	vand.u32 $0xFFFFFF80, v5;
	v7 =	vadd.s32 v16, v4;
	v4 =	vshll.u32 v12, $0x7  }
0x439: {  	v21 =	vand.u32 $0x7F, v5;
	v18 =	vand.u32 $0xFFFFFF80, v7;
	v20 =	vadd.s32 v4, v20  }
0x43a: {  	[tilespmem:v15+s17+$0x0] =	vst.idx.msk $0xffff, v10;
	v10 =	vadd.s32 v4, v18;
	v15 =	vor.u32 v21, v20;
	v18 =	vand.u32 $0xFFFFFF80, v6  }
0x43b: {  	v20 =	vor.u32 $0x1000, v19;
	v6 =	vand.u32 $0x7F, v6;
	v14 =	vld.idx.msk [tilespmem:v14+s12+$0x0], $0xffff;
	v8 =	vadd.s32 v8, v18  }
0x43c: {  	v63 =	vadd.s32 $0x10, v7;
	v18 =	vand.u32 $0x7F, v7;
	v6 =	vor.u32 v6, v8  }
0x43d: {  	[tilespmem:v11+s17+$0x0] =	vst.idx.msk $0xffff, v9;
	v11 =	vor.u32 v18, v10;
	v8 =	vshll.u32 v16, $0x7;
	v10 =	vand.u32 $0xFFFFFF80, v63  }
0x43e: {  	v9 =	vld.idx.msk [tilespmem:v13+s12+$0x0], $0xffff;
	v16 =	vand.u32 $0x7F, v63;
	v18 =	vadd.s32 $0x10, v5;
	v10 =	vadd.s32 v4, v10  }
0x43f: {  	v8 =	vor.u32 v12, v8;
	v13 =	vld.idx.msk [tilespmem:v15+s12+$0x0], $0xffff;
	v15 =	vshll.u32 v17, $0x7;
	v17 =	vand.u32 $0xFFFFFF80, v18  }
0x440: {  	v18 =	vand.u32 $0x7F, v18;
	v15 =	vor.u32 v12, v15;
	v17 =	vadd.s32 v4, v17;
	[tilespmem:v20+s17+$0x0] =	vst.idx.msk $0xffff, v14  }
0x441: {  	v12 =	vor.u32 v16, v10;
	v20 =	vadd.s32 $0x20, v7;
	v16 =	vor.u32 v18, v17;
	v10 =	vld.idx.msk [tilespmem:v6+s12+$0x0], $0xffff  }
0x442: {  	v14 =	vld.idx.msk [tilespmem:v11+s12+$0x0], $0xffff;
	v18 =	vand.u32 $0xFFFFFF80, v20;
	v17 =	vand.u32 $0x7F, v20;
	v11 =	vor.u32 $0x1800, v19;
	v6 =	vmovc v15  }
.LBB2_26:
0x443: {  	s11 =	sadd.s32 $0x2, s11;
	v19 =	vor.u32 $0x800, v8;
	v18 =	vadd.s32 v4, v18;
	v7 =	vadd.s32 $0x30, v7;
	[tilespmem:v2+s17+$0x0] =	vst.idx.msk $0xffff, v9  }
0x444: {  	s2 =	sand.u32 $0x70, s11;
	p0 =	slt.u32 s11, $0x7E;
	v9 =	vor.u32 v17, v18;
	v17 =	vand.u32 $0xFFFFFF80, v7;
	v7 =	vand.u32 $0x7F, v7;
	v18 =	vld.idx.msk [tilespmem:v3+s12+$0x0], $0xffff  }
0x445: {  	v2 =	vor.u32 $0x1000, v8;
	v20 =	vld [tilespmem:s2+$0x380];
	v3 =	vadd.s32 v4, v17;
	[tilespmem:v15+s17+$0x0] =	vst.idx.msk $0xffff, v13;
	v13 =	vadd.s32 $0x20, v5  }
0x446: {  	s8 =	sand.u32 $0xE, s11;
	v15 =	vor.u32 $0x1800, v8;
	v3 =	vor.u32 v7, v3;
	v16 =	vld.idx.msk [tilespmem:v16+s12+$0x0], $0xffff;
	v7 =	vand.u32 $0xFFFFFF80, v13  }
0x447: {  	s21 =	sor.u32 $0x1, s8;
	v17 =	vor.u32 $0x800, v6;
	v13 =	vand.u32 $0x7F, v13;
	v7 =	vadd.s32 v4, v7;
	[tilespmem:v11+s17+$0x0] =	vst.idx.msk $0xffff, v10  }
0x448: {  	v10 =	vadd.s32 s8, v0;
	v11 =	vadd.s32 s21, v0;
	[tilespmem:v8+s17+$0x0] =	vst.idx.msk $0xffff, v14;
	v8 =	vor.u32 v13, v7  }
0x449: {  	v10 =	vand.u32 $0xF, v10;
	v11 =	vand.u32 $0xF, v11;
	v12 =	vld.idx.msk [tilespmem:v12+s12+$0x0], $0xffff  }
0x44a: {  	v14 =	vor.u32 s2, v0;
	v7 =	vadd.s32 v10, v20;
	v13 =	vadd.s32 v11, v20;
	[tilespmem:v1+s17+$0x0] =	vst.idx.msk $0xffff, v18  }
0x44b: {  	v20 =	vshll.u32 v14, $0x7;
	v1 =	vmovc v15;
	v18 =	vand.u32 $0xFFFFFF80, v7;
	v21 =	vand.u32 $0xFFFFFF80, v13  }
0x44c: {  	v15 =	vand.u32 $0x7F, v13;
	v21 =	vadd.s32 v20, v21;
	[tilespmem:v17+s17+$0x0] =	vst.idx.msk $0xffff, v16;
	v16 =	vadd.s32 $0x30, v5;
	v5 =	vmovc v13  }
0x44d: {  	v13 =	vadd.s32 v20, v18;
	v15 =	vor.u32 v15, v21;
	v17 =	vld.idx.msk [tilespmem:v8+s12+$0x0], $0xffff;
	v8 =	vand.u32 $0xFFFFFF80, v16  }
0x44e: {  	v18 =	vor.u32 $0x1000, v6;
	v16 =	vand.u32 $0x7F, v16;
	v8 =	vadd.s32 v4, v8;
	v4 =	vmovc v20  }
0x44f: {  	v21 =	vadd.s32 $0x10, v7;
	v20 =	vand.u32 $0x7F, v7;
	[tilespmem:v19+s17+$0x0] =	vst.idx.msk $0xffff, v12;
	v19 =	vor.u32 v16, v8  }
0x450: {  	v20 =	vor.u32 v20, v13;
	v8 =	vshll.u32 v10, $0x7;
	v10 =	vand.u32 $0xFFFFFF80, v21;
	v9 =	vld.idx.msk [tilespmem:v9+s12+$0x0], $0xffff  }
.Ltmp12:
0x451: {  	v12 =	vand.u32 $0x7F, v21;
	v16 =	vadd.s32 $0x10, v5;
	v10 =	vadd.s32 v4, v10;
	(pc) =	sbr.rel @p0 .LBB2_26-.Ltmp12, $4  }
0x452: {  	v11 =	vshll.u32 v11, $0x7;
	v8 =	vor.u32 v14, v8;
	v21 =	vand.u32 $0xFFFFFF80, v16;
	v13 =	vld.idx.msk [tilespmem:v15+s12+$0x0], $0xffff  }
0x453: {  	v15 =	vor.u32 v14, v11;
	v11 =	vand.u32 $0x7F, v16;
	v14 =	vadd.s32 v4, v21;
	[tilespmem:v18+s17+$0x0] =	vst.idx.msk $0xffff, v17  }
0x454: {  	v12 =	vor.u32 v12, v10;
	v17 =	vadd.s32 $0x20, v7;
	v16 =	vor.u32 v11, v14;
	v10 =	vld.idx.msk [tilespmem:v19+s12+$0x0], $0xffff  }
0x455: {  	v11 =	vor.u32 $0x1800, v6;
	v6 =	vmovc v15;
	v18 =	vand.u32 $0xFFFFFF80, v17;
	v17 =	vand.u32 $0x7F, v17;
	v14 =	vld.idx.msk [tilespmem:v20+s12+$0x0], $0xffff  }
0x456: {  	_ =	sdelay $0x2  }
0x457: {  	v19 =	vadd.s32 $0x20, v5  }
0x458: {  	[tilespmem:v15+s17+$0x0] =	vst.idx.msk $0xffff, v13;
	v53 =	vand.u32 $0xFFFFFF80, v19  }
0x459: {  	v54 =	vor.u32 $0x800, v6;
	v19 =	vand.u32 $0x7F, v19;
	v15 =	vld.idx.msk [tilespmem:v16+s12+$0x0], $0xffff;
	v13 =	vadd.s32 v4, v53;
	[tilespmem:v8+s17+$0x0] =	vst.idx.msk $0xffff, v14  }
0x45a: {  	v55 =	vor.u32 $0x800, v8;
	v18 =	vadd.s32 v4, v18;
	v13 =	vor.u32 v19, v13;
	v12 =	vld.idx.msk [tilespmem:v12+s12+$0x0], $0xffff  }
0x45b: {  	v17 =	vor.u32 v17, v18;
	_ =	sdelay $0x1  }
0x45c: {  	v7 =	vadd.s32 $0x30, v7;
	v56 =	vadd.s32 $0x30, v5  }
0x45d: {  	v59 =	vor.u32 $0x1000, v6;
	v60 =	vor.u32 $0x1000, v8;
	v58 =	vand.u32 $0xFFFFFF80, v56;
	[tilespmem:v54+s17+$0x0] =	vst.idx.msk $0xffff, v15  }
0x45e: {  	v57 =	vand.u32 $0xFFFFFF80, v7;
	v5 =	vand.u32 $0x7F, v56;
	v15 =	vadd.s32 v4, v58;
	v13 =	vld.idx.msk [tilespmem:v13+s12+$0x0], $0xffff;
	[tilespmem:v55+s17+$0x0] =	vst.idx.msk $0xffff, v12  }
0x45f: {  	v7 =	vand.u32 $0x7F, v7;
	v61 =	vadd.s32 v4, v57;
	v5 =	vor.u32 v5, v15;
	v14 =	vld.idx.msk [tilespmem:v17+s12+$0x0], $0xffff  }
0x460: {  	v4 =	vor.u32 v7, v61;
	_ =	sdelay $0x1  }
0x461: {  	[tilespmem:v2+s17+$0x0] =	vst.idx.msk $0xffff, v9  }
0x462: {  	v2 =	vld.idx.msk [tilespmem:v3+s12+$0x0], $0xffff;
	[tilespmem:v59+s17+$0x0] =	vst.idx.msk $0xffff, v13  }
0x463: {  	v62 =	vor.u32 $0x1800, v6;
	v3 =	vld.idx.msk [tilespmem:v5+s12+$0x0], $0xffff;
	[tilespmem:v60+s17+$0x0] =	vst.idx.msk $0xffff, v14  }
0x464: {  	v63 =	vor.u32 $0x1800, v8;
	v4 =	vld.idx.msk [tilespmem:v4+s12+$0x0], $0xffff;
	_ =	sdelay $0x1  }
0x465: {  	[tilespmem:v11+s17+$0x0] =	vst.idx.msk $0xffff, v10  }
0x466: {  	[tilespmem:v1+s17+$0x0] =	vst.idx.msk $0xffff, v2  }
0x467: {  	[tilespmem:v62+s17+$0x0] =	vst.idx.msk $0xffff, v3  }
0x468: {  	[tilespmem:v63+s17+$0x0] =	vst.idx.msk $0xffff, v4  }
0x469: {  	s2 =	sld [smem:$0x7FD];
	_ =	sdelay $0x2  }
0x46a: {  	[hbm4b:s2+s30] =	stream.strided.scatter [tilespmem:s17], [sflag:$0xE], $0x2000, s16, s30, $0x38;
	[tilespmem:$0x14400] =	vst v63  }
0x46b: {  	_ =	swait.ge [sflag:s25], $0x2000  }
0x46c: {  	[sflag:s25] =	ssyncset.done $0x0  }
0x46d: {  	[sflag:s25] =	ssyncadd.s32 $0xFFFFE000  }
0x46e: {  	_ =	swait.ge [sflag:s28], $0x2000  }
0x46f: {  	s8 =	sld [smem:$0x7FB];
	_ =	sdelay $0x2  }
0x470: {  	s29 =	rddreg [dreg:$0x1c];
	s8 =	sadd.s32 $0x1, s8  }
0x471: {  	p0 =	sne.s32 s8, s29  }
.Ltmp13:
0x472: {  	_ = 	snop;
	(pc) =	sbr.rel @p0 .LBB2_1-.Ltmp13, $3  }
0x473: {  	_ =	sdelay $0x1  }
0x474: {  	[sflag:s28] =	ssyncset.done $0x0  }
0x475: {  	[sflag:s28] =	ssyncadd.s32 $0xFFFFE000  }
0x476: {  	_ =	sfence.sel $0x180000  }
0x477: {  	[bflag:$0x0] =	sbarrier.arrive $0xFFFF  }
0x478: {  	_ =	strace $0x90000047  }
0x479: {  	s0 =	stileid.u32;
	[bflag:$0x2] =	sbarrier.arrive $0xFFFF  }
0x47a: {  	p0 =	sne.s32 s0, $0x0;
	s0 =	rddreg [dreg:$0x2]  }
0x47b: {  	s0 =	sadd.s32 @!p0 $0x100000, s0  }
0x47c: {  	[sflag:s0] =	ssyncadd.tile.s32 @!p0 $0x1;
	_ =	shalt  }
.Lfunc_end2:
_tile_overlayer_lowered:
.L_overlay_start_2:
0x47d: {  	(tag) =	ssettag $0x2  }
0x47e: {  	s0 =	rddreg [dreg:$0x0];
	s2 =	stileid.u32  }
0x47f: {  	s1 =	rddreg [dreg:$0x1];
	p0 =	sne.s32 s2, $0x0  }
0x480: {  	s3 =	rddreg [dreg:$0x2];
	[bflag:$0x3] =	sbarrier.arrive $0xFFFF;
	s2 =	simm.s32 @!p0 $0x1C0F  }
0x481: {  	[timem:s3], [sflag:s2] =	dma.local @!p0 [hbm:s0], s1  }
0x482: {  	s0 =	simm.s32 @!p0 $0xF  }
0x483: {  	_ =	swait.ge @!p0 [sflag:s0], s1  }
0x484: {  	s1 =	ssub.s32 @!p0 $0x0, s1;
	[sflag:s0] =	ssyncset.done @!p0 $0x0  }
0x485: {  	[sflag:s0] =	ssyncadd.s32 @!p0 s1  }
0x486: {  	[bflag:$0x3] =	sbarrier.arrive $0xFFFF  }
0x487: {  	_ =	shalt  }

</sc_bundles>
